<compile_context>
chip_gen: v7x
topology: tpu7x:2x2x1
jax: 0.10.2.dev20260603
libtpu: 0.0.44.dev20260713+nightly
codegen_flags: <defaults>
</compile_context>

<pallas_src>
import functools

import jax
import jax.numpy as jnp
from jax import lax
from jax.experimental import pallas as pl
from jax.experimental.pallas import tpu as pltpu
from jax.experimental.pallas import tpu_sc as plsc

RC = 5.2
NSHF = 16
LANES = 16
NW = 32


def _make_sc_distances(B, E, A):
    CH = E // NW
    NIT = (CH + LANES - 1) // LANES

    mesh = plsc.VectorSubcoreMesh(core_axis_name="c", subcore_axis_name="s")

    GB = 5
    G = B // GB

    @functools.partial(
        pl.kernel,
        mesh=mesh,
        out_type=jax.ShapeDtypeStruct((B * E,), jnp.float32),
        scratch_types=[
            pltpu.VMEM((2, GB * CH), jnp.int32),
            pltpu.VMEM((2, GB * CH), jnp.int32),
            pltpu.VMEM((2, GB * 3 * A), jnp.float32),
            pltpu.VMEM((2, GB * CH), jnp.float32),
            pltpu.SemaphoreType.DMA,
            pltpu.SemaphoreType.DMA,
            pltpu.SemaphoreType.DMA,
            pltpu.SemaphoreType.DMA,
        ],
        compiler_params=pltpu.CompilerParams(use_tc_tiling_on_sc=False,
                                             needs_layout_passes=False),
    )
    def sck(ia_hbm, id_hbm, cxyz_hbm, d2_hbm,
            ia_v, id_v, cz_v, d2_v, si0, si1, so0, so1):
        cid = lax.axis_index("c")
        sid = lax.axis_index("s")
        w = sid * 2 + cid
        sin = (si0, si1)
        sout = (so0, so1)

        def in_copies(g, s):
            cps = []
            for k in range(GB):
                off = (g * GB + k) * E + w * CH
                cps.append((ia_hbm.at[pl.ds(off, CH)],
                            ia_v.at[s, pl.ds(k * CH, CH)], sin[s]))
                cps.append((id_hbm.at[pl.ds(off, CH)],
                            id_v.at[s, pl.ds(k * CH, CH)], sin[s]))
            cps.append((cxyz_hbm.at[pl.ds(g * GB * 3 * A, GB * 3 * A)],
                        cz_v.at[s], sin[s]))
            return cps

        def out_copies(g, s):
            return [(d2_v.at[s, pl.ds(k * CH, CH)],
                     d2_hbm.at[pl.ds((g * GB + k) * E + w * CH, CH)], sout[s])
                    for k in range(GB)]

        def issue(cps):
            for src, dst, sem in cps:
                pltpu.async_copy(src, dst, sem)

        def drain(cps):
            for src, dst, sem in cps:
                pltpu.make_async_copy(src, dst, sem).wait()

        def compute_group(s):
            for k in range(GB):
                cb = k * CH
                xb = k * 3 * A

                def inner(i, carry):
                    base = jnp.minimum(i * LANES, CH - LANES) + cb
                    ia = ia_v[s, pl.ds(base, LANES)] + xb
                    idn = id_v[s, pl.ds(base, LANES)] + xb
                    cz = cz_v.at[s]
                    dx = plsc.load_gather(cz, [ia]) - plsc.load_gather(cz, [idn])
                    dy = (plsc.load_gather(cz, [ia + A])
                          - plsc.load_gather(cz, [idn + A]))
                    dz = (plsc.load_gather(cz, [ia + 2 * A])
                          - plsc.load_gather(cz, [idn + 2 * A]))
                    d2_v[s, pl.ds(base, LANES)] = dx * dx + dy * dy + dz * dz
                    return carry

                lax.fori_loop(0, NIT, inner, 0)

        def phase(g, s):
            @pl.when(g + 1 < G)
            def _():
                issue(in_copies(g + 1, 1 - s))
            drain(in_copies(g, s))

            @pl.when(g >= 2)
            def _():
                drain(out_copies(g - 2, s))

            compute_group(s)
            issue(out_copies(g, s))

        def step(i, carry):
            g0 = i * 2
            phase(g0, 0)
            phase(g0 + 1, 1)
            return carry

        issue(in_copies(0, 0))
        lax.fori_loop(0, G // 2, step, 0)
        drain(out_copies(G - 2, 0))
        drain(out_copies(G - 1, 1))

    return sck


def _tc_body(d2_ref, shf_ref, eta_ref, out_ref):
    EB = d2_ref.shape[-1]
    eta = eta_ref[0, 0]
    d2 = d2_ref[...].reshape(1, EB)
    d = jnp.sqrt(d2)
    fc = jnp.where(d <= RC, 0.5 * jnp.cos(d * (jnp.pi / RC)) + 0.5, 0.0)
    a = fc * 0.25
    dd = jnp.broadcast_to(d, (NSHF, EB))
    aa = jnp.broadcast_to(a, (NSHF, EB))
    s = jnp.broadcast_to(shf_ref[...], (NSHF, EB))
    t = dd - s
    r = aa * jnp.exp(t * t * (-eta))
    i0 = lax.broadcasted_iota(jnp.int32, (NSHF, NSHF), 0)
    i1 = lax.broadcasted_iota(jnp.int32, (NSHF, NSHF), 1)
    eye = (i0 == i1).astype(jnp.float32)
    out_ref[0] = lax.dot_general(r, eye, (((0,), (0,)), ((), ())),
                                 preferred_element_type=jnp.float32)


def _radial_tc(d2flat, ShfR, EtaR):
    n = d2flat.size
    EB = 25600
    R = n // EB
    shf_col = ShfR.reshape(NSHF, 1).astype(jnp.float32)
    eta = EtaR.reshape(1, 1).astype(jnp.float32)
    out = pl.pallas_call(
        _tc_body,
        grid=(R,),
        in_specs=[
            pl.BlockSpec((EB,), lambda i: (i,)),
            pl.BlockSpec((NSHF, 1), lambda i: (0, 0)),
            pl.BlockSpec((1, 1), lambda i: (0, 0)),
        ],
        out_specs=pl.BlockSpec((1, EB, NSHF), lambda i: (i, 0, 0)),
        out_shape=jax.ShapeDtypeStruct((R, EB, NSHF), jnp.float32),
    )(d2flat, shf_col, eta)
    return out


@jax.jit
def kernel(connectivity, coords, EtaR, ShfR):
    B, E, _ = connectivity.shape
    A = coords.shape[1]
    sck = _make_sc_distances(B, E, A)
    cxyz = coords.astype(jnp.float32).transpose(0, 2, 1).reshape(-1)
    d2 = sck(connectivity[:, :, 0].reshape(-1),
             connectivity[:, :, 1].reshape(-1),
             cxyz)
    y = _radial_tc(d2, ShfR, EtaR).reshape(B, E, NSHF)
    return (connectivity, y)

# --- scband reference (transcript-rebuilt; emitter-appended) ---
"""Pipeline reference for scband-apev-25701084299541 (READ-ONLY COPY).

The authoritative reference and input builder live on the scoring server;
editing this copy changes nothing except your own understanding.
"""

import jax, jax.numpy as jnp
import numpy as np

RC = 5.2
OUTPUT_SIZE = 16

def cutoff_cosine(distances, cutoff):
    return jnp.where(distances <= cutoff, 0.5 * jnp.cos(jnp.pi * distances / cutoff) + 0.5, 0.0)

def radial_terms(Rcr, EtaR, ShfR, distances):
    d = distances.reshape(-1, 1, 1)
    fc = cutoff_cosine(d, Rcr)
    ret = 0.25 * jnp.exp(-EtaR.reshape(1, -1, 1) * (d - ShfR.reshape(1, 1, -1)) ** 2) * fc
    return ret.reshape(ret.shape[0], -1)

def _forward(connectivity, coords, EtaR, ShfR):
    n_batch, n_connectivity, _ = connectivity.shape
    n_atoms = coords.shape[1]
    offsets = jnp.arange(n_batch, dtype=connectivity.dtype) * n_atoms
    conn_f = connectivity.reshape(-1, 2)
    coords_f = coords.reshape(-1, 3)
    con_mask = conn_f[:, 0] != -1
    conn_f = conn_f + jnp.repeat(offsets, n_connectivity)[:, None]
    idx_a = jnp.where(con_mask, conn_f[:, 0], 0)
    idx_d = jnp.where(con_mask, conn_f[:, 1], 0)
    coords_aceptor = jnp.where(con_mask[:, None], jnp.take(coords_f, idx_a, axis=0), 0.0)
    coords_donnor = jnp.where(con_mask[:, None], jnp.take(coords_f, idx_d, axis=0), 0.0)
    distances = jnp.sqrt(jnp.sum((coords_aceptor - coords_donnor) ** 2, axis=1))
    rad = radial_terms(RC, EtaR, ShfR, distances)
    y = jnp.where(con_mask[:, None], rad, 0.0)
    y = y.reshape(n_batch, n_connectivity, OUTPUT_SIZE)
    return y

def setup_inputs(seed: int = 0):
    key = jax.random.key(seed)
    k1, k2 = jax.random.split(key, 2)
    connectivity = jax.random.randint(k1, (100, 32000, 2), 0, 1000)
    coords = jax.random.normal(k2, (100, 1000, 3), dtype=jnp.float32)
    EtaR = jnp.array([16.0], dtype=jnp.float32)
    ShfR = jnp.linspace(0.9, 5.2, 16, dtype=jnp.float32)
    return {"connectivity": connectivity, "coords": coords, "EtaR": EtaR, "ShfR": ShfR}

def reference(connectivity, coords, EtaR, ShfR):
    y = _forward(connectivity, coords, EtaR, ShfR)
    return (connectivity, y)

if __name__ == "__main__":
    import jax
    _d = setup_inputs()
    print(jax.jit(kernel)(*tuple(_d.values())))

</pallas_src>

<mosaic_0001>
#map = affine_map<(d0, d1) -> (0)>
module attributes {stable_mosaic.version = 14 : i64} {
  func.func @sck(%arg0: i32, %arg1: i32, %arg2: memref<3200000xi32, #tpu.memory_space<hbm>>, %arg3: memref<3200000xi32, #tpu.memory_space<hbm>>, %arg4: memref<300000xf32, #tpu.memory_space<hbm>>, %arg5: memref<3200000xf32, #tpu.memory_space<hbm>>, %arg6: memref<2x5000xi32, #tpu.memory_space<vmem>>, %arg7: memref<2x5000xi32, #tpu.memory_space<vmem>>, %arg8: memref<2x15000xf32, #tpu.memory_space<vmem>>, %arg9: memref<2x5000xf32, #tpu.memory_space<vmem>>, %arg10: memref<!tpu.dma_semaphore, #tpu.memory_space<semaphore_mem>>, %arg11: memref<!tpu.dma_semaphore, #tpu.memory_space<semaphore_mem>>, %arg12: memref<!tpu.dma_semaphore, #tpu.memory_space<semaphore_mem>>, %arg13: memref<!tpu.dma_semaphore, #tpu.memory_space<semaphore_mem>>) attributes {dimension_semantics = [#tpu.dimension_semantics<core_parallel>, #tpu.dimension_semantics<subcore_parallel>], iteration_bounds = array<i64: 2, 16>, scalar_prefetch = 0 : i64, scratch_operands = 8 : i64, tpu.core_type = #tpu.core_type<sc_vector_subcore>, window_params = [{transform_indices = #map}, {transform_indices = #map}, {transform_indices = #map}, {transform_indices = #map}]} {
    %mul3A = arith.constant 2 : i32
    %mul3A_0 = arith.muli %arg1, %mul3A : i32
    %add3A = arith.addi %mul3A_0, %arg0 : i32
    %mul3A_1 = arith.constant 1000 : i32
    %mul3A_2 = arith.muli %add3A, %mul3A_1 : i32
    %add3A_3 = arith.constant 0 : i32
    %add3A_4 = arith.addi %add3A_3, %mul3A_2 : i32
    %mul3A_5 = arith.constant 1000 : i32
    %mul3A_6 = arith.muli %add3A, %mul3A_5 : i32
    %add3A_7 = arith.constant 32000 : i32
    %add3A_8 = arith.addi %add3A_7, %mul3A_6 : i32
    %mul3A_9 = arith.constant 1000 : i32
    %mul3A_10 = arith.muli %add3A, %mul3A_9 : i32
    %add3A_11 = arith.constant 64000 : i32
    %add3A_12 = arith.addi %add3A_11, %mul3A_10 : i32
    %mul3A_13 = arith.constant 1000 : i32
    %mul3A_14 = arith.muli %add3A, %mul3A_13 : i32
    %add3A_15 = arith.constant 96000 : i32
    %add3A_16 = arith.addi %add3A_15, %mul3A_14 : i32
    %mul3A_17 = arith.constant 1000 : i32
    %mul3A_18 = arith.muli %add3A, %mul3A_17 : i32
    %add3A_19 = arith.constant 128000 : i32
    %add3A_20 = arith.addi %add3A_19, %mul3A_18 : i32
    %dma_start3A = arith.constant 0 : i32
    %dma_start3A_21 = arith.constant 0 : i32
    %dma_start3A_22 = tpu.memref_slice %arg6[%dma_start3A, %dma_start3A_21] : memref<2x5000xi32, #tpu.memory_space<vmem>> -> memref<1x1000xi32, #tpu.memory_space<vmem>>
    %dma_start3A_23 = tpu.memref_squeeze %dma_start3A_22 : memref<1x1000xi32, #tpu.memory_space<vmem>> -> memref<1000xi32, #tpu.memory_space<vmem>>
    %dma_start3A_24 = tpu.memref_slice %arg2[%add3A_4] : memref<3200000xi32, #tpu.memory_space<hbm>> -> memref<1000xi32, #tpu.memory_space<hbm>>
    %dma_start3A_25 = arith.constant 0 : i32
    %dma_start3A_26 = tpu.memref_slice %arg6[%dma_start3A, %dma_start3A_25] : memref<2x5000xi32, #tpu.memory_space<vmem>> -> memref<1x1000xi32, #tpu.memory_space<vmem>>
    %dma_start3A_27 = tpu.memref_squeeze %dma_start3A_26 : memref<1x1000xi32, #tpu.memory_space<vmem>> -> memref<1000xi32, #tpu.memory_space<vmem>>
    %dma_start3A_28 = tpu.memref_slice %arg2[%add3A_4] : memref<3200000xi32, #tpu.memory_space<hbm>> -> memref<1000xi32, #tpu.memory_space<hbm>>
    tpu.enqueue_dma source(%dma_start3A_28 : memref<1000xi32, #tpu.memory_space<hbm>>) target(%dma_start3A_27 : memref<1000xi32, #tpu.memory_space<vmem>>) target_semaphore(%arg10 : memref<!tpu.dma_semaphore, #tpu.memory_space<semaphore_mem>>)
    %dma_start3A_29 = arith.constant 0 : i32
    %dma_start3A_30 = arith.constant 0 : i32
    %dma_start3A_31 = tpu.memref_slice %arg7[%dma_start3A_29, %dma_start3A_30] : memref<2x5000xi32, #tpu.memory_space<vmem>> -> memref<1x1000xi32, #tpu.memory_space<vmem>>
    %dma_start3A_32 = tpu.memref_squeeze %dma_start3A_31 : memref<1x1000xi32, #tpu.memory_space<vmem>> -> memref<1000xi32, #tpu.memory_space<vmem>>
    %dma_start3A_33 = tpu.memref_slice %arg3[%add3A_4] : memref<3200000xi32, #tpu.memory_space<hbm>> -> memref<1000xi32, #tpu.memory_space<hbm>>
    %dma_start3A_34 = arith.constant 0 : i32
    %dma_start3A_35 = tpu.memref_slice %arg7[%dma_start3A_29, %dma_start3A_34] : memref<2x5000xi32, #tpu.memory_space<vmem>> -> memref<1x1000xi32, #tpu.memory_space<vmem>>
    %dma_start3A_36 = tpu.memref_squeeze %dma_start3A_35 : memref<1x1000xi32, #tpu.memory_space<vmem>> -> memref<1000xi32, #tpu.memory_space<vmem>>
    %dma_start3A_37 = tpu.memref_slice %arg3[%add3A_4] : memref<3200000xi32, #tpu.memory_space<hbm>> -> memref<1000xi32, #tpu.memory_space<hbm>>
    tpu.enqueue_dma source(%dma_start3A_37 : memref<1000xi32, #tpu.memory_space<hbm>>) target(%dma_start3A_36 : memref<1000xi32, #tpu.memory_space<vmem>>) target_semaphore(%arg10 : memref<!tpu.dma_semaphore, #tpu.memory_space<semaphore_mem>>)
    %dma_start3A_38 = arith.constant 0 : i32
    %dma_start3A_39 = arith.constant 1000 : i32
    %dma_start3A_40 = tpu.memref_slice %arg6[%dma_start3A_38, %dma_start3A_39] : memref<2x5000xi32, #tpu.memory_space<vmem>> -> memref<1x1000xi32, #tpu.memory_space<vmem>>
    %dma_start3A_41 = tpu.memref_squeeze %dma_start3A_40 : memref<1x1000xi32, #tpu.memory_space<vmem>> -> memref<1000xi32, #tpu.memory_space<vmem>>
    %dma_start3A_42 = tpu.memref_slice %arg2[%add3A_8] : memref<3200000xi32, #tpu.memory_space<hbm>> -> memref<1000xi32, #tpu.memory_space<hbm>>
    %dma_start3A_43 = arith.constant 1000 : i32
    %dma_start3A_44 = tpu.memref_slice %arg6[%dma_start3A_38, %dma_start3A_43] : memref<2x5000xi32, #tpu.memory_space<vmem>> -> memref<1x1000xi32, #tpu.memory_space<vmem>>
    %dma_start3A_45 = tpu.memref_squeeze %dma_start3A_44 : memref<1x1000xi32, #tpu.memory_space<vmem>> -> memref<1000xi32, #tpu.memory_space<vmem>>
    %dma_start3A_46 = tpu.memref_slice %arg2[%add3A_8] : memref<3200000xi32, #tpu.memory_space<hbm>> -> memref<1000xi32, #tpu.memory_space<hbm>>
    tpu.enqueue_dma source(%dma_start3A_46 : memref<1000xi32, #tpu.memory_space<hbm>>) target(%dma_start3A_45 : memref<1000xi32, #tpu.memory_space<vmem>>) target_semaphore(%arg10 : memref<!tpu.dma_semaphore, #tpu.memory_space<semaphore_mem>>)
    %dma_start3A_47 = arith.constant 0 : i32
    %dma_start3A_48 = arith.constant 1000 : i32
    %dma_start3A_49 = tpu.memref_slice %arg7[%dma_start3A_47, %dma_start3A_48] : memref<2x5000xi32, #tpu.memory_space<vmem>> -> memref<1x1000xi32, #tpu.memory_space<vmem>>
    %dma_start3A_50 = tpu.memref_squeeze %dma_start3A_49 : memref<1x1000xi32, #tpu.memory_space<vmem>> -> memref<1000xi32, #tpu.memory_space<vmem>>
    %dma_start3A_51 = tpu.memref_slice %arg3[%add3A_8] : memref<3200000xi32, #tpu.memory_space<hbm>> -> memref<1000xi32, #tpu.memory_space<hbm>>
    %dma_start3A_52 = arith.constant 1000 : i32
    %dma_start3A_53 = tpu.memref_slice %arg7[%dma_start3A_47, %dma_start3A_52] : memref<2x5000xi32, #tpu.memory_space<vmem>> -> memref<1x1000xi32, #tpu.memory_space<vmem>>
    %dma_start3A_54 = tpu.memref_squeeze %dma_start3A_53 : memref<1x1000xi32, #tpu.memory_space<vmem>> -> memref<1000xi32, #tpu.memory_space<vmem>>
    %dma_start3A_55 = tpu.memref_slice %arg3[%add3A_8] : memref<3200000xi32, #tpu.memory_space<hbm>> -> memref<1000xi32, #tpu.memory_space<hbm>>
    tpu.enqueue_dma source(%dma_start3A_55 : memref<1000xi32, #tpu.memory_space<hbm>>) target(%dma_start3A_54 : memref<1000xi32, #tpu.memory_space<vmem>>) target_semaphore(%arg10 : memref<!tpu.dma_semaphore, #tpu.memory_space<semaphore_mem>>)
    %dma_start3A_56 = arith.constant 0 : i32
    %dma_start3A_57 = arith.constant 2000 : i32
    %dma_start3A_58 = tpu.memref_slice %arg6[%dma_start3A_56, %dma_start3A_57] : memref<2x5000xi32, #tpu.memory_space<vmem>> -> memref<1x1000xi32, #tpu.memory_space<vmem>>
    %dma_start3A_59 = tpu.memref_squeeze %dma_start3A_58 : memref<1x1000xi32, #tpu.memory_space<vmem>> -> memref<1000xi32, #tpu.memory_space<vmem>>
    %dma_start3A_60 = tpu.memref_slice %arg2[%add3A_12] : memref<3200000xi32, #tpu.memory_space<hbm>> -> memref<1000xi32, #tpu.memory_space<hbm>>
    %dma_start3A_61 = arith.constant 2000 : i32
    %dma_start3A_62 = tpu.memref_slice %arg6[%dma_start3A_56, %dma_start3A_61] : memref<2x5000xi32, #tpu.memory_space<vmem>> -> memref<1x1000xi32, #tpu.memory_space<vmem>>
    %dma_start3A_63 = tpu.memref_squeeze %dma_start3A_62 : memref<1x1000xi32, #tpu.memory_space<vmem>> -> memref<1000xi32, #tpu.memory_space<vmem>>
    %dma_start3A_64 = tpu.memref_slice %arg2[%add3A_12] : memref<3200000xi32, #tpu.memory_space<hbm>> -> memref<1000xi32, #tpu.memory_space<hbm>>
    tpu.enqueue_dma source(%dma_start3A_64 : memref<1000xi32, #tpu.memory_space<hbm>>) target(%dma_start3A_63 : memref<1000xi32, #tpu.memory_space<vmem>>) target_semaphore(%arg10 : memref<!tpu.dma_semaphore, #tpu.memory_space<semaphore_mem>>)
    %dma_start3A_65 = arith.constant 0 : i32
    %dma_start3A_66 = arith.constant 2000 : i32
    %dma_start3A_67 = tpu.memref_slice %arg7[%dma_start3A_65, %dma_start3A_66] : memref<2x5000xi32, #tpu.memory_space<vmem>> -> memref<1x1000xi32, #tpu.memory_space<vmem>>
    %dma_start3A_68 = tpu.memref_squeeze %dma_start3A_67 : memref<1x1000xi32, #tpu.memory_space<vmem>> -> memref<1000xi32, #tpu.memory_space<vmem>>
    %dma_start3A_69 = tpu.memref_slice %arg3[%add3A_12] : memref<3200000xi32, #tpu.memory_space<hbm>> -> memref<1000xi32, #tpu.memory_space<hbm>>
    %dma_start3A_70 = arith.constant 2000 : i32
    %dma_start3A_71 = tpu.memref_slice %arg7[%dma_start3A_65, %dma_start3A_70] : memref<2x5000xi32, #tpu.memory_space<vmem>> -> memref<1x1000xi32, #tpu.memory_space<vmem>>
    %dma_start3A_72 = tpu.memref_squeeze %dma_start3A_71 : memref<1x1000xi32, #tpu.memory_space<vmem>> -> memref<1000xi32, #tpu.memory_space<vmem>>
    %dma_start3A_73 = tpu.memref_slice %arg3[%add3A_12] : memref<3200000xi32, #tpu.memory_space<hbm>> -> memref<1000xi32, #tpu.memory_space<hbm>>
    tpu.enqueue_dma source(%dma_start3A_73 : memref<1000xi32, #tpu.memory_space<hbm>>) target(%dma_start3A_72 : memref<1000xi32, #tpu.memory_space<vmem>>) target_semaphore(%arg10 : memref<!tpu.dma_semaphore, #tpu.memory_space<semaphore_mem>>)
    %dma_start3A_74 = arith.constant 0 : i32
    %dma_start3A_75 = arith.constant 3000 : i32
    %dma_start3A_76 = tpu.memref_slice %arg6[%dma_start3A_74, %dma_start3A_75] : memref<2x5000xi32, #tpu.memory_space<vmem>> -> memref<1x1000xi32, #tpu.memory_space<vmem>>
    %dma_start3A_77 = tpu.memref_squeeze %dma_start3A_76 : memref<1x1000xi32, #tpu.memory_space<vmem>> -> memref<1000xi32, #tpu.memory_space<vmem>>
    %dma_start3A_78 = tpu.memref_slice %arg2[%add3A_16] : memref<3200000xi32, #tpu.memory_space<hbm>> -> memref<1000xi32, #tpu.memory_space<hbm>>
    %dma_start3A_79 = arith.constant 3000 : i32
    %dma_start3A_80 = tpu.memref_slice %arg6[%dma_start3A_74, %dma_start3A_79] : memref<2x5000xi32, #tpu.memory_space<vmem>> -> memref<1x1000xi32, #tpu.memory_space<vmem>>
    %dma_start3A_81 = tpu.memref_squeeze %dma_start3A_80 : memref<1x1000xi32, #tpu.memory_space<vmem>> -> memref<1000xi32, #tpu.memory_space<vmem>>
    %dma_start3A_82 = tpu.memref_slice %arg2[%add3A_16] : memref<3200000xi32, #tpu.memory_space<hbm>> -> memref<1000xi32, #tpu.memory_space<hbm>>
    tpu.enqueue_dma source(%dma_start3A_82 : memref<1000xi32, #tpu.memory_space<hbm>>) target(%dma_start3A_81 : memref<1000xi32, #tpu.memory_space<vmem>>) target_semaphore(%arg10 : memref<!tpu.dma_semaphore, #tpu.memory_space<semaphore_mem>>)
    %dma_start3A_83 = arith.constant 0 : i32
    %dma_start3A_84 = arith.constant 3000 : i32
    %dma_start3A_85 = tpu.memref_slice %arg7[%dma_start3A_83, %dma_start3A_84] : memref<2x5000xi32, #tpu.memory_space<vmem>> -> memref<1x1000xi32, #tpu.memory_space<vmem>>
    %dma_start3A_86 = tpu.memref_squeeze %dma_start3A_85 : memref<1x1000xi32, #tpu.memory_space<vmem>> -> memref<1000xi32, #tpu.memory_space<vmem>>
    %dma_start3A_87 = tpu.memref_slice %arg3[%add3A_16] : memref<3200000xi32, #tpu.memory_space<hbm>> -> memref<1000xi32, #tpu.memory_space<hbm>>
    %dma_start3A_88 = arith.constant 3000 : i32
    %dma_start3A_89 = tpu.memref_slice %arg7[%dma_start3A_83, %dma_start3A_88] : memref<2x5000xi32, #tpu.memory_space<vmem>> -> memref<1x1000xi32, #tpu.memory_space<vmem>>
    %dma_start3A_90 = tpu.memref_squeeze %dma_start3A_89 : memref<1x1000xi32, #tpu.memory_space<vmem>> -> memref<1000xi32, #tpu.memory_space<vmem>>
    %dma_start3A_91 = tpu.memref_slice %arg3[%add3A_16] : memref<3200000xi32, #tpu.memory_space<hbm>> -> memref<1000xi32, #tpu.memory_space<hbm>>
    tpu.enqueue_dma source(%dma_start3A_91 : memref<1000xi32, #tpu.memory_space<hbm>>) target(%dma_start3A_90 : memref<1000xi32, #tpu.memory_space<vmem>>) target_semaphore(%arg10 : memref<!tpu.dma_semaphore, #tpu.memory_space<semaphore_mem>>)
    %dma_start3A_92 = arith.constant 0 : i32
    %dma_start3A_93 = arith.constant 4000 : i32
    %dma_start3A_94 = tpu.memref_slice %arg6[%dma_start3A_92, %dma_start3A_93] : memref<2x5000xi32, #tpu.memory_space<vmem>> -> memref<1x1000xi32, #tpu.memory_space<vmem>>
    %dma_start3A_95 = tpu.memref_squeeze %dma_start3A_94 : memref<1x1000xi32, #tpu.memory_space<vmem>> -> memref<1000xi32, #tpu.memory_space<vmem>>
    %dma_start3A_96 = tpu.memref_slice %arg2[%add3A_20] : memref<3200000xi32, #tpu.memory_space<hbm>> -> memref<1000xi32, #tpu.memory_space<hbm>>
    %dma_start3A_97 = arith.constant 4000 : i32
    %dma_start3A_98 = tpu.memref_slice %arg6[%dma_start3A_92, %dma_start3A_97] : memref<2x5000xi32, #tpu.memory_space<vmem>> -> memref<1x1000xi32, #tpu.memory_space<vmem>>
    %dma_start3A_99 = tpu.memref_squeeze %dma_start3A_98 : memref<1x1000xi32, #tpu.memory_space<vmem>> -> memref<1000xi32, #tpu.memory_space<vmem>>
    %dma_start3A_100 = tpu.memref_slice %arg2[%add3A_20] : memref<3200000xi32, #tpu.memory_space<hbm>> -> memref<1000xi32, #tpu.memory_space<hbm>>
    tpu.enqueue_dma source(%dma_start3A_100 : memref<1000xi32, #tpu.memory_space<hbm>>) target(%dma_start3A_99 : memref<1000xi32, #tpu.memory_space<vmem>>) target_semaphore(%arg10 : memref<!tpu.dma_semaphore, #tpu.memory_space<semaphore_mem>>)
    %dma_start3A_101 = arith.constant 0 : i32
    %dma_start3A_102 = arith.constant 4000 : i32
    %dma_start3A_103 = tpu.memref_slice %arg7[%dma_start3A_101, %dma_start3A_102] : memref<2x5000xi32, #tpu.memory_space<vmem>> -> memref<1x1000xi32, #tpu.memory_space<vmem>>
    %dma_start3A_104 = tpu.memref_squeeze %dma_start3A_103 : memref<1x1000xi32, #tpu.memory_space<vmem>> -> memref<1000xi32, #tpu.memory_space<vmem>>
    %dma_start3A_105 = tpu.memref_slice %arg3[%add3A_20] : memref<3200000xi32, #tpu.memory_space<hbm>> -> memref<1000xi32, #tpu.memory_space<hbm>>
    %dma_start3A_106 = arith.constant 4000 : i32
    %dma_start3A_107 = tpu.memref_slice %arg7[%dma_start3A_101, %dma_start3A_106] : memref<2x5000xi32, #tpu.memory_space<vmem>> -> memref<1x1000xi32, #tpu.memory_space<vmem>>
    %dma_start3A_108 = tpu.memref_squeeze %dma_start3A_107 : memref<1x1000xi32, #tpu.memory_space<vmem>> -> memref<1000xi32, #tpu.memory_space<vmem>>
    %dma_start3A_109 = tpu.memref_slice %arg3[%add3A_20] : memref<3200000xi32, #tpu.memory_space<hbm>> -> memref<1000xi32, #tpu.memory_space<hbm>>
    tpu.enqueue_dma source(%dma_start3A_109 : memref<1000xi32, #tpu.memory_space<hbm>>) target(%dma_start3A_108 : memref<1000xi32, #tpu.memory_space<vmem>>) target_semaphore(%arg10 : memref<!tpu.dma_semaphore, #tpu.memory_space<semaphore_mem>>)
    %dma_start3A_110 = arith.constant 0 : i32
    %dma_start3A_111 = arith.constant 0 : i32
    %dma_start3A_112 = tpu.memref_slice %arg8[%dma_start3A_110, %dma_start3A_111] : memref<2x15000xf32, #tpu.memory_space<vmem>> -> memref<1x15000xf32, #tpu.memory_space<vmem>>
    %dma_start3A_113 = tpu.memref_squeeze %dma_start3A_112 : memref<1x15000xf32, #tpu.memory_space<vmem>> -> memref<15000xf32, #tpu.memory_space<vmem>>
    %dma_start3A_114 = arith.constant 0 : i32
    %dma_start3A_115 = tpu.memref_slice %arg4[%dma_start3A_114] : memref<300000xf32, #tpu.memory_space<hbm>> -> memref<15000xf32, #tpu.memory_space<hbm>>
    %dma_start3A_116 = arith.constant 0 : i32
    %dma_start3A_117 = tpu.memref_slice %arg8[%dma_start3A_110, %dma_start3A_116] : memref<2x15000xf32, #tpu.memory_space<vmem>> -> memref<1x15000xf32, #tpu.memory_space<vmem>>
    %dma_start3A_118 = tpu.memref_squeeze %dma_start3A_117 : memref<1x15000xf32, #tpu.memory_space<vmem>> -> memref<15000xf32, #tpu.memory_space<vmem>>
    %dma_start3A_119 = arith.constant 0 : i32
    %dma_start3A_120 = tpu.memref_slice %arg4[%dma_start3A_119] : memref<300000xf32, #tpu.memory_space<hbm>> -> memref<15000xf32, #tpu.memory_space<hbm>>
    tpu.enqueue_dma source(%dma_start3A_120 : memref<15000xf32, #tpu.memory_space<hbm>>) target(%dma_start3A_118 : memref<15000xf32, #tpu.memory_space<vmem>>) target_semaphore(%arg10 : memref<!tpu.dma_semaphore, #tpu.memory_space<semaphore_mem>>)
    %scan3A = arith.constant 0 : i32
    %scan3A_121 = arith.constant 0 : i32
    %scan3A_122 = arith.constant 10 : i32
    %scan3A_123 = arith.addi %scan3A_121, %scan3A_122 : i32
    %scan3A_124 = arith.constant 1 : i32
    scf.for %scan3A_255 = %scan3A_121 to %scan3A_123 step %scan3A_124  : i32 {
      %mul3A_256 = arith.constant 2 : i32
      %mul3A_257 = arith.muli %scan3A_255, %mul3A_256 : i32
      %add3A_258 = arith.constant 1 : i32
      %add3A_259 = arith.addi %mul3A_257, %add3A_258 : i32
      %lt3A = arith.constant 20 : i32
      %lt3A_260 = arith.cmpi slt, %add3A_259, %lt3A : i32
      %convert_element_type3A = arith.extui %lt3A_260 : i1 to i32
      %cond3A = arith.constant 0 : i32
      %cond3A_261 = arith.cmpi ne, %convert_element_type3A, %cond3A : i32
      scf.if %cond3A_261 {
        %add3A_820 = arith.constant 1 : i32
        %add3A_821 = arith.addi %mul3A_257, %add3A_820 : i32
        %mul3A_822 = arith.constant 5 : i32
        %mul3A_823 = arith.muli %add3A_821, %mul3A_822 : i32
        %add3A_824 = arith.constant 0 : i32
        %add3A_825 = arith.addi %mul3A_823, %add3A_824 : i32
        %mul3A_826 = arith.constant 32000 : i32
        %mul3A_827 = arith.muli %add3A_825, %mul3A_826 : i32
        %mul3A_828 = arith.constant 1000 : i32
        %mul3A_829 = arith.muli %add3A, %mul3A_828 : i32
        %add3A_830 = arith.addi %mul3A_827, %mul3A_829 : i32
        %mul3A_831 = arith.constant 5 : i32
        %mul3A_832 = arith.muli %add3A_821, %mul3A_831 : i32
        %add3A_833 = arith.constant 1 : i32
        %add3A_834 = arith.addi %mul3A_832, %add3A_833 : i32
        %mul3A_835 = arith.constant 32000 : i32
        %mul3A_836 = arith.muli %add3A_834, %mul3A_835 : i32
        %mul3A_837 = arith.constant 1000 : i32
        %mul3A_838 = arith.muli %add3A, %mul3A_837 : i32
        %add3A_839 = arith.addi %mul3A_836, %mul3A_838 : i32
        %mul3A_840 = arith.constant 5 : i32
        %mul3A_841 = arith.muli %add3A_821, %mul3A_840 : i32
        %add3A_842 = arith.constant 2 : i32
        %add3A_843 = arith.addi %mul3A_841, %add3A_842 : i32
        %mul3A_844 = arith.constant 32000 : i32
        %mul3A_845 = arith.muli %add3A_843, %mul3A_844 : i32
        %mul3A_846 = arith.constant 1000 : i32
        %mul3A_847 = arith.muli %add3A, %mul3A_846 : i32
        %add3A_848 = arith.addi %mul3A_845, %mul3A_847 : i32
        %mul3A_849 = arith.constant 5 : i32
        %mul3A_850 = arith.muli %add3A_821, %mul3A_849 : i32
        %add3A_851 = arith.constant 3 : i32
        %add3A_852 = arith.addi %mul3A_850, %add3A_851 : i32
        %mul3A_853 = arith.constant 32000 : i32
        %mul3A_854 = arith.muli %add3A_852, %mul3A_853 : i32
        %mul3A_855 = arith.constant 1000 : i32
        %mul3A_856 = arith.muli %add3A, %mul3A_855 : i32
        %add3A_857 = arith.addi %mul3A_854, %mul3A_856 : i32
        %mul3A_858 = arith.constant 5 : i32
        %mul3A_859 = arith.muli %add3A_821, %mul3A_858 : i32
        %add3A_860 = arith.constant 4 : i32
        %add3A_861 = arith.addi %mul3A_859, %add3A_860 : i32
        %mul3A_862 = arith.constant 32000 : i32
        %mul3A_863 = arith.muli %add3A_861, %mul3A_862 : i32
        %mul3A_864 = arith.constant 1000 : i32
        %mul3A_865 = arith.muli %add3A, %mul3A_864 : i32
        %add3A_866 = arith.addi %mul3A_863, %mul3A_865 : i32
        %mul3A_867 = arith.constant 5 : i32
        %mul3A_868 = arith.muli %add3A_821, %mul3A_867 : i32
        %mul3A_869 = arith.constant 3 : i32
        %mul3A_870 = arith.muli %mul3A_868, %mul3A_869 : i32
        %mul3A_871 = arith.constant 1000 : i32
        %mul3A_872 = arith.muli %mul3A_870, %mul3A_871 : i32
        %dma_start3A_873 = arith.constant 1 : i32
        %dma_start3A_874 = arith.constant 0 : i32
        %dma_start3A_875 = tpu.memref_slice %arg6[%dma_start3A_873, %dma_start3A_874] : memref<2x5000xi32, #tpu.memory_space<vmem>> -> memref<1x1000xi32, #tpu.memory_space<vmem>>
        %dma_start3A_876 = tpu.memref_squeeze %dma_start3A_875 : memref<1x1000xi32, #tpu.memory_space<vmem>> -> memref<1000xi32, #tpu.memory_space<vmem>>
        %dma_start3A_877 = tpu.memref_slice %arg2[%add3A_830] : memref<3200000xi32, #tpu.memory_space<hbm>> -> memref<1000xi32, #tpu.memory_space<hbm>>
        %dma_start3A_878 = arith.constant 0 : i32
        %dma_start3A_879 = tpu.memref_slice %arg6[%dma_start3A_873, %dma_start3A_878] : memref<2x5000xi32, #tpu.memory_space<vmem>> -> memref<1x1000xi32, #tpu.memory_space<vmem>>
        %dma_start3A_880 = tpu.memref_squeeze %dma_start3A_879 : memref<1x1000xi32, #tpu.memory_space<vmem>> -> memref<1000xi32, #tpu.memory_space<vmem>>
        %dma_start3A_881 = tpu.memref_slice %arg2[%add3A_830] : memref<3200000xi32, #tpu.memory_space<hbm>> -> memref<1000xi32, #tpu.memory_space<hbm>>
        tpu.enqueue_dma source(%dma_start3A_881 : memref<1000xi32, #tpu.memory_space<hbm>>) target(%dma_start3A_880 : memref<1000xi32, #tpu.memory_space<vmem>>) target_semaphore(%arg11 : memref<!tpu.dma_semaphore, #tpu.memory_space<semaphore_mem>>)
        %dma_start3A_882 = arith.constant 1 : i32
        %dma_start3A_883 = arith.constant 0 : i32
        %dma_start3A_884 = tpu.memref_slice %arg7[%dma_start3A_882, %dma_start3A_883] : memref<2x5000xi32, #tpu.memory_space<vmem>> -> memref<1x1000xi32, #tpu.memory_space<vmem>>
        %dma_start3A_885 = tpu.memref_squeeze %dma_start3A_884 : memref<1x1000xi32, #tpu.memory_space<vmem>> -> memref<1000xi32, #tpu.memory_space<vmem>>
        %dma_start3A_886 = tpu.memref_slice %arg3[%add3A_830] : memref<3200000xi32, #tpu.memory_space<hbm>> -> memref<1000xi32, #tpu.memory_space<hbm>>
        %dma_start3A_887 = arith.constant 0 : i32
        %dma_start3A_888 = tpu.memref_slice %arg7[%dma_start3A_882, %dma_start3A_887] : memref<2x5000xi32, #tpu.memory_space<vmem>> -> memref<1x1000xi32, #tpu.memory_space<vmem>>
        %dma_start3A_889 = tpu.memref_squeeze %dma_start3A_888 : memref<1x1000xi32, #tpu.memory_space<vmem>> -> memref<1000xi32, #tpu.memory_space<vmem>>
        %dma_start3A_890 = tpu.memref_slice %arg3[%add3A_830] : memref<3200000xi32, #tpu.memory_space<hbm>> -> memref<1000xi32, #tpu.memory_space<hbm>>
        tpu.enqueue_dma source(%dma_start3A_890 : memref<1000xi32, #tpu.memory_space<hbm>>) target(%dma_start3A_889 : memref<1000xi32, #tpu.memory_space<vmem>>) target_semaphore(%arg11 : memref<!tpu.dma_semaphore, #tpu.memory_space<semaphore_mem>>)
        %dma_start3A_891 = arith.constant 1 : i32
        %dma_start3A_892 = arith.constant 1000 : i32
        %dma_start3A_893 = tpu.memref_slice %arg6[%dma_start3A_891, %dma_start3A_892] : memref<2x5000xi32, #tpu.memory_space<vmem>> -> memref<1x1000xi32, #tpu.memory_space<vmem>>
        %dma_start3A_894 = tpu.memref_squeeze %dma_start3A_893 : memref<1x1000xi32, #tpu.memory_space<vmem>> -> memref<1000xi32, #tpu.memory_space<vmem>>
        %dma_start3A_895 = tpu.memref_slice %arg2[%add3A_839] : memref<3200000xi32, #tpu.memory_space<hbm>> -> memref<1000xi32, #tpu.memory_space<hbm>>
        %dma_start3A_896 = arith.constant 1000 : i32
        %dma_start3A_897 = tpu.memref_slice %arg6[%dma_start3A_891, %dma_start3A_896] : memref<2x5000xi32, #tpu.memory_space<vmem>> -> memref<1x1000xi32, #tpu.memory_space<vmem>>
        %dma_start3A_898 = tpu.memref_squeeze %dma_start3A_897 : memref<1x1000xi32, #tpu.memory_space<vmem>> -> memref<1000xi32, #tpu.memory_space<vmem>>
        %dma_start3A_899 = tpu.memref_slice %arg2[%add3A_839] : memref<3200000xi32, #tpu.memory_space<hbm>> -> memref<1000xi32, #tpu.memory_space<hbm>>
        tpu.enqueue_dma source(%dma_start3A_899 : memref<1000xi32, #tpu.memory_space<hbm>>) target(%dma_start3A_898 : memref<1000xi32, #tpu.memory_space<vmem>>) target_semaphore(%arg11 : memref<!tpu.dma_semaphore, #tpu.memory_space<semaphore_mem>>)
        %dma_start3A_900 = arith.constant 1 : i32
        %dma_start3A_901 = arith.constant 1000 : i32
        %dma_start3A_902 = tpu.memref_slice %arg7[%dma_start3A_900, %dma_start3A_901] : memref<2x5000xi32, #tpu.memory_space<vmem>> -> memref<1x1000xi32, #tpu.memory_space<vmem>>
        %dma_start3A_903 = tpu.memref_squeeze %dma_start3A_902 : memref<1x1000xi32, #tpu.memory_space<vmem>> -> memref<1000xi32, #tpu.memory_space<vmem>>
        %dma_start3A_904 = tpu.memref_slice %arg3[%add3A_839] : memref<3200000xi32, #tpu.memory_space<hbm>> -> memref<1000xi32, #tpu.memory_space<hbm>>
        %dma_start3A_905 = arith.constant 1000 : i32
        %dma_start3A_906 = tpu.memref_slice %arg7[%dma_start3A_900, %dma_start3A_905] : memref<2x5000xi32, #tpu.memory_space<vmem>> -> memref<1x1000xi32, #tpu.memory_space<vmem>>
        %dma_start3A_907 = tpu.memref_squeeze %dma_start3A_906 : memref<1x1000xi32, #tpu.memory_space<vmem>> -> memref<1000xi32, #tpu.memory_space<vmem>>
        %dma_start3A_908 = tpu.memref_slice %arg3[%add3A_839] : memref<3200000xi32, #tpu.memory_space<hbm>> -> memref<1000xi32, #tpu.memory_space<hbm>>
        tpu.enqueue_dma source(%dma_start3A_908 : memref<1000xi32, #tpu.memory_space<hbm>>) target(%dma_start3A_907 : memref<1000xi32, #tpu.memory_space<vmem>>) target_semaphore(%arg11 : memref<!tpu.dma_semaphore, #tpu.memory_space<semaphore_mem>>)
        %dma_start3A_909 = arith.constant 1 : i32
        %dma_start3A_910 = arith.constant 2000 : i32
        %dma_start3A_911 = tpu.memref_slice %arg6[%dma_start3A_909, %dma_start3A_910] : memref<2x5000xi32, #tpu.memory_space<vmem>> -> memref<1x1000xi32, #tpu.memory_space<vmem>>
        %dma_start3A_912 = tpu.memref_squeeze %dma_start3A_911 : memref<1x1000xi32, #tpu.memory_space<vmem>> -> memref<1000xi32, #tpu.memory_space<vmem>>
        %dma_start3A_913 = tpu.memref_slice %arg2[%add3A_848] : memref<3200000xi32, #tpu.memory_space<hbm>> -> memref<1000xi32, #tpu.memory_space<hbm>>
        %dma_start3A_914 = arith.constant 2000 : i32
        %dma_start3A_915 = tpu.memref_slice %arg6[%dma_start3A_909, %dma_start3A_914] : memref<2x5000xi32, #tpu.memory_space<vmem>> -> memref<1x1000xi32, #tpu.memory_space<vmem>>
        %dma_start3A_916 = tpu.memref_squeeze %dma_start3A_915 : memref<1x1000xi32, #tpu.memory_space<vmem>> -> memref<1000xi32, #tpu.memory_space<vmem>>
        %dma_start3A_917 = tpu.memref_slice %arg2[%add3A_848] : memref<3200000xi32, #tpu.memory_space<hbm>> -> memref<1000xi32, #tpu.memory_space<hbm>>
        tpu.enqueue_dma source(%dma_start3A_917 : memref<1000xi32, #tpu.memory_space<hbm>>) target(%dma_start3A_916 : memref<1000xi32, #tpu.memory_space<vmem>>) target_semaphore(%arg11 : memref<!tpu.dma_semaphore, #tpu.memory_space<semaphore_mem>>)
        %dma_start3A_918 = arith.constant 1 : i32
        %dma_start3A_919 = arith.constant 2000 : i32
        %dma_start3A_920 = tpu.memref_slice %arg7[%dma_start3A_918, %dma_start3A_919] : memref<2x5000xi32, #tpu.memory_space<vmem>> -> memref<1x1000xi32, #tpu.memory_space<vmem>>
        %dma_start3A_921 = tpu.memref_squeeze %dma_start3A_920 : memref<1x1000xi32, #tpu.memory_space<vmem>> -> memref<1000xi32, #tpu.memory_space<vmem>>
        %dma_start3A_922 = tpu.memref_slice %arg3[%add3A_848] : memref<3200000xi32, #tpu.memory_space<hbm>> -> memref<1000xi32, #tpu.memory_space<hbm>>
        %dma_start3A_923 = arith.constant 2000 : i32
        %dma_start3A_924 = tpu.memref_slice %arg7[%dma_start3A_918, %dma_start3A_923] : memref<2x5000xi32, #tpu.memory_space<vmem>> -> memref<1x1000xi32, #tpu.memory_space<vmem>>
        %dma_start3A_925 = tpu.memref_squeeze %dma_start3A_924 : memref<1x1000xi32, #tpu.memory_space<vmem>> -> memref<1000xi32, #tpu.memory_space<vmem>>
        %dma_start3A_926 = tpu.memref_slice %arg3[%add3A_848] : memref<3200000xi32, #tpu.memory_space<hbm>> -> memref<1000xi32, #tpu.memory_space<hbm>>
        tpu.enqueue_dma source(%dma_start3A_926 : memref<1000xi32, #tpu.memory_space<hbm>>) target(%dma_start3A_925 : memref<1000xi32, #tpu.memory_space<vmem>>) target_semaphore(%arg11 : memref<!tpu.dma_semaphore, #tpu.memory_space<semaphore_mem>>)
        %dma_start3A_927 = arith.constant 1 : i32
        %dma_start3A_928 = arith.constant 3000 : i32
        %dma_start3A_929 = tpu.memref_slice %arg6[%dma_start3A_927, %dma_start3A_928] : memref<2x5000xi32, #tpu.memory_space<vmem>> -> memref<1x1000xi32, #tpu.memory_space<vmem>>
        %dma_start3A_930 = tpu.memref_squeeze %dma_start3A_929 : memref<1x1000xi32, #tpu.memory_space<vmem>> -> memref<1000xi32, #tpu.memory_space<vmem>>
        %dma_start3A_931 = tpu.memref_slice %arg2[%add3A_857] : memref<3200000xi32, #tpu.memory_space<hbm>> -> memref<1000xi32, #tpu.memory_space<hbm>>
        %dma_start3A_932 = arith.constant 3000 : i32
        %dma_start3A_933 = tpu.memref_slice %arg6[%dma_start3A_927, %dma_start3A_932] : memref<2x5000xi32, #tpu.memory_space<vmem>> -> memref<1x1000xi32, #tpu.memory_space<vmem>>
        %dma_start3A_934 = tpu.memref_squeeze %dma_start3A_933 : memref<1x1000xi32, #tpu.memory_space<vmem>> -> memref<1000xi32, #tpu.memory_space<vmem>>
        %dma_start3A_935 = tpu.memref_slice %arg2[%add3A_857] : memref<3200000xi32, #tpu.memory_space<hbm>> -> memref<1000xi32, #tpu.memory_space<hbm>>
        tpu.enqueue_dma source(%dma_start3A_935 : memref<1000xi32, #tpu.memory_space<hbm>>) target(%dma_start3A_934 : memref<1000xi32, #tpu.memory_space<vmem>>) target_semaphore(%arg11 : memref<!tpu.dma_semaphore, #tpu.memory_space<semaphore_mem>>)
        %dma_start3A_936 = arith.constant 1 : i32
        %dma_start3A_937 = arith.constant 3000 : i32
        %dma_start3A_938 = tpu.memref_slice %arg7[%dma_start3A_936, %dma_start3A_937] : memref<2x5000xi32, #tpu.memory_space<vmem>> -> memref<1x1000xi32, #tpu.memory_space<vmem>>
        %dma_start3A_939 = tpu.memref_squeeze %dma_start3A_938 : memref<1x1000xi32, #tpu.memory_space<vmem>> -> memref<1000xi32, #tpu.memory_space<vmem>>
        %dma_start3A_940 = tpu.memref_slice %arg3[%add3A_857] : memref<3200000xi32, #tpu.memory_space<hbm>> -> memref<1000xi32, #tpu.memory_space<hbm>>
        %dma_start3A_941 = arith.constant 3000 : i32
        %dma_start3A_942 = tpu.memref_slice %arg7[%dma_start3A_936, %dma_start3A_941] : memref<2x5000xi32, #tpu.memory_space<vmem>> -> memref<1x1000xi32, #tpu.memory_space<vmem>>
        %dma_start3A_943 = tpu.memref_squeeze %dma_start3A_942 : memref<1x1000xi32, #tpu.memory_space<vmem>> -> memref<1000xi32, #tpu.memory_space<vmem>>
        %dma_start3A_944 = tpu.memref_slice %arg3[%add3A_857] : memref<3200000xi32, #tpu.memory_space<hbm>> -> memref<1000xi32, #tpu.memory_space<hbm>>
        tpu.enqueue_dma source(%dma_start3A_944 : memref<1000xi32, #tpu.memory_space<hbm>>) target(%dma_start3A_943 : memref<1000xi32, #tpu.memory_space<vmem>>) target_semaphore(%arg11 : memref<!tpu.dma_semaphore, #tpu.memory_space<semaphore_mem>>)
        %dma_start3A_945 = arith.constant 1 : i32
        %dma_start3A_946 = arith.constant 4000 : i32
        %dma_start3A_947 = tpu.memref_slice %arg6[%dma_start3A_945, %dma_start3A_946] : memref<2x5000xi32, #tpu.memory_space<vmem>> -> memref<1x1000xi32, #tpu.memory_space<vmem>>
        %dma_start3A_948 = tpu.memref_squeeze %dma_start3A_947 : memref<1x1000xi32, #tpu.memory_space<vmem>> -> memref<1000xi32, #tpu.memory_space<vmem>>
        %dma_start3A_949 = tpu.memref_slice %arg2[%add3A_866] : memref<3200000xi32, #tpu.memory_space<hbm>> -> memref<1000xi32, #tpu.memory_space<hbm>>
        %dma_start3A_950 = arith.constant 4000 : i32
        %dma_start3A_951 = tpu.memref_slice %arg6[%dma_start3A_945, %dma_start3A_950] : memref<2x5000xi32, #tpu.memory_space<vmem>> -> memref<1x1000xi32, #tpu.memory_space<vmem>>
        %dma_start3A_952 = tpu.memref_squeeze %dma_start3A_951 : memref<1x1000xi32, #tpu.memory_space<vmem>> -> memref<1000xi32, #tpu.memory_space<vmem>>
        %dma_start3A_953 = tpu.memref_slice %arg2[%add3A_866] : memref<3200000xi32, #tpu.memory_space<hbm>> -> memref<1000xi32, #tpu.memory_space<hbm>>
        tpu.enqueue_dma source(%dma_start3A_953 : memref<1000xi32, #tpu.memory_space<hbm>>) target(%dma_start3A_952 : memref<1000xi32, #tpu.memory_space<vmem>>) target_semaphore(%arg11 : memref<!tpu.dma_semaphore, #tpu.memory_space<semaphore_mem>>)
        %dma_start3A_954 = arith.constant 1 : i32
        %dma_start3A_955 = arith.constant 4000 : i32
        %dma_start3A_956 = tpu.memref_slice %arg7[%dma_start3A_954, %dma_start3A_955] : memref<2x5000xi32, #tpu.memory_space<vmem>> -> memref<1x1000xi32, #tpu.memory_space<vmem>>
        %dma_start3A_957 = tpu.memref_squeeze %dma_start3A_956 : memref<1x1000xi32, #tpu.memory_space<vmem>> -> memref<1000xi32, #tpu.memory_space<vmem>>
        %dma_start3A_958 = tpu.memref_slice %arg3[%add3A_866] : memref<3200000xi32, #tpu.memory_space<hbm>> -> memref<1000xi32, #tpu.memory_space<hbm>>
        %dma_start3A_959 = arith.constant 4000 : i32
        %dma_start3A_960 = tpu.memref_slice %arg7[%dma_start3A_954, %dma_start3A_959] : memref<2x5000xi32, #tpu.memory_space<vmem>> -> memref<1x1000xi32, #tpu.memory_space<vmem>>
        %dma_start3A_961 = tpu.memref_squeeze %dma_start3A_960 : memref<1x1000xi32, #tpu.memory_space<vmem>> -> memref<1000xi32, #tpu.memory_space<vmem>>
        %dma_start3A_962 = tpu.memref_slice %arg3[%add3A_866] : memref<3200000xi32, #tpu.memory_space<hbm>> -> memref<1000xi32, #tpu.memory_space<hbm>>
        tpu.enqueue_dma source(%dma_start3A_962 : memref<1000xi32, #tpu.memory_space<hbm>>) target(%dma_start3A_961 : memref<1000xi32, #tpu.memory_space<vmem>>) target_semaphore(%arg11 : memref<!tpu.dma_semaphore, #tpu.memory_space<semaphore_mem>>)
        %dma_start3A_963 = arith.constant 1 : i32
        %dma_start3A_964 = arith.constant 0 : i32
        %dma_start3A_965 = tpu.memref_slice %arg8[%dma_start3A_963, %dma_start3A_964] : memref<2x15000xf32, #tpu.memory_space<vmem>> -> memref<1x15000xf32, #tpu.memory_space<vmem>>
        %dma_start3A_966 = tpu.memref_squeeze %dma_start3A_965 : memref<1x15000xf32, #tpu.memory_space<vmem>> -> memref<15000xf32, #tpu.memory_space<vmem>>
        %dma_start3A_967 = tpu.memref_slice %arg4[%mul3A_872] : memref<300000xf32, #tpu.memory_space<hbm>> -> memref<15000xf32, #tpu.memory_space<hbm>>
        %dma_start3A_968 = arith.constant 0 : i32
        %dma_start3A_969 = tpu.memref_slice %arg8[%dma_start3A_963, %dma_start3A_968] : memref<2x15000xf32, #tpu.memory_space<vmem>> -> memref<1x15000xf32, #tpu.memory_space<vmem>>
        %dma_start3A_970 = tpu.memref_squeeze %dma_start3A_969 : memref<1x15000xf32, #tpu.memory_space<vmem>> -> memref<15000xf32, #tpu.memory_space<vmem>>
        %dma_start3A_971 = tpu.memref_slice %arg4[%mul3A_872] : memref<300000xf32, #tpu.memory_space<hbm>> -> memref<15000xf32, #tpu.memory_space<hbm>>
        tpu.enqueue_dma source(%dma_start3A_971 : memref<15000xf32, #tpu.memory_space<hbm>>) target(%dma_start3A_970 : memref<15000xf32, #tpu.memory_space<vmem>>) target_semaphore(%arg11 : memref<!tpu.dma_semaphore, #tpu.memory_space<semaphore_mem>>)
      } else {
      }
      %mul3A_262 = arith.constant 5 : i32
      %mul3A_263 = arith.muli %mul3A_257, %mul3A_262 : i32
      %add3A_264 = arith.constant 0 : i32
      %add3A_265 = arith.addi %mul3A_263, %add3A_264 : i32
      %mul3A_266 = arith.constant 32000 : i32
      %mul3A_267 = arith.muli %add3A_265, %mul3A_266 : i32
      %mul3A_268 = arith.constant 1000 : i32
      %mul3A_269 = arith.muli %add3A, %mul3A_268 : i32
      %add3A_270 = arith.addi %mul3A_267, %mul3A_269 : i32
      %mul3A_271 = arith.constant 5 : i32
      %mul3A_272 = arith.muli %mul3A_257, %mul3A_271 : i32
      %add3A_273 = arith.constant 1 : i32
      %add3A_274 = arith.addi %mul3A_272, %add3A_273 : i32
      %mul3A_275 = arith.constant 32000 : i32
      %mul3A_276 = arith.muli %add3A_274, %mul3A_275 : i32
      %mul3A_277 = arith.constant 1000 : i32
      %mul3A_278 = arith.muli %add3A, %mul3A_277 : i32
      %add3A_279 = arith.addi %mul3A_276, %mul3A_278 : i32
      %mul3A_280 = arith.constant 5 : i32
      %mul3A_281 = arith.muli %mul3A_257, %mul3A_280 : i32
      %add3A_282 = arith.constant 2 : i32
      %add3A_283 = arith.addi %mul3A_281, %add3A_282 : i32
      %mul3A_284 = arith.constant 32000 : i32
      %mul3A_285 = arith.muli %add3A_283, %mul3A_284 : i32
      %mul3A_286 = arith.constant 1000 : i32
      %mul3A_287 = arith.muli %add3A, %mul3A_286 : i32
      %add3A_288 = arith.addi %mul3A_285, %mul3A_287 : i32
      %mul3A_289 = arith.constant 5 : i32
      %mul3A_290 = arith.muli %mul3A_257, %mul3A_289 : i32
      %add3A_291 = arith.constant 3 : i32
      %add3A_292 = arith.addi %mul3A_290, %add3A_291 : i32
      %mul3A_293 = arith.constant 32000 : i32
      %mul3A_294 = arith.muli %add3A_292, %mul3A_293 : i32
      %mul3A_295 = arith.constant 1000 : i32
      %mul3A_296 = arith.muli %add3A, %mul3A_295 : i32
      %add3A_297 = arith.addi %mul3A_294, %mul3A_296 : i32
      %mul3A_298 = arith.constant 5 : i32
      %mul3A_299 = arith.muli %mul3A_257, %mul3A_298 : i32
      %add3A_300 = arith.constant 4 : i32
      %add3A_301 = arith.addi %mul3A_299, %add3A_300 : i32
      %mul3A_302 = arith.constant 32000 : i32
      %mul3A_303 = arith.muli %add3A_301, %mul3A_302 : i32
      %mul3A_304 = arith.constant 1000 : i32
      %mul3A_305 = arith.muli %add3A, %mul3A_304 : i32
      %add3A_306 = arith.addi %mul3A_303, %mul3A_305 : i32
      %mul3A_307 = arith.constant 5 : i32
      %mul3A_308 = arith.muli %mul3A_257, %mul3A_307 : i32
      %mul3A_309 = arith.constant 3 : i32
      %mul3A_310 = arith.muli %mul3A_308, %mul3A_309 : i32
      %mul3A_311 = arith.constant 1000 : i32
      %mul3A_312 = arith.muli %mul3A_310, %mul3A_311 : i32
      %dma_wait3A_313 = arith.constant 0 : i32
      %dma_wait3A_314 = arith.constant 0 : i32
      %dma_wait3A_315 = tpu.memref_slice %arg6[%dma_wait3A_313, %dma_wait3A_314] : memref<2x5000xi32, #tpu.memory_space<vmem>> -> memref<1x1000xi32, #tpu.memory_space<vmem>>
      %dma_wait3A_316 = tpu.memref_squeeze %dma_wait3A_315 : memref<1x1000xi32, #tpu.memory_space<vmem>> -> memref<1000xi32, #tpu.memory_space<vmem>>
      %dma_wait3A_317 = tpu.memref_slice %arg2[%add3A_270] : memref<3200000xi32, #tpu.memory_space<hbm>> -> memref<1000xi32, #tpu.memory_space<hbm>>
      %dma_wait3A_318 = arith.constant 0 : i32
      %dma_wait3A_319 = tpu.memref_slice %arg6[%dma_wait3A_313, %dma_wait3A_318] : memref<2x5000xi32, #tpu.memory_space<vmem>> -> memref<1x1000xi32, #tpu.memory_space<vmem>>
      %dma_wait3A_320 = tpu.memref_squeeze %dma_wait3A_319 : memref<1x1000xi32, #tpu.memory_space<vmem>> -> memref<1000xi32, #tpu.memory_space<vmem>>
      %dma_wait3A_321 = tpu.memref_slice %arg2[%add3A_270] : memref<3200000xi32, #tpu.memory_space<hbm>> -> memref<1000xi32, #tpu.memory_space<hbm>>
      tpu.wait_dma2 semaphore(%arg10 : memref<!tpu.dma_semaphore, #tpu.memory_space<semaphore_mem>>) src(%dma_wait3A_321 : memref<1000xi32, #tpu.memory_space<hbm>>) dst(%dma_wait3A_320 : memref<1000xi32, #tpu.memory_space<vmem>>)
      %dma_wait3A_322 = arith.constant 0 : i32
      %dma_wait3A_323 = arith.constant 0 : i32
      %dma_wait3A_324 = tpu.memref_slice %arg7[%dma_wait3A_322, %dma_wait3A_323] : memref<2x5000xi32, #tpu.memory_space<vmem>> -> memref<1x1000xi32, #tpu.memory_space<vmem>>
      %dma_wait3A_325 = tpu.memref_squeeze %dma_wait3A_324 : memref<1x1000xi32, #tpu.memory_space<vmem>> -> memref<1000xi32, #tpu.memory_space<vmem>>
      %dma_wait3A_326 = tpu.memref_slice %arg3[%add3A_270] : memref<3200000xi32, #tpu.memory_space<hbm>> -> memref<1000xi32, #tpu.memory_space<hbm>>
      %dma_wait3A_327 = arith.constant 0 : i32
      %dma_wait3A_328 = tpu.memref_slice %arg7[%dma_wait3A_322, %dma_wait3A_327] : memref<2x5000xi32, #tpu.memory_space<vmem>> -> memref<1x1000xi32, #tpu.memory_space<vmem>>
      %dma_wait3A_329 = tpu.memref_squeeze %dma_wait3A_328 : memref<1x1000xi32, #tpu.memory_space<vmem>> -> memref<1000xi32, #tpu.memory_space<vmem>>
      %dma_wait3A_330 = tpu.memref_slice %arg3[%add3A_270] : memref<3200000xi32, #tpu.memory_space<hbm>> -> memref<1000xi32, #tpu.memory_space<hbm>>
      tpu.wait_dma2 semaphore(%arg10 : memref<!tpu.dma_semaphore, #tpu.memory_space<semaphore_mem>>) src(%dma_wait3A_330 : memref<1000xi32, #tpu.memory_space<hbm>>) dst(%dma_wait3A_329 : memref<1000xi32, #tpu.memory_space<vmem>>)
      %dma_wait3A_331 = arith.constant 0 : i32
      %dma_wait3A_332 = arith.constant 1000 : i32
      %dma_wait3A_333 = tpu.memref_slice %arg6[%dma_wait3A_331, %dma_wait3A_332] : memref<2x5000xi32, #tpu.memory_space<vmem>> -> memref<1x1000xi32, #tpu.memory_space<vmem>>
      %dma_wait3A_334 = tpu.memref_squeeze %dma_wait3A_333 : memref<1x1000xi32, #tpu.memory_space<vmem>> -> memref<1000xi32, #tpu.memory_space<vmem>>
      %dma_wait3A_335 = tpu.memref_slice %arg2[%add3A_279] : memref<3200000xi32, #tpu.memory_space<hbm>> -> memref<1000xi32, #tpu.memory_space<hbm>>
      %dma_wait3A_336 = arith.constant 1000 : i32
      %dma_wait3A_337 = tpu.memref_slice %arg6[%dma_wait3A_331, %dma_wait3A_336] : memref<2x5000xi32, #tpu.memory_space<vmem>> -> memref<1x1000xi32, #tpu.memory_space<vmem>>
      %dma_wait3A_338 = tpu.memref_squeeze %dma_wait3A_337 : memref<1x1000xi32, #tpu.memory_space<vmem>> -> memref<1000xi32, #tpu.memory_space<vmem>>
      %dma_wait3A_339 = tpu.memref_slice %arg2[%add3A_279] : memref<3200000xi32, #tpu.memory_space<hbm>> -> memref<1000xi32, #tpu.memory_space<hbm>>
      tpu.wait_dma2 semaphore(%arg10 : memref<!tpu.dma_semaphore, #tpu.memory_space<semaphore_mem>>) src(%dma_wait3A_339 : memref<1000xi32, #tpu.memory_space<hbm>>) dst(%dma_wait3A_338 : memref<1000xi32, #tpu.memory_space<vmem>>)
      %dma_wait3A_340 = arith.constant 0 : i32
      %dma_wait3A_341 = arith.constant 1000 : i32
      %dma_wait3A_342 = tpu.memref_slice %arg7[%dma_wait3A_340, %dma_wait3A_341] : memref<2x5000xi32, #tpu.memory_space<vmem>> -> memref<1x1000xi32, #tpu.memory_space<vmem>>
      %dma_wait3A_343 = tpu.memref_squeeze %dma_wait3A_342 : memref<1x1000xi32, #tpu.memory_space<vmem>> -> memref<1000xi32, #tpu.memory_space<vmem>>
      %dma_wait3A_344 = tpu.memref_slice %arg3[%add3A_279] : memref<3200000xi32, #tpu.memory_space<hbm>> -> memref<1000xi32, #tpu.memory_space<hbm>>
      %dma_wait3A_345 = arith.constant 1000 : i32
      %dma_wait3A_346 = tpu.memref_slice %arg7[%dma_wait3A_340, %dma_wait3A_345] : memref<2x5000xi32, #tpu.memory_space<vmem>> -> memref<1x1000xi32, #tpu.memory_space<vmem>>
      %dma_wait3A_347 = tpu.memref_squeeze %dma_wait3A_346 : memref<1x1000xi32, #tpu.memory_space<vmem>> -> memref<1000xi32, #tpu.memory_space<vmem>>
      %dma_wait3A_348 = tpu.memref_slice %arg3[%add3A_279] : memref<3200000xi32, #tpu.memory_space<hbm>> -> memref<1000xi32, #tpu.memory_space<hbm>>
      tpu.wait_dma2 semaphore(%arg10 : memref<!tpu.dma_semaphore, #tpu.memory_space<semaphore_mem>>) src(%dma_wait3A_348 : memref<1000xi32, #tpu.memory_space<hbm>>) dst(%dma_wait3A_347 : memref<1000xi32, #tpu.memory_space<vmem>>)
      %dma_wait3A_349 = arith.constant 0 : i32
      %dma_wait3A_350 = arith.constant 2000 : i32
      %dma_wait3A_351 = tpu.memref_slice %arg6[%dma_wait3A_349, %dma_wait3A_350] : memref<2x5000xi32, #tpu.memory_space<vmem>> -> memref<1x1000xi32, #tpu.memory_space<vmem>>
      %dma_wait3A_352 = tpu.memref_squeeze %dma_wait3A_351 : memref<1x1000xi32, #tpu.memory_space<vmem>> -> memref<1000xi32, #tpu.memory_space<vmem>>
      %dma_wait3A_353 = tpu.memref_slice %arg2[%add3A_288] : memref<3200000xi32, #tpu.memory_space<hbm>> -> memref<1000xi32, #tpu.memory_space<hbm>>
      %dma_wait3A_354 = arith.constant 2000 : i32
      %dma_wait3A_355 = tpu.memref_slice %arg6[%dma_wait3A_349, %dma_wait3A_354] : memref<2x5000xi32, #tpu.memory_space<vmem>> -> memref<1x1000xi32, #tpu.memory_space<vmem>>
      %dma_wait3A_356 = tpu.memref_squeeze %dma_wait3A_355 : memref<1x1000xi32, #tpu.memory_space<vmem>> -> memref<1000xi32, #tpu.memory_space<vmem>>
      %dma_wait3A_357 = tpu.memref_slice %arg2[%add3A_288] : memref<3200000xi32, #tpu.memory_space<hbm>> -> memref<1000xi32, #tpu.memory_space<hbm>>
      tpu.wait_dma2 semaphore(%arg10 : memref<!tpu.dma_semaphore, #tpu.memory_space<semaphore_mem>>) src(%dma_wait3A_357 : memref<1000xi32, #tpu.memory_space<hbm>>) dst(%dma_wait3A_356 : memref<1000xi32, #tpu.memory_space<vmem>>)
      %dma_wait3A_358 = arith.constant 0 : i32
      %dma_wait3A_359 = arith.constant 2000 : i32
      %dma_wait3A_360 = tpu.memref_slice %arg7[%dma_wait3A_358, %dma_wait3A_359] : memref<2x5000xi32, #tpu.memory_space<vmem>> -> memref<1x1000xi32, #tpu.memory_space<vmem>>
      %dma_wait3A_361 = tpu.memref_squeeze %dma_wait3A_360 : memref<1x1000xi32, #tpu.memory_space<vmem>> -> memref<1000xi32, #tpu.memory_space<vmem>>
      %dma_wait3A_362 = tpu.memref_slice %arg3[%add3A_288] : memref<3200000xi32, #tpu.memory_space<hbm>> -> memref<1000xi32, #tpu.memory_space<hbm>>
      %dma_wait3A_363 = arith.constant 2000 : i32
      %dma_wait3A_364 = tpu.memref_slice %arg7[%dma_wait3A_358, %dma_wait3A_363] : memref<2x5000xi32, #tpu.memory_space<vmem>> -> memref<1x1000xi32, #tpu.memory_space<vmem>>
      %dma_wait3A_365 = tpu.memref_squeeze %dma_wait3A_364 : memref<1x1000xi32, #tpu.memory_space<vmem>> -> memref<1000xi32, #tpu.memory_space<vmem>>
      %dma_wait3A_366 = tpu.memref_slice %arg3[%add3A_288] : memref<3200000xi32, #tpu.memory_space<hbm>> -> memref<1000xi32, #tpu.memory_space<hbm>>
      tpu.wait_dma2 semaphore(%arg10 : memref<!tpu.dma_semaphore, #tpu.memory_space<semaphore_mem>>) src(%dma_wait3A_366 : memref<1000xi32, #tpu.memory_space<hbm>>) dst(%dma_wait3A_365 : memref<1000xi32, #tpu.memory_space<vmem>>)
      %dma_wait3A_367 = arith.constant 0 : i32
      %dma_wait3A_368 = arith.constant 3000 : i32
      %dma_wait3A_369 = tpu.memref_slice %arg6[%dma_wait3A_367, %dma_wait3A_368] : memref<2x5000xi32, #tpu.memory_space<vmem>> -> memref<1x1000xi32, #tpu.memory_space<vmem>>
      %dma_wait3A_370 = tpu.memref_squeeze %dma_wait3A_369 : memref<1x1000xi32, #tpu.memory_space<vmem>> -> memref<1000xi32, #tpu.memory_space<vmem>>
      %dma_wait3A_371 = tpu.memref_slice %arg2[%add3A_297] : memref<3200000xi32, #tpu.memory_space<hbm>> -> memref<1000xi32, #tpu.memory_space<hbm>>
      %dma_wait3A_372 = arith.constant 3000 : i32
      %dma_wait3A_373 = tpu.memref_slice %arg6[%dma_wait3A_367, %dma_wait3A_372] : memref<2x5000xi32, #tpu.memory_space<vmem>> -> memref<1x1000xi32, #tpu.memory_space<vmem>>
      %dma_wait3A_374 = tpu.memref_squeeze %dma_wait3A_373 : memref<1x1000xi32, #tpu.memory_space<vmem>> -> memref<1000xi32, #tpu.memory_space<vmem>>
      %dma_wait3A_375 = tpu.memref_slice %arg2[%add3A_297] : memref<3200000xi32, #tpu.memory_space<hbm>> -> memref<1000xi32, #tpu.memory_space<hbm>>
      tpu.wait_dma2 semaphore(%arg10 : memref<!tpu.dma_semaphore, #tpu.memory_space<semaphore_mem>>) src(%dma_wait3A_375 : memref<1000xi32, #tpu.memory_space<hbm>>) dst(%dma_wait3A_374 : memref<1000xi32, #tpu.memory_space<vmem>>)
      %dma_wait3A_376 = arith.constant 0 : i32
      %dma_wait3A_377 = arith.constant 3000 : i32
      %dma_wait3A_378 = tpu.memref_slice %arg7[%dma_wait3A_376, %dma_wait3A_377] : memref<2x5000xi32, #tpu.memory_space<vmem>> -> memref<1x1000xi32, #tpu.memory_space<vmem>>
      %dma_wait3A_379 = tpu.memref_squeeze %dma_wait3A_378 : memref<1x1000xi32, #tpu.memory_space<vmem>> -> memref<1000xi32, #tpu.memory_space<vmem>>
      %dma_wait3A_380 = tpu.memref_slice %arg3[%add3A_297] : memref<3200000xi32, #tpu.memory_space<hbm>> -> memref<1000xi32, #tpu.memory_space<hbm>>
      %dma_wait3A_381 = arith.constant 3000 : i32
      %dma_wait3A_382 = tpu.memref_slice %arg7[%dma_wait3A_376, %dma_wait3A_381] : memref<2x5000xi32, #tpu.memory_space<vmem>> -> memref<1x1000xi32, #tpu.memory_space<vmem>>
      %dma_wait3A_383 = tpu.memref_squeeze %dma_wait3A_382 : memref<1x1000xi32, #tpu.memory_space<vmem>> -> memref<1000xi32, #tpu.memory_space<vmem>>
      %dma_wait3A_384 = tpu.memref_slice %arg3[%add3A_297] : memref<3200000xi32, #tpu.memory_space<hbm>> -> memref<1000xi32, #tpu.memory_space<hbm>>
      tpu.wait_dma2 semaphore(%arg10 : memref<!tpu.dma_semaphore, #tpu.memory_space<semaphore_mem>>) src(%dma_wait3A_384 : memref<1000xi32, #tpu.memory_space<hbm>>) dst(%dma_wait3A_383 : memref<1000xi32, #tpu.memory_space<vmem>>)
      %dma_wait3A_385 = arith.constant 0 : i32
      %dma_wait3A_386 = arith.constant 4000 : i32
      %dma_wait3A_387 = tpu.memref_slice %arg6[%dma_wait3A_385, %dma_wait3A_386] : memref<2x5000xi32, #tpu.memory_space<vmem>> -> memref<1x1000xi32, #tpu.memory_space<vmem>>
      %dma_wait3A_388 = tpu.memref_squeeze %dma_wait3A_387 : memref<1x1000xi32, #tpu.memory_space<vmem>> -> memref<1000xi32, #tpu.memory_space<vmem>>
      %dma_wait3A_389 = tpu.memref_slice %arg2[%add3A_306] : memref<3200000xi32, #tpu.memory_space<hbm>> -> memref<1000xi32, #tpu.memory_space<hbm>>
      %dma_wait3A_390 = arith.constant 4000 : i32
      %dma_wait3A_391 = tpu.memref_slice %arg6[%dma_wait3A_385, %dma_wait3A_390] : memref<2x5000xi32, #tpu.memory_space<vmem>> -> memref<1x1000xi32, #tpu.memory_space<vmem>>
      %dma_wait3A_392 = tpu.memref_squeeze %dma_wait3A_391 : memref<1x1000xi32, #tpu.memory_space<vmem>> -> memref<1000xi32, #tpu.memory_space<vmem>>
      %dma_wait3A_393 = tpu.memref_slice %arg2[%add3A_306] : memref<3200000xi32, #tpu.memory_space<hbm>> -> memref<1000xi32, #tpu.memory_space<hbm>>
      tpu.wait_dma2 semaphore(%arg10 : memref<!tpu.dma_semaphore, #tpu.memory_space<semaphore_mem>>) src(%dma_wait3A_393 : memref<1000xi32, #tpu.memory_space<hbm>>) dst(%dma_wait3A_392 : memref<1000xi32, #tpu.memory_space<vmem>>)
      %dma_wait3A_394 = arith.constant 0 : i32
      %dma_wait3A_395 = arith.constant 4000 : i32
      %dma_wait3A_396 = tpu.memref_slice %arg7[%dma_wait3A_394, %dma_wait3A_395] : memref<2x5000xi32, #tpu.memory_space<vmem>> -> memref<1x1000xi32, #tpu.memory_space<vmem>>
      %dma_wait3A_397 = tpu.memref_squeeze %dma_wait3A_396 : memref<1x1000xi32, #tpu.memory_space<vmem>> -> memref<1000xi32, #tpu.memory_space<vmem>>
      %dma_wait3A_398 = tpu.memref_slice %arg3[%add3A_306] : memref<3200000xi32, #tpu.memory_space<hbm>> -> memref<1000xi32, #tpu.memory_space<hbm>>
      %dma_wait3A_399 = arith.constant 4000 : i32
      %dma_wait3A_400 = tpu.memref_slice %arg7[%dma_wait3A_394, %dma_wait3A_399] : memref<2x5000xi32, #tpu.memory_space<vmem>> -> memref<1x1000xi32, #tpu.memory_space<vmem>>
      %dma_wait3A_401 = tpu.memref_squeeze %dma_wait3A_400 : memref<1x1000xi32, #tpu.memory_space<vmem>> -> memref<1000xi32, #tpu.memory_space<vmem>>
      %dma_wait3A_402 = tpu.memref_slice %arg3[%add3A_306] : memref<3200000xi32, #tpu.memory_space<hbm>> -> memref<1000xi32, #tpu.memory_space<hbm>>
      tpu.wait_dma2 semaphore(%arg10 : memref<!tpu.dma_semaphore, #tpu.memory_space<semaphore_mem>>) src(%dma_wait3A_402 : memref<1000xi32, #tpu.memory_space<hbm>>) dst(%dma_wait3A_401 : memref<1000xi32, #tpu.memory_space<vmem>>)
      %dma_wait3A_403 = arith.constant 0 : i32
      %dma_wait3A_404 = arith.constant 0 : i32
      %dma_wait3A_405 = tpu.memref_slice %arg8[%dma_wait3A_403, %dma_wait3A_404] : memref<2x15000xf32, #tpu.memory_space<vmem>> -> memref<1x15000xf32, #tpu.memory_space<vmem>>
      %dma_wait3A_406 = tpu.memref_squeeze %dma_wait3A_405 : memref<1x15000xf32, #tpu.memory_space<vmem>> -> memref<15000xf32, #tpu.memory_space<vmem>>
      %dma_wait3A_407 = tpu.memref_slice %arg4[%mul3A_312] : memref<300000xf32, #tpu.memory_space<hbm>> -> memref<15000xf32, #tpu.memory_space<hbm>>
      %dma_wait3A_408 = arith.constant 0 : i32
      %dma_wait3A_409 = tpu.memref_slice %arg8[%dma_wait3A_403, %dma_wait3A_408] : memref<2x15000xf32, #tpu.memory_space<vmem>> -> memref<1x15000xf32, #tpu.memory_space<vmem>>
      %dma_wait3A_410 = tpu.memref_squeeze %dma_wait3A_409 : memref<1x15000xf32, #tpu.memory_space<vmem>> -> memref<15000xf32, #tpu.memory_space<vmem>>
      %dma_wait3A_411 = tpu.memref_slice %arg4[%mul3A_312] : memref<300000xf32, #tpu.memory_space<hbm>> -> memref<15000xf32, #tpu.memory_space<hbm>>
      tpu.wait_dma2 semaphore(%arg10 : memref<!tpu.dma_semaphore, #tpu.memory_space<semaphore_mem>>) src(%dma_wait3A_411 : memref<15000xf32, #tpu.memory_space<hbm>>) dst(%dma_wait3A_410 : memref<15000xf32, #tpu.memory_space<vmem>>)
      %ge3A = arith.constant 2 : i32
      %ge3A_412 = arith.cmpi sge, %mul3A_257, %ge3A : i32
      %convert_element_type3A_413 = arith.extui %ge3A_412 : i1 to i32
      %cond3A_414 = arith.constant 0 : i32
      %cond3A_415 = arith.cmpi ne, %convert_element_type3A_413, %cond3A_414 : i32
      scf.if %cond3A_415 {
        %sub3A = arith.constant 2 : i32
        %sub3A_820 = arith.subi %mul3A_257, %sub3A : i32
        %mul3A_821 = arith.constant 5 : i32
        %mul3A_822 = arith.muli %sub3A_820, %mul3A_821 : i32
        %add3A_823 = arith.constant 0 : i32
        %add3A_824 = arith.addi %mul3A_822, %add3A_823 : i32
        %mul3A_825 = arith.constant 32000 : i32
        %mul3A_826 = arith.muli %add3A_824, %mul3A_825 : i32
        %mul3A_827 = arith.constant 1000 : i32
        %mul3A_828 = arith.muli %add3A, %mul3A_827 : i32
        %add3A_829 = arith.addi %mul3A_826, %mul3A_828 : i32
        %mul3A_830 = arith.constant 5 : i32
        %mul3A_831 = arith.muli %sub3A_820, %mul3A_830 : i32
        %add3A_832 = arith.constant 1 : i32
        %add3A_833 = arith.addi %mul3A_831, %add3A_832 : i32
        %mul3A_834 = arith.constant 32000 : i32
        %mul3A_835 = arith.muli %add3A_833, %mul3A_834 : i32
        %mul3A_836 = arith.constant 1000 : i32
        %mul3A_837 = arith.muli %add3A, %mul3A_836 : i32
        %add3A_838 = arith.addi %mul3A_835, %mul3A_837 : i32
        %mul3A_839 = arith.constant 5 : i32
        %mul3A_840 = arith.muli %sub3A_820, %mul3A_839 : i32
        %add3A_841 = arith.constant 2 : i32
        %add3A_842 = arith.addi %mul3A_840, %add3A_841 : i32
        %mul3A_843 = arith.constant 32000 : i32
        %mul3A_844 = arith.muli %add3A_842, %mul3A_843 : i32
        %mul3A_845 = arith.constant 1000 : i32
        %mul3A_846 = arith.muli %add3A, %mul3A_845 : i32
        %add3A_847 = arith.addi %mul3A_844, %mul3A_846 : i32
        %mul3A_848 = arith.constant 5 : i32
        %mul3A_849 = arith.muli %sub3A_820, %mul3A_848 : i32
        %add3A_850 = arith.constant 3 : i32
        %add3A_851 = arith.addi %mul3A_849, %add3A_850 : i32
        %mul3A_852 = arith.constant 32000 : i32
        %mul3A_853 = arith.muli %add3A_851, %mul3A_852 : i32
        %mul3A_854 = arith.constant 1000 : i32
        %mul3A_855 = arith.muli %add3A, %mul3A_854 : i32
        %add3A_856 = arith.addi %mul3A_853, %mul3A_855 : i32
        %mul3A_857 = arith.constant 5 : i32
        %mul3A_858 = arith.muli %sub3A_820, %mul3A_857 : i32
        %add3A_859 = arith.constant 4 : i32
        %add3A_860 = arith.addi %mul3A_858, %add3A_859 : i32
        %mul3A_861 = arith.constant 32000 : i32
        %mul3A_862 = arith.muli %add3A_860, %mul3A_861 : i32
        %mul3A_863 = arith.constant 1000 : i32
        %mul3A_864 = arith.muli %add3A, %mul3A_863 : i32
        %add3A_865 = arith.addi %mul3A_862, %mul3A_864 : i32
        %dma_wait3A_866 = arith.constant 0 : i32
        %dma_wait3A_867 = arith.constant 0 : i32
        %dma_wait3A_868 = tpu.memref_slice %arg9[%dma_wait3A_866, %dma_wait3A_867] : memref<2x5000xf32, #tpu.memory_space<vmem>> -> memref<1x1000xf32, #tpu.memory_space<vmem>>
        %dma_wait3A_869 = tpu.memref_squeeze %dma_wait3A_868 : memref<1x1000xf32, #tpu.memory_space<vmem>> -> memref<1000xf32, #tpu.memory_space<vmem>>
        %dma_wait3A_870 = tpu.memref_slice %arg5[%add3A_829] : memref<3200000xf32, #tpu.memory_space<hbm>> -> memref<1000xf32, #tpu.memory_space<hbm>>
        %dma_wait3A_871 = tpu.memref_slice %arg5[%add3A_829] : memref<3200000xf32, #tpu.memory_space<hbm>> -> memref<1000xf32, #tpu.memory_space<hbm>>
        %dma_wait3A_872 = arith.constant 0 : i32
        %dma_wait3A_873 = tpu.memref_slice %arg9[%dma_wait3A_866, %dma_wait3A_872] : memref<2x5000xf32, #tpu.memory_space<vmem>> -> memref<1x1000xf32, #tpu.memory_space<vmem>>
        %dma_wait3A_874 = tpu.memref_squeeze %dma_wait3A_873 : memref<1x1000xf32, #tpu.memory_space<vmem>> -> memref<1000xf32, #tpu.memory_space<vmem>>
        tpu.wait_dma2 semaphore(%arg12 : memref<!tpu.dma_semaphore, #tpu.memory_space<semaphore_mem>>) src(%dma_wait3A_874 : memref<1000xf32, #tpu.memory_space<vmem>>) dst(%dma_wait3A_871 : memref<1000xf32, #tpu.memory_space<hbm>>)
        %dma_wait3A_875 = arith.constant 0 : i32
        %dma_wait3A_876 = arith.constant 1000 : i32
        %dma_wait3A_877 = tpu.memref_slice %arg9[%dma_wait3A_875, %dma_wait3A_876] : memref<2x5000xf32, #tpu.memory_space<vmem>> -> memref<1x1000xf32, #tpu.memory_space<vmem>>
        %dma_wait3A_878 = tpu.memref_squeeze %dma_wait3A_877 : memref<1x1000xf32, #tpu.memory_space<vmem>> -> memref<1000xf32, #tpu.memory_space<vmem>>
        %dma_wait3A_879 = tpu.memref_slice %arg5[%add3A_838] : memref<3200000xf32, #tpu.memory_space<hbm>> -> memref<1000xf32, #tpu.memory_space<hbm>>
        %dma_wait3A_880 = tpu.memref_slice %arg5[%add3A_838] : memref<3200000xf32, #tpu.memory_space<hbm>> -> memref<1000xf32, #tpu.memory_space<hbm>>
        %dma_wait3A_881 = arith.constant 1000 : i32
        %dma_wait3A_882 = tpu.memref_slice %arg9[%dma_wait3A_875, %dma_wait3A_881] : memref<2x5000xf32, #tpu.memory_space<vmem>> -> memref<1x1000xf32, #tpu.memory_space<vmem>>
        %dma_wait3A_883 = tpu.memref_squeeze %dma_wait3A_882 : memref<1x1000xf32, #tpu.memory_space<vmem>> -> memref<1000xf32, #tpu.memory_space<vmem>>
        tpu.wait_dma2 semaphore(%arg12 : memref<!tpu.dma_semaphore, #tpu.memory_space<semaphore_mem>>) src(%dma_wait3A_883 : memref<1000xf32, #tpu.memory_space<vmem>>) dst(%dma_wait3A_880 : memref<1000xf32, #tpu.memory_space<hbm>>)
        %dma_wait3A_884 = arith.constant 0 : i32
        %dma_wait3A_885 = arith.constant 2000 : i32
        %dma_wait3A_886 = tpu.memref_slice %arg9[%dma_wait3A_884, %dma_wait3A_885] : memref<2x5000xf32, #tpu.memory_space<vmem>> -> memref<1x1000xf32, #tpu.memory_space<vmem>>
        %dma_wait3A_887 = tpu.memref_squeeze %dma_wait3A_886 : memref<1x1000xf32, #tpu.memory_space<vmem>> -> memref<1000xf32, #tpu.memory_space<vmem>>
        %dma_wait3A_888 = tpu.memref_slice %arg5[%add3A_847] : memref<3200000xf32, #tpu.memory_space<hbm>> -> memref<1000xf32, #tpu.memory_space<hbm>>
        %dma_wait3A_889 = tpu.memref_slice %arg5[%add3A_847] : memref<3200000xf32, #tpu.memory_space<hbm>> -> memref<1000xf32, #tpu.memory_space<hbm>>
        %dma_wait3A_890 = arith.constant 2000 : i32
        %dma_wait3A_891 = tpu.memref_slice %arg9[%dma_wait3A_884, %dma_wait3A_890] : memref<2x5000xf32, #tpu.memory_space<vmem>> -> memref<1x1000xf32, #tpu.memory_space<vmem>>
        %dma_wait3A_892 = tpu.memref_squeeze %dma_wait3A_891 : memref<1x1000xf32, #tpu.memory_space<vmem>> -> memref<1000xf32, #tpu.memory_space<vmem>>
        tpu.wait_dma2 semaphore(%arg12 : memref<!tpu.dma_semaphore, #tpu.memory_space<semaphore_mem>>) src(%dma_wait3A_892 : memref<1000xf32, #tpu.memory_space<vmem>>) dst(%dma_wait3A_889 : memref<1000xf32, #tpu.memory_space<hbm>>)
        %dma_wait3A_893 = arith.constant 0 : i32
        %dma_wait3A_894 = arith.constant 3000 : i32
        %dma_wait3A_895 = tpu.memref_slice %arg9[%dma_wait3A_893, %dma_wait3A_894] : memref<2x5000xf32, #tpu.memory_space<vmem>> -> memref<1x1000xf32, #tpu.memory_space<vmem>>
        %dma_wait3A_896 = tpu.memref_squeeze %dma_wait3A_895 : memref<1x1000xf32, #tpu.memory_space<vmem>> -> memref<1000xf32, #tpu.memory_space<vmem>>
        %dma_wait3A_897 = tpu.memref_slice %arg5[%add3A_856] : memref<3200000xf32, #tpu.memory_space<hbm>> -> memref<1000xf32, #tpu.memory_space<hbm>>
        %dma_wait3A_898 = tpu.memref_slice %arg5[%add3A_856] : memref<3200000xf32, #tpu.memory_space<hbm>> -> memref<1000xf32, #tpu.memory_space<hbm>>
        %dma_wait3A_899 = arith.constant 3000 : i32
        %dma_wait3A_900 = tpu.memref_slice %arg9[%dma_wait3A_893, %dma_wait3A_899] : memref<2x5000xf32, #tpu.memory_space<vmem>> -> memref<1x1000xf32, #tpu.memory_space<vmem>>
        %dma_wait3A_901 = tpu.memref_squeeze %dma_wait3A_900 : memref<1x1000xf32, #tpu.memory_space<vmem>> -> memref<1000xf32, #tpu.memory_space<vmem>>
        tpu.wait_dma2 semaphore(%arg12 : memref<!tpu.dma_semaphore, #tpu.memory_space<semaphore_mem>>) src(%dma_wait3A_901 : memref<1000xf32, #tpu.memory_space<vmem>>) dst(%dma_wait3A_898 : memref<1000xf32, #tpu.memory_space<hbm>>)
        %dma_wait3A_902 = arith.constant 0 : i32
        %dma_wait3A_903 = arith.constant 4000 : i32
        %dma_wait3A_904 = tpu.memref_slice %arg9[%dma_wait3A_902, %dma_wait3A_903] : memref<2x5000xf32, #tpu.memory_space<vmem>> -> memref<1x1000xf32, #tpu.memory_space<vmem>>
        %dma_wait3A_905 = tpu.memref_squeeze %dma_wait3A_904 : memref<1x1000xf32, #tpu.memory_space<vmem>> -> memref<1000xf32, #tpu.memory_space<vmem>>
        %dma_wait3A_906 = tpu.memref_slice %arg5[%add3A_865] : memref<3200000xf32, #tpu.memory_space<hbm>> -> memref<1000xf32, #tpu.memory_space<hbm>>
        %dma_wait3A_907 = tpu.memref_slice %arg5[%add3A_865] : memref<3200000xf32, #tpu.memory_space<hbm>> -> memref<1000xf32, #tpu.memory_space<hbm>>
        %dma_wait3A_908 = arith.constant 4000 : i32
        %dma_wait3A_909 = tpu.memref_slice %arg9[%dma_wait3A_902, %dma_wait3A_908] : memref<2x5000xf32, #tpu.memory_space<vmem>> -> memref<1x1000xf32, #tpu.memory_space<vmem>>
        %dma_wait3A_910 = tpu.memref_squeeze %dma_wait3A_909 : memref<1x1000xf32, #tpu.memory_space<vmem>> -> memref<1000xf32, #tpu.memory_space<vmem>>
        tpu.wait_dma2 semaphore(%arg12 : memref<!tpu.dma_semaphore, #tpu.memory_space<semaphore_mem>>) src(%dma_wait3A_910 : memref<1000xf32, #tpu.memory_space<vmem>>) dst(%dma_wait3A_907 : memref<1000xf32, #tpu.memory_space<hbm>>)
      } else {
      }
      %scan3A_416 = arith.constant 0 : i32
      %scan3A_417 = arith.constant 0 : i32
      %scan3A_418 = arith.constant 63 : i32
      %scan3A_419 = arith.addi %scan3A_417, %scan3A_418 : i32
      %scan3A_420 = arith.constant 1 : i32
      scf.for %scan3A_820 = %scan3A_417 to %scan3A_419 step %scan3A_420  : i32 {
        %mul3A_821 = arith.constant 16 : i32
        %mul3A_822 = arith.muli %scan3A_820, %mul3A_821 : i32
        %min3A = arith.constant 984 : i32
        %min3A_823 = arith.minsi %mul3A_822, %min3A : i32
        %add3A_824 = arith.constant 0 : i32
        %add3A_825 = arith.addi %min3A_823, %add3A_824 : i32
        %get3A = arith.constant 0 : i32
        %get3A_826 = arith.index_cast %get3A : i32 to index
        %get3A_827 = arith.index_cast %add3A_825 : i32 to index
        %get3A_828 = tpu.vector_load %arg6[%get3A_826, %get3A_827] {strides = array<i32>} : memref<2x5000xi32, #tpu.memory_space<vmem>>, vector<16xi32>,
        %add3A_829 = arith.constant 0 : i32
        %add3A_830 = vector.broadcast %add3A_829 : i32 to vector<16xi32>
        %add3A_831 = arith.addi %get3A_828, %add3A_830 : vector<16xi32>
        %get3A_832 = arith.constant 0 : i32
        %get3A_833 = arith.index_cast %get3A_832 : i32 to index
        %get3A_834 = arith.index_cast %add3A_825 : i32 to index
        %get3A_835 = tpu.vector_load %arg7[%get3A_833, %get3A_834] {strides = array<i32>} : memref<2x5000xi32, #tpu.memory_space<vmem>>, vector<16xi32>,
        %add3A_836 = arith.constant 0 : i32
        %add3A_837 = vector.broadcast %add3A_836 : i32 to vector<16xi32>
        %add3A_838 = arith.addi %get3A_835, %add3A_837 : vector<16xi32>
        %gather3A = arith.constant 0 : i32
        %gather3A_839 = arith.constant 0 : i32
        %gather3A_840 = tpu.memref_slice %arg8[%gather3A, %gather3A_839] : memref<2x15000xf32, #tpu.memory_space<vmem>> -> memref<1x15000xf32, #tpu.memory_space<vmem>>
        %gather3A_841 = tpu.memref_squeeze %gather3A_840 : memref<1x15000xf32, #tpu.memory_space<vmem>> -> memref<15000xf32, #tpu.memory_space<vmem>>
        %gather3A_842 = tpu.vector_load_idx %gather3A_841[%add3A_831] : memref<15000xf32, #tpu.memory_space<vmem>>[vector<16xi32>], vector<16xf32>,
        %gather3A_843 = arith.constant 0 : i32
        %gather3A_844 = arith.constant 0 : i32
        %gather3A_845 = tpu.memref_slice %arg8[%gather3A_843, %gather3A_844] : memref<2x15000xf32, #tpu.memory_space<vmem>> -> memref<1x15000xf32, #tpu.memory_space<vmem>>
        %gather3A_846 = tpu.memref_squeeze %gather3A_845 : memref<1x15000xf32, #tpu.memory_space<vmem>> -> memref<15000xf32, #tpu.memory_space<vmem>>
        %gather3A_847 = tpu.vector_load_idx %gather3A_846[%add3A_838] : memref<15000xf32, #tpu.memory_space<vmem>>[vector<16xi32>], vector<16xf32>,
        %sub3A = arith.subf %gather3A_842, %gather3A_847 : vector<16xf32>
        %add3A_848 = arith.constant 1000 : i32
        %add3A_849 = vector.broadcast %add3A_848 : i32 to vector<16xi32>
        %add3A_850 = arith.addi %add3A_831, %add3A_849 : vector<16xi32>
        %gather3A_851 = arith.constant 0 : i32
        %gather3A_852 = arith.constant 0 : i32
        %gather3A_853 = tpu.memref_slice %arg8[%gather3A_851, %gather3A_852] : memref<2x15000xf32, #tpu.memory_space<vmem>> -> memref<1x15000xf32, #tpu.memory_space<vmem>>
        %gather3A_854 = tpu.memref_squeeze %gather3A_853 : memref<1x15000xf32, #tpu.memory_space<vmem>> -> memref<15000xf32, #tpu.memory_space<vmem>>
        %gather3A_855 = tpu.vector_load_idx %gather3A_854[%add3A_850] : memref<15000xf32, #tpu.memory_space<vmem>>[vector<16xi32>], vector<16xf32>,
        %add3A_856 = arith.constant 1000 : i32
        %add3A_857 = vector.broadcast %add3A_856 : i32 to vector<16xi32>
        %add3A_858 = arith.addi %add3A_838, %add3A_857 : vector<16xi32>
        %gather3A_859 = arith.constant 0 : i32
        %gather3A_860 = arith.constant 0 : i32
        %gather3A_861 = tpu.memref_slice %arg8[%gather3A_859, %gather3A_860] : memref<2x15000xf32, #tpu.memory_space<vmem>> -> memref<1x15000xf32, #tpu.memory_space<vmem>>
        %gather3A_862 = tpu.memref_squeeze %gather3A_861 : memref<1x15000xf32, #tpu.memory_space<vmem>> -> memref<15000xf32, #tpu.memory_space<vmem>>
        %gather3A_863 = tpu.vector_load_idx %gather3A_862[%add3A_858] : memref<15000xf32, #tpu.memory_space<vmem>>[vector<16xi32>], vector<16xf32>,
        %sub3A_864 = arith.subf %gather3A_855, %gather3A_863 : vector<16xf32>
        %add3A_865 = arith.constant 2000 : i32
        %add3A_866 = vector.broadcast %add3A_865 : i32 to vector<16xi32>
        %add3A_867 = arith.addi %add3A_831, %add3A_866 : vector<16xi32>
        %gather3A_868 = arith.constant 0 : i32
        %gather3A_869 = arith.constant 0 : i32
        %gather3A_870 = tpu.memref_slice %arg8[%gather3A_868, %gather3A_869] : memref<2x15000xf32, #tpu.memory_space<vmem>> -> memref<1x15000xf32, #tpu.memory_space<vmem>>
        %gather3A_871 = tpu.memref_squeeze %gather3A_870 : memref<1x15000xf32, #tpu.memory_space<vmem>> -> memref<15000xf32, #tpu.memory_space<vmem>>
        %gather3A_872 = tpu.vector_load_idx %gather3A_871[%add3A_867] : memref<15000xf32, #tpu.memory_space<vmem>>[vector<16xi32>], vector<16xf32>,
        %add3A_873 = arith.constant 2000 : i32
        %add3A_874 = vector.broadcast %add3A_873 : i32 to vector<16xi32>
        %add3A_875 = arith.addi %add3A_838, %add3A_874 : vector<16xi32>
        %gather3A_876 = arith.constant 0 : i32
        %gather3A_877 = arith.constant 0 : i32
        %gather3A_878 = tpu.memref_slice %arg8[%gather3A_876, %gather3A_877] : memref<2x15000xf32, #tpu.memory_space<vmem>> -> memref<1x15000xf32, #tpu.memory_space<vmem>>
        %gather3A_879 = tpu.memref_squeeze %gather3A_878 : memref<1x15000xf32, #tpu.memory_space<vmem>> -> memref<15000xf32, #tpu.memory_space<vmem>>
        %gather3A_880 = tpu.vector_load_idx %gather3A_879[%add3A_875] : memref<15000xf32, #tpu.memory_space<vmem>>[vector<16xi32>], vector<16xf32>,
        %sub3A_881 = arith.subf %gather3A_872, %gather3A_880 : vector<16xf32>
        %mul3A_882 = arith.mulf %sub3A, %sub3A : vector<16xf32>
        %mul3A_883 = arith.mulf %sub3A_864, %sub3A_864 : vector<16xf32>
        %add3A_884 = arith.addf %mul3A_882, %mul3A_883 : vector<16xf32>
        %mul3A_885 = arith.mulf %sub3A_881, %sub3A_881 : vector<16xf32>
        %add3A_886 = arith.addf %add3A_884, %mul3A_885 : vector<16xf32>
        %swap3A = arith.constant 0 : i32
        %swap3A_887 = arith.index_cast %swap3A : i32 to index
        %swap3A_888 = arith.index_cast %add3A_825 : i32 to index
        %swap3A_889 = tpu.vector_load %arg9[%swap3A_887, %swap3A_888] {strides = array<i32>} : memref<2x5000xf32, #tpu.memory_space<vmem>>, vector<16xf32>,
        tpu.vector_store %arg9[%swap3A_887, %swap3A_888], %add3A_886 {strides = array<i32>} : memref<2x5000xf32, #tpu.memory_space<vmem>>, vector<16xf32>,
      }
      %scan3A_421 = arith.constant 63 : i32
      %scan3A_422 = arith.constant 0 : i32
      %scan3A_423 = arith.constant 0 : i32
      %scan3A_424 = arith.constant 63 : i32
      %scan3A_425 = arith.addi %scan3A_423, %scan3A_424 : i32
      %scan3A_426 = arith.constant 1 : i32
      scf.for %scan3A_820 = %scan3A_423 to %scan3A_425 step %scan3A_426  : i32 {
        %mul3A_821 = arith.constant 16 : i32
        %mul3A_822 = arith.muli %scan3A_820, %mul3A_821 : i32
        %min3A = arith.constant 984 : i32
        %min3A_823 = arith.minsi %mul3A_822, %min3A : i32
        %add3A_824 = arith.constant 1000 : i32
        %add3A_825 = arith.addi %min3A_823, %add3A_824 : i32
        %get3A = arith.constant 0 : i32
        %get3A_826 = arith.index_cast %get3A : i32 to index
        %get3A_827 = arith.index_cast %add3A_825 : i32 to index
        %get3A_828 = tpu.vector_load %arg6[%get3A_826, %get3A_827] {strides = array<i32>} : memref<2x5000xi32, #tpu.memory_space<vmem>>, vector<16xi32>,
        %add3A_829 = arith.constant 3000 : i32
        %add3A_830 = vector.broadcast %add3A_829 : i32 to vector<16xi32>
        %add3A_831 = arith.addi %get3A_828, %add3A_830 : vector<16xi32>
        %get3A_832 = arith.constant 0 : i32
        %get3A_833 = arith.index_cast %get3A_832 : i32 to index
        %get3A_834 = arith.index_cast %add3A_825 : i32 to index
        %get3A_835 = tpu.vector_load %arg7[%get3A_833, %get3A_834] {strides = array<i32>} : memref<2x5000xi32, #tpu.memory_space<vmem>>, vector<16xi32>,
        %add3A_836 = arith.constant 3000 : i32
        %add3A_837 = vector.broadcast %add3A_836 : i32 to vector<16xi32>
        %add3A_838 = arith.addi %get3A_835, %add3A_837 : vector<16xi32>
        %gather3A = arith.constant 0 : i32
        %gather3A_839 = arith.constant 0 : i32
        %gather3A_840 = tpu.memref_slice %arg8[%gather3A, %gather3A_839] : memref<2x15000xf32, #tpu.memory_space<vmem>> -> memref<1x15000xf32, #tpu.memory_space<vmem>>
        %gather3A_841 = tpu.memref_squeeze %gather3A_840 : memref<1x15000xf32, #tpu.memory_space<vmem>> -> memref<15000xf32, #tpu.memory_space<vmem>>
        %gather3A_842 = tpu.vector_load_idx %gather3A_841[%add3A_831] : memref<15000xf32, #tpu.memory_space<vmem>>[vector<16xi32>], vector<16xf32>,
        %gather3A_843 = arith.constant 0 : i32
        %gather3A_844 = arith.constant 0 : i32
        %gather3A_845 = tpu.memref_slice %arg8[%gather3A_843, %gather3A_844] : memref<2x15000xf32, #tpu.memory_space<vmem>> -> memref<1x15000xf32, #tpu.memory_space<vmem>>
        %gather3A_846 = tpu.memref_squeeze %gather3A_845 : memref<1x15000xf32, #tpu.memory_space<vmem>> -> memref<15000xf32, #tpu.memory_space<vmem>>
        %gather3A_847 = tpu.vector_load_idx %gather3A_846[%add3A_838] : memref<15000xf32, #tpu.memory_space<vmem>>[vector<16xi32>], vector<16xf32>,
        %sub3A = arith.subf %gather3A_842, %gather3A_847 : vector<16xf32>
        %add3A_848 = arith.constant 1000 : i32
        %add3A_849 = vector.broadcast %add3A_848 : i32 to vector<16xi32>
        %add3A_850 = arith.addi %add3A_831, %add3A_849 : vector<16xi32>
        %gather3A_851 = arith.constant 0 : i32
        %gather3A_852 = arith.constant 0 : i32
        %gather3A_853 = tpu.memref_slice %arg8[%gather3A_851, %gather3A_852] : memref<2x15000xf32, #tpu.memory_space<vmem>> -> memref<1x15000xf32, #tpu.memory_space<vmem>>
        %gather3A_854 = tpu.memref_squeeze %gather3A_853 : memref<1x15000xf32, #tpu.memory_space<vmem>> -> memref<15000xf32, #tpu.memory_space<vmem>>
        %gather3A_855 = tpu.vector_load_idx %gather3A_854[%add3A_850] : memref<15000xf32, #tpu.memory_space<vmem>>[vector<16xi32>], vector<16xf32>,
        %add3A_856 = arith.constant 1000 : i32
        %add3A_857 = vector.broadcast %add3A_856 : i32 to vector<16xi32>
        %add3A_858 = arith.addi %add3A_838, %add3A_857 : vector<16xi32>
        %gather3A_859 = arith.constant 0 : i32
        %gather3A_860 = arith.constant 0 : i32
        %gather3A_861 = tpu.memref_slice %arg8[%gather3A_859, %gather3A_860] : memref<2x15000xf32, #tpu.memory_space<vmem>> -> memref<1x15000xf32, #tpu.memory_space<vmem>>
        %gather3A_862 = tpu.memref_squeeze %gather3A_861 : memref<1x15000xf32, #tpu.memory_space<vmem>> -> memref<15000xf32, #tpu.memory_space<vmem>>
        %gather3A_863 = tpu.vector_load_idx %gather3A_862[%add3A_858] : memref<15000xf32, #tpu.memory_space<vmem>>[vector<16xi32>], vector<16xf32>,
        %sub3A_864 = arith.subf %gather3A_855, %gather3A_863 : vector<16xf32>
        %add3A_865 = arith.constant 2000 : i32
        %add3A_866 = vector.broadcast %add3A_865 : i32 to vector<16xi32>
        %add3A_867 = arith.addi %add3A_831, %add3A_866 : vector<16xi32>
        %gather3A_868 = arith.constant 0 : i32
        %gather3A_869 = arith.constant 0 : i32
        %gather3A_870 = tpu.memref_slice %arg8[%gather3A_868, %gather3A_869] : memref<2x15000xf32, #tpu.memory_space<vmem>> -> memref<1x15000xf32, #tpu.memory_space<vmem>>
        %gather3A_871 = tpu.memref_squeeze %gather3A_870 : memref<1x15000xf32, #tpu.memory_space<vmem>> -> memref<15000xf32, #tpu.memory_space<vmem>>
        %gather3A_872 = tpu.vector_load_idx %gather3A_871[%add3A_867] : memref<15000xf32, #tpu.memory_space<vmem>>[vector<16xi32>], vector<16xf32>,
        %add3A_873 = arith.constant 2000 : i32
        %add3A_874 = vector.broadcast %add3A_873 : i32 to vector<16xi32>
        %add3A_875 = arith.addi %add3A_838, %add3A_874 : vector<16xi32>
        %gather3A_876 = arith.constant 0 : i32
        %gather3A_877 = arith.constant 0 : i32
        %gather3A_878 = tpu.memref_slice %arg8[%gather3A_876, %gather3A_877] : memref<2x15000xf32, #tpu.memory_space<vmem>> -> memref<1x15000xf32, #tpu.memory_space<vmem>>
        %gather3A_879 = tpu.memref_squeeze %gather3A_878 : memref<1x15000xf32, #tpu.memory_space<vmem>> -> memref<15000xf32, #tpu.memory_space<vmem>>
        %gather3A_880 = tpu.vector_load_idx %gather3A_879[%add3A_875] : memref<15000xf32, #tpu.memory_space<vmem>>[vector<16xi32>], vector<16xf32>,
        %sub3A_881 = arith.subf %gather3A_872, %gather3A_880 : vector<16xf32>
        %mul3A_882 = arith.mulf %sub3A, %sub3A : vector<16xf32>
        %mul3A_883 = arith.mulf %sub3A_864, %sub3A_864 : vector<16xf32>
        %add3A_884 = arith.addf %mul3A_882, %mul3A_883 : vector<16xf32>
        %mul3A_885 = arith.mulf %sub3A_881, %sub3A_881 : vector<16xf32>
        %add3A_886 = arith.addf %add3A_884, %mul3A_885 : vector<16xf32>
        %swap3A = arith.constant 0 : i32
        %swap3A_887 = arith.index_cast %swap3A : i32 to index
        %swap3A_888 = arith.index_cast %add3A_825 : i32 to index
        %swap3A_889 = tpu.vector_load %arg9[%swap3A_887, %swap3A_888] {strides = array<i32>} : memref<2x5000xf32, #tpu.memory_space<vmem>>, vector<16xf32>,
        tpu.vector_store %arg9[%swap3A_887, %swap3A_888], %add3A_886 {strides = array<i32>} : memref<2x5000xf32, #tpu.memory_space<vmem>>, vector<16xf32>,
      }
      %scan3A_427 = arith.constant 63 : i32
      %scan3A_428 = arith.constant 0 : i32
      %scan3A_429 = arith.constant 0 : i32
      %scan3A_430 = arith.constant 63 : i32
      %scan3A_431 = arith.addi %scan3A_429, %scan3A_430 : i32
      %scan3A_432 = arith.constant 1 : i32
      scf.for %scan3A_820 = %scan3A_429 to %scan3A_431 step %scan3A_432  : i32 {
        %mul3A_821 = arith.constant 16 : i32
        %mul3A_822 = arith.muli %scan3A_820, %mul3A_821 : i32
        %min3A = arith.constant 984 : i32
        %min3A_823 = arith.minsi %mul3A_822, %min3A : i32
        %add3A_824 = arith.constant 2000 : i32
        %add3A_825 = arith.addi %min3A_823, %add3A_824 : i32
        %get3A = arith.constant 0 : i32
        %get3A_826 = arith.index_cast %get3A : i32 to index
        %get3A_827 = arith.index_cast %add3A_825 : i32 to index
        %get3A_828 = tpu.vector_load %arg6[%get3A_826, %get3A_827] {strides = array<i32>} : memref<2x5000xi32, #tpu.memory_space<vmem>>, vector<16xi32>,
        %add3A_829 = arith.constant 6000 : i32
        %add3A_830 = vector.broadcast %add3A_829 : i32 to vector<16xi32>
        %add3A_831 = arith.addi %get3A_828, %add3A_830 : vector<16xi32>
        %get3A_832 = arith.constant 0 : i32
        %get3A_833 = arith.index_cast %get3A_832 : i32 to index
        %get3A_834 = arith.index_cast %add3A_825 : i32 to index
        %get3A_835 = tpu.vector_load %arg7[%get3A_833, %get3A_834] {strides = array<i32>} : memref<2x5000xi32, #tpu.memory_space<vmem>>, vector<16xi32>,
        %add3A_836 = arith.constant 6000 : i32
        %add3A_837 = vector.broadcast %add3A_836 : i32 to vector<16xi32>
        %add3A_838 = arith.addi %get3A_835, %add3A_837 : vector<16xi32>
        %gather3A = arith.constant 0 : i32
        %gather3A_839 = arith.constant 0 : i32
        %gather3A_840 = tpu.memref_slice %arg8[%gather3A, %gather3A_839] : memref<2x15000xf32, #tpu.memory_space<vmem>> -> memref<1x15000xf32, #tpu.memory_space<vmem>>
        %gather3A_841 = tpu.memref_squeeze %gather3A_840 : memref<1x15000xf32, #tpu.memory_space<vmem>> -> memref<15000xf32, #tpu.memory_space<vmem>>
        %gather3A_842 = tpu.vector_load_idx %gather3A_841[%add3A_831] : memref<15000xf32, #tpu.memory_space<vmem>>[vector<16xi32>], vector<16xf32>,
        %gather3A_843 = arith.constant 0 : i32
        %gather3A_844 = arith.constant 0 : i32
        %gather3A_845 = tpu.memref_slice %arg8[%gather3A_843, %gather3A_844] : memref<2x15000xf32, #tpu.memory_space<vmem>> -> memref<1x15000xf32, #tpu.memory_space<vmem>>
        %gather3A_846 = tpu.memref_squeeze %gather3A_845 : memref<1x15000xf32, #tpu.memory_space<vmem>> -> memref<15000xf32, #tpu.memory_space<vmem>>
        %gather3A_847 = tpu.vector_load_idx %gather3A_846[%add3A_838] : memref<15000xf32, #tpu.memory_space<vmem>>[vector<16xi32>], vector<16xf32>,
        %sub3A = arith.subf %gather3A_842, %gather3A_847 : vector<16xf32>
        %add3A_848 = arith.constant 1000 : i32
        %add3A_849 = vector.broadcast %add3A_848 : i32 to vector<16xi32>
        %add3A_850 = arith.addi %add3A_831, %add3A_849 : vector<16xi32>
        %gather3A_851 = arith.constant 0 : i32
        %gather3A_852 = arith.constant 0 : i32
        %gather3A_853 = tpu.memref_slice %arg8[%gather3A_851, %gather3A_852] : memref<2x15000xf32, #tpu.memory_space<vmem>> -> memref<1x15000xf32, #tpu.memory_space<vmem>>
        %gather3A_854 = tpu.memref_squeeze %gather3A_853 : memref<1x15000xf32, #tpu.memory_space<vmem>> -> memref<15000xf32, #tpu.memory_space<vmem>>
        %gather3A_855 = tpu.vector_load_idx %gather3A_854[%add3A_850] : memref<15000xf32, #tpu.memory_space<vmem>>[vector<16xi32>], vector<16xf32>,
        %add3A_856 = arith.constant 1000 : i32
        %add3A_857 = vector.broadcast %add3A_856 : i32 to vector<16xi32>
        %add3A_858 = arith.addi %add3A_838, %add3A_857 : vector<16xi32>
        %gather3A_859 = arith.constant 0 : i32
        %gather3A_860 = arith.constant 0 : i32
        %gather3A_861 = tpu.memref_slice %arg8[%gather3A_859, %gather3A_860] : memref<2x15000xf32, #tpu.memory_space<vmem>> -> memref<1x15000xf32, #tpu.memory_space<vmem>>
        %gather3A_862 = tpu.memref_squeeze %gather3A_861 : memref<1x15000xf32, #tpu.memory_space<vmem>> -> memref<15000xf32, #tpu.memory_space<vmem>>
        %gather3A_863 = tpu.vector_load_idx %gather3A_862[%add3A_858] : memref<15000xf32, #tpu.memory_space<vmem>>[vector<16xi32>], vector<16xf32>,
        %sub3A_864 = arith.subf %gather3A_855, %gather3A_863 : vector<16xf32>
        %add3A_865 = arith.constant 2000 : i32
        %add3A_866 = vector.broadcast %add3A_865 : i32 to vector<16xi32>
        %add3A_867 = arith.addi %add3A_831, %add3A_866 : vector<16xi32>
        %gather3A_868 = arith.constant 0 : i32
        %gather3A_869 = arith.constant 0 : i32
        %gather3A_870 = tpu.memref_slice %arg8[%gather3A_868, %gather3A_869] : memref<2x15000xf32, #tpu.memory_space<vmem>> -> memref<1x15000xf32, #tpu.memory_space<vmem>>
        %gather3A_871 = tpu.memref_squeeze %gather3A_870 : memref<1x15000xf32, #tpu.memory_space<vmem>> -> memref<15000xf32, #tpu.memory_space<vmem>>
        %gather3A_872 = tpu.vector_load_idx %gather3A_871[%add3A_867] : memref<15000xf32, #tpu.memory_space<vmem>>[vector<16xi32>], vector<16xf32>,
        %add3A_873 = arith.constant 2000 : i32
        %add3A_874 = vector.broadcast %add3A_873 : i32 to vector<16xi32>
        %add3A_875 = arith.addi %add3A_838, %add3A_874 : vector<16xi32>
        %gather3A_876 = arith.constant 0 : i32
        %gather3A_877 = arith.constant 0 : i32
        %gather3A_878 = tpu.memref_slice %arg8[%gather3A_876, %gather3A_877] : memref<2x15000xf32, #tpu.memory_space<vmem>> -> memref<1x15000xf32, #tpu.memory_space<vmem>>
        %gather3A_879 = tpu.memref_squeeze %gather3A_878 : memref<1x15000xf32, #tpu.memory_space<vmem>> -> memref<15000xf32, #tpu.memory_space<vmem>>
        %gather3A_880 = tpu.vector_load_idx %gather3A_879[%add3A_875] : memref<15000xf32, #tpu.memory_space<vmem>>[vector<16xi32>], vector<16xf32>,
        %sub3A_881 = arith.subf %gather3A_872, %gather3A_880 : vector<16xf32>
        %mul3A_882 = arith.mulf %sub3A, %sub3A : vector<16xf32>
        %mul3A_883 = arith.mulf %sub3A_864, %sub3A_864 : vector<16xf32>
        %add3A_884 = arith.addf %mul3A_882, %mul3A_883 : vector<16xf32>
        %mul3A_885 = arith.mulf %sub3A_881, %sub3A_881 : vector<16xf32>
        %add3A_886 = arith.addf %add3A_884, %mul3A_885 : vector<16xf32>
        %swap3A = arith.constant 0 : i32
        %swap3A_887 = arith.index_cast %swap3A : i32 to index
        %swap3A_888 = arith.index_cast %add3A_825 : i32 to index
        %swap3A_889 = tpu.vector_load %arg9[%swap3A_887, %swap3A_888] {strides = array<i32>} : memref<2x5000xf32, #tpu.memory_space<vmem>>, vector<16xf32>,
        tpu.vector_store %arg9[%swap3A_887, %swap3A_888], %add3A_886 {strides = array<i32>} : memref<2x5000xf32, #tpu.memory_space<vmem>>, vector<16xf32>,
      }
      %scan3A_433 = arith.constant 63 : i32
      %scan3A_434 = arith.constant 0 : i32
      %scan3A_435 = arith.constant 0 : i32
      %scan3A_436 = arith.constant 63 : i32
      %scan3A_437 = arith.addi %scan3A_435, %scan3A_436 : i32
      %scan3A_438 = arith.constant 1 : i32
      scf.for %scan3A_820 = %scan3A_435 to %scan3A_437 step %scan3A_438  : i32 {
        %mul3A_821 = arith.constant 16 : i32
        %mul3A_822 = arith.muli %scan3A_820, %mul3A_821 : i32
        %min3A = arith.constant 984 : i32
        %min3A_823 = arith.minsi %mul3A_822, %min3A : i32
        %add3A_824 = arith.constant 3000 : i32
        %add3A_825 = arith.addi %min3A_823, %add3A_824 : i32
        %get3A = arith.constant 0 : i32
        %get3A_826 = arith.index_cast %get3A : i32 to index
        %get3A_827 = arith.index_cast %add3A_825 : i32 to index
        %get3A_828 = tpu.vector_load %arg6[%get3A_826, %get3A_827] {strides = array<i32>} : memref<2x5000xi32, #tpu.memory_space<vmem>>, vector<16xi32>,
        %add3A_829 = arith.constant 9000 : i32
        %add3A_830 = vector.broadcast %add3A_829 : i32 to vector<16xi32>
        %add3A_831 = arith.addi %get3A_828, %add3A_830 : vector<16xi32>
        %get3A_832 = arith.constant 0 : i32
        %get3A_833 = arith.index_cast %get3A_832 : i32 to index
        %get3A_834 = arith.index_cast %add3A_825 : i32 to index
        %get3A_835 = tpu.vector_load %arg7[%get3A_833, %get3A_834] {strides = array<i32>} : memref<2x5000xi32, #tpu.memory_space<vmem>>, vector<16xi32>,
        %add3A_836 = arith.constant 9000 : i32
        %add3A_837 = vector.broadcast %add3A_836 : i32 to vector<16xi32>
        %add3A_838 = arith.addi %get3A_835, %add3A_837 : vector<16xi32>
        %gather3A = arith.constant 0 : i32
        %gather3A_839 = arith.constant 0 : i32
        %gather3A_840 = tpu.memref_slice %arg8[%gather3A, %gather3A_839] : memref<2x15000xf32, #tpu.memory_space<vmem>> -> memref<1x15000xf32, #tpu.memory_space<vmem>>
        %gather3A_841 = tpu.memref_squeeze %gather3A_840 : memref<1x15000xf32, #tpu.memory_space<vmem>> -> memref<15000xf32, #tpu.memory_space<vmem>>
        %gather3A_842 = tpu.vector_load_idx %gather3A_841[%add3A_831] : memref<15000xf32, #tpu.memory_space<vmem>>[vector<16xi32>], vector<16xf32>,
        %gather3A_843 = arith.constant 0 : i32
        %gather3A_844 = arith.constant 0 : i32
        %gather3A_845 = tpu.memref_slice %arg8[%gather3A_843, %gather3A_844] : memref<2x15000xf32, #tpu.memory_space<vmem>> -> memref<1x15000xf32, #tpu.memory_space<vmem>>
        %gather3A_846 = tpu.memref_squeeze %gather3A_845 : memref<1x15000xf32, #tpu.memory_space<vmem>> -> memref<15000xf32, #tpu.memory_space<vmem>>
        %gather3A_847 = tpu.vector_load_idx %gather3A_846[%add3A_838] : memref<15000xf32, #tpu.memory_space<vmem>>[vector<16xi32>], vector<16xf32>,
        %sub3A = arith.subf %gather3A_842, %gather3A_847 : vector<16xf32>
        %add3A_848 = arith.constant 1000 : i32
        %add3A_849 = vector.broadcast %add3A_848 : i32 to vector<16xi32>
        %add3A_850 = arith.addi %add3A_831, %add3A_849 : vector<16xi32>
        %gather3A_851 = arith.constant 0 : i32
        %gather3A_852 = arith.constant 0 : i32
        %gather3A_853 = tpu.memref_slice %arg8[%gather3A_851, %gather3A_852] : memref<2x15000xf32, #tpu.memory_space<vmem>> -> memref<1x15000xf32, #tpu.memory_space<vmem>>
        %gather3A_854 = tpu.memref_squeeze %gather3A_853 : memref<1x15000xf32, #tpu.memory_space<vmem>> -> memref<15000xf32, #tpu.memory_space<vmem>>
        %gather3A_855 = tpu.vector_load_idx %gather3A_854[%add3A_850] : memref<15000xf32, #tpu.memory_space<vmem>>[vector<16xi32>], vector<16xf32>,
        %add3A_856 = arith.constant 1000 : i32
        %add3A_857 = vector.broadcast %add3A_856 : i32 to vector<16xi32>
        %add3A_858 = arith.addi %add3A_838, %add3A_857 : vector<16xi32>
        %gather3A_859 = arith.constant 0 : i32
        %gather3A_860 = arith.constant 0 : i32
        %gather3A_861 = tpu.memref_slice %arg8[%gather3A_859, %gather3A_860] : memref<2x15000xf32, #tpu.memory_space<vmem>> -> memref<1x15000xf32, #tpu.memory_space<vmem>>
        %gather3A_862 = tpu.memref_squeeze %gather3A_861 : memref<1x15000xf32, #tpu.memory_space<vmem>> -> memref<15000xf32, #tpu.memory_space<vmem>>
        %gather3A_863 = tpu.vector_load_idx %gather3A_862[%add3A_858] : memref<15000xf32, #tpu.memory_space<vmem>>[vector<16xi32>], vector<16xf32>,
        %sub3A_864 = arith.subf %gather3A_855, %gather3A_863 : vector<16xf32>
        %add3A_865 = arith.constant 2000 : i32
        %add3A_866 = vector.broadcast %add3A_865 : i32 to vector<16xi32>
        %add3A_867 = arith.addi %add3A_831, %add3A_866 : vector<16xi32>
        %gather3A_868 = arith.constant 0 : i32
        %gather3A_869 = arith.constant 0 : i32
        %gather3A_870 = tpu.memref_slice %arg8[%gather3A_868, %gather3A_869] : memref<2x15000xf32, #tpu.memory_space<vmem>> -> memref<1x15000xf32, #tpu.memory_space<vmem>>
        %gather3A_871 = tpu.memref_squeeze %gather3A_870 : memref<1x15000xf32, #tpu.memory_space<vmem>> -> memref<15000xf32, #tpu.memory_space<vmem>>
        %gather3A_872 = tpu.vector_load_idx %gather3A_871[%add3A_867] : memref<15000xf32, #tpu.memory_space<vmem>>[vector<16xi32>], vector<16xf32>,
        %add3A_873 = arith.constant 2000 : i32
        %add3A_874 = vector.broadcast %add3A_873 : i32 to vector<16xi32>
        %add3A_875 = arith.addi %add3A_838, %add3A_874 : vector<16xi32>
        %gather3A_876 = arith.constant 0 : i32
        %gather3A_877 = arith.constant 0 : i32
        %gather3A_878 = tpu.memref_slice %arg8[%gather3A_876, %gather3A_877] : memref<2x15000xf32, #tpu.memory_space<vmem>> -> memref<1x15000xf32, #tpu.memory_space<vmem>>
        %gather3A_879 = tpu.memref_squeeze %gather3A_878 : memref<1x15000xf32, #tpu.memory_space<vmem>> -> memref<15000xf32, #tpu.memory_space<vmem>>
        %gather3A_880 = tpu.vector_load_idx %gather3A_879[%add3A_875] : memref<15000xf32, #tpu.memory_space<vmem>>[vector<16xi32>], vector<16xf32>,
        %sub3A_881 = arith.subf %gather3A_872, %gather3A_880 : vector<16xf32>
        %mul3A_882 = arith.mulf %sub3A, %sub3A : vector<16xf32>
        %mul3A_883 = arith.mulf %sub3A_864, %sub3A_864 : vector<16xf32>
        %add3A_884 = arith.addf %mul3A_882, %mul3A_883 : vector<16xf32>
        %mul3A_885 = arith.mulf %sub3A_881, %sub3A_881 : vector<16xf32>
        %add3A_886 = arith.addf %add3A_884, %mul3A_885 : vector<16xf32>
        %swap3A = arith.constant 0 : i32
        %swap3A_887 = arith.index_cast %swap3A : i32 to index
        %swap3A_888 = arith.index_cast %add3A_825 : i32 to index
        %swap3A_889 = tpu.vector_load %arg9[%swap3A_887, %swap3A_888] {strides = array<i32>} : memref<2x5000xf32, #tpu.memory_space<vmem>>, vector<16xf32>,
        tpu.vector_store %arg9[%swap3A_887, %swap3A_888], %add3A_886 {strides = array<i32>} : memref<2x5000xf32, #tpu.memory_space<vmem>>, vector<16xf32>,
      }
      %scan3A_439 = arith.constant 63 : i32
      %scan3A_440 = arith.constant 0 : i32
      %scan3A_441 = arith.constant 0 : i32
      %scan3A_442 = arith.constant 63 : i32
      %scan3A_443 = arith.addi %scan3A_441, %scan3A_442 : i32
      %scan3A_444 = arith.constant 1 : i32
      scf.for %scan3A_820 = %scan3A_441 to %scan3A_443 step %scan3A_444  : i32 {
        %mul3A_821 = arith.constant 16 : i32
        %mul3A_822 = arith.muli %scan3A_820, %mul3A_821 : i32
        %min3A = arith.constant 984 : i32
        %min3A_823 = arith.minsi %mul3A_822, %min3A : i32
        %add3A_824 = arith.constant 4000 : i32
        %add3A_825 = arith.addi %min3A_823, %add3A_824 : i32
        %get3A = arith.constant 0 : i32
        %get3A_826 = arith.index_cast %get3A : i32 to index
        %get3A_827 = arith.index_cast %add3A_825 : i32 to index
        %get3A_828 = tpu.vector_load %arg6[%get3A_826, %get3A_827] {strides = array<i32>} : memref<2x5000xi32, #tpu.memory_space<vmem>>, vector<16xi32>,
        %add3A_829 = arith.constant 12000 : i32
        %add3A_830 = vector.broadcast %add3A_829 : i32 to vector<16xi32>
        %add3A_831 = arith.addi %get3A_828, %add3A_830 : vector<16xi32>
        %get3A_832 = arith.constant 0 : i32
        %get3A_833 = arith.index_cast %get3A_832 : i32 to index
        %get3A_834 = arith.index_cast %add3A_825 : i32 to index
        %get3A_835 = tpu.vector_load %arg7[%get3A_833, %get3A_834] {strides = array<i32>} : memref<2x5000xi32, #tpu.memory_space<vmem>>, vector<16xi32>,
        %add3A_836 = arith.constant 12000 : i32
        %add3A_837 = vector.broadcast %add3A_836 : i32 to vector<16xi32>
        %add3A_838 = arith.addi %get3A_835, %add3A_837 : vector<16xi32>
        %gather3A = arith.constant 0 : i32
        %gather3A_839 = arith.constant 0 : i32
        %gather3A_840 = tpu.memref_slice %arg8[%gather3A, %gather3A_839] : memref<2x15000xf32, #tpu.memory_space<vmem>> -> memref<1x15000xf32, #tpu.memory_space<vmem>>
        %gather3A_841 = tpu.memref_squeeze %gather3A_840 : memref<1x15000xf32, #tpu.memory_space<vmem>> -> memref<15000xf32, #tpu.memory_space<vmem>>
        %gather3A_842 = tpu.vector_load_idx %gather3A_841[%add3A_831] : memref<15000xf32, #tpu.memory_space<vmem>>[vector<16xi32>], vector<16xf32>,
        %gather3A_843 = arith.constant 0 : i32
        %gather3A_844 = arith.constant 0 : i32
        %gather3A_845 = tpu.memref_slice %arg8[%gather3A_843, %gather3A_844] : memref<2x15000xf32, #tpu.memory_space<vmem>> -> memref<1x15000xf32, #tpu.memory_space<vmem>>
        %gather3A_846 = tpu.memref_squeeze %gather3A_845 : memref<1x15000xf32, #tpu.memory_space<vmem>> -> memref<15000xf32, #tpu.memory_space<vmem>>
        %gather3A_847 = tpu.vector_load_idx %gather3A_846[%add3A_838] : memref<15000xf32, #tpu.memory_space<vmem>>[vector<16xi32>], vector<16xf32>,
        %sub3A = arith.subf %gather3A_842, %gather3A_847 : vector<16xf32>
        %add3A_848 = arith.constant 1000 : i32
        %add3A_849 = vector.broadcast %add3A_848 : i32 to vector<16xi32>
        %add3A_850 = arith.addi %add3A_831, %add3A_849 : vector<16xi32>
        %gather3A_851 = arith.constant 0 : i32
        %gather3A_852 = arith.constant 0 : i32
        %gather3A_853 = tpu.memref_slice %arg8[%gather3A_851, %gather3A_852] : memref<2x15000xf32, #tpu.memory_space<vmem>> -> memref<1x15000xf32, #tpu.memory_space<vmem>>
        %gather3A_854 = tpu.memref_squeeze %gather3A_853 : memref<1x15000xf32, #tpu.memory_space<vmem>> -> memref<15000xf32, #tpu.memory_space<vmem>>
        %gather3A_855 = tpu.vector_load_idx %gather3A_854[%add3A_850] : memref<15000xf32, #tpu.memory_space<vmem>>[vector<16xi32>], vector<16xf32>,
        %add3A_856 = arith.constant 1000 : i32
        %add3A_857 = vector.broadcast %add3A_856 : i32 to vector<16xi32>
        %add3A_858 = arith.addi %add3A_838, %add3A_857 : vector<16xi32>
        %gather3A_859 = arith.constant 0 : i32
        %gather3A_860 = arith.constant 0 : i32
        %gather3A_861 = tpu.memref_slice %arg8[%gather3A_859, %gather3A_860] : memref<2x15000xf32, #tpu.memory_space<vmem>> -> memref<1x15000xf32, #tpu.memory_space<vmem>>
        %gather3A_862 = tpu.memref_squeeze %gather3A_861 : memref<1x15000xf32, #tpu.memory_space<vmem>> -> memref<15000xf32, #tpu.memory_space<vmem>>
        %gather3A_863 = tpu.vector_load_idx %gather3A_862[%add3A_858] : memref<15000xf32, #tpu.memory_space<vmem>>[vector<16xi32>], vector<16xf32>,
        %sub3A_864 = arith.subf %gather3A_855, %gather3A_863 : vector<16xf32>
        %add3A_865 = arith.constant 2000 : i32
        %add3A_866 = vector.broadcast %add3A_865 : i32 to vector<16xi32>
        %add3A_867 = arith.addi %add3A_831, %add3A_866 : vector<16xi32>
        %gather3A_868 = arith.constant 0 : i32
        %gather3A_869 = arith.constant 0 : i32
        %gather3A_870 = tpu.memref_slice %arg8[%gather3A_868, %gather3A_869] : memref<2x15000xf32, #tpu.memory_space<vmem>> -> memref<1x15000xf32, #tpu.memory_space<vmem>>
        %gather3A_871 = tpu.memref_squeeze %gather3A_870 : memref<1x15000xf32, #tpu.memory_space<vmem>> -> memref<15000xf32, #tpu.memory_space<vmem>>
        %gather3A_872 = tpu.vector_load_idx %gather3A_871[%add3A_867] : memref<15000xf32, #tpu.memory_space<vmem>>[vector<16xi32>], vector<16xf32>,
        %add3A_873 = arith.constant 2000 : i32
        %add3A_874 = vector.broadcast %add3A_873 : i32 to vector<16xi32>
        %add3A_875 = arith.addi %add3A_838, %add3A_874 : vector<16xi32>
        %gather3A_876 = arith.constant 0 : i32
        %gather3A_877 = arith.constant 0 : i32
        %gather3A_878 = tpu.memref_slice %arg8[%gather3A_876, %gather3A_877] : memref<2x15000xf32, #tpu.memory_space<vmem>> -> memref<1x15000xf32, #tpu.memory_space<vmem>>
        %gather3A_879 = tpu.memref_squeeze %gather3A_878 : memref<1x15000xf32, #tpu.memory_space<vmem>> -> memref<15000xf32, #tpu.memory_space<vmem>>
        %gather3A_880 = tpu.vector_load_idx %gather3A_879[%add3A_875] : memref<15000xf32, #tpu.memory_space<vmem>>[vector<16xi32>], vector<16xf32>,
        %sub3A_881 = arith.subf %gather3A_872, %gather3A_880 : vector<16xf32>
        %mul3A_882 = arith.mulf %sub3A, %sub3A : vector<16xf32>
        %mul3A_883 = arith.mulf %sub3A_864, %sub3A_864 : vector<16xf32>
        %add3A_884 = arith.addf %mul3A_882, %mul3A_883 : vector<16xf32>
        %mul3A_885 = arith.mulf %sub3A_881, %sub3A_881 : vector<16xf32>
        %add3A_886 = arith.addf %add3A_884, %mul3A_885 : vector<16xf32>
        %swap3A = arith.constant 0 : i32
        %swap3A_887 = arith.index_cast %swap3A : i32 to index
        %swap3A_888 = arith.index_cast %add3A_825 : i32 to index
        %swap3A_889 = tpu.vector_load %arg9[%swap3A_887, %swap3A_888] {strides = array<i32>} : memref<2x5000xf32, #tpu.memory_space<vmem>>, vector<16xf32>,
        tpu.vector_store %arg9[%swap3A_887, %swap3A_888], %add3A_886 {strides = array<i32>} : memref<2x5000xf32, #tpu.memory_space<vmem>>, vector<16xf32>,
      }
      %scan3A_445 = arith.constant 63 : i32
      %mul3A_446 = arith.constant 5 : i32
      %mul3A_447 = arith.muli %mul3A_257, %mul3A_446 : i32
      %add3A_448 = arith.constant 0 : i32
      %add3A_449 = arith.addi %mul3A_447, %add3A_448 : i32
      %mul3A_450 = arith.constant 32000 : i32
      %mul3A_451 = arith.muli %add3A_449, %mul3A_450 : i32
      %mul3A_452 = arith.constant 1000 : i32
      %mul3A_453 = arith.muli %add3A, %mul3A_452 : i32
      %add3A_454 = arith.addi %mul3A_451, %mul3A_453 : i32
      %mul3A_455 = arith.constant 5 : i32
      %mul3A_456 = arith.muli %mul3A_257, %mul3A_455 : i32
      %add3A_457 = arith.constant 1 : i32
      %add3A_458 = arith.addi %mul3A_456, %add3A_457 : i32
      %mul3A_459 = arith.constant 32000 : i32
      %mul3A_460 = arith.muli %add3A_458, %mul3A_459 : i32
      %mul3A_461 = arith.constant 1000 : i32
      %mul3A_462 = arith.muli %add3A, %mul3A_461 : i32
      %add3A_463 = arith.addi %mul3A_460, %mul3A_462 : i32
      %mul3A_464 = arith.constant 5 : i32
      %mul3A_465 = arith.muli %mul3A_257, %mul3A_464 : i32
      %add3A_466 = arith.constant 2 : i32
      %add3A_467 = arith.addi %mul3A_465, %add3A_466 : i32
      %mul3A_468 = arith.constant 32000 : i32
      %mul3A_469 = arith.muli %add3A_467, %mul3A_468 : i32
      %mul3A_470 = arith.constant 1000 : i32
      %mul3A_471 = arith.muli %add3A, %mul3A_470 : i32
      %add3A_472 = arith.addi %mul3A_469, %mul3A_471 : i32
      %mul3A_473 = arith.constant 5 : i32
      %mul3A_474 = arith.muli %mul3A_257, %mul3A_473 : i32
      %add3A_475 = arith.constant 3 : i32
      %add3A_476 = arith.addi %mul3A_474, %add3A_475 : i32
      %mul3A_477 = arith.constant 32000 : i32
      %mul3A_478 = arith.muli %add3A_476, %mul3A_477 : i32
      %mul3A_479 = arith.constant 1000 : i32
      %mul3A_480 = arith.muli %add3A, %mul3A_479 : i32
      %add3A_481 = arith.addi %mul3A_478, %mul3A_480 : i32
      %mul3A_482 = arith.constant 5 : i32
      %mul3A_483 = arith.muli %mul3A_257, %mul3A_482 : i32
      %add3A_484 = arith.constant 4 : i32
      %add3A_485 = arith.addi %mul3A_483, %add3A_484 : i32
      %mul3A_486 = arith.constant 32000 : i32
      %mul3A_487 = arith.muli %add3A_485, %mul3A_486 : i32
      %mul3A_488 = arith.constant 1000 : i32
      %mul3A_489 = arith.muli %add3A, %mul3A_488 : i32
      %add3A_490 = arith.addi %mul3A_487, %mul3A_489 : i32
      %dma_start3A_491 = arith.constant 0 : i32
      %dma_start3A_492 = arith.constant 0 : i32
      %dma_start3A_493 = tpu.memref_slice %arg9[%dma_start3A_491, %dma_start3A_492] : memref<2x5000xf32, #tpu.memory_space<vmem>> -> memref<1x1000xf32, #tpu.memory_space<vmem>>
      %dma_start3A_494 = tpu.memref_squeeze %dma_start3A_493 : memref<1x1000xf32, #tpu.memory_space<vmem>> -> memref<1000xf32, #tpu.memory_space<vmem>>
      %dma_start3A_495 = tpu.memref_slice %arg5[%add3A_454] : memref<3200000xf32, #tpu.memory_space<hbm>> -> memref<1000xf32, #tpu.memory_space<hbm>>
      %dma_start3A_496 = tpu.memref_slice %arg5[%add3A_454] : memref<3200000xf32, #tpu.memory_space<hbm>> -> memref<1000xf32, #tpu.memory_space<hbm>>
      %dma_start3A_497 = arith.constant 0 : i32
      %dma_start3A_498 = tpu.memref_slice %arg9[%dma_start3A_491, %dma_start3A_497] : memref<2x5000xf32, #tpu.memory_space<vmem>> -> memref<1x1000xf32, #tpu.memory_space<vmem>>
      %dma_start3A_499 = tpu.memref_squeeze %dma_start3A_498 : memref<1x1000xf32, #tpu.memory_space<vmem>> -> memref<1000xf32, #tpu.memory_space<vmem>>
      tpu.enqueue_dma source(%dma_start3A_499 : memref<1000xf32, #tpu.memory_space<vmem>>) target(%dma_start3A_496 : memref<1000xf32, #tpu.memory_space<hbm>>) target_semaphore(%arg12 : memref<!tpu.dma_semaphore, #tpu.memory_space<semaphore_mem>>)
      %dma_start3A_500 = arith.constant 0 : i32
      %dma_start3A_501 = arith.constant 1000 : i32
      %dma_start3A_502 = tpu.memref_slice %arg9[%dma_start3A_500, %dma_start3A_501] : memref<2x5000xf32, #tpu.memory_space<vmem>> -> memref<1x1000xf32, #tpu.memory_space<vmem>>
      %dma_start3A_503 = tpu.memref_squeeze %dma_start3A_502 : memref<1x1000xf32, #tpu.memory_space<vmem>> -> memref<1000xf32, #tpu.memory_space<vmem>>
      %dma_start3A_504 = tpu.memref_slice %arg5[%add3A_463] : memref<3200000xf32, #tpu.memory_space<hbm>> -> memref<1000xf32, #tpu.memory_space<hbm>>
      %dma_start3A_505 = tpu.memref_slice %arg5[%add3A_463] : memref<3200000xf32, #tpu.memory_space<hbm>> -> memref<1000xf32, #tpu.memory_space<hbm>>
      %dma_start3A_506 = arith.constant 1000 : i32
      %dma_start3A_507 = tpu.memref_slice %arg9[%dma_start3A_500, %dma_start3A_506] : memref<2x5000xf32, #tpu.memory_space<vmem>> -> memref<1x1000xf32, #tpu.memory_space<vmem>>
      %dma_start3A_508 = tpu.memref_squeeze %dma_start3A_507 : memref<1x1000xf32, #tpu.memory_space<vmem>> -> memref<1000xf32, #tpu.memory_space<vmem>>
      tpu.enqueue_dma source(%dma_start3A_508 : memref<1000xf32, #tpu.memory_space<vmem>>) target(%dma_start3A_505 : memref<1000xf32, #tpu.memory_space<hbm>>) target_semaphore(%arg12 : memref<!tpu.dma_semaphore, #tpu.memory_space<semaphore_mem>>)
      %dma_start3A_509 = arith.constant 0 : i32
      %dma_start3A_510 = arith.constant 2000 : i32
      %dma_start3A_511 = tpu.memref_slice %arg9[%dma_start3A_509, %dma_start3A_510] : memref<2x5000xf32, #tpu.memory_space<vmem>> -> memref<1x1000xf32, #tpu.memory_space<vmem>>
      %dma_start3A_512 = tpu.memref_squeeze %dma_start3A_511 : memref<1x1000xf32, #tpu.memory_space<vmem>> -> memref<1000xf32, #tpu.memory_space<vmem>>
      %dma_start3A_513 = tpu.memref_slice %arg5[%add3A_472] : memref<3200000xf32, #tpu.memory_space<hbm>> -> memref<1000xf32, #tpu.memory_space<hbm>>
      %dma_start3A_514 = tpu.memref_slice %arg5[%add3A_472] : memref<3200000xf32, #tpu.memory_space<hbm>> -> memref<1000xf32, #tpu.memory_space<hbm>>
      %dma_start3A_515 = arith.constant 2000 : i32
      %dma_start3A_516 = tpu.memref_slice %arg9[%dma_start3A_509, %dma_start3A_515] : memref<2x5000xf32, #tpu.memory_space<vmem>> -> memref<1x1000xf32, #tpu.memory_space<vmem>>
      %dma_start3A_517 = tpu.memref_squeeze %dma_start3A_516 : memref<1x1000xf32, #tpu.memory_space<vmem>> -> memref<1000xf32, #tpu.memory_space<vmem>>
      tpu.enqueue_dma source(%dma_start3A_517 : memref<1000xf32, #tpu.memory_space<vmem>>) target(%dma_start3A_514 : memref<1000xf32, #tpu.memory_space<hbm>>) target_semaphore(%arg12 : memref<!tpu.dma_semaphore, #tpu.memory_space<semaphore_mem>>)
      %dma_start3A_518 = arith.constant 0 : i32
      %dma_start3A_519 = arith.constant 3000 : i32
      %dma_start3A_520 = tpu.memref_slice %arg9[%dma_start3A_518, %dma_start3A_519] : memref<2x5000xf32, #tpu.memory_space<vmem>> -> memref<1x1000xf32, #tpu.memory_space<vmem>>
      %dma_start3A_521 = tpu.memref_squeeze %dma_start3A_520 : memref<1x1000xf32, #tpu.memory_space<vmem>> -> memref<1000xf32, #tpu.memory_space<vmem>>
      %dma_start3A_522 = tpu.memref_slice %arg5[%add3A_481] : memref<3200000xf32, #tpu.memory_space<hbm>> -> memref<1000xf32, #tpu.memory_space<hbm>>
      %dma_start3A_523 = tpu.memref_slice %arg5[%add3A_481] : memref<3200000xf32, #tpu.memory_space<hbm>> -> memref<1000xf32, #tpu.memory_space<hbm>>
      %dma_start3A_524 = arith.constant 3000 : i32
      %dma_start3A_525 = tpu.memref_slice %arg9[%dma_start3A_518, %dma_start3A_524] : memref<2x5000xf32, #tpu.memory_space<vmem>> -> memref<1x1000xf32, #tpu.memory_space<vmem>>
      %dma_start3A_526 = tpu.memref_squeeze %dma_start3A_525 : memref<1x1000xf32, #tpu.memory_space<vmem>> -> memref<1000xf32, #tpu.memory_space<vmem>>
      tpu.enqueue_dma source(%dma_start3A_526 : memref<1000xf32, #tpu.memory_space<vmem>>) target(%dma_start3A_523 : memref<1000xf32, #tpu.memory_space<hbm>>) target_semaphore(%arg12 : memref<!tpu.dma_semaphore, #tpu.memory_space<semaphore_mem>>)
      %dma_start3A_527 = arith.constant 0 : i32
      %dma_start3A_528 = arith.constant 4000 : i32
      %dma_start3A_529 = tpu.memref_slice %arg9[%dma_start3A_527, %dma_start3A_528] : memref<2x5000xf32, #tpu.memory_space<vmem>> -> memref<1x1000xf32, #tpu.memory_space<vmem>>
      %dma_start3A_530 = tpu.memref_squeeze %dma_start3A_529 : memref<1x1000xf32, #tpu.memory_space<vmem>> -> memref<1000xf32, #tpu.memory_space<vmem>>
      %dma_start3A_531 = tpu.memref_slice %arg5[%add3A_490] : memref<3200000xf32, #tpu.memory_space<hbm>> -> memref<1000xf32, #tpu.memory_space<hbm>>
      %dma_start3A_532 = tpu.memref_slice %arg5[%add3A_490] : memref<3200000xf32, #tpu.memory_space<hbm>> -> memref<1000xf32, #tpu.memory_space<hbm>>
      %dma_start3A_533 = arith.constant 4000 : i32
      %dma_start3A_534 = tpu.memref_slice %arg9[%dma_start3A_527, %dma_start3A_533] : memref<2x5000xf32, #tpu.memory_space<vmem>> -> memref<1x1000xf32, #tpu.memory_space<vmem>>
      %dma_start3A_535 = tpu.memref_squeeze %dma_start3A_534 : memref<1x1000xf32, #tpu.memory_space<vmem>> -> memref<1000xf32, #tpu.memory_space<vmem>>
      tpu.enqueue_dma source(%dma_start3A_535 : memref<1000xf32, #tpu.memory_space<vmem>>) target(%dma_start3A_532 : memref<1000xf32, #tpu.memory_space<hbm>>) target_semaphore(%arg12 : memref<!tpu.dma_semaphore, #tpu.memory_space<semaphore_mem>>)
      %add3A_536 = arith.constant 1 : i32
      %add3A_537 = arith.addi %mul3A_257, %add3A_536 : i32
      %add3A_538 = arith.constant 1 : i32
      %add3A_539 = arith.addi %add3A_537, %add3A_538 : i32
      %lt3A_540 = arith.constant 20 : i32
      %lt3A_541 = arith.cmpi slt, %add3A_539, %lt3A_540 : i32
      %convert_element_type3A_542 = arith.extui %lt3A_541 : i1 to i32
      %cond3A_543 = arith.constant 0 : i32
      %cond3A_544 = arith.cmpi ne, %convert_element_type3A_542, %cond3A_543 : i32
      scf.if %cond3A_544 {
        %add3A_820 = arith.constant 1 : i32
        %add3A_821 = arith.addi %add3A_537, %add3A_820 : i32
        %mul3A_822 = arith.constant 5 : i32
        %mul3A_823 = arith.muli %add3A_821, %mul3A_822 : i32
        %add3A_824 = arith.constant 0 : i32
        %add3A_825 = arith.addi %mul3A_823, %add3A_824 : i32
        %mul3A_826 = arith.constant 32000 : i32
        %mul3A_827 = arith.muli %add3A_825, %mul3A_826 : i32
        %mul3A_828 = arith.constant 1000 : i32
        %mul3A_829 = arith.muli %add3A, %mul3A_828 : i32
        %add3A_830 = arith.addi %mul3A_827, %mul3A_829 : i32
        %mul3A_831 = arith.constant 5 : i32
        %mul3A_832 = arith.muli %add3A_821, %mul3A_831 : i32
        %add3A_833 = arith.constant 1 : i32
        %add3A_834 = arith.addi %mul3A_832, %add3A_833 : i32
        %mul3A_835 = arith.constant 32000 : i32
        %mul3A_836 = arith.muli %add3A_834, %mul3A_835 : i32
        %mul3A_837 = arith.constant 1000 : i32
        %mul3A_838 = arith.muli %add3A, %mul3A_837 : i32
        %add3A_839 = arith.addi %mul3A_836, %mul3A_838 : i32
        %mul3A_840 = arith.constant 5 : i32
        %mul3A_841 = arith.muli %add3A_821, %mul3A_840 : i32
        %add3A_842 = arith.constant 2 : i32
        %add3A_843 = arith.addi %mul3A_841, %add3A_842 : i32
        %mul3A_844 = arith.constant 32000 : i32
        %mul3A_845 = arith.muli %add3A_843, %mul3A_844 : i32
        %mul3A_846 = arith.constant 1000 : i32
        %mul3A_847 = arith.muli %add3A, %mul3A_846 : i32
        %add3A_848 = arith.addi %mul3A_845, %mul3A_847 : i32
        %mul3A_849 = arith.constant 5 : i32
        %mul3A_850 = arith.muli %add3A_821, %mul3A_849 : i32
        %add3A_851 = arith.constant 3 : i32
        %add3A_852 = arith.addi %mul3A_850, %add3A_851 : i32
        %mul3A_853 = arith.constant 32000 : i32
        %mul3A_854 = arith.muli %add3A_852, %mul3A_853 : i32
        %mul3A_855 = arith.constant 1000 : i32
        %mul3A_856 = arith.muli %add3A, %mul3A_855 : i32
        %add3A_857 = arith.addi %mul3A_854, %mul3A_856 : i32
        %mul3A_858 = arith.constant 5 : i32
        %mul3A_859 = arith.muli %add3A_821, %mul3A_858 : i32
        %add3A_860 = arith.constant 4 : i32
        %add3A_861 = arith.addi %mul3A_859, %add3A_860 : i32
        %mul3A_862 = arith.constant 32000 : i32
        %mul3A_863 = arith.muli %add3A_861, %mul3A_862 : i32
        %mul3A_864 = arith.constant 1000 : i32
        %mul3A_865 = arith.muli %add3A, %mul3A_864 : i32
        %add3A_866 = arith.addi %mul3A_863, %mul3A_865 : i32
        %mul3A_867 = arith.constant 5 : i32
        %mul3A_868 = arith.muli %add3A_821, %mul3A_867 : i32
        %mul3A_869 = arith.constant 3 : i32
        %mul3A_870 = arith.muli %mul3A_868, %mul3A_869 : i32
        %mul3A_871 = arith.constant 1000 : i32
        %mul3A_872 = arith.muli %mul3A_870, %mul3A_871 : i32
        %dma_start3A_873 = arith.constant 0 : i32
        %dma_start3A_874 = arith.constant 0 : i32
        %dma_start3A_875 = tpu.memref_slice %arg6[%dma_start3A_873, %dma_start3A_874] : memref<2x5000xi32, #tpu.memory_space<vmem>> -> memref<1x1000xi32, #tpu.memory_space<vmem>>
        %dma_start3A_876 = tpu.memref_squeeze %dma_start3A_875 : memref<1x1000xi32, #tpu.memory_space<vmem>> -> memref<1000xi32, #tpu.memory_space<vmem>>
        %dma_start3A_877 = tpu.memref_slice %arg2[%add3A_830] : memref<3200000xi32, #tpu.memory_space<hbm>> -> memref<1000xi32, #tpu.memory_space<hbm>>
        %dma_start3A_878 = arith.constant 0 : i32
        %dma_start3A_879 = tpu.memref_slice %arg6[%dma_start3A_873, %dma_start3A_878] : memref<2x5000xi32, #tpu.memory_space<vmem>> -> memref<1x1000xi32, #tpu.memory_space<vmem>>
        %dma_start3A_880 = tpu.memref_squeeze %dma_start3A_879 : memref<1x1000xi32, #tpu.memory_space<vmem>> -> memref<1000xi32, #tpu.memory_space<vmem>>
        %dma_start3A_881 = tpu.memref_slice %arg2[%add3A_830] : memref<3200000xi32, #tpu.memory_space<hbm>> -> memref<1000xi32, #tpu.memory_space<hbm>>
        tpu.enqueue_dma source(%dma_start3A_881 : memref<1000xi32, #tpu.memory_space<hbm>>) target(%dma_start3A_880 : memref<1000xi32, #tpu.memory_space<vmem>>) target_semaphore(%arg10 : memref<!tpu.dma_semaphore, #tpu.memory_space<semaphore_mem>>)
        %dma_start3A_882 = arith.constant 0 : i32
        %dma_start3A_883 = arith.constant 0 : i32
        %dma_start3A_884 = tpu.memref_slice %arg7[%dma_start3A_882, %dma_start3A_883] : memref<2x5000xi32, #tpu.memory_space<vmem>> -> memref<1x1000xi32, #tpu.memory_space<vmem>>
        %dma_start3A_885 = tpu.memref_squeeze %dma_start3A_884 : memref<1x1000xi32, #tpu.memory_space<vmem>> -> memref<1000xi32, #tpu.memory_space<vmem>>
        %dma_start3A_886 = tpu.memref_slice %arg3[%add3A_830] : memref<3200000xi32, #tpu.memory_space<hbm>> -> memref<1000xi32, #tpu.memory_space<hbm>>
        %dma_start3A_887 = arith.constant 0 : i32
        %dma_start3A_888 = tpu.memref_slice %arg7[%dma_start3A_882, %dma_start3A_887] : memref<2x5000xi32, #tpu.memory_space<vmem>> -> memref<1x1000xi32, #tpu.memory_space<vmem>>
        %dma_start3A_889 = tpu.memref_squeeze %dma_start3A_888 : memref<1x1000xi32, #tpu.memory_space<vmem>> -> memref<1000xi32, #tpu.memory_space<vmem>>
        %dma_start3A_890 = tpu.memref_slice %arg3[%add3A_830] : memref<3200000xi32, #tpu.memory_space<hbm>> -> memref<1000xi32, #tpu.memory_space<hbm>>
        tpu.enqueue_dma source(%dma_start3A_890 : memref<1000xi32, #tpu.memory_space<hbm>>) target(%dma_start3A_889 : memref<1000xi32, #tpu.memory_space<vmem>>) target_semaphore(%arg10 : memref<!tpu.dma_semaphore, #tpu.memory_space<semaphore_mem>>)
        %dma_start3A_891 = arith.constant 0 : i32
        %dma_start3A_892 = arith.constant 1000 : i32
        %dma_start3A_893 = tpu.memref_slice %arg6[%dma_start3A_891, %dma_start3A_892] : memref<2x5000xi32, #tpu.memory_space<vmem>> -> memref<1x1000xi32, #tpu.memory_space<vmem>>
        %dma_start3A_894 = tpu.memref_squeeze %dma_start3A_893 : memref<1x1000xi32, #tpu.memory_space<vmem>> -> memref<1000xi32, #tpu.memory_space<vmem>>
        %dma_start3A_895 = tpu.memref_slice %arg2[%add3A_839] : memref<3200000xi32, #tpu.memory_space<hbm>> -> memref<1000xi32, #tpu.memory_space<hbm>>
        %dma_start3A_896 = arith.constant 1000 : i32
        %dma_start3A_897 = tpu.memref_slice %arg6[%dma_start3A_891, %dma_start3A_896] : memref<2x5000xi32, #tpu.memory_space<vmem>> -> memref<1x1000xi32, #tpu.memory_space<vmem>>
        %dma_start3A_898 = tpu.memref_squeeze %dma_start3A_897 : memref<1x1000xi32, #tpu.memory_space<vmem>> -> memref<1000xi32, #tpu.memory_space<vmem>>
        %dma_start3A_899 = tpu.memref_slice %arg2[%add3A_839] : memref<3200000xi32, #tpu.memory_space<hbm>> -> memref<1000xi32, #tpu.memory_space<hbm>>
        tpu.enqueue_dma source(%dma_start3A_899 : memref<1000xi32, #tpu.memory_space<hbm>>) target(%dma_start3A_898 : memref<1000xi32, #tpu.memory_space<vmem>>) target_semaphore(%arg10 : memref<!tpu.dma_semaphore, #tpu.memory_space<semaphore_mem>>)
        %dma_start3A_900 = arith.constant 0 : i32
        %dma_start3A_901 = arith.constant 1000 : i32
        %dma_start3A_902 = tpu.memref_slice %arg7[%dma_start3A_900, %dma_start3A_901] : memref<2x5000xi32, #tpu.memory_space<vmem>> -> memref<1x1000xi32, #tpu.memory_space<vmem>>
        %dma_start3A_903 = tpu.memref_squeeze %dma_start3A_902 : memref<1x1000xi32, #tpu.memory_space<vmem>> -> memref<1000xi32, #tpu.memory_space<vmem>>
        %dma_start3A_904 = tpu.memref_slice %arg3[%add3A_839] : memref<3200000xi32, #tpu.memory_space<hbm>> -> memref<1000xi32, #tpu.memory_space<hbm>>
        %dma_start3A_905 = arith.constant 1000 : i32
        %dma_start3A_906 = tpu.memref_slice %arg7[%dma_start3A_900, %dma_start3A_905] : memref<2x5000xi32, #tpu.memory_space<vmem>> -> memref<1x1000xi32, #tpu.memory_space<vmem>>
        %dma_start3A_907 = tpu.memref_squeeze %dma_start3A_906 : memref<1x1000xi32, #tpu.memory_space<vmem>> -> memref<1000xi32, #tpu.memory_space<vmem>>
        %dma_start3A_908 = tpu.memref_slice %arg3[%add3A_839] : memref<3200000xi32, #tpu.memory_space<hbm>> -> memref<1000xi32, #tpu.memory_space<hbm>>
        tpu.enqueue_dma source(%dma_start3A_908 : memref<1000xi32, #tpu.memory_space<hbm>>) target(%dma_start3A_907 : memref<1000xi32, #tpu.memory_space<vmem>>) target_semaphore(%arg10 : memref<!tpu.dma_semaphore, #tpu.memory_space<semaphore_mem>>)
        %dma_start3A_909 = arith.constant 0 : i32
        %dma_start3A_910 = arith.constant 2000 : i32
        %dma_start3A_911 = tpu.memref_slice %arg6[%dma_start3A_909, %dma_start3A_910] : memref<2x5000xi32, #tpu.memory_space<vmem>> -> memref<1x1000xi32, #tpu.memory_space<vmem>>
        %dma_start3A_912 = tpu.memref_squeeze %dma_start3A_911 : memref<1x1000xi32, #tpu.memory_space<vmem>> -> memref<1000xi32, #tpu.memory_space<vmem>>
        %dma_start3A_913 = tpu.memref_slice %arg2[%add3A_848] : memref<3200000xi32, #tpu.memory_space<hbm>> -> memref<1000xi32, #tpu.memory_space<hbm>>
        %dma_start3A_914 = arith.constant 2000 : i32
        %dma_start3A_915 = tpu.memref_slice %arg6[%dma_start3A_909, %dma_start3A_914] : memref<2x5000xi32, #tpu.memory_space<vmem>> -> memref<1x1000xi32, #tpu.memory_space<vmem>>
        %dma_start3A_916 = tpu.memref_squeeze %dma_start3A_915 : memref<1x1000xi32, #tpu.memory_space<vmem>> -> memref<1000xi32, #tpu.memory_space<vmem>>
        %dma_start3A_917 = tpu.memref_slice %arg2[%add3A_848] : memref<3200000xi32, #tpu.memory_space<hbm>> -> memref<1000xi32, #tpu.memory_space<hbm>>
        tpu.enqueue_dma source(%dma_start3A_917 : memref<1000xi32, #tpu.memory_space<hbm>>) target(%dma_start3A_916 : memref<1000xi32, #tpu.memory_space<vmem>>) target_semaphore(%arg10 : memref<!tpu.dma_semaphore, #tpu.memory_space<semaphore_mem>>)
        %dma_start3A_918 = arith.constant 0 : i32
        %dma_start3A_919 = arith.constant 2000 : i32
        %dma_start3A_920 = tpu.memref_slice %arg7[%dma_start3A_918, %dma_start3A_919] : memref<2x5000xi32, #tpu.memory_space<vmem>> -> memref<1x1000xi32, #tpu.memory_space<vmem>>
        %dma_start3A_921 = tpu.memref_squeeze %dma_start3A_920 : memref<1x1000xi32, #tpu.memory_space<vmem>> -> memref<1000xi32, #tpu.memory_space<vmem>>
        %dma_start3A_922 = tpu.memref_slice %arg3[%add3A_848] : memref<3200000xi32, #tpu.memory_space<hbm>> -> memref<1000xi32, #tpu.memory_space<hbm>>
        %dma_start3A_923 = arith.constant 2000 : i32
        %dma_start3A_924 = tpu.memref_slice %arg7[%dma_start3A_918, %dma_start3A_923] : memref<2x5000xi32, #tpu.memory_space<vmem>> -> memref<1x1000xi32, #tpu.memory_space<vmem>>
        %dma_start3A_925 = tpu.memref_squeeze %dma_start3A_924 : memref<1x1000xi32, #tpu.memory_space<vmem>> -> memref<1000xi32, #tpu.memory_space<vmem>>
        %dma_start3A_926 = tpu.memref_slice %arg3[%add3A_848] : memref<3200000xi32, #tpu.memory_space<hbm>> -> memref<1000xi32, #tpu.memory_space<hbm>>
        tpu.enqueue_dma source(%dma_start3A_926 : memref<1000xi32, #tpu.memory_space<hbm>>) target(%dma_start3A_925 : memref<1000xi32, #tpu.memory_space<vmem>>) target_semaphore(%arg10 : memref<!tpu.dma_semaphore, #tpu.memory_space<semaphore_mem>>)
        %dma_start3A_927 = arith.constant 0 : i32
        %dma_start3A_928 = arith.constant 3000 : i32
        %dma_start3A_929 = tpu.memref_slice %arg6[%dma_start3A_927, %dma_start3A_928] : memref<2x5000xi32, #tpu.memory_space<vmem>> -> memref<1x1000xi32, #tpu.memory_space<vmem>>
        %dma_start3A_930 = tpu.memref_squeeze %dma_start3A_929 : memref<1x1000xi32, #tpu.memory_space<vmem>> -> memref<1000xi32, #tpu.memory_space<vmem>>
        %dma_start3A_931 = tpu.memref_slice %arg2[%add3A_857] : memref<3200000xi32, #tpu.memory_space<hbm>> -> memref<1000xi32, #tpu.memory_space<hbm>>
        %dma_start3A_932 = arith.constant 3000 : i32
        %dma_start3A_933 = tpu.memref_slice %arg6[%dma_start3A_927, %dma_start3A_932] : memref<2x5000xi32, #tpu.memory_space<vmem>> -> memref<1x1000xi32, #tpu.memory_space<vmem>>
        %dma_start3A_934 = tpu.memref_squeeze %dma_start3A_933 : memref<1x1000xi32, #tpu.memory_space<vmem>> -> memref<1000xi32, #tpu.memory_space<vmem>>
        %dma_start3A_935 = tpu.memref_slice %arg2[%add3A_857] : memref<3200000xi32, #tpu.memory_space<hbm>> -> memref<1000xi32, #tpu.memory_space<hbm>>
        tpu.enqueue_dma source(%dma_start3A_935 : memref<1000xi32, #tpu.memory_space<hbm>>) target(%dma_start3A_934 : memref<1000xi32, #tpu.memory_space<vmem>>) target_semaphore(%arg10 : memref<!tpu.dma_semaphore, #tpu.memory_space<semaphore_mem>>)
        %dma_start3A_936 = arith.constant 0 : i32
        %dma_start3A_937 = arith.constant 3000 : i32
        %dma_start3A_938 = tpu.memref_slice %arg7[%dma_start3A_936, %dma_start3A_937] : memref<2x5000xi32, #tpu.memory_space<vmem>> -> memref<1x1000xi32, #tpu.memory_space<vmem>>
        %dma_start3A_939 = tpu.memref_squeeze %dma_start3A_938 : memref<1x1000xi32, #tpu.memory_space<vmem>> -> memref<1000xi32, #tpu.memory_space<vmem>>
        %dma_start3A_940 = tpu.memref_slice %arg3[%add3A_857] : memref<3200000xi32, #tpu.memory_space<hbm>> -> memref<1000xi32, #tpu.memory_space<hbm>>
        %dma_start3A_941 = arith.constant 3000 : i32
        %dma_start3A_942 = tpu.memref_slice %arg7[%dma_start3A_936, %dma_start3A_941] : memref<2x5000xi32, #tpu.memory_space<vmem>> -> memref<1x1000xi32, #tpu.memory_space<vmem>>
        %dma_start3A_943 = tpu.memref_squeeze %dma_start3A_942 : memref<1x1000xi32, #tpu.memory_space<vmem>> -> memref<1000xi32, #tpu.memory_space<vmem>>
        %dma_start3A_944 = tpu.memref_slice %arg3[%add3A_857] : memref<3200000xi32, #tpu.memory_space<hbm>> -> memref<1000xi32, #tpu.memory_space<hbm>>
        tpu.enqueue_dma source(%dma_start3A_944 : memref<1000xi32, #tpu.memory_space<hbm>>) target(%dma_start3A_943 : memref<1000xi32, #tpu.memory_space<vmem>>) target_semaphore(%arg10 : memref<!tpu.dma_semaphore, #tpu.memory_space<semaphore_mem>>)
        %dma_start3A_945 = arith.constant 0 : i32
        %dma_start3A_946 = arith.constant 4000 : i32
        %dma_start3A_947 = tpu.memref_slice %arg6[%dma_start3A_945, %dma_start3A_946] : memref<2x5000xi32, #tpu.memory_space<vmem>> -> memref<1x1000xi32, #tpu.memory_space<vmem>>
        %dma_start3A_948 = tpu.memref_squeeze %dma_start3A_947 : memref<1x1000xi32, #tpu.memory_space<vmem>> -> memref<1000xi32, #tpu.memory_space<vmem>>
        %dma_start3A_949 = tpu.memref_slice %arg2[%add3A_866] : memref<3200000xi32, #tpu.memory_space<hbm>> -> memref<1000xi32, #tpu.memory_space<hbm>>
        %dma_start3A_950 = arith.constant 4000 : i32
        %dma_start3A_951 = tpu.memref_slice %arg6[%dma_start3A_945, %dma_start3A_950] : memref<2x5000xi32, #tpu.memory_space<vmem>> -> memref<1x1000xi32, #tpu.memory_space<vmem>>
        %dma_start3A_952 = tpu.memref_squeeze %dma_start3A_951 : memref<1x1000xi32, #tpu.memory_space<vmem>> -> memref<1000xi32, #tpu.memory_space<vmem>>
        %dma_start3A_953 = tpu.memref_slice %arg2[%add3A_866] : memref<3200000xi32, #tpu.memory_space<hbm>> -> memref<1000xi32, #tpu.memory_space<hbm>>
        tpu.enqueue_dma source(%dma_start3A_953 : memref<1000xi32, #tpu.memory_space<hbm>>) target(%dma_start3A_952 : memref<1000xi32, #tpu.memory_space<vmem>>) target_semaphore(%arg10 : memref<!tpu.dma_semaphore, #tpu.memory_space<semaphore_mem>>)
        %dma_start3A_954 = arith.constant 0 : i32
        %dma_start3A_955 = arith.constant 4000 : i32
        %dma_start3A_956 = tpu.memref_slice %arg7[%dma_start3A_954, %dma_start3A_955] : memref<2x5000xi32, #tpu.memory_space<vmem>> -> memref<1x1000xi32, #tpu.memory_space<vmem>>
        %dma_start3A_957 = tpu.memref_squeeze %dma_start3A_956 : memref<1x1000xi32, #tpu.memory_space<vmem>> -> memref<1000xi32, #tpu.memory_space<vmem>>
        %dma_start3A_958 = tpu.memref_slice %arg3[%add3A_866] : memref<3200000xi32, #tpu.memory_space<hbm>> -> memref<1000xi32, #tpu.memory_space<hbm>>
        %dma_start3A_959 = arith.constant 4000 : i32
        %dma_start3A_960 = tpu.memref_slice %arg7[%dma_start3A_954, %dma_start3A_959] : memref<2x5000xi32, #tpu.memory_space<vmem>> -> memref<1x1000xi32, #tpu.memory_space<vmem>>
        %dma_start3A_961 = tpu.memref_squeeze %dma_start3A_960 : memref<1x1000xi32, #tpu.memory_space<vmem>> -> memref<1000xi32, #tpu.memory_space<vmem>>
        %dma_start3A_962 = tpu.memref_slice %arg3[%add3A_866] : memref<3200000xi32, #tpu.memory_space<hbm>> -> memref<1000xi32, #tpu.memory_space<hbm>>
        tpu.enqueue_dma source(%dma_start3A_962 : memref<1000xi32, #tpu.memory_space<hbm>>) target(%dma_start3A_961 : memref<1000xi32, #tpu.memory_space<vmem>>) target_semaphore(%arg10 : memref<!tpu.dma_semaphore, #tpu.memory_space<semaphore_mem>>)
        %dma_start3A_963 = arith.constant 0 : i32
        %dma_start3A_964 = arith.constant 0 : i32
        %dma_start3A_965 = tpu.memref_slice %arg8[%dma_start3A_963, %dma_start3A_964] : memref<2x15000xf32, #tpu.memory_space<vmem>> -> memref<1x15000xf32, #tpu.memory_space<vmem>>
        %dma_start3A_966 = tpu.memref_squeeze %dma_start3A_965 : memref<1x15000xf32, #tpu.memory_space<vmem>> -> memref<15000xf32, #tpu.memory_space<vmem>>
        %dma_start3A_967 = tpu.memref_slice %arg4[%mul3A_872] : memref<300000xf32, #tpu.memory_space<hbm>> -> memref<15000xf32, #tpu.memory_space<hbm>>
        %dma_start3A_968 = arith.constant 0 : i32
        %dma_start3A_969 = tpu.memref_slice %arg8[%dma_start3A_963, %dma_start3A_968] : memref<2x15000xf32, #tpu.memory_space<vmem>> -> memref<1x15000xf32, #tpu.memory_space<vmem>>
        %dma_start3A_970 = tpu.memref_squeeze %dma_start3A_969 : memref<1x15000xf32, #tpu.memory_space<vmem>> -> memref<15000xf32, #tpu.memory_space<vmem>>
        %dma_start3A_971 = tpu.memref_slice %arg4[%mul3A_872] : memref<300000xf32, #tpu.memory_space<hbm>> -> memref<15000xf32, #tpu.memory_space<hbm>>
        tpu.enqueue_dma source(%dma_start3A_971 : memref<15000xf32, #tpu.memory_space<hbm>>) target(%dma_start3A_970 : memref<15000xf32, #tpu.memory_space<vmem>>) target_semaphore(%arg10 : memref<!tpu.dma_semaphore, #tpu.memory_space<semaphore_mem>>)
      } else {
      }
      %mul3A_545 = arith.constant 5 : i32
      %mul3A_546 = arith.muli %add3A_537, %mul3A_545 : i32
      %add3A_547 = arith.constant 0 : i32
      %add3A_548 = arith.addi %mul3A_546, %add3A_547 : i32
      %mul3A_549 = arith.constant 32000 : i32
      %mul3A_550 = arith.muli %add3A_548, %mul3A_549 : i32
      %mul3A_551 = arith.constant 1000 : i32
      %mul3A_552 = arith.muli %add3A, %mul3A_551 : i32
      %add3A_553 = arith.addi %mul3A_550, %mul3A_552 : i32
      %mul3A_554 = arith.constant 5 : i32
      %mul3A_555 = arith.muli %add3A_537, %mul3A_554 : i32
      %add3A_556 = arith.constant 1 : i32
      %add3A_557 = arith.addi %mul3A_555, %add3A_556 : i32
      %mul3A_558 = arith.constant 32000 : i32
      %mul3A_559 = arith.muli %add3A_557, %mul3A_558 : i32
      %mul3A_560 = arith.constant 1000 : i32
      %mul3A_561 = arith.muli %add3A, %mul3A_560 : i32
      %add3A_562 = arith.addi %mul3A_559, %mul3A_561 : i32
      %mul3A_563 = arith.constant 5 : i32
      %mul3A_564 = arith.muli %add3A_537, %mul3A_563 : i32
      %add3A_565 = arith.constant 2 : i32
      %add3A_566 = arith.addi %mul3A_564, %add3A_565 : i32
      %mul3A_567 = arith.constant 32000 : i32
      %mul3A_568 = arith.muli %add3A_566, %mul3A_567 : i32
      %mul3A_569 = arith.constant 1000 : i32
      %mul3A_570 = arith.muli %add3A, %mul3A_569 : i32
      %add3A_571 = arith.addi %mul3A_568, %mul3A_570 : i32
      %mul3A_572 = arith.constant 5 : i32
      %mul3A_573 = arith.muli %add3A_537, %mul3A_572 : i32
      %add3A_574 = arith.constant 3 : i32
      %add3A_575 = arith.addi %mul3A_573, %add3A_574 : i32
      %mul3A_576 = arith.constant 32000 : i32
      %mul3A_577 = arith.muli %add3A_575, %mul3A_576 : i32
      %mul3A_578 = arith.constant 1000 : i32
      %mul3A_579 = arith.muli %add3A, %mul3A_578 : i32
      %add3A_580 = arith.addi %mul3A_577, %mul3A_579 : i32
      %mul3A_581 = arith.constant 5 : i32
      %mul3A_582 = arith.muli %add3A_537, %mul3A_581 : i32
      %add3A_583 = arith.constant 4 : i32
      %add3A_584 = arith.addi %mul3A_582, %add3A_583 : i32
      %mul3A_585 = arith.constant 32000 : i32
      %mul3A_586 = arith.muli %add3A_584, %mul3A_585 : i32
      %mul3A_587 = arith.constant 1000 : i32
      %mul3A_588 = arith.muli %add3A, %mul3A_587 : i32
      %add3A_589 = arith.addi %mul3A_586, %mul3A_588 : i32
      %mul3A_590 = arith.constant 5 : i32
      %mul3A_591 = arith.muli %add3A_537, %mul3A_590 : i32
      %mul3A_592 = arith.constant 3 : i32
      %mul3A_593 = arith.muli %mul3A_591, %mul3A_592 : i32
      %mul3A_594 = arith.constant 1000 : i32
      %mul3A_595 = arith.muli %mul3A_593, %mul3A_594 : i32
      %dma_wait3A_596 = arith.constant 1 : i32
      %dma_wait3A_597 = arith.constant 0 : i32
      %dma_wait3A_598 = tpu.memref_slice %arg6[%dma_wait3A_596, %dma_wait3A_597] : memref<2x5000xi32, #tpu.memory_space<vmem>> -> memref<1x1000xi32, #tpu.memory_space<vmem>>
      %dma_wait3A_599 = tpu.memref_squeeze %dma_wait3A_598 : memref<1x1000xi32, #tpu.memory_space<vmem>> -> memref<1000xi32, #tpu.memory_space<vmem>>
      %dma_wait3A_600 = tpu.memref_slice %arg2[%add3A_553] : memref<3200000xi32, #tpu.memory_space<hbm>> -> memref<1000xi32, #tpu.memory_space<hbm>>
      %dma_wait3A_601 = arith.constant 0 : i32
      %dma_wait3A_602 = tpu.memref_slice %arg6[%dma_wait3A_596, %dma_wait3A_601] : memref<2x5000xi32, #tpu.memory_space<vmem>> -> memref<1x1000xi32, #tpu.memory_space<vmem>>
      %dma_wait3A_603 = tpu.memref_squeeze %dma_wait3A_602 : memref<1x1000xi32, #tpu.memory_space<vmem>> -> memref<1000xi32, #tpu.memory_space<vmem>>
      %dma_wait3A_604 = tpu.memref_slice %arg2[%add3A_553] : memref<3200000xi32, #tpu.memory_space<hbm>> -> memref<1000xi32, #tpu.memory_space<hbm>>
      tpu.wait_dma2 semaphore(%arg11 : memref<!tpu.dma_semaphore, #tpu.memory_space<semaphore_mem>>) src(%dma_wait3A_604 : memref<1000xi32, #tpu.memory_space<hbm>>) dst(%dma_wait3A_603 : memref<1000xi32, #tpu.memory_space<vmem>>)
      %dma_wait3A_605 = arith.constant 1 : i32
      %dma_wait3A_606 = arith.constant 0 : i32
      %dma_wait3A_607 = tpu.memref_slice %arg7[%dma_wait3A_605, %dma_wait3A_606] : memref<2x5000xi32, #tpu.memory_space<vmem>> -> memref<1x1000xi32, #tpu.memory_space<vmem>>
      %dma_wait3A_608 = tpu.memref_squeeze %dma_wait3A_607 : memref<1x1000xi32, #tpu.memory_space<vmem>> -> memref<1000xi32, #tpu.memory_space<vmem>>
      %dma_wait3A_609 = tpu.memref_slice %arg3[%add3A_553] : memref<3200000xi32, #tpu.memory_space<hbm>> -> memref<1000xi32, #tpu.memory_space<hbm>>
      %dma_wait3A_610 = arith.constant 0 : i32
      %dma_wait3A_611 = tpu.memref_slice %arg7[%dma_wait3A_605, %dma_wait3A_610] : memref<2x5000xi32, #tpu.memory_space<vmem>> -> memref<1x1000xi32, #tpu.memory_space<vmem>>
      %dma_wait3A_612 = tpu.memref_squeeze %dma_wait3A_611 : memref<1x1000xi32, #tpu.memory_space<vmem>> -> memref<1000xi32, #tpu.memory_space<vmem>>
      %dma_wait3A_613 = tpu.memref_slice %arg3[%add3A_553] : memref<3200000xi32, #tpu.memory_space<hbm>> -> memref<1000xi32, #tpu.memory_space<hbm>>
      tpu.wait_dma2 semaphore(%arg11 : memref<!tpu.dma_semaphore, #tpu.memory_space<semaphore_mem>>) src(%dma_wait3A_613 : memref<1000xi32, #tpu.memory_space<hbm>>) dst(%dma_wait3A_612 : memref<1000xi32, #tpu.memory_space<vmem>>)
      %dma_wait3A_614 = arith.constant 1 : i32
      %dma_wait3A_615 = arith.constant 1000 : i32
      %dma_wait3A_616 = tpu.memref_slice %arg6[%dma_wait3A_614, %dma_wait3A_615] : memref<2x5000xi32, #tpu.memory_space<vmem>> -> memref<1x1000xi32, #tpu.memory_space<vmem>>
      %dma_wait3A_617 = tpu.memref_squeeze %dma_wait3A_616 : memref<1x1000xi32, #tpu.memory_space<vmem>> -> memref<1000xi32, #tpu.memory_space<vmem>>
      %dma_wait3A_618 = tpu.memref_slice %arg2[%add3A_562] : memref<3200000xi32, #tpu.memory_space<hbm>> -> memref<1000xi32, #tpu.memory_space<hbm>>
      %dma_wait3A_619 = arith.constant 1000 : i32
      %dma_wait3A_620 = tpu.memref_slice %arg6[%dma_wait3A_614, %dma_wait3A_619] : memref<2x5000xi32, #tpu.memory_space<vmem>> -> memref<1x1000xi32, #tpu.memory_space<vmem>>
      %dma_wait3A_621 = tpu.memref_squeeze %dma_wait3A_620 : memref<1x1000xi32, #tpu.memory_space<vmem>> -> memref<1000xi32, #tpu.memory_space<vmem>>
      %dma_wait3A_622 = tpu.memref_slice %arg2[%add3A_562] : memref<3200000xi32, #tpu.memory_space<hbm>> -> memref<1000xi32, #tpu.memory_space<hbm>>
      tpu.wait_dma2 semaphore(%arg11 : memref<!tpu.dma_semaphore, #tpu.memory_space<semaphore_mem>>) src(%dma_wait3A_622 : memref<1000xi32, #tpu.memory_space<hbm>>) dst(%dma_wait3A_621 : memref<1000xi32, #tpu.memory_space<vmem>>)
      %dma_wait3A_623 = arith.constant 1 : i32
      %dma_wait3A_624 = arith.constant 1000 : i32
      %dma_wait3A_625 = tpu.memref_slice %arg7[%dma_wait3A_623, %dma_wait3A_624] : memref<2x5000xi32, #tpu.memory_space<vmem>> -> memref<1x1000xi32, #tpu.memory_space<vmem>>
      %dma_wait3A_626 = tpu.memref_squeeze %dma_wait3A_625 : memref<1x1000xi32, #tpu.memory_space<vmem>> -> memref<1000xi32, #tpu.memory_space<vmem>>
      %dma_wait3A_627 = tpu.memref_slice %arg3[%add3A_562] : memref<3200000xi32, #tpu.memory_space<hbm>> -> memref<1000xi32, #tpu.memory_space<hbm>>
      %dma_wait3A_628 = arith.constant 1000 : i32
      %dma_wait3A_629 = tpu.memref_slice %arg7[%dma_wait3A_623, %dma_wait3A_628] : memref<2x5000xi32, #tpu.memory_space<vmem>> -> memref<1x1000xi32, #tpu.memory_space<vmem>>
      %dma_wait3A_630 = tpu.memref_squeeze %dma_wait3A_629 : memref<1x1000xi32, #tpu.memory_space<vmem>> -> memref<1000xi32, #tpu.memory_space<vmem>>
      %dma_wait3A_631 = tpu.memref_slice %arg3[%add3A_562] : memref<3200000xi32, #tpu.memory_space<hbm>> -> memref<1000xi32, #tpu.memory_space<hbm>>
      tpu.wait_dma2 semaphore(%arg11 : memref<!tpu.dma_semaphore, #tpu.memory_space<semaphore_mem>>) src(%dma_wait3A_631 : memref<1000xi32, #tpu.memory_space<hbm>>) dst(%dma_wait3A_630 : memref<1000xi32, #tpu.memory_space<vmem>>)
      %dma_wait3A_632 = arith.constant 1 : i32
      %dma_wait3A_633 = arith.constant 2000 : i32
      %dma_wait3A_634 = tpu.memref_slice %arg6[%dma_wait3A_632, %dma_wait3A_633] : memref<2x5000xi32, #tpu.memory_space<vmem>> -> memref<1x1000xi32, #tpu.memory_space<vmem>>
      %dma_wait3A_635 = tpu.memref_squeeze %dma_wait3A_634 : memref<1x1000xi32, #tpu.memory_space<vmem>> -> memref<1000xi32, #tpu.memory_space<vmem>>
      %dma_wait3A_636 = tpu.memref_slice %arg2[%add3A_571] : memref<3200000xi32, #tpu.memory_space<hbm>> -> memref<1000xi32, #tpu.memory_space<hbm>>
      %dma_wait3A_637 = arith.constant 2000 : i32
      %dma_wait3A_638 = tpu.memref_slice %arg6[%dma_wait3A_632, %dma_wait3A_637] : memref<2x5000xi32, #tpu.memory_space<vmem>> -> memref<1x1000xi32, #tpu.memory_space<vmem>>
      %dma_wait3A_639 = tpu.memref_squeeze %dma_wait3A_638 : memref<1x1000xi32, #tpu.memory_space<vmem>> -> memref<1000xi32, #tpu.memory_space<vmem>>
      %dma_wait3A_640 = tpu.memref_slice %arg2[%add3A_571] : memref<3200000xi32, #tpu.memory_space<hbm>> -> memref<1000xi32, #tpu.memory_space<hbm>>
      tpu.wait_dma2 semaphore(%arg11 : memref<!tpu.dma_semaphore, #tpu.memory_space<semaphore_mem>>) src(%dma_wait3A_640 : memref<1000xi32, #tpu.memory_space<hbm>>) dst(%dma_wait3A_639 : memref<1000xi32, #tpu.memory_space<vmem>>)
      %dma_wait3A_641 = arith.constant 1 : i32
      %dma_wait3A_642 = arith.constant 2000 : i32
      %dma_wait3A_643 = tpu.memref_slice %arg7[%dma_wait3A_641, %dma_wait3A_642] : memref<2x5000xi32, #tpu.memory_space<vmem>> -> memref<1x1000xi32, #tpu.memory_space<vmem>>
      %dma_wait3A_644 = tpu.memref_squeeze %dma_wait3A_643 : memref<1x1000xi32, #tpu.memory_space<vmem>> -> memref<1000xi32, #tpu.memory_space<vmem>>
      %dma_wait3A_645 = tpu.memref_slice %arg3[%add3A_571] : memref<3200000xi32, #tpu.memory_space<hbm>> -> memref<1000xi32, #tpu.memory_space<hbm>>
      %dma_wait3A_646 = arith.constant 2000 : i32
      %dma_wait3A_647 = tpu.memref_slice %arg7[%dma_wait3A_641, %dma_wait3A_646] : memref<2x5000xi32, #tpu.memory_space<vmem>> -> memref<1x1000xi32, #tpu.memory_space<vmem>>
      %dma_wait3A_648 = tpu.memref_squeeze %dma_wait3A_647 : memref<1x1000xi32, #tpu.memory_space<vmem>> -> memref<1000xi32, #tpu.memory_space<vmem>>
      %dma_wait3A_649 = tpu.memref_slice %arg3[%add3A_571] : memref<3200000xi32, #tpu.memory_space<hbm>> -> memref<1000xi32, #tpu.memory_space<hbm>>
      tpu.wait_dma2 semaphore(%arg11 : memref<!tpu.dma_semaphore, #tpu.memory_space<semaphore_mem>>) src(%dma_wait3A_649 : memref<1000xi32, #tpu.memory_space<hbm>>) dst(%dma_wait3A_648 : memref<1000xi32, #tpu.memory_space<vmem>>)
      %dma_wait3A_650 = arith.constant 1 : i32
      %dma_wait3A_651 = arith.constant 3000 : i32
      %dma_wait3A_652 = tpu.memref_slice %arg6[%dma_wait3A_650, %dma_wait3A_651] : memref<2x5000xi32, #tpu.memory_space<vmem>> -> memref<1x1000xi32, #tpu.memory_space<vmem>>
      %dma_wait3A_653 = tpu.memref_squeeze %dma_wait3A_652 : memref<1x1000xi32, #tpu.memory_space<vmem>> -> memref<1000xi32, #tpu.memory_space<vmem>>
      %dma_wait3A_654 = tpu.memref_slice %arg2[%add3A_580] : memref<3200000xi32, #tpu.memory_space<hbm>> -> memref<1000xi32, #tpu.memory_space<hbm>>
      %dma_wait3A_655 = arith.constant 3000 : i32
      %dma_wait3A_656 = tpu.memref_slice %arg6[%dma_wait3A_650, %dma_wait3A_655] : memref<2x5000xi32, #tpu.memory_space<vmem>> -> memref<1x1000xi32, #tpu.memory_space<vmem>>
      %dma_wait3A_657 = tpu.memref_squeeze %dma_wait3A_656 : memref<1x1000xi32, #tpu.memory_space<vmem>> -> memref<1000xi32, #tpu.memory_space<vmem>>
      %dma_wait3A_658 = tpu.memref_slice %arg2[%add3A_580] : memref<3200000xi32, #tpu.memory_space<hbm>> -> memref<1000xi32, #tpu.memory_space<hbm>>
      tpu.wait_dma2 semaphore(%arg11 : memref<!tpu.dma_semaphore, #tpu.memory_space<semaphore_mem>>) src(%dma_wait3A_658 : memref<1000xi32, #tpu.memory_space<hbm>>) dst(%dma_wait3A_657 : memref<1000xi32, #tpu.memory_space<vmem>>)
      %dma_wait3A_659 = arith.constant 1 : i32
      %dma_wait3A_660 = arith.constant 3000 : i32
      %dma_wait3A_661 = tpu.memref_slice %arg7[%dma_wait3A_659, %dma_wait3A_660] : memref<2x5000xi32, #tpu.memory_space<vmem>> -> memref<1x1000xi32, #tpu.memory_space<vmem>>
      %dma_wait3A_662 = tpu.memref_squeeze %dma_wait3A_661 : memref<1x1000xi32, #tpu.memory_space<vmem>> -> memref<1000xi32, #tpu.memory_space<vmem>>
      %dma_wait3A_663 = tpu.memref_slice %arg3[%add3A_580] : memref<3200000xi32, #tpu.memory_space<hbm>> -> memref<1000xi32, #tpu.memory_space<hbm>>
      %dma_wait3A_664 = arith.constant 3000 : i32
      %dma_wait3A_665 = tpu.memref_slice %arg7[%dma_wait3A_659, %dma_wait3A_664] : memref<2x5000xi32, #tpu.memory_space<vmem>> -> memref<1x1000xi32, #tpu.memory_space<vmem>>
      %dma_wait3A_666 = tpu.memref_squeeze %dma_wait3A_665 : memref<1x1000xi32, #tpu.memory_space<vmem>> -> memref<1000xi32, #tpu.memory_space<vmem>>
      %dma_wait3A_667 = tpu.memref_slice %arg3[%add3A_580] : memref<3200000xi32, #tpu.memory_space<hbm>> -> memref<1000xi32, #tpu.memory_space<hbm>>
      tpu.wait_dma2 semaphore(%arg11 : memref<!tpu.dma_semaphore, #tpu.memory_space<semaphore_mem>>) src(%dma_wait3A_667 : memref<1000xi32, #tpu.memory_space<hbm>>) dst(%dma_wait3A_666 : memref<1000xi32, #tpu.memory_space<vmem>>)
      %dma_wait3A_668 = arith.constant 1 : i32
      %dma_wait3A_669 = arith.constant 4000 : i32
      %dma_wait3A_670 = tpu.memref_slice %arg6[%dma_wait3A_668, %dma_wait3A_669] : memref<2x5000xi32, #tpu.memory_space<vmem>> -> memref<1x1000xi32, #tpu.memory_space<vmem>>
      %dma_wait3A_671 = tpu.memref_squeeze %dma_wait3A_670 : memref<1x1000xi32, #tpu.memory_space<vmem>> -> memref<1000xi32, #tpu.memory_space<vmem>>
      %dma_wait3A_672 = tpu.memref_slice %arg2[%add3A_589] : memref<3200000xi32, #tpu.memory_space<hbm>> -> memref<1000xi32, #tpu.memory_space<hbm>>
      %dma_wait3A_673 = arith.constant 4000 : i32
      %dma_wait3A_674 = tpu.memref_slice %arg6[%dma_wait3A_668, %dma_wait3A_673] : memref<2x5000xi32, #tpu.memory_space<vmem>> -> memref<1x1000xi32, #tpu.memory_space<vmem>>
      %dma_wait3A_675 = tpu.memref_squeeze %dma_wait3A_674 : memref<1x1000xi32, #tpu.memory_space<vmem>> -> memref<1000xi32, #tpu.memory_space<vmem>>
      %dma_wait3A_676 = tpu.memref_slice %arg2[%add3A_589] : memref<3200000xi32, #tpu.memory_space<hbm>> -> memref<1000xi32, #tpu.memory_space<hbm>>
      tpu.wait_dma2 semaphore(%arg11 : memref<!tpu.dma_semaphore, #tpu.memory_space<semaphore_mem>>) src(%dma_wait3A_676 : memref<1000xi32, #tpu.memory_space<hbm>>) dst(%dma_wait3A_675 : memref<1000xi32, #tpu.memory_space<vmem>>)
      %dma_wait3A_677 = arith.constant 1 : i32
      %dma_wait3A_678 = arith.constant 4000 : i32
      %dma_wait3A_679 = tpu.memref_slice %arg7[%dma_wait3A_677, %dma_wait3A_678] : memref<2x5000xi32, #tpu.memory_space<vmem>> -> memref<1x1000xi32, #tpu.memory_space<vmem>>
      %dma_wait3A_680 = tpu.memref_squeeze %dma_wait3A_679 : memref<1x1000xi32, #tpu.memory_space<vmem>> -> memref<1000xi32, #tpu.memory_space<vmem>>
      %dma_wait3A_681 = tpu.memref_slice %arg3[%add3A_589] : memref<3200000xi32, #tpu.memory_space<hbm>> -> memref<1000xi32, #tpu.memory_space<hbm>>
      %dma_wait3A_682 = arith.constant 4000 : i32
      %dma_wait3A_683 = tpu.memref_slice %arg7[%dma_wait3A_677, %dma_wait3A_682] : memref<2x5000xi32, #tpu.memory_space<vmem>> -> memref<1x1000xi32, #tpu.memory_space<vmem>>
      %dma_wait3A_684 = tpu.memref_squeeze %dma_wait3A_683 : memref<1x1000xi32, #tpu.memory_space<vmem>> -> memref<1000xi32, #tpu.memory_space<vmem>>
      %dma_wait3A_685 = tpu.memref_slice %arg3[%add3A_589] : memref<3200000xi32, #tpu.memory_space<hbm>> -> memref<1000xi32, #tpu.memory_space<hbm>>
      tpu.wait_dma2 semaphore(%arg11 : memref<!tpu.dma_semaphore, #tpu.memory_space<semaphore_mem>>) src(%dma_wait3A_685 : memref<1000xi32, #tpu.memory_space<hbm>>) dst(%dma_wait3A_684 : memref<1000xi32, #tpu.memory_space<vmem>>)
      %dma_wait3A_686 = arith.constant 1 : i32
      %dma_wait3A_687 = arith.constant 0 : i32
      %dma_wait3A_688 = tpu.memref_slice %arg8[%dma_wait3A_686, %dma_wait3A_687] : memref<2x15000xf32, #tpu.memory_space<vmem>> -> memref<1x15000xf32, #tpu.memory_space<vmem>>
      %dma_wait3A_689 = tpu.memref_squeeze %dma_wait3A_688 : memref<1x15000xf32, #tpu.memory_space<vmem>> -> memref<15000xf32, #tpu.memory_space<vmem>>
      %dma_wait3A_690 = tpu.memref_slice %arg4[%mul3A_595] : memref<300000xf32, #tpu.memory_space<hbm>> -> memref<15000xf32, #tpu.memory_space<hbm>>
      %dma_wait3A_691 = arith.constant 0 : i32
      %dma_wait3A_692 = tpu.memref_slice %arg8[%dma_wait3A_686, %dma_wait3A_691] : memref<2x15000xf32, #tpu.memory_space<vmem>> -> memref<1x15000xf32, #tpu.memory_space<vmem>>
      %dma_wait3A_693 = tpu.memref_squeeze %dma_wait3A_692 : memref<1x15000xf32, #tpu.memory_space<vmem>> -> memref<15000xf32, #tpu.memory_space<vmem>>
      %dma_wait3A_694 = tpu.memref_slice %arg4[%mul3A_595] : memref<300000xf32, #tpu.memory_space<hbm>> -> memref<15000xf32, #tpu.memory_space<hbm>>
      tpu.wait_dma2 semaphore(%arg11 : memref<!tpu.dma_semaphore, #tpu.memory_space<semaphore_mem>>) src(%dma_wait3A_694 : memref<15000xf32, #tpu.memory_space<hbm>>) dst(%dma_wait3A_693 : memref<15000xf32, #tpu.memory_space<vmem>>)
      %ge3A_695 = arith.constant 2 : i32
      %ge3A_696 = arith.cmpi sge, %add3A_537, %ge3A_695 : i32
      %convert_element_type3A_697 = arith.extui %ge3A_696 : i1 to i32
      %cond3A_698 = arith.constant 0 : i32
      %cond3A_699 = arith.cmpi ne, %convert_element_type3A_697, %cond3A_698 : i32
      scf.if %cond3A_699 {
        %sub3A = arith.constant 2 : i32
        %sub3A_820 = arith.subi %add3A_537, %sub3A : i32
        %mul3A_821 = arith.constant 5 : i32
        %mul3A_822 = arith.muli %sub3A_820, %mul3A_821 : i32
        %add3A_823 = arith.constant 0 : i32
        %add3A_824 = arith.addi %mul3A_822, %add3A_823 : i32
        %mul3A_825 = arith.constant 32000 : i32
        %mul3A_826 = arith.muli %add3A_824, %mul3A_825 : i32
        %mul3A_827 = arith.constant 1000 : i32
        %mul3A_828 = arith.muli %add3A, %mul3A_827 : i32
        %add3A_829 = arith.addi %mul3A_826, %mul3A_828 : i32
        %mul3A_830 = arith.constant 5 : i32
        %mul3A_831 = arith.muli %sub3A_820, %mul3A_830 : i32
        %add3A_832 = arith.constant 1 : i32
        %add3A_833 = arith.addi %mul3A_831, %add3A_832 : i32
        %mul3A_834 = arith.constant 32000 : i32
        %mul3A_835 = arith.muli %add3A_833, %mul3A_834 : i32
        %mul3A_836 = arith.constant 1000 : i32
        %mul3A_837 = arith.muli %add3A, %mul3A_836 : i32
        %add3A_838 = arith.addi %mul3A_835, %mul3A_837 : i32
        %mul3A_839 = arith.constant 5 : i32
        %mul3A_840 = arith.muli %sub3A_820, %mul3A_839 : i32
        %add3A_841 = arith.constant 2 : i32
        %add3A_842 = arith.addi %mul3A_840, %add3A_841 : i32
        %mul3A_843 = arith.constant 32000 : i32
        %mul3A_844 = arith.muli %add3A_842, %mul3A_843 : i32
        %mul3A_845 = arith.constant 1000 : i32
        %mul3A_846 = arith.muli %add3A, %mul3A_845 : i32
        %add3A_847 = arith.addi %mul3A_844, %mul3A_846 : i32
        %mul3A_848 = arith.constant 5 : i32
        %mul3A_849 = arith.muli %sub3A_820, %mul3A_848 : i32
        %add3A_850 = arith.constant 3 : i32
        %add3A_851 = arith.addi %mul3A_849, %add3A_850 : i32
        %mul3A_852 = arith.constant 32000 : i32
        %mul3A_853 = arith.muli %add3A_851, %mul3A_852 : i32
        %mul3A_854 = arith.constant 1000 : i32
        %mul3A_855 = arith.muli %add3A, %mul3A_854 : i32
        %add3A_856 = arith.addi %mul3A_853, %mul3A_855 : i32
        %mul3A_857 = arith.constant 5 : i32
        %mul3A_858 = arith.muli %sub3A_820, %mul3A_857 : i32
        %add3A_859 = arith.constant 4 : i32
        %add3A_860 = arith.addi %mul3A_858, %add3A_859 : i32
        %mul3A_861 = arith.constant 32000 : i32
        %mul3A_862 = arith.muli %add3A_860, %mul3A_861 : i32
        %mul3A_863 = arith.constant 1000 : i32
        %mul3A_864 = arith.muli %add3A, %mul3A_863 : i32
        %add3A_865 = arith.addi %mul3A_862, %mul3A_864 : i32
        %dma_wait3A_866 = arith.constant 1 : i32
        %dma_wait3A_867 = arith.constant 0 : i32
        %dma_wait3A_868 = tpu.memref_slice %arg9[%dma_wait3A_866, %dma_wait3A_867] : memref<2x5000xf32, #tpu.memory_space<vmem>> -> memref<1x1000xf32, #tpu.memory_space<vmem>>
        %dma_wait3A_869 = tpu.memref_squeeze %dma_wait3A_868 : memref<1x1000xf32, #tpu.memory_space<vmem>> -> memref<1000xf32, #tpu.memory_space<vmem>>
        %dma_wait3A_870 = tpu.memref_slice %arg5[%add3A_829] : memref<3200000xf32, #tpu.memory_space<hbm>> -> memref<1000xf32, #tpu.memory_space<hbm>>
        %dma_wait3A_871 = tpu.memref_slice %arg5[%add3A_829] : memref<3200000xf32, #tpu.memory_space<hbm>> -> memref<1000xf32, #tpu.memory_space<hbm>>
        %dma_wait3A_872 = arith.constant 0 : i32
        %dma_wait3A_873 = tpu.memref_slice %arg9[%dma_wait3A_866, %dma_wait3A_872] : memref<2x5000xf32, #tpu.memory_space<vmem>> -> memref<1x1000xf32, #tpu.memory_space<vmem>>
        %dma_wait3A_874 = tpu.memref_squeeze %dma_wait3A_873 : memref<1x1000xf32, #tpu.memory_space<vmem>> -> memref<1000xf32, #tpu.memory_space<vmem>>
        tpu.wait_dma2 semaphore(%arg13 : memref<!tpu.dma_semaphore, #tpu.memory_space<semaphore_mem>>) src(%dma_wait3A_874 : memref<1000xf32, #tpu.memory_space<vmem>>) dst(%dma_wait3A_871 : memref<1000xf32, #tpu.memory_space<hbm>>)
        %dma_wait3A_875 = arith.constant 1 : i32
        %dma_wait3A_876 = arith.constant 1000 : i32
        %dma_wait3A_877 = tpu.memref_slice %arg9[%dma_wait3A_875, %dma_wait3A_876] : memref<2x5000xf32, #tpu.memory_space<vmem>> -> memref<1x1000xf32, #tpu.memory_space<vmem>>
        %dma_wait3A_878 = tpu.memref_squeeze %dma_wait3A_877 : memref<1x1000xf32, #tpu.memory_space<vmem>> -> memref<1000xf32, #tpu.memory_space<vmem>>
        %dma_wait3A_879 = tpu.memref_slice %arg5[%add3A_838] : memref<3200000xf32, #tpu.memory_space<hbm>> -> memref<1000xf32, #tpu.memory_space<hbm>>
        %dma_wait3A_880 = tpu.memref_slice %arg5[%add3A_838] : memref<3200000xf32, #tpu.memory_space<hbm>> -> memref<1000xf32, #tpu.memory_space<hbm>>
        %dma_wait3A_881 = arith.constant 1000 : i32
        %dma_wait3A_882 = tpu.memref_slice %arg9[%dma_wait3A_875, %dma_wait3A_881] : memref<2x5000xf32, #tpu.memory_space<vmem>> -> memref<1x1000xf32, #tpu.memory_space<vmem>>
        %dma_wait3A_883 = tpu.memref_squeeze %dma_wait3A_882 : memref<1x1000xf32, #tpu.memory_space<vmem>> -> memref<1000xf32, #tpu.memory_space<vmem>>
        tpu.wait_dma2 semaphore(%arg13 : memref<!tpu.dma_semaphore, #tpu.memory_space<semaphore_mem>>) src(%dma_wait3A_883 : memref<1000xf32, #tpu.memory_space<vmem>>) dst(%dma_wait3A_880 : memref<1000xf32, #tpu.memory_space<hbm>>)
        %dma_wait3A_884 = arith.constant 1 : i32
        %dma_wait3A_885 = arith.constant 2000 : i32
        %dma_wait3A_886 = tpu.memref_slice %arg9[%dma_wait3A_884, %dma_wait3A_885] : memref<2x5000xf32, #tpu.memory_space<vmem>> -> memref<1x1000xf32, #tpu.memory_space<vmem>>
        %dma_wait3A_887 = tpu.memref_squeeze %dma_wait3A_886 : memref<1x1000xf32, #tpu.memory_space<vmem>> -> memref<1000xf32, #tpu.memory_space<vmem>>
        %dma_wait3A_888 = tpu.memref_slice %arg5[%add3A_847] : memref<3200000xf32, #tpu.memory_space<hbm>> -> memref<1000xf32, #tpu.memory_space<hbm>>
        %dma_wait3A_889 = tpu.memref_slice %arg5[%add3A_847] : memref<3200000xf32, #tpu.memory_space<hbm>> -> memref<1000xf32, #tpu.memory_space<hbm>>
        %dma_wait3A_890 = arith.constant 2000 : i32
        %dma_wait3A_891 = tpu.memref_slice %arg9[%dma_wait3A_884, %dma_wait3A_890] : memref<2x5000xf32, #tpu.memory_space<vmem>> -> memref<1x1000xf32, #tpu.memory_space<vmem>>
        %dma_wait3A_892 = tpu.memref_squeeze %dma_wait3A_891 : memref<1x1000xf32, #tpu.memory_space<vmem>> -> memref<1000xf32, #tpu.memory_space<vmem>>
        tpu.wait_dma2 semaphore(%arg13 : memref<!tpu.dma_semaphore, #tpu.memory_space<semaphore_mem>>) src(%dma_wait3A_892 : memref<1000xf32, #tpu.memory_space<vmem>>) dst(%dma_wait3A_889 : memref<1000xf32, #tpu.memory_space<hbm>>)
        %dma_wait3A_893 = arith.constant 1 : i32
        %dma_wait3A_894 = arith.constant 3000 : i32
        %dma_wait3A_895 = tpu.memref_slice %arg9[%dma_wait3A_893, %dma_wait3A_894] : memref<2x5000xf32, #tpu.memory_space<vmem>> -> memref<1x1000xf32, #tpu.memory_space<vmem>>
        %dma_wait3A_896 = tpu.memref_squeeze %dma_wait3A_895 : memref<1x1000xf32, #tpu.memory_space<vmem>> -> memref<1000xf32, #tpu.memory_space<vmem>>
        %dma_wait3A_897 = tpu.memref_slice %arg5[%add3A_856] : memref<3200000xf32, #tpu.memory_space<hbm>> -> memref<1000xf32, #tpu.memory_space<hbm>>
        %dma_wait3A_898 = tpu.memref_slice %arg5[%add3A_856] : memref<3200000xf32, #tpu.memory_space<hbm>> -> memref<1000xf32, #tpu.memory_space<hbm>>
        %dma_wait3A_899 = arith.constant 3000 : i32
        %dma_wait3A_900 = tpu.memref_slice %arg9[%dma_wait3A_893, %dma_wait3A_899] : memref<2x5000xf32, #tpu.memory_space<vmem>> -> memref<1x1000xf32, #tpu.memory_space<vmem>>
        %dma_wait3A_901 = tpu.memref_squeeze %dma_wait3A_900 : memref<1x1000xf32, #tpu.memory_space<vmem>> -> memref<1000xf32, #tpu.memory_space<vmem>>
        tpu.wait_dma2 semaphore(%arg13 : memref<!tpu.dma_semaphore, #tpu.memory_space<semaphore_mem>>) src(%dma_wait3A_901 : memref<1000xf32, #tpu.memory_space<vmem>>) dst(%dma_wait3A_898 : memref<1000xf32, #tpu.memory_space<hbm>>)
        %dma_wait3A_902 = arith.constant 1 : i32
        %dma_wait3A_903 = arith.constant 4000 : i32
        %dma_wait3A_904 = tpu.memref_slice %arg9[%dma_wait3A_902, %dma_wait3A_903] : memref<2x5000xf32, #tpu.memory_space<vmem>> -> memref<1x1000xf32, #tpu.memory_space<vmem>>
        %dma_wait3A_905 = tpu.memref_squeeze %dma_wait3A_904 : memref<1x1000xf32, #tpu.memory_space<vmem>> -> memref<1000xf32, #tpu.memory_space<vmem>>
        %dma_wait3A_906 = tpu.memref_slice %arg5[%add3A_865] : memref<3200000xf32, #tpu.memory_space<hbm>> -> memref<1000xf32, #tpu.memory_space<hbm>>
        %dma_wait3A_907 = tpu.memref_slice %arg5[%add3A_865] : memref<3200000xf32, #tpu.memory_space<hbm>> -> memref<1000xf32, #tpu.memory_space<hbm>>
        %dma_wait3A_908 = arith.constant 4000 : i32
        %dma_wait3A_909 = tpu.memref_slice %arg9[%dma_wait3A_902, %dma_wait3A_908] : memref<2x5000xf32, #tpu.memory_space<vmem>> -> memref<1x1000xf32, #tpu.memory_space<vmem>>
        %dma_wait3A_910 = tpu.memref_squeeze %dma_wait3A_909 : memref<1x1000xf32, #tpu.memory_space<vmem>> -> memref<1000xf32, #tpu.memory_space<vmem>>
        tpu.wait_dma2 semaphore(%arg13 : memref<!tpu.dma_semaphore, #tpu.memory_space<semaphore_mem>>) src(%dma_wait3A_910 : memref<1000xf32, #tpu.memory_space<vmem>>) dst(%dma_wait3A_907 : memref<1000xf32, #tpu.memory_space<hbm>>)
      } else {
      }
      %scan3A_700 = arith.constant 0 : i32
      %scan3A_701 = arith.constant 0 : i32
      %scan3A_702 = arith.constant 63 : i32
      %scan3A_703 = arith.addi %scan3A_701, %scan3A_702 : i32
      %scan3A_704 = arith.constant 1 : i32
      scf.for %scan3A_820 = %scan3A_701 to %scan3A_703 step %scan3A_704  : i32 {
        %mul3A_821 = arith.constant 16 : i32
        %mul3A_822 = arith.muli %scan3A_820, %mul3A_821 : i32
        %min3A = arith.constant 984 : i32
        %min3A_823 = arith.minsi %mul3A_822, %min3A : i32
        %add3A_824 = arith.constant 0 : i32
        %add3A_825 = arith.addi %min3A_823, %add3A_824 : i32
        %get3A = arith.constant 1 : i32
        %get3A_826 = arith.index_cast %get3A : i32 to index
        %get3A_827 = arith.index_cast %add3A_825 : i32 to index
        %get3A_828 = tpu.vector_load %arg6[%get3A_826, %get3A_827] {strides = array<i32>} : memref<2x5000xi32, #tpu.memory_space<vmem>>, vector<16xi32>,
        %add3A_829 = arith.constant 0 : i32
        %add3A_830 = vector.broadcast %add3A_829 : i32 to vector<16xi32>
        %add3A_831 = arith.addi %get3A_828, %add3A_830 : vector<16xi32>
        %get3A_832 = arith.constant 1 : i32
        %get3A_833 = arith.index_cast %get3A_832 : i32 to index
        %get3A_834 = arith.index_cast %add3A_825 : i32 to index
        %get3A_835 = tpu.vector_load %arg7[%get3A_833, %get3A_834] {strides = array<i32>} : memref<2x5000xi32, #tpu.memory_space<vmem>>, vector<16xi32>,
        %add3A_836 = arith.constant 0 : i32
        %add3A_837 = vector.broadcast %add3A_836 : i32 to vector<16xi32>
        %add3A_838 = arith.addi %get3A_835, %add3A_837 : vector<16xi32>
        %gather3A = arith.constant 1 : i32
        %gather3A_839 = arith.constant 0 : i32
        %gather3A_840 = tpu.memref_slice %arg8[%gather3A, %gather3A_839] : memref<2x15000xf32, #tpu.memory_space<vmem>> -> memref<1x15000xf32, #tpu.memory_space<vmem>>
        %gather3A_841 = tpu.memref_squeeze %gather3A_840 : memref<1x15000xf32, #tpu.memory_space<vmem>> -> memref<15000xf32, #tpu.memory_space<vmem>>
        %gather3A_842 = tpu.vector_load_idx %gather3A_841[%add3A_831] : memref<15000xf32, #tpu.memory_space<vmem>>[vector<16xi32>], vector<16xf32>,
        %gather3A_843 = arith.constant 1 : i32
        %gather3A_844 = arith.constant 0 : i32
        %gather3A_845 = tpu.memref_slice %arg8[%gather3A_843, %gather3A_844] : memref<2x15000xf32, #tpu.memory_space<vmem>> -> memref<1x15000xf32, #tpu.memory_space<vmem>>
        %gather3A_846 = tpu.memref_squeeze %gather3A_845 : memref<1x15000xf32, #tpu.memory_space<vmem>> -> memref<15000xf32, #tpu.memory_space<vmem>>
        %gather3A_847 = tpu.vector_load_idx %gather3A_846[%add3A_838] : memref<15000xf32, #tpu.memory_space<vmem>>[vector<16xi32>], vector<16xf32>,
        %sub3A = arith.subf %gather3A_842, %gather3A_847 : vector<16xf32>
        %add3A_848 = arith.constant 1000 : i32
        %add3A_849 = vector.broadcast %add3A_848 : i32 to vector<16xi32>
        %add3A_850 = arith.addi %add3A_831, %add3A_849 : vector<16xi32>
        %gather3A_851 = arith.constant 1 : i32
        %gather3A_852 = arith.constant 0 : i32
        %gather3A_853 = tpu.memref_slice %arg8[%gather3A_851, %gather3A_852] : memref<2x15000xf32, #tpu.memory_space<vmem>> -> memref<1x15000xf32, #tpu.memory_space<vmem>>
        %gather3A_854 = tpu.memref_squeeze %gather3A_853 : memref<1x15000xf32, #tpu.memory_space<vmem>> -> memref<15000xf32, #tpu.memory_space<vmem>>
        %gather3A_855 = tpu.vector_load_idx %gather3A_854[%add3A_850] : memref<15000xf32, #tpu.memory_space<vmem>>[vector<16xi32>], vector<16xf32>,
        %add3A_856 = arith.constant 1000 : i32
        %add3A_857 = vector.broadcast %add3A_856 : i32 to vector<16xi32>
        %add3A_858 = arith.addi %add3A_838, %add3A_857 : vector<16xi32>
        %gather3A_859 = arith.constant 1 : i32
        %gather3A_860 = arith.constant 0 : i32
        %gather3A_861 = tpu.memref_slice %arg8[%gather3A_859, %gather3A_860] : memref<2x15000xf32, #tpu.memory_space<vmem>> -> memref<1x15000xf32, #tpu.memory_space<vmem>>
        %gather3A_862 = tpu.memref_squeeze %gather3A_861 : memref<1x15000xf32, #tpu.memory_space<vmem>> -> memref<15000xf32, #tpu.memory_space<vmem>>
        %gather3A_863 = tpu.vector_load_idx %gather3A_862[%add3A_858] : memref<15000xf32, #tpu.memory_space<vmem>>[vector<16xi32>], vector<16xf32>,
        %sub3A_864 = arith.subf %gather3A_855, %gather3A_863 : vector<16xf32>
        %add3A_865 = arith.constant 2000 : i32
        %add3A_866 = vector.broadcast %add3A_865 : i32 to vector<16xi32>
        %add3A_867 = arith.addi %add3A_831, %add3A_866 : vector<16xi32>
        %gather3A_868 = arith.constant 1 : i32
        %gather3A_869 = arith.constant 0 : i32
        %gather3A_870 = tpu.memref_slice %arg8[%gather3A_868, %gather3A_869] : memref<2x15000xf32, #tpu.memory_space<vmem>> -> memref<1x15000xf32, #tpu.memory_space<vmem>>
        %gather3A_871 = tpu.memref_squeeze %gather3A_870 : memref<1x15000xf32, #tpu.memory_space<vmem>> -> memref<15000xf32, #tpu.memory_space<vmem>>
        %gather3A_872 = tpu.vector_load_idx %gather3A_871[%add3A_867] : memref<15000xf32, #tpu.memory_space<vmem>>[vector<16xi32>], vector<16xf32>,
        %add3A_873 = arith.constant 2000 : i32
        %add3A_874 = vector.broadcast %add3A_873 : i32 to vector<16xi32>
        %add3A_875 = arith.addi %add3A_838, %add3A_874 : vector<16xi32>
        %gather3A_876 = arith.constant 1 : i32
        %gather3A_877 = arith.constant 0 : i32
        %gather3A_878 = tpu.memref_slice %arg8[%gather3A_876, %gather3A_877] : memref<2x15000xf32, #tpu.memory_space<vmem>> -> memref<1x15000xf32, #tpu.memory_space<vmem>>
        %gather3A_879 = tpu.memref_squeeze %gather3A_878 : memref<1x15000xf32, #tpu.memory_space<vmem>> -> memref<15000xf32, #tpu.memory_space<vmem>>
        %gather3A_880 = tpu.vector_load_idx %gather3A_879[%add3A_875] : memref<15000xf32, #tpu.memory_space<vmem>>[vector<16xi32>], vector<16xf32>,
        %sub3A_881 = arith.subf %gather3A_872, %gather3A_880 : vector<16xf32>
        %mul3A_882 = arith.mulf %sub3A, %sub3A : vector<16xf32>
        %mul3A_883 = arith.mulf %sub3A_864, %sub3A_864 : vector<16xf32>
        %add3A_884 = arith.addf %mul3A_882, %mul3A_883 : vector<16xf32>
        %mul3A_885 = arith.mulf %sub3A_881, %sub3A_881 : vector<16xf32>
        %add3A_886 = arith.addf %add3A_884, %mul3A_885 : vector<16xf32>
        %swap3A = arith.constant 1 : i32
        %swap3A_887 = arith.index_cast %swap3A : i32 to index
        %swap3A_888 = arith.index_cast %add3A_825 : i32 to index
        %swap3A_889 = tpu.vector_load %arg9[%swap3A_887, %swap3A_888] {strides = array<i32>} : memref<2x5000xf32, #tpu.memory_space<vmem>>, vector<16xf32>,
        tpu.vector_store %arg9[%swap3A_887, %swap3A_888], %add3A_886 {strides = array<i32>} : memref<2x5000xf32, #tpu.memory_space<vmem>>, vector<16xf32>,
      }
      %scan3A_705 = arith.constant 63 : i32
      %scan3A_706 = arith.constant 0 : i32
      %scan3A_707 = arith.constant 0 : i32
      %scan3A_708 = arith.constant 63 : i32
      %scan3A_709 = arith.addi %scan3A_707, %scan3A_708 : i32
      %scan3A_710 = arith.constant 1 : i32
      scf.for %scan3A_820 = %scan3A_707 to %scan3A_709 step %scan3A_710  : i32 {
        %mul3A_821 = arith.constant 16 : i32
        %mul3A_822 = arith.muli %scan3A_820, %mul3A_821 : i32
        %min3A = arith.constant 984 : i32
        %min3A_823 = arith.minsi %mul3A_822, %min3A : i32
        %add3A_824 = arith.constant 1000 : i32
        %add3A_825 = arith.addi %min3A_823, %add3A_824 : i32
        %get3A = arith.constant 1 : i32
        %get3A_826 = arith.index_cast %get3A : i32 to index
        %get3A_827 = arith.index_cast %add3A_825 : i32 to index
        %get3A_828 = tpu.vector_load %arg6[%get3A_826, %get3A_827] {strides = array<i32>} : memref<2x5000xi32, #tpu.memory_space<vmem>>, vector<16xi32>,
        %add3A_829 = arith.constant 3000 : i32
        %add3A_830 = vector.broadcast %add3A_829 : i32 to vector<16xi32>
        %add3A_831 = arith.addi %get3A_828, %add3A_830 : vector<16xi32>
        %get3A_832 = arith.constant 1 : i32
        %get3A_833 = arith.index_cast %get3A_832 : i32 to index
        %get3A_834 = arith.index_cast %add3A_825 : i32 to index
        %get3A_835 = tpu.vector_load %arg7[%get3A_833, %get3A_834] {strides = array<i32>} : memref<2x5000xi32, #tpu.memory_space<vmem>>, vector<16xi32>,
        %add3A_836 = arith.constant 3000 : i32
        %add3A_837 = vector.broadcast %add3A_836 : i32 to vector<16xi32>
        %add3A_838 = arith.addi %get3A_835, %add3A_837 : vector<16xi32>
        %gather3A = arith.constant 1 : i32
        %gather3A_839 = arith.constant 0 : i32
        %gather3A_840 = tpu.memref_slice %arg8[%gather3A, %gather3A_839] : memref<2x15000xf32, #tpu.memory_space<vmem>> -> memref<1x15000xf32, #tpu.memory_space<vmem>>
        %gather3A_841 = tpu.memref_squeeze %gather3A_840 : memref<1x15000xf32, #tpu.memory_space<vmem>> -> memref<15000xf32, #tpu.memory_space<vmem>>
        %gather3A_842 = tpu.vector_load_idx %gather3A_841[%add3A_831] : memref<15000xf32, #tpu.memory_space<vmem>>[vector<16xi32>], vector<16xf32>,
        %gather3A_843 = arith.constant 1 : i32
        %gather3A_844 = arith.constant 0 : i32
        %gather3A_845 = tpu.memref_slice %arg8[%gather3A_843, %gather3A_844] : memref<2x15000xf32, #tpu.memory_space<vmem>> -> memref<1x15000xf32, #tpu.memory_space<vmem>>
        %gather3A_846 = tpu.memref_squeeze %gather3A_845 : memref<1x15000xf32, #tpu.memory_space<vmem>> -> memref<15000xf32, #tpu.memory_space<vmem>>
        %gather3A_847 = tpu.vector_load_idx %gather3A_846[%add3A_838] : memref<15000xf32, #tpu.memory_space<vmem>>[vector<16xi32>], vector<16xf32>,
        %sub3A = arith.subf %gather3A_842, %gather3A_847 : vector<16xf32>
        %add3A_848 = arith.constant 1000 : i32
        %add3A_849 = vector.broadcast %add3A_848 : i32 to vector<16xi32>
        %add3A_850 = arith.addi %add3A_831, %add3A_849 : vector<16xi32>
        %gather3A_851 = arith.constant 1 : i32
        %gather3A_852 = arith.constant 0 : i32
        %gather3A_853 = tpu.memref_slice %arg8[%gather3A_851, %gather3A_852] : memref<2x15000xf32, #tpu.memory_space<vmem>> -> memref<1x15000xf32, #tpu.memory_space<vmem>>
        %gather3A_854 = tpu.memref_squeeze %gather3A_853 : memref<1x15000xf32, #tpu.memory_space<vmem>> -> memref<15000xf32, #tpu.memory_space<vmem>>
        %gather3A_855 = tpu.vector_load_idx %gather3A_854[%add3A_850] : memref<15000xf32, #tpu.memory_space<vmem>>[vector<16xi32>], vector<16xf32>,
        %add3A_856 = arith.constant 1000 : i32
        %add3A_857 = vector.broadcast %add3A_856 : i32 to vector<16xi32>
        %add3A_858 = arith.addi %add3A_838, %add3A_857 : vector<16xi32>
        %gather3A_859 = arith.constant 1 : i32
        %gather3A_860 = arith.constant 0 : i32
        %gather3A_861 = tpu.memref_slice %arg8[%gather3A_859, %gather3A_860] : memref<2x15000xf32, #tpu.memory_space<vmem>> -> memref<1x15000xf32, #tpu.memory_space<vmem>>
        %gather3A_862 = tpu.memref_squeeze %gather3A_861 : memref<1x15000xf32, #tpu.memory_space<vmem>> -> memref<15000xf32, #tpu.memory_space<vmem>>
        %gather3A_863 = tpu.vector_load_idx %gather3A_862[%add3A_858] : memref<15000xf32, #tpu.memory_space<vmem>>[vector<16xi32>], vector<16xf32>,
        %sub3A_864 = arith.subf %gather3A_855, %gather3A_863 : vector<16xf32>
        %add3A_865 = arith.constant 2000 : i32
        %add3A_866 = vector.broadcast %add3A_865 : i32 to vector<16xi32>
        %add3A_867 = arith.addi %add3A_831, %add3A_866 : vector<16xi32>
        %gather3A_868 = arith.constant 1 : i32
        %gather3A_869 = arith.constant 0 : i32
        %gather3A_870 = tpu.memref_slice %arg8[%gather3A_868, %gather3A_869] : memref<2x15000xf32, #tpu.memory_space<vmem>> -> memref<1x15000xf32, #tpu.memory_space<vmem>>
        %gather3A_871 = tpu.memref_squeeze %gather3A_870 : memref<1x15000xf32, #tpu.memory_space<vmem>> -> memref<15000xf32, #tpu.memory_space<vmem>>
        %gather3A_872 = tpu.vector_load_idx %gather3A_871[%add3A_867] : memref<15000xf32, #tpu.memory_space<vmem>>[vector<16xi32>], vector<16xf32>,
        %add3A_873 = arith.constant 2000 : i32
        %add3A_874 = vector.broadcast %add3A_873 : i32 to vector<16xi32>
        %add3A_875 = arith.addi %add3A_838, %add3A_874 : vector<16xi32>
        %gather3A_876 = arith.constant 1 : i32
        %gather3A_877 = arith.constant 0 : i32
        %gather3A_878 = tpu.memref_slice %arg8[%gather3A_876, %gather3A_877] : memref<2x15000xf32, #tpu.memory_space<vmem>> -> memref<1x15000xf32, #tpu.memory_space<vmem>>
        %gather3A_879 = tpu.memref_squeeze %gather3A_878 : memref<1x15000xf32, #tpu.memory_space<vmem>> -> memref<15000xf32, #tpu.memory_space<vmem>>
        %gather3A_880 = tpu.vector_load_idx %gather3A_879[%add3A_875] : memref<15000xf32, #tpu.memory_space<vmem>>[vector<16xi32>], vector<16xf32>,
        %sub3A_881 = arith.subf %gather3A_872, %gather3A_880 : vector<16xf32>
        %mul3A_882 = arith.mulf %sub3A, %sub3A : vector<16xf32>
        %mul3A_883 = arith.mulf %sub3A_864, %sub3A_864 : vector<16xf32>
        %add3A_884 = arith.addf %mul3A_882, %mul3A_883 : vector<16xf32>
        %mul3A_885 = arith.mulf %sub3A_881, %sub3A_881 : vector<16xf32>
        %add3A_886 = arith.addf %add3A_884, %mul3A_885 : vector<16xf32>
        %swap3A = arith.constant 1 : i32
        %swap3A_887 = arith.index_cast %swap3A : i32 to index
        %swap3A_888 = arith.index_cast %add3A_825 : i32 to index
        %swap3A_889 = tpu.vector_load %arg9[%swap3A_887, %swap3A_888] {strides = array<i32>} : memref<2x5000xf32, #tpu.memory_space<vmem>>, vector<16xf32>,
        tpu.vector_store %arg9[%swap3A_887, %swap3A_888], %add3A_886 {strides = array<i32>} : memref<2x5000xf32, #tpu.memory_space<vmem>>, vector<16xf32>,
      }
      %scan3A_711 = arith.constant 63 : i32
      %scan3A_712 = arith.constant 0 : i32
      %scan3A_713 = arith.constant 0 : i32
      %scan3A_714 = arith.constant 63 : i32
      %scan3A_715 = arith.addi %scan3A_713, %scan3A_714 : i32
      %scan3A_716 = arith.constant 1 : i32
      scf.for %scan3A_820 = %scan3A_713 to %scan3A_715 step %scan3A_716  : i32 {
        %mul3A_821 = arith.constant 16 : i32
        %mul3A_822 = arith.muli %scan3A_820, %mul3A_821 : i32
        %min3A = arith.constant 984 : i32
        %min3A_823 = arith.minsi %mul3A_822, %min3A : i32
        %add3A_824 = arith.constant 2000 : i32
        %add3A_825 = arith.addi %min3A_823, %add3A_824 : i32
        %get3A = arith.constant 1 : i32
        %get3A_826 = arith.index_cast %get3A : i32 to index
        %get3A_827 = arith.index_cast %add3A_825 : i32 to index
        %get3A_828 = tpu.vector_load %arg6[%get3A_826, %get3A_827] {strides = array<i32>} : memref<2x5000xi32, #tpu.memory_space<vmem>>, vector<16xi32>,
        %add3A_829 = arith.constant 6000 : i32
        %add3A_830 = vector.broadcast %add3A_829 : i32 to vector<16xi32>
        %add3A_831 = arith.addi %get3A_828, %add3A_830 : vector<16xi32>
        %get3A_832 = arith.constant 1 : i32
        %get3A_833 = arith.index_cast %get3A_832 : i32 to index
        %get3A_834 = arith.index_cast %add3A_825 : i32 to index
        %get3A_835 = tpu.vector_load %arg7[%get3A_833, %get3A_834] {strides = array<i32>} : memref<2x5000xi32, #tpu.memory_space<vmem>>, vector<16xi32>,
        %add3A_836 = arith.constant 6000 : i32
        %add3A_837 = vector.broadcast %add3A_836 : i32 to vector<16xi32>
        %add3A_838 = arith.addi %get3A_835, %add3A_837 : vector<16xi32>
        %gather3A = arith.constant 1 : i32
        %gather3A_839 = arith.constant 0 : i32
        %gather3A_840 = tpu.memref_slice %arg8[%gather3A, %gather3A_839] : memref<2x15000xf32, #tpu.memory_space<vmem>> -> memref<1x15000xf32, #tpu.memory_space<vmem>>
        %gather3A_841 = tpu.memref_squeeze %gather3A_840 : memref<1x15000xf32, #tpu.memory_space<vmem>> -> memref<15000xf32, #tpu.memory_space<vmem>>
        %gather3A_842 = tpu.vector_load_idx %gather3A_841[%add3A_831] : memref<15000xf32, #tpu.memory_space<vmem>>[vector<16xi32>], vector<16xf32>,
        %gather3A_843 = arith.constant 1 : i32
        %gather3A_844 = arith.constant 0 : i32
        %gather3A_845 = tpu.memref_slice %arg8[%gather3A_843, %gather3A_844] : memref<2x15000xf32, #tpu.memory_space<vmem>> -> memref<1x15000xf32, #tpu.memory_space<vmem>>
        %gather3A_846 = tpu.memref_squeeze %gather3A_845 : memref<1x15000xf32, #tpu.memory_space<vmem>> -> memref<15000xf32, #tpu.memory_space<vmem>>
        %gather3A_847 = tpu.vector_load_idx %gather3A_846[%add3A_838] : memref<15000xf32, #tpu.memory_space<vmem>>[vector<16xi32>], vector<16xf32>,
        %sub3A = arith.subf %gather3A_842, %gather3A_847 : vector<16xf32>
        %add3A_848 = arith.constant 1000 : i32
        %add3A_849 = vector.broadcast %add3A_848 : i32 to vector<16xi32>
        %add3A_850 = arith.addi %add3A_831, %add3A_849 : vector<16xi32>
        %gather3A_851 = arith.constant 1 : i32
        %gather3A_852 = arith.constant 0 : i32
        %gather3A_853 = tpu.memref_slice %arg8[%gather3A_851, %gather3A_852] : memref<2x15000xf32, #tpu.memory_space<vmem>> -> memref<1x15000xf32, #tpu.memory_space<vmem>>
        %gather3A_854 = tpu.memref_squeeze %gather3A_853 : memref<1x15000xf32, #tpu.memory_space<vmem>> -> memref<15000xf32, #tpu.memory_space<vmem>>
        %gather3A_855 = tpu.vector_load_idx %gather3A_854[%add3A_850] : memref<15000xf32, #tpu.memory_space<vmem>>[vector<16xi32>], vector<16xf32>,
        %add3A_856 = arith.constant 1000 : i32
        %add3A_857 = vector.broadcast %add3A_856 : i32 to vector<16xi32>
        %add3A_858 = arith.addi %add3A_838, %add3A_857 : vector<16xi32>
        %gather3A_859 = arith.constant 1 : i32
        %gather3A_860 = arith.constant 0 : i32
        %gather3A_861 = tpu.memref_slice %arg8[%gather3A_859, %gather3A_860] : memref<2x15000xf32, #tpu.memory_space<vmem>> -> memref<1x15000xf32, #tpu.memory_space<vmem>>
        %gather3A_862 = tpu.memref_squeeze %gather3A_861 : memref<1x15000xf32, #tpu.memory_space<vmem>> -> memref<15000xf32, #tpu.memory_space<vmem>>
        %gather3A_863 = tpu.vector_load_idx %gather3A_862[%add3A_858] : memref<15000xf32, #tpu.memory_space<vmem>>[vector<16xi32>], vector<16xf32>,
        %sub3A_864 = arith.subf %gather3A_855, %gather3A_863 : vector<16xf32>
        %add3A_865 = arith.constant 2000 : i32
        %add3A_866 = vector.broadcast %add3A_865 : i32 to vector<16xi32>
        %add3A_867 = arith.addi %add3A_831, %add3A_866 : vector<16xi32>
        %gather3A_868 = arith.constant 1 : i32
        %gather3A_869 = arith.constant 0 : i32
        %gather3A_870 = tpu.memref_slice %arg8[%gather3A_868, %gather3A_869] : memref<2x15000xf32, #tpu.memory_space<vmem>> -> memref<1x15000xf32, #tpu.memory_space<vmem>>
        %gather3A_871 = tpu.memref_squeeze %gather3A_870 : memref<1x15000xf32, #tpu.memory_space<vmem>> -> memref<15000xf32, #tpu.memory_space<vmem>>
        %gather3A_872 = tpu.vector_load_idx %gather3A_871[%add3A_867] : memref<15000xf32, #tpu.memory_space<vmem>>[vector<16xi32>], vector<16xf32>,
        %add3A_873 = arith.constant 2000 : i32
        %add3A_874 = vector.broadcast %add3A_873 : i32 to vector<16xi32>
        %add3A_875 = arith.addi %add3A_838, %add3A_874 : vector<16xi32>
        %gather3A_876 = arith.constant 1 : i32
        %gather3A_877 = arith.constant 0 : i32
        %gather3A_878 = tpu.memref_slice %arg8[%gather3A_876, %gather3A_877] : memref<2x15000xf32, #tpu.memory_space<vmem>> -> memref<1x15000xf32, #tpu.memory_space<vmem>>
        %gather3A_879 = tpu.memref_squeeze %gather3A_878 : memref<1x15000xf32, #tpu.memory_space<vmem>> -> memref<15000xf32, #tpu.memory_space<vmem>>
        %gather3A_880 = tpu.vector_load_idx %gather3A_879[%add3A_875] : memref<15000xf32, #tpu.memory_space<vmem>>[vector<16xi32>], vector<16xf32>,
        %sub3A_881 = arith.subf %gather3A_872, %gather3A_880 : vector<16xf32>
        %mul3A_882 = arith.mulf %sub3A, %sub3A : vector<16xf32>
        %mul3A_883 = arith.mulf %sub3A_864, %sub3A_864 : vector<16xf32>
        %add3A_884 = arith.addf %mul3A_882, %mul3A_883 : vector<16xf32>
        %mul3A_885 = arith.mulf %sub3A_881, %sub3A_881 : vector<16xf32>
        %add3A_886 = arith.addf %add3A_884, %mul3A_885 : vector<16xf32>
        %swap3A = arith.constant 1 : i32
        %swap3A_887 = arith.index_cast %swap3A : i32 to index
        %swap3A_888 = arith.index_cast %add3A_825 : i32 to index
        %swap3A_889 = tpu.vector_load %arg9[%swap3A_887, %swap3A_888] {strides = array<i32>} : memref<2x5000xf32, #tpu.memory_space<vmem>>, vector<16xf32>,
        tpu.vector_store %arg9[%swap3A_887, %swap3A_888], %add3A_886 {strides = array<i32>} : memref<2x5000xf32, #tpu.memory_space<vmem>>, vector<16xf32>,
      }
      %scan3A_717 = arith.constant 63 : i32
      %scan3A_718 = arith.constant 0 : i32
      %scan3A_719 = arith.constant 0 : i32
      %scan3A_720 = arith.constant 63 : i32
      %scan3A_721 = arith.addi %scan3A_719, %scan3A_720 : i32
      %scan3A_722 = arith.constant 1 : i32
      scf.for %scan3A_820 = %scan3A_719 to %scan3A_721 step %scan3A_722  : i32 {
        %mul3A_821 = arith.constant 16 : i32
        %mul3A_822 = arith.muli %scan3A_820, %mul3A_821 : i32
        %min3A = arith.constant 984 : i32
        %min3A_823 = arith.minsi %mul3A_822, %min3A : i32
        %add3A_824 = arith.constant 3000 : i32
        %add3A_825 = arith.addi %min3A_823, %add3A_824 : i32
        %get3A = arith.constant 1 : i32
        %get3A_826 = arith.index_cast %get3A : i32 to index
        %get3A_827 = arith.index_cast %add3A_825 : i32 to index
        %get3A_828 = tpu.vector_load %arg6[%get3A_826, %get3A_827] {strides = array<i32>} : memref<2x5000xi32, #tpu.memory_space<vmem>>, vector<16xi32>,
        %add3A_829 = arith.constant 9000 : i32
        %add3A_830 = vector.broadcast %add3A_829 : i32 to vector<16xi32>
        %add3A_831 = arith.addi %get3A_828, %add3A_830 : vector<16xi32>
        %get3A_832 = arith.constant 1 : i32
        %get3A_833 = arith.index_cast %get3A_832 : i32 to index
        %get3A_834 = arith.index_cast %add3A_825 : i32 to index
        %get3A_835 = tpu.vector_load %arg7[%get3A_833, %get3A_834] {strides = array<i32>} : memref<2x5000xi32, #tpu.memory_space<vmem>>, vector<16xi32>,
        %add3A_836 = arith.constant 9000 : i32
        %add3A_837 = vector.broadcast %add3A_836 : i32 to vector<16xi32>
        %add3A_838 = arith.addi %get3A_835, %add3A_837 : vector<16xi32>
        %gather3A = arith.constant 1 : i32
        %gather3A_839 = arith.constant 0 : i32
        %gather3A_840 = tpu.memref_slice %arg8[%gather3A, %gather3A_839] : memref<2x15000xf32, #tpu.memory_space<vmem>> -> memref<1x15000xf32, #tpu.memory_space<vmem>>
        %gather3A_841 = tpu.memref_squeeze %gather3A_840 : memref<1x15000xf32, #tpu.memory_space<vmem>> -> memref<15000xf32, #tpu.memory_space<vmem>>
        %gather3A_842 = tpu.vector_load_idx %gather3A_841[%add3A_831] : memref<15000xf32, #tpu.memory_space<vmem>>[vector<16xi32>], vector<16xf32>,
        %gather3A_843 = arith.constant 1 : i32
        %gather3A_844 = arith.constant 0 : i32
        %gather3A_845 = tpu.memref_slice %arg8[%gather3A_843, %gather3A_844] : memref<2x15000xf32, #tpu.memory_space<vmem>> -> memref<1x15000xf32, #tpu.memory_space<vmem>>
        %gather3A_846 = tpu.memref_squeeze %gather3A_845 : memref<1x15000xf32, #tpu.memory_space<vmem>> -> memref<15000xf32, #tpu.memory_space<vmem>>
        %gather3A_847 = tpu.vector_load_idx %gather3A_846[%add3A_838] : memref<15000xf32, #tpu.memory_space<vmem>>[vector<16xi32>], vector<16xf32>,
        %sub3A = arith.subf %gather3A_842, %gather3A_847 : vector<16xf32>
        %add3A_848 = arith.constant 1000 : i32
        %add3A_849 = vector.broadcast %add3A_848 : i32 to vector<16xi32>
        %add3A_850 = arith.addi %add3A_831, %add3A_849 : vector<16xi32>
        %gather3A_851 = arith.constant 1 : i32
        %gather3A_852 = arith.constant 0 : i32
        %gather3A_853 = tpu.memref_slice %arg8[%gather3A_851, %gather3A_852] : memref<2x15000xf32, #tpu.memory_space<vmem>> -> memref<1x15000xf32, #tpu.memory_space<vmem>>
        %gather3A_854 = tpu.memref_squeeze %gather3A_853 : memref<1x15000xf32, #tpu.memory_space<vmem>> -> memref<15000xf32, #tpu.memory_space<vmem>>
        %gather3A_855 = tpu.vector_load_idx %gather3A_854[%add3A_850] : memref<15000xf32, #tpu.memory_space<vmem>>[vector<16xi32>], vector<16xf32>,
        %add3A_856 = arith.constant 1000 : i32
        %add3A_857 = vector.broadcast %add3A_856 : i32 to vector<16xi32>
        %add3A_858 = arith.addi %add3A_838, %add3A_857 : vector<16xi32>
        %gather3A_859 = arith.constant 1 : i32
        %gather3A_860 = arith.constant 0 : i32
        %gather3A_861 = tpu.memref_slice %arg8[%gather3A_859, %gather3A_860] : memref<2x15000xf32, #tpu.memory_space<vmem>> -> memref<1x15000xf32, #tpu.memory_space<vmem>>
        %gather3A_862 = tpu.memref_squeeze %gather3A_861 : memref<1x15000xf32, #tpu.memory_space<vmem>> -> memref<15000xf32, #tpu.memory_space<vmem>>
        %gather3A_863 = tpu.vector_load_idx %gather3A_862[%add3A_858] : memref<15000xf32, #tpu.memory_space<vmem>>[vector<16xi32>], vector<16xf32>,
        %sub3A_864 = arith.subf %gather3A_855, %gather3A_863 : vector<16xf32>
        %add3A_865 = arith.constant 2000 : i32
        %add3A_866 = vector.broadcast %add3A_865 : i32 to vector<16xi32>
        %add3A_867 = arith.addi %add3A_831, %add3A_866 : vector<16xi32>
        %gather3A_868 = arith.constant 1 : i32
        %gather3A_869 = arith.constant 0 : i32
        %gather3A_870 = tpu.memref_slice %arg8[%gather3A_868, %gather3A_869] : memref<2x15000xf32, #tpu.memory_space<vmem>> -> memref<1x15000xf32, #tpu.memory_space<vmem>>
        %gather3A_871 = tpu.memref_squeeze %gather3A_870 : memref<1x15000xf32, #tpu.memory_space<vmem>> -> memref<15000xf32, #tpu.memory_space<vmem>>
        %gather3A_872 = tpu.vector_load_idx %gather3A_871[%add3A_867] : memref<15000xf32, #tpu.memory_space<vmem>>[vector<16xi32>], vector<16xf32>,
        %add3A_873 = arith.constant 2000 : i32
        %add3A_874 = vector.broadcast %add3A_873 : i32 to vector<16xi32>
        %add3A_875 = arith.addi %add3A_838, %add3A_874 : vector<16xi32>
        %gather3A_876 = arith.constant 1 : i32
        %gather3A_877 = arith.constant 0 : i32
        %gather3A_878 = tpu.memref_slice %arg8[%gather3A_876, %gather3A_877] : memref<2x15000xf32, #tpu.memory_space<vmem>> -> memref<1x15000xf32, #tpu.memory_space<vmem>>
        %gather3A_879 = tpu.memref_squeeze %gather3A_878 : memref<1x15000xf32, #tpu.memory_space<vmem>> -> memref<15000xf32, #tpu.memory_space<vmem>>
        %gather3A_880 = tpu.vector_load_idx %gather3A_879[%add3A_875] : memref<15000xf32, #tpu.memory_space<vmem>>[vector<16xi32>], vector<16xf32>,
        %sub3A_881 = arith.subf %gather3A_872, %gather3A_880 : vector<16xf32>
        %mul3A_882 = arith.mulf %sub3A, %sub3A : vector<16xf32>
        %mul3A_883 = arith.mulf %sub3A_864, %sub3A_864 : vector<16xf32>
        %add3A_884 = arith.addf %mul3A_882, %mul3A_883 : vector<16xf32>
        %mul3A_885 = arith.mulf %sub3A_881, %sub3A_881 : vector<16xf32>
        %add3A_886 = arith.addf %add3A_884, %mul3A_885 : vector<16xf32>
        %swap3A = arith.constant 1 : i32
        %swap3A_887 = arith.index_cast %swap3A : i32 to index
        %swap3A_888 = arith.index_cast %add3A_825 : i32 to index
        %swap3A_889 = tpu.vector_load %arg9[%swap3A_887, %swap3A_888] {strides = array<i32>} : memref<2x5000xf32, #tpu.memory_space<vmem>>, vector<16xf32>,
        tpu.vector_store %arg9[%swap3A_887, %swap3A_888], %add3A_886 {strides = array<i32>} : memref<2x5000xf32, #tpu.memory_space<vmem>>, vector<16xf32>,
      }
      %scan3A_723 = arith.constant 63 : i32
      %scan3A_724 = arith.constant 0 : i32
      %scan3A_725 = arith.constant 0 : i32
      %scan3A_726 = arith.constant 63 : i32
      %scan3A_727 = arith.addi %scan3A_725, %scan3A_726 : i32
      %scan3A_728 = arith.constant 1 : i32
      scf.for %scan3A_820 = %scan3A_725 to %scan3A_727 step %scan3A_728  : i32 {
        %mul3A_821 = arith.constant 16 : i32
        %mul3A_822 = arith.muli %scan3A_820, %mul3A_821 : i32
        %min3A = arith.constant 984 : i32
        %min3A_823 = arith.minsi %mul3A_822, %min3A : i32
        %add3A_824 = arith.constant 4000 : i32
        %add3A_825 = arith.addi %min3A_823, %add3A_824 : i32
        %get3A = arith.constant 1 : i32
        %get3A_826 = arith.index_cast %get3A : i32 to index
        %get3A_827 = arith.index_cast %add3A_825 : i32 to index
        %get3A_828 = tpu.vector_load %arg6[%get3A_826, %get3A_827] {strides = array<i32>} : memref<2x5000xi32, #tpu.memory_space<vmem>>, vector<16xi32>,
        %add3A_829 = arith.constant 12000 : i32
        %add3A_830 = vector.broadcast %add3A_829 : i32 to vector<16xi32>
        %add3A_831 = arith.addi %get3A_828, %add3A_830 : vector<16xi32>
        %get3A_832 = arith.constant 1 : i32
        %get3A_833 = arith.index_cast %get3A_832 : i32 to index
        %get3A_834 = arith.index_cast %add3A_825 : i32 to index
        %get3A_835 = tpu.vector_load %arg7[%get3A_833, %get3A_834] {strides = array<i32>} : memref<2x5000xi32, #tpu.memory_space<vmem>>, vector<16xi32>,
        %add3A_836 = arith.constant 12000 : i32
        %add3A_837 = vector.broadcast %add3A_836 : i32 to vector<16xi32>
        %add3A_838 = arith.addi %get3A_835, %add3A_837 : vector<16xi32>
        %gather3A = arith.constant 1 : i32
        %gather3A_839 = arith.constant 0 : i32
        %gather3A_840 = tpu.memref_slice %arg8[%gather3A, %gather3A_839] : memref<2x15000xf32, #tpu.memory_space<vmem>> -> memref<1x15000xf32, #tpu.memory_space<vmem>>
        %gather3A_841 = tpu.memref_squeeze %gather3A_840 : memref<1x15000xf32, #tpu.memory_space<vmem>> -> memref<15000xf32, #tpu.memory_space<vmem>>
        %gather3A_842 = tpu.vector_load_idx %gather3A_841[%add3A_831] : memref<15000xf32, #tpu.memory_space<vmem>>[vector<16xi32>], vector<16xf32>,
        %gather3A_843 = arith.constant 1 : i32
        %gather3A_844 = arith.constant 0 : i32
        %gather3A_845 = tpu.memref_slice %arg8[%gather3A_843, %gather3A_844] : memref<2x15000xf32, #tpu.memory_space<vmem>> -> memref<1x15000xf32, #tpu.memory_space<vmem>>
        %gather3A_846 = tpu.memref_squeeze %gather3A_845 : memref<1x15000xf32, #tpu.memory_space<vmem>> -> memref<15000xf32, #tpu.memory_space<vmem>>
        %gather3A_847 = tpu.vector_load_idx %gather3A_846[%add3A_838] : memref<15000xf32, #tpu.memory_space<vmem>>[vector<16xi32>], vector<16xf32>,
        %sub3A = arith.subf %gather3A_842, %gather3A_847 : vector<16xf32>
        %add3A_848 = arith.constant 1000 : i32
        %add3A_849 = vector.broadcast %add3A_848 : i32 to vector<16xi32>
        %add3A_850 = arith.addi %add3A_831, %add3A_849 : vector<16xi32>
        %gather3A_851 = arith.constant 1 : i32
        %gather3A_852 = arith.constant 0 : i32
        %gather3A_853 = tpu.memref_slice %arg8[%gather3A_851, %gather3A_852] : memref<2x15000xf32, #tpu.memory_space<vmem>> -> memref<1x15000xf32, #tpu.memory_space<vmem>>
        %gather3A_854 = tpu.memref_squeeze %gather3A_853 : memref<1x15000xf32, #tpu.memory_space<vmem>> -> memref<15000xf32, #tpu.memory_space<vmem>>
        %gather3A_855 = tpu.vector_load_idx %gather3A_854[%add3A_850] : memref<15000xf32, #tpu.memory_space<vmem>>[vector<16xi32>], vector<16xf32>,
        %add3A_856 = arith.constant 1000 : i32
        %add3A_857 = vector.broadcast %add3A_856 : i32 to vector<16xi32>
        %add3A_858 = arith.addi %add3A_838, %add3A_857 : vector<16xi32>
        %gather3A_859 = arith.constant 1 : i32
        %gather3A_860 = arith.constant 0 : i32
        %gather3A_861 = tpu.memref_slice %arg8[%gather3A_859, %gather3A_860] : memref<2x15000xf32, #tpu.memory_space<vmem>> -> memref<1x15000xf32, #tpu.memory_space<vmem>>
        %gather3A_862 = tpu.memref_squeeze %gather3A_861 : memref<1x15000xf32, #tpu.memory_space<vmem>> -> memref<15000xf32, #tpu.memory_space<vmem>>
        %gather3A_863 = tpu.vector_load_idx %gather3A_862[%add3A_858] : memref<15000xf32, #tpu.memory_space<vmem>>[vector<16xi32>], vector<16xf32>,
        %sub3A_864 = arith.subf %gather3A_855, %gather3A_863 : vector<16xf32>
        %add3A_865 = arith.constant 2000 : i32
        %add3A_866 = vector.broadcast %add3A_865 : i32 to vector<16xi32>
        %add3A_867 = arith.addi %add3A_831, %add3A_866 : vector<16xi32>
        %gather3A_868 = arith.constant 1 : i32
        %gather3A_869 = arith.constant 0 : i32
        %gather3A_870 = tpu.memref_slice %arg8[%gather3A_868, %gather3A_869] : memref<2x15000xf32, #tpu.memory_space<vmem>> -> memref<1x15000xf32, #tpu.memory_space<vmem>>
        %gather3A_871 = tpu.memref_squeeze %gather3A_870 : memref<1x15000xf32, #tpu.memory_space<vmem>> -> memref<15000xf32, #tpu.memory_space<vmem>>
        %gather3A_872 = tpu.vector_load_idx %gather3A_871[%add3A_867] : memref<15000xf32, #tpu.memory_space<vmem>>[vector<16xi32>], vector<16xf32>,
        %add3A_873 = arith.constant 2000 : i32
        %add3A_874 = vector.broadcast %add3A_873 : i32 to vector<16xi32>
        %add3A_875 = arith.addi %add3A_838, %add3A_874 : vector<16xi32>
        %gather3A_876 = arith.constant 1 : i32
        %gather3A_877 = arith.constant 0 : i32
        %gather3A_878 = tpu.memref_slice %arg8[%gather3A_876, %gather3A_877] : memref<2x15000xf32, #tpu.memory_space<vmem>> -> memref<1x15000xf32, #tpu.memory_space<vmem>>
        %gather3A_879 = tpu.memref_squeeze %gather3A_878 : memref<1x15000xf32, #tpu.memory_space<vmem>> -> memref<15000xf32, #tpu.memory_space<vmem>>
        %gather3A_880 = tpu.vector_load_idx %gather3A_879[%add3A_875] : memref<15000xf32, #tpu.memory_space<vmem>>[vector<16xi32>], vector<16xf32>,
        %sub3A_881 = arith.subf %gather3A_872, %gather3A_880 : vector<16xf32>
        %mul3A_882 = arith.mulf %sub3A, %sub3A : vector<16xf32>
        %mul3A_883 = arith.mulf %sub3A_864, %sub3A_864 : vector<16xf32>
        %add3A_884 = arith.addf %mul3A_882, %mul3A_883 : vector<16xf32>
        %mul3A_885 = arith.mulf %sub3A_881, %sub3A_881 : vector<16xf32>
        %add3A_886 = arith.addf %add3A_884, %mul3A_885 : vector<16xf32>
        %swap3A = arith.constant 1 : i32
        %swap3A_887 = arith.index_cast %swap3A : i32 to index
        %swap3A_888 = arith.index_cast %add3A_825 : i32 to index
        %swap3A_889 = tpu.vector_load %arg9[%swap3A_887, %swap3A_888] {strides = array<i32>} : memref<2x5000xf32, #tpu.memory_space<vmem>>, vector<16xf32>,
        tpu.vector_store %arg9[%swap3A_887, %swap3A_888], %add3A_886 {strides = array<i32>} : memref<2x5000xf32, #tpu.memory_space<vmem>>, vector<16xf32>,
      }
      %scan3A_729 = arith.constant 63 : i32
      %mul3A_730 = arith.constant 5 : i32
      %mul3A_731 = arith.muli %add3A_537, %mul3A_730 : i32
      %add3A_732 = arith.constant 0 : i32
      %add3A_733 = arith.addi %mul3A_731, %add3A_732 : i32
      %mul3A_734 = arith.constant 32000 : i32
      %mul3A_735 = arith.muli %add3A_733, %mul3A_734 : i32
      %mul3A_736 = arith.constant 1000 : i32
      %mul3A_737 = arith.muli %add3A, %mul3A_736 : i32
      %add3A_738 = arith.addi %mul3A_735, %mul3A_737 : i32
      %mul3A_739 = arith.constant 5 : i32
      %mul3A_740 = arith.muli %add3A_537, %mul3A_739 : i32
      %add3A_741 = arith.constant 1 : i32
      %add3A_742 = arith.addi %mul3A_740, %add3A_741 : i32
      %mul3A_743 = arith.constant 32000 : i32
      %mul3A_744 = arith.muli %add3A_742, %mul3A_743 : i32
      %mul3A_745 = arith.constant 1000 : i32
      %mul3A_746 = arith.muli %add3A, %mul3A_745 : i32
      %add3A_747 = arith.addi %mul3A_744, %mul3A_746 : i32
      %mul3A_748 = arith.constant 5 : i32
      %mul3A_749 = arith.muli %add3A_537, %mul3A_748 : i32
      %add3A_750 = arith.constant 2 : i32
      %add3A_751 = arith.addi %mul3A_749, %add3A_750 : i32
      %mul3A_752 = arith.constant 32000 : i32
      %mul3A_753 = arith.muli %add3A_751, %mul3A_752 : i32
      %mul3A_754 = arith.constant 1000 : i32
      %mul3A_755 = arith.muli %add3A, %mul3A_754 : i32
      %add3A_756 = arith.addi %mul3A_753, %mul3A_755 : i32
      %mul3A_757 = arith.constant 5 : i32
      %mul3A_758 = arith.muli %add3A_537, %mul3A_757 : i32
      %add3A_759 = arith.constant 3 : i32
      %add3A_760 = arith.addi %mul3A_758, %add3A_759 : i32
      %mul3A_761 = arith.constant 32000 : i32
      %mul3A_762 = arith.muli %add3A_760, %mul3A_761 : i32
      %mul3A_763 = arith.constant 1000 : i32
      %mul3A_764 = arith.muli %add3A, %mul3A_763 : i32
      %add3A_765 = arith.addi %mul3A_762, %mul3A_764 : i32
      %mul3A_766 = arith.constant 5 : i32
      %mul3A_767 = arith.muli %add3A_537, %mul3A_766 : i32
      %add3A_768 = arith.constant 4 : i32
      %add3A_769 = arith.addi %mul3A_767, %add3A_768 : i32
      %mul3A_770 = arith.constant 32000 : i32
      %mul3A_771 = arith.muli %add3A_769, %mul3A_770 : i32
      %mul3A_772 = arith.constant 1000 : i32
      %mul3A_773 = arith.muli %add3A, %mul3A_772 : i32
      %add3A_774 = arith.addi %mul3A_771, %mul3A_773 : i32
      %dma_start3A_775 = arith.constant 1 : i32
      %dma_start3A_776 = arith.constant 0 : i32
      %dma_start3A_777 = tpu.memref_slice %arg9[%dma_start3A_775, %dma_start3A_776] : memref<2x5000xf32, #tpu.memory_space<vmem>> -> memref<1x1000xf32, #tpu.memory_space<vmem>>
      %dma_start3A_778 = tpu.memref_squeeze %dma_start3A_777 : memref<1x1000xf32, #tpu.memory_space<vmem>> -> memref<1000xf32, #tpu.memory_space<vmem>>
      %dma_start3A_779 = tpu.memref_slice %arg5[%add3A_738] : memref<3200000xf32, #tpu.memory_space<hbm>> -> memref<1000xf32, #tpu.memory_space<hbm>>
      %dma_start3A_780 = tpu.memref_slice %arg5[%add3A_738] : memref<3200000xf32, #tpu.memory_space<hbm>> -> memref<1000xf32, #tpu.memory_space<hbm>>
      %dma_start3A_781 = arith.constant 0 : i32
      %dma_start3A_782 = tpu.memref_slice %arg9[%dma_start3A_775, %dma_start3A_781] : memref<2x5000xf32, #tpu.memory_space<vmem>> -> memref<1x1000xf32, #tpu.memory_space<vmem>>
      %dma_start3A_783 = tpu.memref_squeeze %dma_start3A_782 : memref<1x1000xf32, #tpu.memory_space<vmem>> -> memref<1000xf32, #tpu.memory_space<vmem>>
      tpu.enqueue_dma source(%dma_start3A_783 : memref<1000xf32, #tpu.memory_space<vmem>>) target(%dma_start3A_780 : memref<1000xf32, #tpu.memory_space<hbm>>) target_semaphore(%arg13 : memref<!tpu.dma_semaphore, #tpu.memory_space<semaphore_mem>>)
      %dma_start3A_784 = arith.constant 1 : i32
      %dma_start3A_785 = arith.constant 1000 : i32
      %dma_start3A_786 = tpu.memref_slice %arg9[%dma_start3A_784, %dma_start3A_785] : memref<2x5000xf32, #tpu.memory_space<vmem>> -> memref<1x1000xf32, #tpu.memory_space<vmem>>
      %dma_start3A_787 = tpu.memref_squeeze %dma_start3A_786 : memref<1x1000xf32, #tpu.memory_space<vmem>> -> memref<1000xf32, #tpu.memory_space<vmem>>
      %dma_start3A_788 = tpu.memref_slice %arg5[%add3A_747] : memref<3200000xf32, #tpu.memory_space<hbm>> -> memref<1000xf32, #tpu.memory_space<hbm>>
      %dma_start3A_789 = tpu.memref_slice %arg5[%add3A_747] : memref<3200000xf32, #tpu.memory_space<hbm>> -> memref<1000xf32, #tpu.memory_space<hbm>>
      %dma_start3A_790 = arith.constant 1000 : i32
      %dma_start3A_791 = tpu.memref_slice %arg9[%dma_start3A_784, %dma_start3A_790] : memref<2x5000xf32, #tpu.memory_space<vmem>> -> memref<1x1000xf32, #tpu.memory_space<vmem>>
      %dma_start3A_792 = tpu.memref_squeeze %dma_start3A_791 : memref<1x1000xf32, #tpu.memory_space<vmem>> -> memref<1000xf32, #tpu.memory_space<vmem>>
      tpu.enqueue_dma source(%dma_start3A_792 : memref<1000xf32, #tpu.memory_space<vmem>>) target(%dma_start3A_789 : memref<1000xf32, #tpu.memory_space<hbm>>) target_semaphore(%arg13 : memref<!tpu.dma_semaphore, #tpu.memory_space<semaphore_mem>>)
      %dma_start3A_793 = arith.constant 1 : i32
      %dma_start3A_794 = arith.constant 2000 : i32
      %dma_start3A_795 = tpu.memref_slice %arg9[%dma_start3A_793, %dma_start3A_794] : memref<2x5000xf32, #tpu.memory_space<vmem>> -> memref<1x1000xf32, #tpu.memory_space<vmem>>
      %dma_start3A_796 = tpu.memref_squeeze %dma_start3A_795 : memref<1x1000xf32, #tpu.memory_space<vmem>> -> memref<1000xf32, #tpu.memory_space<vmem>>
      %dma_start3A_797 = tpu.memref_slice %arg5[%add3A_756] : memref<3200000xf32, #tpu.memory_space<hbm>> -> memref<1000xf32, #tpu.memory_space<hbm>>
      %dma_start3A_798 = tpu.memref_slice %arg5[%add3A_756] : memref<3200000xf32, #tpu.memory_space<hbm>> -> memref<1000xf32, #tpu.memory_space<hbm>>
      %dma_start3A_799 = arith.constant 2000 : i32
      %dma_start3A_800 = tpu.memref_slice %arg9[%dma_start3A_793, %dma_start3A_799] : memref<2x5000xf32, #tpu.memory_space<vmem>> -> memref<1x1000xf32, #tpu.memory_space<vmem>>
      %dma_start3A_801 = tpu.memref_squeeze %dma_start3A_800 : memref<1x1000xf32, #tpu.memory_space<vmem>> -> memref<1000xf32, #tpu.memory_space<vmem>>
      tpu.enqueue_dma source(%dma_start3A_801 : memref<1000xf32, #tpu.memory_space<vmem>>) target(%dma_start3A_798 : memref<1000xf32, #tpu.memory_space<hbm>>) target_semaphore(%arg13 : memref<!tpu.dma_semaphore, #tpu.memory_space<semaphore_mem>>)
      %dma_start3A_802 = arith.constant 1 : i32
      %dma_start3A_803 = arith.constant 3000 : i32
      %dma_start3A_804 = tpu.memref_slice %arg9[%dma_start3A_802, %dma_start3A_803] : memref<2x5000xf32, #tpu.memory_space<vmem>> -> memref<1x1000xf32, #tpu.memory_space<vmem>>
      %dma_start3A_805 = tpu.memref_squeeze %dma_start3A_804 : memref<1x1000xf32, #tpu.memory_space<vmem>> -> memref<1000xf32, #tpu.memory_space<vmem>>
      %dma_start3A_806 = tpu.memref_slice %arg5[%add3A_765] : memref<3200000xf32, #tpu.memory_space<hbm>> -> memref<1000xf32, #tpu.memory_space<hbm>>
      %dma_start3A_807 = tpu.memref_slice %arg5[%add3A_765] : memref<3200000xf32, #tpu.memory_space<hbm>> -> memref<1000xf32, #tpu.memory_space<hbm>>
      %dma_start3A_808 = arith.constant 3000 : i32
      %dma_start3A_809 = tpu.memref_slice %arg9[%dma_start3A_802, %dma_start3A_808] : memref<2x5000xf32, #tpu.memory_space<vmem>> -> memref<1x1000xf32, #tpu.memory_space<vmem>>
      %dma_start3A_810 = tpu.memref_squeeze %dma_start3A_809 : memref<1x1000xf32, #tpu.memory_space<vmem>> -> memref<1000xf32, #tpu.memory_space<vmem>>
      tpu.enqueue_dma source(%dma_start3A_810 : memref<1000xf32, #tpu.memory_space<vmem>>) target(%dma_start3A_807 : memref<1000xf32, #tpu.memory_space<hbm>>) target_semaphore(%arg13 : memref<!tpu.dma_semaphore, #tpu.memory_space<semaphore_mem>>)
      %dma_start3A_811 = arith.constant 1 : i32
      %dma_start3A_812 = arith.constant 4000 : i32
      %dma_start3A_813 = tpu.memref_slice %arg9[%dma_start3A_811, %dma_start3A_812] : memref<2x5000xf32, #tpu.memory_space<vmem>> -> memref<1x1000xf32, #tpu.memory_space<vmem>>
      %dma_start3A_814 = tpu.memref_squeeze %dma_start3A_813 : memref<1x1000xf32, #tpu.memory_space<vmem>> -> memref<1000xf32, #tpu.memory_space<vmem>>
      %dma_start3A_815 = tpu.memref_slice %arg5[%add3A_774] : memref<3200000xf32, #tpu.memory_space<hbm>> -> memref<1000xf32, #tpu.memory_space<hbm>>
      %dma_start3A_816 = tpu.memref_slice %arg5[%add3A_774] : memref<3200000xf32, #tpu.memory_space<hbm>> -> memref<1000xf32, #tpu.memory_space<hbm>>
      %dma_start3A_817 = arith.constant 4000 : i32
      %dma_start3A_818 = tpu.memref_slice %arg9[%dma_start3A_811, %dma_start3A_817] : memref<2x5000xf32, #tpu.memory_space<vmem>> -> memref<1x1000xf32, #tpu.memory_space<vmem>>
      %dma_start3A_819 = tpu.memref_squeeze %dma_start3A_818 : memref<1x1000xf32, #tpu.memory_space<vmem>> -> memref<1000xf32, #tpu.memory_space<vmem>>
      tpu.enqueue_dma source(%dma_start3A_819 : memref<1000xf32, #tpu.memory_space<vmem>>) target(%dma_start3A_816 : memref<1000xf32, #tpu.memory_space<hbm>>) target_semaphore(%arg13 : memref<!tpu.dma_semaphore, #tpu.memory_space<semaphore_mem>>)
    }
    %scan3A_125 = arith.constant 10 : i32
    %mul3A_126 = arith.constant 1000 : i32
    %mul3A_127 = arith.muli %add3A, %mul3A_126 : i32
    %add3A_128 = arith.constant 2880000 : i32
    %add3A_129 = arith.addi %add3A_128, %mul3A_127 : i32
    %mul3A_130 = arith.constant 1000 : i32
    %mul3A_131 = arith.muli %add3A, %mul3A_130 : i32
    %add3A_132 = arith.constant 2912000 : i32
    %add3A_133 = arith.addi %add3A_132, %mul3A_131 : i32
    %mul3A_134 = arith.constant 1000 : i32
    %mul3A_135 = arith.muli %add3A, %mul3A_134 : i32
    %add3A_136 = arith.constant 2944000 : i32
    %add3A_137 = arith.addi %add3A_136, %mul3A_135 : i32
    %mul3A_138 = arith.constant 1000 : i32
    %mul3A_139 = arith.muli %add3A, %mul3A_138 : i32
    %add3A_140 = arith.constant 2976000 : i32
    %add3A_141 = arith.addi %add3A_140, %mul3A_139 : i32
    %mul3A_142 = arith.constant 1000 : i32
    %mul3A_143 = arith.muli %add3A, %mul3A_142 : i32
    %add3A_144 = arith.constant 3008000 : i32
    %add3A_145 = arith.addi %add3A_144, %mul3A_143 : i32
    %dma_wait3A = arith.constant 0 : i32
    %dma_wait3A_146 = arith.constant 0 : i32
    %dma_wait3A_147 = tpu.memref_slice %arg9[%dma_wait3A, %dma_wait3A_146] : memref<2x5000xf32, #tpu.memory_space<vmem>> -> memref<1x1000xf32, #tpu.memory_space<vmem>>
    %dma_wait3A_148 = tpu.memref_squeeze %dma_wait3A_147 : memref<1x1000xf32, #tpu.memory_space<vmem>> -> memref<1000xf32, #tpu.memory_space<vmem>>
    %dma_wait3A_149 = tpu.memref_slice %arg5[%add3A_129] : memref<3200000xf32, #tpu.memory_space<hbm>> -> memref<1000xf32, #tpu.memory_space<hbm>>
    %dma_wait3A_150 = tpu.memref_slice %arg5[%add3A_129] : memref<3200000xf32, #tpu.memory_space<hbm>> -> memref<1000xf32, #tpu.memory_space<hbm>>
    %dma_wait3A_151 = arith.constant 0 : i32
    %dma_wait3A_152 = tpu.memref_slice %arg9[%dma_wait3A, %dma_wait3A_151] : memref<2x5000xf32, #tpu.memory_space<vmem>> -> memref<1x1000xf32, #tpu.memory_space<vmem>>
    %dma_wait3A_153 = tpu.memref_squeeze %dma_wait3A_152 : memref<1x1000xf32, #tpu.memory_space<vmem>> -> memref<1000xf32, #tpu.memory_space<vmem>>
    tpu.wait_dma2 semaphore(%arg12 : memref<!tpu.dma_semaphore, #tpu.memory_space<semaphore_mem>>) src(%dma_wait3A_153 : memref<1000xf32, #tpu.memory_space<vmem>>) dst(%dma_wait3A_150 : memref<1000xf32, #tpu.memory_space<hbm>>)
    %dma_wait3A_154 = arith.constant 0 : i32
    %dma_wait3A_155 = arith.constant 1000 : i32
    %dma_wait3A_156 = tpu.memref_slice %arg9[%dma_wait3A_154, %dma_wait3A_155] : memref<2x5000xf32, #tpu.memory_space<vmem>> -> memref<1x1000xf32, #tpu.memory_space<vmem>>
    %dma_wait3A_157 = tpu.memref_squeeze %dma_wait3A_156 : memref<1x1000xf32, #tpu.memory_space<vmem>> -> memref<1000xf32, #tpu.memory_space<vmem>>
    %dma_wait3A_158 = tpu.memref_slice %arg5[%add3A_133] : memref<3200000xf32, #tpu.memory_space<hbm>> -> memref<1000xf32, #tpu.memory_space<hbm>>
    %dma_wait3A_159 = tpu.memref_slice %arg5[%add3A_133] : memref<3200000xf32, #tpu.memory_space<hbm>> -> memref<1000xf32, #tpu.memory_space<hbm>>
    %dma_wait3A_160 = arith.constant 1000 : i32
    %dma_wait3A_161 = tpu.memref_slice %arg9[%dma_wait3A_154, %dma_wait3A_160] : memref<2x5000xf32, #tpu.memory_space<vmem>> -> memref<1x1000xf32, #tpu.memory_space<vmem>>
    %dma_wait3A_162 = tpu.memref_squeeze %dma_wait3A_161 : memref<1x1000xf32, #tpu.memory_space<vmem>> -> memref<1000xf32, #tpu.memory_space<vmem>>
    tpu.wait_dma2 semaphore(%arg12 : memref<!tpu.dma_semaphore, #tpu.memory_space<semaphore_mem>>) src(%dma_wait3A_162 : memref<1000xf32, #tpu.memory_space<vmem>>) dst(%dma_wait3A_159 : memref<1000xf32, #tpu.memory_space<hbm>>)
    %dma_wait3A_163 = arith.constant 0 : i32
    %dma_wait3A_164 = arith.constant 2000 : i32
    %dma_wait3A_165 = tpu.memref_slice %arg9[%dma_wait3A_163, %dma_wait3A_164] : memref<2x5000xf32, #tpu.memory_space<vmem>> -> memref<1x1000xf32, #tpu.memory_space<vmem>>
    %dma_wait3A_166 = tpu.memref_squeeze %dma_wait3A_165 : memref<1x1000xf32, #tpu.memory_space<vmem>> -> memref<1000xf32, #tpu.memory_space<vmem>>
    %dma_wait3A_167 = tpu.memref_slice %arg5[%add3A_137] : memref<3200000xf32, #tpu.memory_space<hbm>> -> memref<1000xf32, #tpu.memory_space<hbm>>
    %dma_wait3A_168 = tpu.memref_slice %arg5[%add3A_137] : memref<3200000xf32, #tpu.memory_space<hbm>> -> memref<1000xf32, #tpu.memory_space<hbm>>
    %dma_wait3A_169 = arith.constant 2000 : i32
    %dma_wait3A_170 = tpu.memref_slice %arg9[%dma_wait3A_163, %dma_wait3A_169] : memref<2x5000xf32, #tpu.memory_space<vmem>> -> memref<1x1000xf32, #tpu.memory_space<vmem>>
    %dma_wait3A_171 = tpu.memref_squeeze %dma_wait3A_170 : memref<1x1000xf32, #tpu.memory_space<vmem>> -> memref<1000xf32, #tpu.memory_space<vmem>>
    tpu.wait_dma2 semaphore(%arg12 : memref<!tpu.dma_semaphore, #tpu.memory_space<semaphore_mem>>) src(%dma_wait3A_171 : memref<1000xf32, #tpu.memory_space<vmem>>) dst(%dma_wait3A_168 : memref<1000xf32, #tpu.memory_space<hbm>>)
    %dma_wait3A_172 = arith.constant 0 : i32
    %dma_wait3A_173 = arith.constant 3000 : i32
    %dma_wait3A_174 = tpu.memref_slice %arg9[%dma_wait3A_172, %dma_wait3A_173] : memref<2x5000xf32, #tpu.memory_space<vmem>> -> memref<1x1000xf32, #tpu.memory_space<vmem>>
    %dma_wait3A_175 = tpu.memref_squeeze %dma_wait3A_174 : memref<1x1000xf32, #tpu.memory_space<vmem>> -> memref<1000xf32, #tpu.memory_space<vmem>>
    %dma_wait3A_176 = tpu.memref_slice %arg5[%add3A_141] : memref<3200000xf32, #tpu.memory_space<hbm>> -> memref<1000xf32, #tpu.memory_space<hbm>>
    %dma_wait3A_177 = tpu.memref_slice %arg5[%add3A_141] : memref<3200000xf32, #tpu.memory_space<hbm>> -> memref<1000xf32, #tpu.memory_space<hbm>>
    %dma_wait3A_178 = arith.constant 3000 : i32
    %dma_wait3A_179 = tpu.memref_slice %arg9[%dma_wait3A_172, %dma_wait3A_178] : memref<2x5000xf32, #tpu.memory_space<vmem>> -> memref<1x1000xf32, #tpu.memory_space<vmem>>
    %dma_wait3A_180 = tpu.memref_squeeze %dma_wait3A_179 : memref<1x1000xf32, #tpu.memory_space<vmem>> -> memref<1000xf32, #tpu.memory_space<vmem>>
    tpu.wait_dma2 semaphore(%arg12 : memref<!tpu.dma_semaphore, #tpu.memory_space<semaphore_mem>>) src(%dma_wait3A_180 : memref<1000xf32, #tpu.memory_space<vmem>>) dst(%dma_wait3A_177 : memref<1000xf32, #tpu.memory_space<hbm>>)
    %dma_wait3A_181 = arith.constant 0 : i32
    %dma_wait3A_182 = arith.constant 4000 : i32
    %dma_wait3A_183 = tpu.memref_slice %arg9[%dma_wait3A_181, %dma_wait3A_182] : memref<2x5000xf32, #tpu.memory_space<vmem>> -> memref<1x1000xf32, #tpu.memory_space<vmem>>
    %dma_wait3A_184 = tpu.memref_squeeze %dma_wait3A_183 : memref<1x1000xf32, #tpu.memory_space<vmem>> -> memref<1000xf32, #tpu.memory_space<vmem>>
    %dma_wait3A_185 = tpu.memref_slice %arg5[%add3A_145] : memref<3200000xf32, #tpu.memory_space<hbm>> -> memref<1000xf32, #tpu.memory_space<hbm>>
    %dma_wait3A_186 = tpu.memref_slice %arg5[%add3A_145] : memref<3200000xf32, #tpu.memory_space<hbm>> -> memref<1000xf32, #tpu.memory_space<hbm>>
    %dma_wait3A_187 = arith.constant 4000 : i32
    %dma_wait3A_188 = tpu.memref_slice %arg9[%dma_wait3A_181, %dma_wait3A_187] : memref<2x5000xf32, #tpu.memory_space<vmem>> -> memref<1x1000xf32, #tpu.memory_space<vmem>>
    %dma_wait3A_189 = tpu.memref_squeeze %dma_wait3A_188 : memref<1x1000xf32, #tpu.memory_space<vmem>> -> memref<1000xf32, #tpu.memory_space<vmem>>
    tpu.wait_dma2 semaphore(%arg12 : memref<!tpu.dma_semaphore, #tpu.memory_space<semaphore_mem>>) src(%dma_wait3A_189 : memref<1000xf32, #tpu.memory_space<vmem>>) dst(%dma_wait3A_186 : memref<1000xf32, #tpu.memory_space<hbm>>)
    %mul3A_190 = arith.constant 1000 : i32
    %mul3A_191 = arith.muli %add3A, %mul3A_190 : i32
    %add3A_192 = arith.constant 3040000 : i32
    %add3A_193 = arith.addi %add3A_192, %mul3A_191 : i32
    %mul3A_194 = arith.constant 1000 : i32
    %mul3A_195 = arith.muli %add3A, %mul3A_194 : i32
    %add3A_196 = arith.constant 3072000 : i32
    %add3A_197 = arith.addi %add3A_196, %mul3A_195 : i32
    %mul3A_198 = arith.constant 1000 : i32
    %mul3A_199 = arith.muli %add3A, %mul3A_198 : i32
    %add3A_200 = arith.constant 3104000 : i32
    %add3A_201 = arith.addi %add3A_200, %mul3A_199 : i32
    %mul3A_202 = arith.constant 1000 : i32
    %mul3A_203 = arith.muli %add3A, %mul3A_202 : i32
    %add3A_204 = arith.constant 3136000 : i32
    %add3A_205 = arith.addi %add3A_204, %mul3A_203 : i32
    %mul3A_206 = arith.constant 1000 : i32
    %mul3A_207 = arith.muli %add3A, %mul3A_206 : i32
    %add3A_208 = arith.constant 3168000 : i32
    %add3A_209 = arith.addi %add3A_208, %mul3A_207 : i32
    %dma_wait3A_210 = arith.constant 1 : i32
    %dma_wait3A_211 = arith.constant 0 : i32
    %dma_wait3A_212 = tpu.memref_slice %arg9[%dma_wait3A_210, %dma_wait3A_211] : memref<2x5000xf32, #tpu.memory_space<vmem>> -> memref<1x1000xf32, #tpu.memory_space<vmem>>
    %dma_wait3A_213 = tpu.memref_squeeze %dma_wait3A_212 : memref<1x1000xf32, #tpu.memory_space<vmem>> -> memref<1000xf32, #tpu.memory_space<vmem>>
    %dma_wait3A_214 = tpu.memref_slice %arg5[%add3A_193] : memref<3200000xf32, #tpu.memory_space<hbm>> -> memref<1000xf32, #tpu.memory_space<hbm>>
    %dma_wait3A_215 = tpu.memref_slice %arg5[%add3A_193] : memref<3200000xf32, #tpu.memory_space<hbm>> -> memref<1000xf32, #tpu.memory_space<hbm>>
    %dma_wait3A_216 = arith.constant 0 : i32
    %dma_wait3A_217 = tpu.memref_slice %arg9[%dma_wait3A_210, %dma_wait3A_216] : memref<2x5000xf32, #tpu.memory_space<vmem>> -> memref<1x1000xf32, #tpu.memory_space<vmem>>
    %dma_wait3A_218 = tpu.memref_squeeze %dma_wait3A_217 : memref<1x1000xf32, #tpu.memory_space<vmem>> -> memref<1000xf32, #tpu.memory_space<vmem>>
    tpu.wait_dma2 semaphore(%arg13 : memref<!tpu.dma_semaphore, #tpu.memory_space<semaphore_mem>>) src(%dma_wait3A_218 : memref<1000xf32, #tpu.memory_space<vmem>>) dst(%dma_wait3A_215 : memref<1000xf32, #tpu.memory_space<hbm>>)
    %dma_wait3A_219 = arith.constant 1 : i32
    %dma_wait3A_220 = arith.constant 1000 : i32
    %dma_wait3A_221 = tpu.memref_slice %arg9[%dma_wait3A_219, %dma_wait3A_220] : memref<2x5000xf32, #tpu.memory_space<vmem>> -> memref<1x1000xf32, #tpu.memory_space<vmem>>
    %dma_wait3A_222 = tpu.memref_squeeze %dma_wait3A_221 : memref<1x1000xf32, #tpu.memory_space<vmem>> -> memref<1000xf32, #tpu.memory_space<vmem>>
    %dma_wait3A_223 = tpu.memref_slice %arg5[%add3A_197] : memref<3200000xf32, #tpu.memory_space<hbm>> -> memref<1000xf32, #tpu.memory_space<hbm>>
    %dma_wait3A_224 = tpu.memref_slice %arg5[%add3A_197] : memref<3200000xf32, #tpu.memory_space<hbm>> -> memref<1000xf32, #tpu.memory_space<hbm>>
    %dma_wait3A_225 = arith.constant 1000 : i32
    %dma_wait3A_226 = tpu.memref_slice %arg9[%dma_wait3A_219, %dma_wait3A_225] : memref<2x5000xf32, #tpu.memory_space<vmem>> -> memref<1x1000xf32, #tpu.memory_space<vmem>>
    %dma_wait3A_227 = tpu.memref_squeeze %dma_wait3A_226 : memref<1x1000xf32, #tpu.memory_space<vmem>> -> memref<1000xf32, #tpu.memory_space<vmem>>
    tpu.wait_dma2 semaphore(%arg13 : memref<!tpu.dma_semaphore, #tpu.memory_space<semaphore_mem>>) src(%dma_wait3A_227 : memref<1000xf32, #tpu.memory_space<vmem>>) dst(%dma_wait3A_224 : memref<1000xf32, #tpu.memory_space<hbm>>)
    %dma_wait3A_228 = arith.constant 1 : i32
    %dma_wait3A_229 = arith.constant 2000 : i32
    %dma_wait3A_230 = tpu.memref_slice %arg9[%dma_wait3A_228, %dma_wait3A_229] : memref<2x5000xf32, #tpu.memory_space<vmem>> -> memref<1x1000xf32, #tpu.memory_space<vmem>>
    %dma_wait3A_231 = tpu.memref_squeeze %dma_wait3A_230 : memref<1x1000xf32, #tpu.memory_space<vmem>> -> memref<1000xf32, #tpu.memory_space<vmem>>
    %dma_wait3A_232 = tpu.memref_slice %arg5[%add3A_201] : memref<3200000xf32, #tpu.memory_space<hbm>> -> memref<1000xf32, #tpu.memory_space<hbm>>
    %dma_wait3A_233 = tpu.memref_slice %arg5[%add3A_201] : memref<3200000xf32, #tpu.memory_space<hbm>> -> memref<1000xf32, #tpu.memory_space<hbm>>
    %dma_wait3A_234 = arith.constant 2000 : i32
    %dma_wait3A_235 = tpu.memref_slice %arg9[%dma_wait3A_228, %dma_wait3A_234] : memref<2x5000xf32, #tpu.memory_space<vmem>> -> memref<1x1000xf32, #tpu.memory_space<vmem>>
    %dma_wait3A_236 = tpu.memref_squeeze %dma_wait3A_235 : memref<1x1000xf32, #tpu.memory_space<vmem>> -> memref<1000xf32, #tpu.memory_space<vmem>>
    tpu.wait_dma2 semaphore(%arg13 : memref<!tpu.dma_semaphore, #tpu.memory_space<semaphore_mem>>) src(%dma_wait3A_236 : memref<1000xf32, #tpu.memory_space<vmem>>) dst(%dma_wait3A_233 : memref<1000xf32, #tpu.memory_space<hbm>>)
    %dma_wait3A_237 = arith.constant 1 : i32
    %dma_wait3A_238 = arith.constant 3000 : i32
    %dma_wait3A_239 = tpu.memref_slice %arg9[%dma_wait3A_237, %dma_wait3A_238] : memref<2x5000xf32, #tpu.memory_space<vmem>> -> memref<1x1000xf32, #tpu.memory_space<vmem>>
    %dma_wait3A_240 = tpu.memref_squeeze %dma_wait3A_239 : memref<1x1000xf32, #tpu.memory_space<vmem>> -> memref<1000xf32, #tpu.memory_space<vmem>>
    %dma_wait3A_241 = tpu.memref_slice %arg5[%add3A_205] : memref<3200000xf32, #tpu.memory_space<hbm>> -> memref<1000xf32, #tpu.memory_space<hbm>>
    %dma_wait3A_242 = tpu.memref_slice %arg5[%add3A_205] : memref<3200000xf32, #tpu.memory_space<hbm>> -> memref<1000xf32, #tpu.memory_space<hbm>>
    %dma_wait3A_243 = arith.constant 3000 : i32
    %dma_wait3A_244 = tpu.memref_slice %arg9[%dma_wait3A_237, %dma_wait3A_243] : memref<2x5000xf32, #tpu.memory_space<vmem>> -> memref<1x1000xf32, #tpu.memory_space<vmem>>
    %dma_wait3A_245 = tpu.memref_squeeze %dma_wait3A_244 : memref<1x1000xf32, #tpu.memory_space<vmem>> -> memref<1000xf32, #tpu.memory_space<vmem>>
    tpu.wait_dma2 semaphore(%arg13 : memref<!tpu.dma_semaphore, #tpu.memory_space<semaphore_mem>>) src(%dma_wait3A_245 : memref<1000xf32, #tpu.memory_space<vmem>>) dst(%dma_wait3A_242 : memref<1000xf32, #tpu.memory_space<hbm>>)
    %dma_wait3A_246 = arith.constant 1 : i32
    %dma_wait3A_247 = arith.constant 4000 : i32
    %dma_wait3A_248 = tpu.memref_slice %arg9[%dma_wait3A_246, %dma_wait3A_247] : memref<2x5000xf32, #tpu.memory_space<vmem>> -> memref<1x1000xf32, #tpu.memory_space<vmem>>
    %dma_wait3A_249 = tpu.memref_squeeze %dma_wait3A_248 : memref<1x1000xf32, #tpu.memory_space<vmem>> -> memref<1000xf32, #tpu.memory_space<vmem>>
    %dma_wait3A_250 = tpu.memref_slice %arg5[%add3A_209] : memref<3200000xf32, #tpu.memory_space<hbm>> -> memref<1000xf32, #tpu.memory_space<hbm>>
    %dma_wait3A_251 = tpu.memref_slice %arg5[%add3A_209] : memref<3200000xf32, #tpu.memory_space<hbm>> -> memref<1000xf32, #tpu.memory_space<hbm>>
    %dma_wait3A_252 = arith.constant 4000 : i32
    %dma_wait3A_253 = tpu.memref_slice %arg9[%dma_wait3A_246, %dma_wait3A_252] : memref<2x5000xf32, #tpu.memory_space<vmem>> -> memref<1x1000xf32, #tpu.memory_space<vmem>>
    %dma_wait3A_254 = tpu.memref_squeeze %dma_wait3A_253 : memref<1x1000xf32, #tpu.memory_space<vmem>> -> memref<1000xf32, #tpu.memory_space<vmem>>
    tpu.wait_dma2 semaphore(%arg13 : memref<!tpu.dma_semaphore, #tpu.memory_space<semaphore_mem>>) src(%dma_wait3A_254 : memref<1000xf32, #tpu.memory_space<vmem>>) dst(%dma_wait3A_251 : memref<1000xf32, #tpu.memory_space<hbm>>)
    return
  }
}

module attributes {stable_mosaic.version = 14 : i64} {
  func.func @_tc_body(%arg0: i32, %arg1: memref<25600xf32, #tpu.memory_space<vmem>>, %arg2: memref<16x1xf32, #tpu.memory_space<vmem>>, %arg3: memref<1x1xf32, #tpu.memory_space<vmem>>, %arg4: memref<1x25600x16xf32, #tpu.memory_space<vmem>>) attributes {dimension_semantics = [#tpu.dimension_semantics<arbitrary>], iteration_bounds = array<i64: 125>, scalar_prefetch = 0 : i64, scratch_operands = 0 : i64, tpu.core_type = #tpu.core_type<tc>, window_params = [{transform_indices = @transform_0, window_bounds = array<i64: 25600>}, {pipeline_mode = #tpu.pipeline_mode<synchronous>, transform_indices = @transform_1, window_bounds = array<i64: 16, 1>}, {pipeline_mode = #tpu.pipeline_mode<synchronous>, transform_indices = @transform_2, window_bounds = array<i64: 1, 1>}, {transform_indices = @transform_3, window_bounds = array<i64: 1, 25600, 16>}]} {
    %get3A = arith.constant 0 : index
    %get3A_0 = arith.constant 0 : index
    %get3A_1 = vector.load %arg3[%get3A, %get3A_0] : memref<1x1xf32, #tpu.memory_space<vmem>>, vector<1x1xf32>
    %get3A_2 = vector.extract %get3A_1[0, 0] : f32 from vector<1x1xf32>
    %get3A_3 = arith.constant 0 : index
    %get3A_4 = vector.load %arg1[%get3A_3] : memref<25600xf32, #tpu.memory_space<vmem>>, vector<25600xf32>
    %reshape3A = vector.shape_cast %get3A_4 : vector<25600xf32> to vector<1x25600xf32>
    %sqrt3A = math.sqrt %reshape3A : vector<1x25600xf32>
    %le3A = arith.constant 5.200000e+00 : f32
    %le3A_5 = vector.broadcast %le3A : f32 to vector<1x25600xf32>
    %le3A_6 = arith.cmpf ole, %sqrt3A, %le3A_5 : vector<1x25600xf32>
    %mul3A = arith.constant 0.604152441 : f32
    %mul3A_7 = vector.broadcast %mul3A : f32 to vector<1x25600xf32>
    %mul3A_8 = arith.mulf %sqrt3A, %mul3A_7 : vector<1x25600xf32>
    %cos3A = math.cos %mul3A_8 : vector<1x25600xf32>
    %mul3A_9 = arith.constant 5.000000e-01 : f32
    %mul3A_10 = vector.broadcast %mul3A_9 : f32 to vector<1x25600xf32>
    %mul3A_11 = arith.mulf %mul3A_10, %cos3A : vector<1x25600xf32>
    %add3A = arith.constant 5.000000e-01 : f32
    %add3A_12 = vector.broadcast %add3A : f32 to vector<1x25600xf32>
    %add3A_13 = arith.addf %mul3A_11, %add3A_12 : vector<1x25600xf32>
    %jit3A = arith.constant 0.000000e+00 : f32
    %broadcast_in_dim3A = vector.broadcast %jit3A : f32 to vector<1x25600xf32>
    %select_n3A = arith.select %le3A_6, %add3A_13, %broadcast_in_dim3A : vector<1x25600xi1>, vector<1x25600xf32>
    %mul3A_14 = arith.constant 2.500000e-01 : f32
    %mul3A_15 = vector.broadcast %mul3A_14 : f32 to vector<1x25600xf32>
    %mul3A_16 = arith.mulf %select_n3A, %mul3A_15 : vector<1x25600xf32>
    %broadcast_in_dim3A_17 = vector.shape_cast %sqrt3A : vector<1x25600xf32> to vector<1x25600xf32>
    %broadcast_in_dim3A_18 = vector.broadcast %broadcast_in_dim3A_17 : vector<1x25600xf32> to vector<16x25600xf32>
    %broadcast_in_dim3A_19 = vector.shape_cast %mul3A_16 : vector<1x25600xf32> to vector<1x25600xf32>
    %broadcast_in_dim3A_20 = vector.broadcast %broadcast_in_dim3A_19 : vector<1x25600xf32> to vector<16x25600xf32>
    %get3A_21 = arith.constant 0 : index
    %get3A_22 = arith.constant 0 : index
    %get3A_23 = vector.load %arg2[%get3A_21, %get3A_22] : memref<16x1xf32, #tpu.memory_space<vmem>>, vector<16x1xf32>
    %broadcast_in_dim3A_24 = vector.shape_cast %get3A_23 : vector<16x1xf32> to vector<16x1xf32>
    %broadcast_in_dim3A_25 = vector.broadcast %broadcast_in_dim3A_24 : vector<16x1xf32> to vector<16x25600xf32>
    %sub3A = arith.subf %broadcast_in_dim3A_18, %broadcast_in_dim3A_25 : vector<16x25600xf32>
    %mul3A_26 = arith.mulf %sub3A, %sub3A : vector<16x25600xf32>
    %neg3A = arith.constant 0.000000e+00 : f32
    %neg3A_27 = arith.subf %neg3A, %get3A_2 : f32
    %mul3A_28 = vector.broadcast %neg3A_27 : f32 to vector<16x25600xf32>
    %mul3A_29 = arith.mulf %mul3A_26, %mul3A_28 : vector<16x25600xf32>
    %exp3A = math.exp %mul3A_29 : vector<16x25600xf32>
    %mul3A_30 = arith.mulf %broadcast_in_dim3A_20, %exp3A : vector<16x25600xf32>
    %iota3A = tpu.iota {dimensions = array<i32: 0>} : vector<16x16xi32>
    %iota3A_31 = tpu.iota {dimensions = array<i32: 1>} : vector<16x16xi32>
    %eq3A = arith.cmpi eq, %iota3A, %iota3A_31 : vector<16x16xi32>
    %convert_element_type3A = arith.extui %eq3A : vector<16x16xi1> to vector<16x16xi32>
    %convert_element_type3A_32 = arith.sitofp %convert_element_type3A : vector<16x16xi32> to vector<16x16xf32>
    %dot_general3A = arith.constant dense<0.000000e+00> : vector<25600x16xf32>
    %dot_general3A_33 = tpu.matmul %mul3A_30, %convert_element_type3A_32, %dot_general3A {dimension_numbers = #tpu.dot_dimension_numbers<[0], [0], [1], [1], [0, 1, 1, 1], [], []>, transpose_lhs_hint = false} : vector<16x25600xf32>, vector<16x16xf32>, vector<25600x16xf32> -> vector<25600x16xf32>
    %swap3A = arith.constant 0 : index
    %swap3A_34 = arith.constant 0 : index
    %swap3A_35 = arith.constant 0 : index
    %swap3A_36 = vector.load %arg4[%swap3A, %swap3A_34, %swap3A_35] : memref<1x25600x16xf32, #tpu.memory_space<vmem>>, vector<1x25600x16xf32>
    %swap3A_37 = vector.shape_cast %swap3A_36 : vector<1x25600x16xf32> to vector<25600x16xf32>
    %swap3A_38 = vector.shape_cast %dot_general3A_33 : vector<25600x16xf32> to vector<1x25600x16xf32>
    tpu.vector_store %arg4[%swap3A, %swap3A_34, %swap3A_35], %swap3A_38 {strides = array<i32>} : memref<1x25600x16xf32, #tpu.memory_space<vmem>>, vector<1x25600x16xf32>,
    return
  }
  func.func @transform_0(%arg0: i32) -> i32 {
    %c0_i32 = arith.constant 0 : i32
    return %arg0 : i32
  }
  func.func @transform_1(%arg0: i32) -> (i32, i32) {
    %c0_i32 = arith.constant 0 : i32
    %c0_i32_0 = arith.constant 0 : i32
    %c0_i32_1 = arith.constant 0 : i32
    return %c0_i32, %c0_i32_0 : i32, i32
  }
  func.func @transform_2(%arg0: i32) -> (i32, i32) {
    %c0_i32 = arith.constant 0 : i32
    %c0_i32_0 = arith.constant 0 : i32
    %c0_i32_1 = arith.constant 0 : i32
    return %c0_i32, %c0_i32_0 : i32, i32
  }
  func.func @transform_3(%arg0: i32) -> (i32, i32, i32) {
    %c0_i32 = arith.constant 0 : i32
    %c0_i32_0 = arith.constant 0 : i32
    %c0_i32_1 = arith.constant 0 : i32
    return %arg0, %c0_i32, %c0_i32_0 : i32, i32, i32
  }
}

</mosaic_0001>

<sc_bundles>
// kernel: kernel.4.cloned.1.call-start
scs
__scs_entry_jumppad:
0x0: {  	(pc) =	sbr.rel $0x88, $3  }
0x1: {  	(tag) =	ssettag $0x0;
	lr =	simm.s32 $0x1  }
0x2: {  	[smem:$0x3F9D] =	sst lr;
	_ =	strace $0xD0000000  }
0x3: {  	_ = 	snop  }
0x4: {  	_ = 	snop  }
0x5: {  	_ = 	snop  }
0x6: {  	_ = 	snop  }
0x7: {  	_ = 	snop  }
__scs_overlays_trampoline_lowered:
0x8: {  	[smem:$0x3FAC] =	sst s0  }
0x9: {  	[smem:$0x3FAD] =	sst s1  }
0xa: {  	[smem:$0x3FAE] =	sst s2  }
0xb: {  	[smem:$0x3FAF] =	sst s3  }
0xc: {  	[smem:$0x3FB0] =	sst s4  }
0xd: {  	[smem:$0x3FB1] =	sst s5  }
0xe: {  	[smem:$0x3FB2] =	sst s6  }
0xf: {  	[smem:$0x3FB3] =	sst s7  }
0x10: {  	[smem:$0x3FB4] =	sst s8  }
0x11: {  	[smem:$0x3FB5] =	sst s9;
	s0 =	simm.s32 @!p0 $0x0  }
0x12: {  	s1 =	sld [smem:$0x3F9B];
	s0 =	simm.s32 @p0 $0x1  }
0x13: {  	[smem:$0x3FB6] =	sst s0;
	s0 =	simm.s32 @!p1 $0x0  }
0x14: {  	s2 =	sld [smem:$0x3F9A];
	s0 =	simm.s32 @p1 $0x1  }
0x15: {  	[smem:$0x3FB7] =	sst s0;
	s0 =	simm.s32 @!p2 $0x0  }
0x16: {  	s3 =	sld [smem:$0x3FDB];
	s0 =	simm.s32 @p2 $0x1  }
0x17: {  	s4 =	simm.s32 $0x1BF5;
	[smem:$0x3FB9] =	sst s0  }
0x18: {  	s0 =	sld [smem:$0x3F9C];
	_ =	swait.ge [sflag:s4], $0x0  }
0x19: {  	s7 =	sld [smem:$0x3F9D]  }
0x1a: {  	s8 =	sadd.s32 $0xFFFFE003, lr  }
0x1b: {  	s9 =	sadd.s32 $0xFFFFFEF7, lr;
	s5 =	simm.s32 $0xFFFFFFFF;
	p2 =	slt.u32 s8, $0xFFFFF086  }
0x1c: {  	p1 =	slt.u32 s9, $0xF7A;
	s5 =	simm.s32 @!p2 $0x0  }
0x1d: {  	s5 =	simm.s32 @p1 $0x1;
	p0 =	seq.s32 s7, s2  }
0x1e: {  	s7 =	smul.u32 @!p0 $0xF7A, s2;
	p2 =	seq.s32 @!p0 s5, $0x0  }
0x1f: {  	s9 =	smul.u32 $0xF7A, s1;
	s8 =	simm.s32 @!p0 $0x1BF5;
	p2 =	por !p2, p0  }
0x20: {  	[sflag:s8] =	ssyncset.s32 @!p0 $0xFFFFF086;
	s6 =	sadd.s32 @!p0 s3, s7;
	s7 =	simm.s32 @!p0 $0x108  }
0x21: {  	s3 =	sadd.s32 s3, s9;
	s6 =	sadd.s32 @!p0 $0x88, s6;
	s7 =	simm.s32 @p2 $0x1082  }
0x22: {  	[simem:s7], [sflag:s8] =	dma.local @!p0 [hbm:s6], $0xF7A  }
0x23: {  	s9 =	sor.u32 $0xD0000000, s2;
	s6 =	simm.s32 $0x108;
	_ =	swait.ge @!p0 [sflag:s8], $0x0  }
0x24: {  	s3 =	sadd.s32 $0x88, s3;
	s6 =	simm.s32 @!p1 $0x1082;
	[sflag:s4] =	ssyncset.s32 $0xFFFFF086  }
0x25: {  	[simem:s6], [sflag:s4] =	dma.local [hbm:s3], $0xF7A  }
0x26: {  	[smem:$0x3F9D] =	sst s1;
	(tag) =	ssettag s2;
	_ =	strace s9  }
0x27: {  	s1 =	sld [smem:$0x3FAD]  }
0x28: {  	s2 =	sld [smem:$0x3FAE]  }
0x29: {  	s4 =	sld [smem:$0x3FB0]  }
0x2a: {  	p0 =	seq.s32 s5, $0x0;
	s5 =	sld [smem:$0x3FB1]  }
0x2b: {  	s6 =	sld [smem:$0x3FB2]  }
0x2c: {  	s7 =	sld [smem:$0x3FB3]  }
0x2d: {  	s3 =	simm.s32 $0x108;
	s8 =	sld [smem:$0x3FB4]  }
0x2e: {  	s3 =	simm.s32 @!p0 $0x1082;
	s9 =	sld [smem:$0x3FB5]  }
0x2f: {  	lr =	sadd.s32 s0, s3;
	s0 =	sld [smem:$0x3FAC]  }
0x30: {  	s3 =	sld [smem:$0x3FAF]  }
0x31: {  	[smem:$0x3FB8] =	sst s10  }
0x32: {  	s10 =	sld [smem:$0x3FB6];
	_ =	sdelay $0x3  }
0x33: {  	p0 =	seq.s32 s10, $0x1;
	s10 =	sld [smem:$0x3FB8];
	_ =	sdelay $0x3  }
0x34: {  	[smem:$0x3FB8] =	sst s10  }
0x35: {  	s10 =	sld [smem:$0x3FB7];
	_ =	sdelay $0x3  }
0x36: {  	p1 =	seq.s32 s10, $0x1;
	s10 =	sld [smem:$0x3FB8];
	_ =	sdelay $0x3  }
0x37: {  	[smem:$0x3FB8] =	sst s10  }
0x38: {  	s10 =	sld [smem:$0x3FB9]  }
0x39: {  	_ = 	snop;
	(pc) =	sbr.ind lr, $3  }
0x3a: {  	_ = 	snop  }
0x3b: {  	_ = 	snop  }
0x3c: {  	p2 =	seq.s32 s10, $0x1;
	s10 =	sld [smem:$0x3FB8]  }
0x3d: {  	_ =	shalt  }
0x3e: {  	_ =	shalt  }
0x3f: {  	_ =	shalt  }
0x40: {  	_ =	shalt  }
0x41: {  	_ =	shalt  }
0x42: {  	_ =	shalt  }
0x43: {  	_ =	shalt  }
0x44: {  	_ =	shalt  }
0x45: {  	_ =	shalt  }
0x46: {  	_ =	shalt  }
0x47: {  	_ =	shalt  }
0x48: {  	_ =	shalt  }
0x49: {  	_ =	shalt  }
0x4a: {  	_ =	shalt  }
0x4b: {  	_ =	shalt  }
0x4c: {  	_ =	shalt  }
0x4d: {  	_ =	shalt  }
0x4e: {  	_ =	shalt  }
0x4f: {  	_ =	shalt  }
0x50: {  	_ =	shalt  }
0x51: {  	_ =	shalt  }
0x52: {  	_ =	shalt  }
0x53: {  	_ =	shalt  }
0x54: {  	_ =	shalt  }
0x55: {  	_ =	shalt  }
0x56: {  	_ =	shalt  }
0x57: {  	_ =	shalt  }
0x58: {  	_ =	shalt  }
0x59: {  	_ =	shalt  }
0x5a: {  	_ =	shalt  }
0x5b: {  	_ =	shalt  }
0x5c: {  	_ =	shalt  }
0x5d: {  	_ =	shalt  }
0x5e: {  	_ =	shalt  }
0x5f: {  	_ =	shalt  }
0x60: {  	_ =	shalt  }
0x61: {  	_ =	shalt  }
0x62: {  	_ =	shalt  }
0x63: {  	_ =	shalt  }
0x64: {  	_ =	shalt  }
0x65: {  	_ =	shalt  }
0x66: {  	_ =	shalt  }
0x67: {  	_ =	shalt  }
0x68: {  	_ =	shalt  }
0x69: {  	_ =	shalt  }
0x6a: {  	_ =	shalt  }
0x6b: {  	_ =	shalt  }
0x6c: {  	_ =	shalt  }
0x6d: {  	_ =	shalt  }
0x6e: {  	_ =	shalt  }
0x6f: {  	_ =	shalt  }
0x70: {  	_ =	shalt  }
0x71: {  	_ =	shalt  }
0x72: {  	_ =	shalt  }
0x73: {  	_ =	shalt  }
0x74: {  	_ =	shalt  }
0x75: {  	_ =	shalt  }
0x76: {  	_ =	shalt  }
0x77: {  	_ =	shalt  }
0x78: {  	_ =	shalt  }
0x79: {  	_ =	shalt  }
0x7a: {  	_ =	shalt  }
0x7b: {  	_ =	shalt  }
0x7c: {  	_ =	shalt  }
0x7d: {  	_ =	shalt  }
0x7e: {  	_ =	shalt  }
0x7f: {  	_ =	shalt  }
0x80: {  	_ =	shalt  }
0x81: {  	_ =	shalt  }
0x82: {  	_ =	shalt  }
0x83: {  	_ =	shalt  }
0x84: {  	_ =	shalt  }
0x85: {  	_ =	shalt  }
0x86: {  	_ =	shalt  }
0x87: {  	_ =	shalt  }
.Lfunc_end0:
.L_simem_size_0:
called_computation.1_lowered:
.L_overlay_start_0:
0x88: {  	s2 =	sld [smem:$0x3FD9]  }
0x89: {  	s3 =	sld [smem:$0x3FFE];
	_ =	sdelay $0x1  }
0x8a: {  	s1 =	srdreg.scid  }
0x8b: {  	s0 =	sand.u32 $0x1, s1  }
0x8c: {  	s14 =	sshll.u32 s0, $0xA;
	s2 =	sadd.s32 s3, s2  }
0x8d: {  	s2 =	sadd.s32 s2, s14  }
0x8e: {  	[smem:$0x3FC4] =	sst s2  }
0x8f: {  	_ = 	snop  }
0x90: {  	s2 =	sld [smem:$0x3FD0];
	_ =	sdelay $0x2  }
0x91: {  	s15 =	simm.s32 $0xA;
	s4 =	simm.s32 $0x10  }
0x92: {  	[smem:s4], [sflag:s15] =	dma.local [hbm:s2], $0x1  }
0x93: {  	_ =	swait.eq [sflag:s15], $0x1  }
0x94: {  	[sflag:s15] =	ssyncset.done $0x0  }
0x95: {  	s16 =	sld [smem:$0x10];
	[sflag:s15] =	ssyncadd.s32 $0xFFFFFFFF  }
0x96: {  	s17 =	sld [smem:$0x11];
	(tm) =	ssettm $0x1  }
0x97: {  	s18 =	sld [smem:$0x3FFB];
	_ =	sdelay $0x3  }
0x98: {  	_ =	strace s18  }
0x99: {  	s4 =	sld [smem:$0x3FFC];
	_ =	sdelay $0x3  }
0x9a: {  	_ =	strace s4  }
0x9b: {  	s4 =	sld [smem:$0x3FFD];
	_ =	sdelay $0x3  }
0x9c: {  	_ =	strace s4  }
0x9d: {  	_ =	strace $0x8FFFFFFF  }
0x9e: {  	s19 =	sld [smem:$0x3FDB];
	_ =	sdelay $0x1  }
0x9f: {  	s5 =	simm.s32 $_scs_section_size  }
0xa0: {  	s6 =	simm.s32 $_size__tile_overlayer_lowered;
	s7 =	simm.s32 $_tile_overlayer_lowered  }
0xa1: {  	s22 =	simm.s32 $0x1BFF;
	s21 =	sshll.u32 s7, $0x1;
	s4 =	sadd.s32 s5, s19  }
0xa2: {  	s8 =	simm.s32 $0x0;
	s20 =	sshll.u32 s6, $0x1;
	s6 =	sadd.s32 s21, s4  }
0xa3: {  	[timem:s8], [sflag:s22] =	dma.local [hbm:s6], s20  }
0xa4: {  	_ =	swait.ge [sflag:s22], s20  }
0xa5: {  	s5 =	ssub.s32 $0x0, s20;
	[sflag:s22] =	ssyncset.done $0x0  }
0xa6: {  	[sflag:s22] =	ssyncadd.s32 s5;
	_ =	sdelay $0x1  }
0xa7: {  	s23 =	simm.s32 $0x1B8B  }
0xa8: {  	_ =	swait.ge [sflag:s23], $0x1  }
0xa9: {  	[sflag:s23] =	ssyncset.done $0x0  }
0xaa: {  	s25 =	simm.s32 $0x1B8E;
	s24 =	sld [smem:$0x3FFE];
	[sflag:s23] =	ssyncadd.s32 $0xFFFFFFFF  }
0xab: {  	s26 =	simm.s32 $execute0_lowered;
	[smem:$0x3FD2] =	sst s25  }
0xac: {  	s6 =	sshll.u32 s26, $0x1;
	_ =	strace $0x80000046;
	[dreg:$0x1] =	wrdreg $0xFFFFFFFF  }
0xad: {  	s28 =	simm.s32 $_size_execute0_lowered;
	s4 =	sadd.s32 s4, s6;
	[dreg:$0x0] =	wrdreg $0x0  }
0xae: {  	s6 =	sshll.u32 s28, $0x1;
	[dreg:$0x2] =	wrdreg s4  }
0xaf: {  	[dreg:$0x3] =	wrdreg s6  }
0xb0: {  	[dreg:$0x4] =	wrdreg $0xC0  }
0xb1: {  	_ =	task [dreg:s8], $0x5FFFF  }
0xb2: {  	[dreg:$0x1] =	wrdreg $0xFFFFFFFF  }
0xb3: {  	[dreg:$0x0] =	wrdreg $0x60  }
0xb4: {  	[dreg:$0x2] =	wrdreg s17  }
0xb5: {  	[dreg:$0x3] =	wrdreg s16  }
0xb6: {  	[dreg:$0x4] =	wrdreg s24  }
0xb7: {  	[dreg:$0x5] =	wrdreg $0x9  }
0xb8: {  	_ =	task.clear_ibuf [dreg:s8], $0x6FFFF;
	_ =	strace $0x90000046  }
0xb9: {  	s29 =	simm.s32 $0x9;
	_ =	strace $0x80000048  }
0xba: {  	_ =	swait.ge [sflag:s29], $0x1  }
0xbb: {  	[sflag:s29] =	ssyncadd.s32 $0xFFFFFFFF  }
0xbc: {  	_ =	strace $0x90000048  }
0xbd: {  	_ =	sfence  }
0xbe: {  	s30 =	sld [smem:$0x0];
	_ =	sdelay $0x2  }
0xbf: {  	s31 =	sshll.u32 s1, $0xD;
	s1 =	sshrl.u32 s1, $0x2  }
0xc0: {  	s3 =	sand.u32 $0x4000, s31;
	s1 =	sadd.s32 s1, s30  }
0xc1: {  	s0 =	sor.u32 s3, s0;
	s1 =	sshll.u32 s1, $0x11  }
0xc2: {  	s0 =	sor.u32 s1, s0  }
0xc3: {  	s0 =	sadd.s32 $0x8F2B, s0  }
0xc4: {  	[sflag:s0] =	ssyncadd.remote.s32 $0x1  }
0xc5: {  	_ =	sfence.sel $0xFFFF  }
0xc6: {  	[dreg:$0x0] =	wrdreg $0xFFFFFFFF;
	(pc) =	sbr.abs _section_cstart, $3  }
0xc7: {  	[dreg:$0x1] =	wrdreg $0xFFFFFFFF  }
0xc8: {  	_ =	task.clear_ibuf [dreg:s8], $0x2FFFF;
	_ =	strace $0x9FFFFFFF  }
0xc9: {  	(tm) =	ssettm $0x7FFFFFFF  }
tec
execute0_lowered:
.L_overlay_start_1:
0x0: {  	(tag) =	ssettag $0x1  }
0x1: {  	s1 =	rddreg [dreg:$0x0]  }
0x2: {  	s3 =	rddreg [dreg:$0x1]  }
0x3: {  	s2 =	srdreg.scid;
	s5 =	stileid.u32  }
0x4: {  	s0 =	rddreg [dreg:$0x2];
	s2 =	sand.u32 $0x1, s2;
	s5 =	sshll.u32 s5, $0x1  }
0x5: {  	s4 =	simm.s32 $0x0;
	s13 =	simm.s32 $0x88B8;
	s5 =	sor.u32 s2, s5  }
0x6: {  	[smem:$0x7FF] =	sst s4;
	s2 =	ssub.s32 $0x2, s2;
	s5 =	smul.u32 $0x3E8, s5  }
0x7: {  	s6 =	sadd.s32 $0x1000, s0;
	s7 =	sadd.s32 $0xA400, s0;
	s21 =	sshrl.u32 s2, $0x1  }
0x8: {  	_ =	strace $0x80000047;
	s0 =	ssub.s32 s2, s21;
	s8 =	sadd.s32 $0x7D00, s5  }
0x9: {  	s9 =	sadd.s32 $0xFA00, s5;
	s22 =	sshrl.u32 s5, $0x3;
	s0 =	smax.u32 s0, $0x1  }
0xa: {  	s10 =	sadd.s32 $0x17700, s5;
	s12 =	sadd.s32 s1, s22;
	[dreg:$0xe] =	wrdreg s0  }
0xb: {  	s2 =	sadd.s32 s3, s22;
	s23 =	sshrl.u32 s8, $0x3;
	[dreg:$0x4] =	wrdreg s12  }
0xc: {  	s11 =	sadd.s32 $0x1F400, s5;
	[dreg:$0x5] =	wrdreg s2;
	s24 =	sadd.s32 s1, s23  }
0xd: {  	s25 =	sshrl.u32 s9, $0x3;
	s2 =	sadd.s32 s3, s23;
	[dreg:$0x6] =	wrdreg s24  }
0xe: {  	s28 =	sshrl.u32 s10, $0x3;
	s26 =	sadd.s32 s1, s25;
	[dreg:$0x7] =	wrdreg s2  }
0xf: {  	s30 =	sshrl.u32 s11, $0x3;
	s29 =	sadd.s32 s1, s28;
	[dreg:$0x8] =	wrdreg s26  }
0x10: {  	s14 =	simm.s32 $0x1;
	s31 =	sadd.s32 s1, s30;
	[dreg:$0xa] =	wrdreg s29  }
0x11: {  	s20 =	simm.s32 $0x2;
	s2 =	sadd.s32 s3, s25;
	[dreg:$0xc] =	wrdreg s31  }
0x12: {  	s15 =	simm.s32 $0x0;
	[dreg:$0x9] =	wrdreg s2;
	s2 =	sadd.s32 s3, s28  }
0x13: {  	s24 =	simm.s32 $0xE290;
	[dreg:$0xb] =	wrdreg s2;
	s2 =	sadd.s32 s3, s30  }
0x14: {  	s25 =	simm.s32 $0xE678;
	[dreg:$0xd] =	wrdreg s2;
	s2 =	simm.s32 $0x4E20  }
.LBB2_1:
0x15: {  	[dreg:$0xf] =	wrdreg s15  }
0x16: {  	s0 =	rddreg [dreg:$0x4]  }
0x17: {  	[tilespmem:s4], [sflag:$0x1] =	stream.linear.gather [hbm4b:s0+s4], $0x3E8, $0x38;
	[tilespmem:$0xEA60] =	vst v63  }
0x18: {  	s29 =	rddreg [dreg:$0x5];
	s12 =	simm.s32 $0x2710  }
0x19: {  	[tilespmem:s12], [sflag:$0x1] =	stream.linear.gather [hbm4b:s29+s4], $0x3E8, $0x38;
	[tilespmem:$0xEA60] =	vst v63  }
0x1a: {  	s30 =	rddreg [dreg:$0x6];
	s31 =	simm.s32 $0x3E8  }
0x1b: {  	[tilespmem:s31], [sflag:$0x1] =	stream.linear.gather [hbm4b:s30+s4], $0x3E8, $0x38;
	[tilespmem:$0xEA60] =	vst v63  }
0x1c: {  	s15 =	simm.s32 $0x2AF8;
	s12 =	rddreg [dreg:$0x7]  }
0x1d: {  	[tilespmem:s15], [sflag:$0x1] =	stream.linear.gather [hbm4b:s12+s4], $0x3E8, $0x38;
	[tilespmem:$0xEA60] =	vst v63  }
0x1e: {  	s16 =	rddreg [dreg:$0x8];
	s17 =	simm.s32 $0x7D0  }
0x1f: {  	[tilespmem:s17], [sflag:$0x1] =	stream.linear.gather [hbm4b:s16+s4], $0x3E8, $0x38;
	[tilespmem:$0xEA60] =	vst v63  }
0x20: {  	s18 =	rddreg [dreg:$0x9];
	s19 =	simm.s32 $0x2EE0  }
0x21: {  	[tilespmem:s19], [sflag:$0x1] =	stream.linear.gather [hbm4b:s18+s4], $0x3E8, $0x38;
	[tilespmem:$0xEA60] =	vst v63  }
0x22: {  	s21 =	rddreg [dreg:$0xa];
	s22 =	simm.s32 $0xBB8  }
0x23: {  	[tilespmem:s22], [sflag:$0x1] =	stream.linear.gather [hbm4b:s21+s4], $0x3E8, $0x38;
	[tilespmem:$0xEA60] =	vst v63  }
0x24: {  	s23 =	rddreg [dreg:$0xb];
	s26 =	simm.s32 $0x32C8  }
0x25: {  	[tilespmem:s26], [sflag:$0x1] =	stream.linear.gather [hbm4b:s23+s4], $0x3E8, $0x38;
	[tilespmem:$0xEA60] =	vst v63  }
0x26: {  	s28 =	rddreg [dreg:$0xc];
	s29 =	simm.s32 $0xFA0  }
0x27: {  	[tilespmem:s29], [sflag:$0x1] =	stream.linear.gather [hbm4b:s28+s4], $0x3E8, $0x38;
	[tilespmem:$0xEA60] =	vst v63  }
0x28: {  	s30 =	rddreg [dreg:$0xd];
	s31 =	simm.s32 $0x36B0  }
0x29: {  	[tilespmem:s31], [sflag:$0x1] =	stream.linear.gather [hbm4b:s30+s4], $0x3E8, $0x38;
	[tilespmem:$0xEA60] =	vst v63  }
0x2a: {  	s26 =	simm.s32 $0x0  }
0x2b: {  	[tilespmem:s2], [sflag:$0x1] =	stream.linear.gather [hbm4b:s6+s4], $0x3A98, $0x38;
	[tilespmem:$0xEA60] =	vst v63  }
.LBB2_2:
0x2c: {  	s12 =	sshllo.u32 s26, $0x1  }
0x2d: {  	s0 =	smul.u32 $0x27100, s12;
	_ =	sdelay $0x1  }
0x2e: {  	s15 =	sadd.s32 s5, s0  }
0x2f: {  	s28 =	sshrl.u32 s15, $0x3  }
0x30: {  	s16 =	simm.s32 $0x1388;
	s23 =	sadd.s32 s0, s8;
	s15 =	sadd.s32 s1, s28  }
0x31: {  	[tilespmem:s16], [sflag:$0x2] =	stream.linear.gather [hbm4b:s15+s4], $0x3E8, $0x38;
	[tilespmem:$0xEA60] =	vst v63  }
0x32: {  	s17 =	simm.s32 $0x3A98;
	s29 =	sshrl.u32 s23, $0x3;
	s18 =	sadd.s32 s3, s28  }
0x33: {  	[tilespmem:s17], [sflag:$0x2] =	stream.linear.gather [hbm4b:s18+s4], $0x3E8, $0x38;
	[tilespmem:$0xEA60] =	vst v63  }
0x34: {  	s19 =	simm.s32 $0x1770;
	s21 =	sadd.s32 s0, s9;
	s15 =	sadd.s32 s1, s29  }
0x35: {  	[tilespmem:s19], [sflag:$0x2] =	stream.linear.gather [hbm4b:s15+s4], $0x3E8, $0x38;
	[tilespmem:$0xEA60] =	vst v63  }
0x36: {  	s23 =	simm.s32 $0x3E80;
	s30 =	sshrl.u32 s21, $0x3;
	s22 =	sadd.s32 s3, s29  }
0x37: {  	[tilespmem:s23], [sflag:$0x2] =	stream.linear.gather [hbm4b:s22+s4], $0x3E8, $0x38;
	[tilespmem:$0xEA60] =	vst v63  }
0x38: {  	s18 =	simm.s32 $0x1B58;
	s15 =	sadd.s32 s1, s30;
	s19 =	sadd.s32 s0, s10  }
0x39: {  	[tilespmem:s18], [sflag:$0x2] =	stream.linear.gather [hbm4b:s15+s4], $0x3E8, $0x38;
	[tilespmem:$0xEA60] =	vst v63  }
0x3a: {  	s21 =	sadd.s32 s3, s30;
	s31 =	sshrl.u32 s19, $0x3;
	s22 =	simm.s32 $0x4268  }
0x3b: {  	[tilespmem:s22], [sflag:$0x2] =	stream.linear.gather [hbm4b:s21+s4], $0x3E8, $0x38;
	[tilespmem:$0xEA60] =	vst v63  }
0x3c: {  	s0 =	sadd.s32 s0, s11;
	s23 =	simm.s32 $0x1F40;
	s15 =	sadd.s32 s1, s31  }
0x3d: {  	[tilespmem:s23], [sflag:$0x2] =	stream.linear.gather [hbm4b:s15+s4], $0x3E8, $0x38;
	[tilespmem:$0xEA60] =	vst v63  }
0x3e: {  	s17 =	simm.s32 $0x4650;
	s0 =	sshrl.u32 s0, $0x3;
	s16 =	sadd.s32 s3, s31  }
0x3f: {  	[tilespmem:s17], [sflag:$0x2] =	stream.linear.gather [hbm4b:s16+s4], $0x3E8, $0x38;
	[tilespmem:$0xEA60] =	vst v63  }
0x40: {  	s19 =	simm.s32 $0x2328;
	s18 =	sadd.s32 s1, s0  }
0x41: {  	[tilespmem:s19], [sflag:$0x2] =	stream.linear.gather [hbm4b:s18+s4], $0x3E8, $0x38;
	[tilespmem:$0xEA60] =	vst v63  }
0x42: {  	s12 =	smul.u32 $0x753, s12;
	s21 =	sadd.s32 s3, s0;
	s22 =	simm.s32 $0x4A38  }
0x43: {  	[tilespmem:s22], [sflag:$0x2] =	stream.linear.gather [hbm4b:s21+s4], $0x3E8, $0x38;
	[tilespmem:$0xEA60] =	vst v63  }
0x44: {  	s12 =	sadd.s32 s6, s12  }
0x45: {  	[tilespmem:s13], [sflag:$0x2] =	stream.linear.gather [hbm4b:s12+s4], $0x3A98, $0x38;
	[tilespmem:$0xEA60] =	vst v63  }
0x46: {  	_ =	swait.ge [sflag:s14], $0x3E8  }
0x47: {  	[sflag:s14] =	ssyncset.done $0x0  }
0x48: {  	[sflag:s14] =	ssyncadd.s32 $0xFFFFFC18  }
0x49: {  	_ =	swait.ge [sflag:s14], $0x3E8  }
0x4a: {  	[sflag:s14] =	ssyncset.done $0x0  }
0x4b: {  	[sflag:s14] =	ssyncadd.s32 $0xFFFFFC18  }
0x4c: {  	_ =	swait.ge [sflag:s14], $0x3E8  }
0x4d: {  	[sflag:s14] =	ssyncset.done $0x0  }
0x4e: {  	[sflag:s14] =	ssyncadd.s32 $0xFFFFFC18  }
0x4f: {  	_ =	swait.ge [sflag:s14], $0x3E8  }
0x50: {  	[sflag:s14] =	ssyncset.done $0x0  }
0x51: {  	[sflag:s14] =	ssyncadd.s32 $0xFFFFFC18  }
0x52: {  	_ =	swait.ge [sflag:s14], $0x3E8  }
0x53: {  	[sflag:s14] =	ssyncset.done $0x0  }
0x54: {  	[sflag:s14] =	ssyncadd.s32 $0xFFFFFC18  }
0x55: {  	_ =	swait.ge [sflag:s14], $0x3E8  }
0x56: {  	[sflag:s14] =	ssyncset.done $0x0  }
0x57: {  	[sflag:s14] =	ssyncadd.s32 $0xFFFFFC18  }
0x58: {  	_ =	swait.ge [sflag:s14], $0x3E8  }
0x59: {  	[sflag:s14] =	ssyncset.done $0x0  }
0x5a: {  	[sflag:s14] =	ssyncadd.s32 $0xFFFFFC18  }
0x5b: {  	_ =	swait.ge [sflag:s14], $0x3E8  }
0x5c: {  	[sflag:s14] =	ssyncset.done $0x0  }
0x5d: {  	[sflag:s14] =	ssyncadd.s32 $0xFFFFFC18  }
0x5e: {  	_ =	swait.ge [sflag:s14], $0x3E8  }
0x5f: {  	[sflag:s14] =	ssyncset.done $0x0  }
0x60: {  	[sflag:s14] =	ssyncadd.s32 $0xFFFFFC18  }
0x61: {  	_ =	swait.ge [sflag:s14], $0x3E8  }
0x62: {  	[sflag:s14] =	ssyncset.done $0x0  }
0x63: {  	[sflag:s14] =	ssyncadd.s32 $0xFFFFFC18  }
0x64: {  	_ =	swait.ge [sflag:s14], $0x3A98  }
0x65: {  	p0 =	seq.s32 s26, $0x0;
	[sflag:s14] =	ssyncset.done $0x0  }
0x66: {  	s12 =	simm.s32 @!p0 $0x3;
	[sflag:s14] =	ssyncadd.s32 $0xFFFFC568  }
0x67: {  	_ =	swait.ge @!p0 [sflag:s12], $0x3E8  }
0x68: {  	[sflag:s12] =	ssyncset.done @!p0 $0x0  }
0x69: {  	[sflag:s12] =	ssyncadd.s32 @!p0 $0xFFFFFC18  }
0x6a: {  	_ =	swait.ge @!p0 [sflag:s12], $0x3E8  }
0x6b: {  	[sflag:s12] =	ssyncset.done @!p0 $0x0  }
0x6c: {  	[sflag:s12] =	ssyncadd.s32 @!p0 $0xFFFFFC18  }
0x6d: {  	_ =	swait.ge @!p0 [sflag:s12], $0x3E8  }
0x6e: {  	[sflag:s12] =	ssyncset.done @!p0 $0x0  }
0x6f: {  	[sflag:s12] =	ssyncadd.s32 @!p0 $0xFFFFFC18  }
0x70: {  	_ =	swait.ge @!p0 [sflag:s12], $0x3E8  }
0x71: {  	[sflag:s12] =	ssyncset.done @!p0 $0x0  }
0x72: {  	[sflag:s12] =	ssyncadd.s32 @!p0 $0xFFFFFC18  }
0x73: {  	_ =	swait.ge @!p0 [sflag:s12], $0x3E8  }
0x74: {  	[sflag:s12] =	ssyncset.done @!p0 $0x0  }
0x75: {  	s21 =	simm.s32 $0x0;
	[sflag:s12] =	ssyncadd.s32 @!p0 $0xFFFFFC18  }
0x76: {  	v0 =	vld [tilespmem:s21+$0x0]  }
0x77: {  	v1 =	vld [tilespmem:s21+$0x2710];
	_ =	sdelay $0x4  }
0x78: {  	v2 =	vadd.s32 $0x3E8, v0  }
0x79: {  	v3 =	vadd.s32 $0x3E8, v1  }
0x7a: {  	v4 =	vadd.s32 $0x7D0, v0  }
0x7b: {  	v5 =	vld.idx.msk [tilespmem:v1+s2+$0x0], $0xffff;
	v1 =	vadd.s32 $0x7D0, v1  }
0x7c: {  	v6 =	vld.idx.msk [tilespmem:v0+s2+$0x0], $0xffff  }
0x7d: {  	v7 =	vld.idx.msk [tilespmem:v2+s2+$0x0], $0xffff  }
0x7e: {  	v8 =	vld.idx.msk [tilespmem:v3+s2+$0x0], $0xffff  }
0x7f: {  	v2 =	vld.idx.msk [tilespmem:v4+s2+$0x0], $0xffff  }
0x80: {  	s23 =	smul.u32 $0x4E200, s26;
	v3 =	vld.idx.msk [tilespmem:v1+s2+$0x0], $0xffff;
	_ =	sdelay $0x1  }
0x81: {  	s17 =	sadd.s32 s23, s9;
	s22 =	simm.s32 $0x10  }
0x82: {  	s16 =	sadd.s32 s23, s10;
	s15 =	sadd.s32 s23, s11;
	s19 =	sadd.s32 s5, s23;
	v0 =	vld [tilespmem:s22+$0x0];
	v4 =	vsub.f32 v6, v5;
	v5 =	vsub.f32 v7, v8  }
0x83: {  	s18 =	sadd.s32 s23, s8;
	s23 =	simm.s32 $0x80;
	s12 =	sshll.u32 s26, $0x1;
	v1 =	vld [tilespmem:s22+$0x2710]  }
.LBB2_3:
0x84: {  	p1 =	sne.s32 s23, $0xF40;
	v2 =	vsub.f32 v2, v3;
	v3 =	vmul.f32 v4, v4;
	v4 =	vmul.f32 v5, v5;
	_ =	sdelay $0x1  }
0x85: {  	v3 =	vadd.f32 v4, v3;
	v2 =	vmul.f32 v2, v2;
	_ =	sdelay $0x1  }
0x86: {  	v4 =	vadd.s32 $0x3E8, v0;
	v2 =	vadd.f32 v2, v3  }
0x87: {  	v3 =	vadd.s32 $0x3E8, v1  }
0x88: {  	v5 =	vadd.s32 $0x7D0, v0;
	[tilespmem:s21+$0xC350] =	vst v2;
	s21 =	smov.u32 s22  }
0x89: {  	v6 =	vld.idx.msk [tilespmem:v1+s2+$0x0], $0xffff;
	v1 =	vadd.s32 $0x7D0, v1  }
0x8a: {  	v7 =	vld.idx.msk [tilespmem:v0+s2+$0x0], $0xffff  }
0x8b: {  	v8 =	vld.idx.msk [tilespmem:v4+s2+$0x0], $0xffff  }
0x8c: {  	v9 =	vld.idx.msk [tilespmem:v3+s2+$0x0], $0xffff  }
0x8d: {  	v2 =	vld.idx.msk [tilespmem:v5+s2+$0x0], $0xffff  }
0x8e: {  	v3 =	vld.idx.msk [tilespmem:v1+s2+$0x0], $0xffff  }
.Ltmp0:
0x8f: {  	(pc) =	sbr.rel @p1 .LBB2_3-.Ltmp0, $4  }
0x90: {  	_ = 	snop  }
0x91: {  	s22 =	sshra.s32 s23, $0x2  }
0x92: {  	v4 =	vsub.f32 v7, v6;
	v5 =	vsub.f32 v8, v9;
	v0 =	vld [tilespmem:s22+$0x0]  }
0x93: {  	s23 =	sadd.s32 $0x40, s23;
	v1 =	vld [tilespmem:s22+$0x2710]  }
0x94: {  	_ = 	snop  }
0x95: {  	v2 =	vsub.f32 v2, v3;
	v3 =	vmul.f32 v4, v4;
	v4 =	vmul.f32 v5, v5;
	_ =	sdelay $0x1  }
0x96: {  	v3 =	vadd.f32 v4, v3;
	v2 =	vmul.f32 v2, v2;
	_ =	sdelay $0x1  }
0x97: {  	v4 =	vadd.s32 $0x3E8, v0;
	v2 =	vadd.f32 v2, v3  }
0x98: {  	v3 =	vadd.s32 $0x3E8, v1  }
0x99: {  	v5 =	vadd.s32 $0x7D0, v0;
	[tilespmem:s21+$0xC350] =	vst v2  }
0x9a: {  	v2 =	vld.idx.msk [tilespmem:v1+s2+$0x0], $0xffff;
	v1 =	vadd.s32 $0x7D0, v1  }
0x9b: {  	v0 =	vld.idx.msk [tilespmem:v0+s2+$0x0], $0xffff  }
0x9c: {  	v4 =	vld.idx.msk [tilespmem:v4+s2+$0x0], $0xffff  }
0x9d: {  	v3 =	vld.idx.msk [tilespmem:v3+s2+$0x0], $0xffff  }
0x9e: {  	v5 =	vld.idx.msk [tilespmem:v5+s2+$0x0], $0xffff  }
0x9f: {  	v1 =	vld.idx.msk [tilespmem:v1+s2+$0x0], $0xffff;
	_ =	sdelay $0x2  }
0xa0: {  	v0 =	vsub.f32 v0, v2;
	v2 =	vsub.f32 v4, v3;
	_ =	sdelay $0x1  }
0xa1: {  	v0 =	vmul.f32 v0, v0;
	v2 =	vmul.f32 v2, v2;
	v1 =	vsub.f32 v5, v1;
	_ =	sdelay $0x1  }
0xa2: {  	v0 =	vadd.f32 v2, v0;
	v1 =	vmul.f32 v1, v1;
	_ =	sdelay $0x1  }
0xa3: {  	v0 =	vadd.f32 v1, v0;
	_ =	sdelay $0x1  }
0xa4: {  	[tilespmem:s22+$0xC350] =	vst v0  }
0xa5: {  	v0 =	vld [tilespmem:$0x3D8]  }
0xa6: {  	v1 =	vld [tilespmem:$0x2AE8];
	_ =	sdelay $0x3  }
0xa7: {  	v2 =	vadd.s32 $0x3E8, v0  }
0xa8: {  	v3 =	vadd.s32 $0x3E8, v1  }
0xa9: {  	v4 =	vadd.s32 $0x7D0, v0  }
0xaa: {  	v5 =	vadd.s32 $0x7D0, v1;
	v0 =	vld.idx.msk [tilespmem:v0+s2+$0x0], $0xffff  }
0xab: {  	v1 =	vld.idx.msk [tilespmem:v1+s2+$0x0], $0xffff  }
0xac: {  	v2 =	vld.idx.msk [tilespmem:v2+s2+$0x0], $0xffff  }
0xad: {  	v3 =	vld.idx.msk [tilespmem:v3+s2+$0x0], $0xffff  }
0xae: {  	v4 =	vld.idx.msk [tilespmem:v4+s2+$0x0], $0xffff  }
0xaf: {  	v5 =	vld.idx.msk [tilespmem:v5+s2+$0x0], $0xffff;
	_ =	sdelay $0x2  }
0xb0: {  	v0 =	vsub.f32 v0, v1;
	v1 =	vsub.f32 v2, v3;
	_ =	sdelay $0x1  }
0xb1: {  	v2 =	vsub.f32 v4, v5;
	v0 =	vmul.f32 v0, v0;
	v1 =	vmul.f32 v1, v1;
	_ =	sdelay $0x1  }
0xb2: {  	v0 =	vadd.f32 v1, v0;
	v1 =	vmul.f32 v2, v2;
	_ =	sdelay $0x1  }
0xb3: {  	v0 =	vadd.f32 v1, v0;
	_ =	sdelay $0x1  }
0xb4: {  	s21 =	simm.s32 $0x0;
	[tilespmem:$0xC728] =	vst v0  }
0xb5: {  	v0 =	vld [tilespmem:s21+$0x2AF8]  }
0xb6: {  	v1 =	vld [tilespmem:s21+$0x3E8];
	_ =	sdelay $0x3  }
0xb7: {  	v2 =	vadd.s32 $0xBB8, v0  }
0xb8: {  	v3 =	vadd.s32 $0xBB8, v1  }
0xb9: {  	v4 =	vadd.s32 $0xFA0, v1  }
0xba: {  	v5 =	vadd.s32 $0xFA0, v0  }
0xbb: {  	v1 =	vadd.s32 $0x1388, v1  }
0xbc: {  	v0 =	vadd.s32 $0x1388, v0;
	v6 =	vld.idx.msk [tilespmem:v2+s2+$0x0], $0xffff  }
0xbd: {  	v7 =	vld.idx.msk [tilespmem:v3+s2+$0x0], $0xffff  }
0xbe: {  	v8 =	vld.idx.msk [tilespmem:v4+s2+$0x0], $0xffff  }
0xbf: {  	v5 =	vld.idx.msk [tilespmem:v5+s2+$0x0], $0xffff  }
0xc0: {  	v2 =	vld.idx.msk [tilespmem:v1+s2+$0x0], $0xffff  }
0xc1: {  	v3 =	vld.idx.msk [tilespmem:v0+s2+$0x0], $0xffff  }
0xc2: {  	s22 =	simm.s32 $0x10  }
0xc3: {  	v0 =	vld [tilespmem:s22+$0x2AF8]  }
0xc4: {  	v1 =	vld [tilespmem:s22+$0x3E8];
	v4 =	vsub.f32 v7, v6;
	v5 =	vsub.f32 v8, v5  }
0xc5: {  	s23 =	simm.s32 $0x80  }
.LBB2_5:
0xc6: {  	p1 =	sne.s32 s23, $0xF40;
	v2 =	vsub.f32 v2, v3;
	v3 =	vmul.f32 v4, v4;
	v4 =	vmul.f32 v5, v5;
	_ =	sdelay $0x1  }
0xc7: {  	v5 =	vadd.s32 $0xBB8, v0;
	v3 =	vadd.f32 v4, v3;
	v2 =	vmul.f32 v2, v2  }
0xc8: {  	v4 =	vadd.s32 $0xBB8, v1  }
0xc9: {  	v6 =	vadd.s32 $0xFA0, v1;
	v2 =	vadd.f32 v2, v3  }
0xca: {  	v3 =	vadd.s32 $0xFA0, v0  }
0xcb: {  	v1 =	vadd.s32 $0x1388, v1;
	[tilespmem:s21+$0xC738] =	vst v2;
	s21 =	smov.u32 s22  }
0xcc: {  	v0 =	vadd.s32 $0x1388, v0;
	v5 =	vld.idx.msk [tilespmem:v5+s2+$0x0], $0xffff  }
0xcd: {  	v4 =	vld.idx.msk [tilespmem:v4+s2+$0x0], $0xffff  }
0xce: {  	v6 =	vld.idx.msk [tilespmem:v6+s2+$0x0], $0xffff  }
0xcf: {  	v7 =	vld.idx.msk [tilespmem:v3+s2+$0x0], $0xffff  }
0xd0: {  	v2 =	vld.idx.msk [tilespmem:v1+s2+$0x0], $0xffff  }
0xd1: {  	v3 =	vld.idx.msk [tilespmem:v0+s2+$0x0], $0xffff  }
.Ltmp1:
0xd2: {  	(pc) =	sbr.rel @p1 .LBB2_5-.Ltmp1, $4  }
0xd3: {  	s22 =	sshra.s32 s23, $0x2  }
0xd4: {  	v0 =	vld [tilespmem:s22+$0x2AF8]  }
0xd5: {  	v4 =	vsub.f32 v4, v5;
	v5 =	vsub.f32 v6, v7;
	v1 =	vld [tilespmem:s22+$0x3E8]  }
0xd6: {  	s23 =	sadd.s32 $0x40, s23  }
0xd7: {  	v2 =	vsub.f32 v2, v3;
	v3 =	vmul.f32 v4, v4;
	v4 =	vmul.f32 v5, v5;
	_ =	sdelay $0x1  }
0xd8: {  	v5 =	vadd.s32 $0xBB8, v0;
	v3 =	vadd.f32 v4, v3;
	v2 =	vmul.f32 v2, v2  }
0xd9: {  	v4 =	vadd.s32 $0xBB8, v1  }
0xda: {  	v6 =	vadd.s32 $0xFA0, v1;
	v2 =	vadd.f32 v2, v3  }
0xdb: {  	v3 =	vadd.s32 $0xFA0, v0  }
0xdc: {  	v1 =	vadd.s32 $0x1388, v1;
	[tilespmem:s21+$0xC738] =	vst v2  }
0xdd: {  	v0 =	vadd.s32 $0x1388, v0;
	v2 =	vld.idx.msk [tilespmem:v5+s2+$0x0], $0xffff  }
0xde: {  	v4 =	vld.idx.msk [tilespmem:v4+s2+$0x0], $0xffff  }
0xdf: {  	v5 =	vld.idx.msk [tilespmem:v6+s2+$0x0], $0xffff  }
0xe0: {  	v3 =	vld.idx.msk [tilespmem:v3+s2+$0x0], $0xffff  }
0xe1: {  	v1 =	vld.idx.msk [tilespmem:v1+s2+$0x0], $0xffff  }
0xe2: {  	v0 =	vld.idx.msk [tilespmem:v0+s2+$0x0], $0xffff;
	_ =	sdelay $0x2  }
0xe3: {  	v2 =	vsub.f32 v4, v2;
	v3 =	vsub.f32 v5, v3;
	_ =	sdelay $0x1  }
0xe4: {  	v0 =	vsub.f32 v1, v0;
	v1 =	vmul.f32 v2, v2;
	v2 =	vmul.f32 v3, v3;
	_ =	sdelay $0x1  }
0xe5: {  	v0 =	vmul.f32 v0, v0;
	v1 =	vadd.f32 v2, v1;
	_ =	sdelay $0x1  }
0xe6: {  	v0 =	vadd.f32 v0, v1;
	_ =	sdelay $0x1  }
0xe7: {  	[tilespmem:s22+$0xC738] =	vst v0  }
0xe8: {  	v0 =	vld [tilespmem:$0x7C0]  }
0xe9: {  	v1 =	vld [tilespmem:$0x2ED0];
	_ =	sdelay $0x3  }
0xea: {  	v2 =	vadd.s32 $0xBB8, v0  }
0xeb: {  	v3 =	vadd.s32 $0xBB8, v1  }
0xec: {  	v4 =	vadd.s32 $0xFA0, v0  }
0xed: {  	v5 =	vadd.s32 $0xFA0, v1  }
0xee: {  	v0 =	vadd.s32 $0x1388, v0  }
0xef: {  	v1 =	vadd.s32 $0x1388, v1;
	v2 =	vld.idx.msk [tilespmem:v2+s2+$0x0], $0xffff  }
0xf0: {  	v3 =	vld.idx.msk [tilespmem:v3+s2+$0x0], $0xffff  }
0xf1: {  	v4 =	vld.idx.msk [tilespmem:v4+s2+$0x0], $0xffff  }
0xf2: {  	v5 =	vld.idx.msk [tilespmem:v5+s2+$0x0], $0xffff  }
0xf3: {  	v0 =	vld.idx.msk [tilespmem:v0+s2+$0x0], $0xffff  }
0xf4: {  	v1 =	vld.idx.msk [tilespmem:v1+s2+$0x0], $0xffff;
	_ =	sdelay $0x2  }
0xf5: {  	v2 =	vsub.f32 v2, v3;
	v3 =	vsub.f32 v4, v5;
	_ =	sdelay $0x1  }
0xf6: {  	v0 =	vsub.f32 v0, v1;
	v1 =	vmul.f32 v2, v2;
	v2 =	vmul.f32 v3, v3;
	_ =	sdelay $0x1  }
0xf7: {  	v0 =	vmul.f32 v0, v0;
	v1 =	vadd.f32 v2, v1;
	_ =	sdelay $0x1  }
0xf8: {  	v0 =	vadd.f32 v0, v1;
	_ =	sdelay $0x1  }
0xf9: {  	s21 =	simm.s32 $0x0;
	[tilespmem:$0xCB10] =	vst v0  }
0xfa: {  	v0 =	vld [tilespmem:s21+$0x2EE0]  }
0xfb: {  	v1 =	vld [tilespmem:s21+$0x7D0];
	_ =	sdelay $0x3  }
0xfc: {  	v2 =	vadd.s32 $0x1770, v0  }
0xfd: {  	v3 =	vadd.s32 $0x1770, v1  }
0xfe: {  	v4 =	vadd.s32 $0x1B58, v1  }
0xff: {  	v5 =	vadd.s32 $0x1B58, v0  }
0x100: {  	v1 =	vadd.s32 $0x1F40, v1  }
0x101: {  	v0 =	vadd.s32 $0x1F40, v0;
	v6 =	vld.idx.msk [tilespmem:v2+s2+$0x0], $0xffff  }
0x102: {  	v7 =	vld.idx.msk [tilespmem:v3+s2+$0x0], $0xffff  }
0x103: {  	v8 =	vld.idx.msk [tilespmem:v4+s2+$0x0], $0xffff  }
0x104: {  	v5 =	vld.idx.msk [tilespmem:v5+s2+$0x0], $0xffff  }
0x105: {  	v2 =	vld.idx.msk [tilespmem:v1+s2+$0x0], $0xffff  }
0x106: {  	v3 =	vld.idx.msk [tilespmem:v0+s2+$0x0], $0xffff  }
0x107: {  	s22 =	simm.s32 $0x10  }
0x108: {  	v0 =	vld [tilespmem:s22+$0x2EE0]  }
0x109: {  	v1 =	vld [tilespmem:s22+$0x7D0];
	v4 =	vsub.f32 v7, v6;
	v5 =	vsub.f32 v8, v5  }
0x10a: {  	s23 =	simm.s32 $0x80  }
.LBB2_7:
0x10b: {  	p1 =	sne.s32 s23, $0xF40;
	v2 =	vsub.f32 v2, v3;
	v3 =	vmul.f32 v4, v4;
	v4 =	vmul.f32 v5, v5;
	_ =	sdelay $0x1  }
0x10c: {  	v5 =	vadd.s32 $0x1770, v0;
	v3 =	vadd.f32 v4, v3;
	v2 =	vmul.f32 v2, v2  }
0x10d: {  	v4 =	vadd.s32 $0x1770, v1  }
0x10e: {  	v6 =	vadd.s32 $0x1B58, v1;
	v2 =	vadd.f32 v2, v3  }
0x10f: {  	v3 =	vadd.s32 $0x1B58, v0  }
0x110: {  	v1 =	vadd.s32 $0x1F40, v1;
	[tilespmem:s21+$0xCB20] =	vst v2;
	s21 =	smov.u32 s22  }
0x111: {  	v0 =	vadd.s32 $0x1F40, v0;
	v5 =	vld.idx.msk [tilespmem:v5+s2+$0x0], $0xffff  }
0x112: {  	v4 =	vld.idx.msk [tilespmem:v4+s2+$0x0], $0xffff  }
0x113: {  	v6 =	vld.idx.msk [tilespmem:v6+s2+$0x0], $0xffff  }
0x114: {  	v7 =	vld.idx.msk [tilespmem:v3+s2+$0x0], $0xffff  }
0x115: {  	v2 =	vld.idx.msk [tilespmem:v1+s2+$0x0], $0xffff  }
0x116: {  	v3 =	vld.idx.msk [tilespmem:v0+s2+$0x0], $0xffff  }
.Ltmp2:
0x117: {  	(pc) =	sbr.rel @p1 .LBB2_7-.Ltmp2, $4  }
0x118: {  	s22 =	sshra.s32 s23, $0x2  }
0x119: {  	v0 =	vld [tilespmem:s22+$0x2EE0]  }
0x11a: {  	v4 =	vsub.f32 v4, v5;
	v5 =	vsub.f32 v6, v7;
	v1 =	vld [tilespmem:s22+$0x7D0]  }
0x11b: {  	s23 =	sadd.s32 $0x40, s23  }
0x11c: {  	v2 =	vsub.f32 v2, v3;
	v3 =	vmul.f32 v4, v4;
	v4 =	vmul.f32 v5, v5;
	_ =	sdelay $0x1  }
0x11d: {  	v5 =	vadd.s32 $0x1770, v0;
	v3 =	vadd.f32 v4, v3;
	v2 =	vmul.f32 v2, v2  }
0x11e: {  	v4 =	vadd.s32 $0x1770, v1  }
0x11f: {  	v6 =	vadd.s32 $0x1B58, v1;
	v2 =	vadd.f32 v2, v3  }
0x120: {  	v3 =	vadd.s32 $0x1B58, v0  }
0x121: {  	v1 =	vadd.s32 $0x1F40, v1;
	[tilespmem:s21+$0xCB20] =	vst v2  }
0x122: {  	v0 =	vadd.s32 $0x1F40, v0;
	v2 =	vld.idx.msk [tilespmem:v5+s2+$0x0], $0xffff  }
0x123: {  	v4 =	vld.idx.msk [tilespmem:v4+s2+$0x0], $0xffff  }
0x124: {  	v5 =	vld.idx.msk [tilespmem:v6+s2+$0x0], $0xffff  }
0x125: {  	v3 =	vld.idx.msk [tilespmem:v3+s2+$0x0], $0xffff  }
0x126: {  	v1 =	vld.idx.msk [tilespmem:v1+s2+$0x0], $0xffff  }
0x127: {  	v0 =	vld.idx.msk [tilespmem:v0+s2+$0x0], $0xffff;
	_ =	sdelay $0x2  }
0x128: {  	v2 =	vsub.f32 v4, v2;
	v3 =	vsub.f32 v5, v3;
	_ =	sdelay $0x1  }
0x129: {  	v0 =	vsub.f32 v1, v0;
	v1 =	vmul.f32 v2, v2;
	v2 =	vmul.f32 v3, v3;
	_ =	sdelay $0x1  }
0x12a: {  	v0 =	vmul.f32 v0, v0;
	v1 =	vadd.f32 v2, v1;
	_ =	sdelay $0x1  }
0x12b: {  	v0 =	vadd.f32 v0, v1;
	_ =	sdelay $0x1  }
0x12c: {  	[tilespmem:s22+$0xCB20] =	vst v0  }
0x12d: {  	v0 =	vld [tilespmem:$0xBA8]  }
0x12e: {  	v1 =	vld [tilespmem:$0x32B8];
	_ =	sdelay $0x3  }
0x12f: {  	v2 =	vadd.s32 $0x1770, v0  }
0x130: {  	v3 =	vadd.s32 $0x1770, v1  }
0x131: {  	v4 =	vadd.s32 $0x1B58, v0  }
0x132: {  	v5 =	vadd.s32 $0x1B58, v1  }
0x133: {  	v0 =	vadd.s32 $0x1F40, v0  }
0x134: {  	v1 =	vadd.s32 $0x1F40, v1;
	v2 =	vld.idx.msk [tilespmem:v2+s2+$0x0], $0xffff  }
0x135: {  	v3 =	vld.idx.msk [tilespmem:v3+s2+$0x0], $0xffff  }
0x136: {  	v4 =	vld.idx.msk [tilespmem:v4+s2+$0x0], $0xffff  }
0x137: {  	v5 =	vld.idx.msk [tilespmem:v5+s2+$0x0], $0xffff  }
0x138: {  	v0 =	vld.idx.msk [tilespmem:v0+s2+$0x0], $0xffff  }
0x139: {  	v1 =	vld.idx.msk [tilespmem:v1+s2+$0x0], $0xffff;
	_ =	sdelay $0x2  }
0x13a: {  	v2 =	vsub.f32 v2, v3;
	v3 =	vsub.f32 v4, v5;
	_ =	sdelay $0x1  }
0x13b: {  	v0 =	vsub.f32 v0, v1;
	v1 =	vmul.f32 v2, v2;
	v2 =	vmul.f32 v3, v3;
	_ =	sdelay $0x1  }
0x13c: {  	v0 =	vmul.f32 v0, v0;
	v1 =	vadd.f32 v2, v1;
	_ =	sdelay $0x1  }
0x13d: {  	v0 =	vadd.f32 v0, v1;
	_ =	sdelay $0x1  }
0x13e: {  	s21 =	simm.s32 $0x0;
	[tilespmem:$0xCEF8] =	vst v0  }
0x13f: {  	v0 =	vld [tilespmem:s21+$0x32C8]  }
0x140: {  	v1 =	vld [tilespmem:s21+$0xBB8];
	_ =	sdelay $0x3  }
0x141: {  	v2 =	vadd.s32 $0x2328, v0  }
0x142: {  	v3 =	vadd.s32 $0x2328, v1  }
0x143: {  	v4 =	vadd.s32 $0x2710, v1  }
0x144: {  	v5 =	vadd.s32 $0x2710, v0  }
0x145: {  	v1 =	vadd.s32 $0x2AF8, v1  }
0x146: {  	v0 =	vadd.s32 $0x2AF8, v0;
	v6 =	vld.idx.msk [tilespmem:v2+s2+$0x0], $0xffff  }
0x147: {  	v7 =	vld.idx.msk [tilespmem:v3+s2+$0x0], $0xffff  }
0x148: {  	v8 =	vld.idx.msk [tilespmem:v4+s2+$0x0], $0xffff  }
0x149: {  	v5 =	vld.idx.msk [tilespmem:v5+s2+$0x0], $0xffff  }
0x14a: {  	v2 =	vld.idx.msk [tilespmem:v1+s2+$0x0], $0xffff  }
0x14b: {  	v3 =	vld.idx.msk [tilespmem:v0+s2+$0x0], $0xffff  }
0x14c: {  	s22 =	simm.s32 $0x10  }
0x14d: {  	v0 =	vld [tilespmem:s22+$0x32C8]  }
0x14e: {  	v1 =	vld [tilespmem:s22+$0xBB8];
	v4 =	vsub.f32 v7, v6;
	v5 =	vsub.f32 v8, v5  }
0x14f: {  	s23 =	simm.s32 $0x80  }
.LBB2_9:
0x150: {  	p1 =	sne.s32 s23, $0xF40;
	v2 =	vsub.f32 v2, v3;
	v3 =	vmul.f32 v4, v4;
	v4 =	vmul.f32 v5, v5;
	_ =	sdelay $0x1  }
0x151: {  	v5 =	vadd.s32 $0x2328, v0;
	v3 =	vadd.f32 v4, v3;
	v2 =	vmul.f32 v2, v2  }
0x152: {  	v4 =	vadd.s32 $0x2328, v1  }
0x153: {  	v6 =	vadd.s32 $0x2710, v1;
	v2 =	vadd.f32 v2, v3  }
0x154: {  	v3 =	vadd.s32 $0x2710, v0  }
0x155: {  	v1 =	vadd.s32 $0x2AF8, v1;
	[tilespmem:s21+$0xCF08] =	vst v2;
	s21 =	smov.u32 s22  }
0x156: {  	v0 =	vadd.s32 $0x2AF8, v0;
	v5 =	vld.idx.msk [tilespmem:v5+s2+$0x0], $0xffff  }
0x157: {  	v4 =	vld.idx.msk [tilespmem:v4+s2+$0x0], $0xffff  }
0x158: {  	v6 =	vld.idx.msk [tilespmem:v6+s2+$0x0], $0xffff  }
0x159: {  	v7 =	vld.idx.msk [tilespmem:v3+s2+$0x0], $0xffff  }
0x15a: {  	v2 =	vld.idx.msk [tilespmem:v1+s2+$0x0], $0xffff  }
0x15b: {  	v3 =	vld.idx.msk [tilespmem:v0+s2+$0x0], $0xffff  }
.Ltmp3:
0x15c: {  	(pc) =	sbr.rel @p1 .LBB2_9-.Ltmp3, $4  }
0x15d: {  	s22 =	sshra.s32 s23, $0x2  }
0x15e: {  	v0 =	vld [tilespmem:s22+$0x32C8]  }
0x15f: {  	v4 =	vsub.f32 v4, v5;
	v5 =	vsub.f32 v6, v7;
	v1 =	vld [tilespmem:s22+$0xBB8]  }
0x160: {  	s23 =	sadd.s32 $0x40, s23  }
0x161: {  	v2 =	vsub.f32 v2, v3;
	v3 =	vmul.f32 v4, v4;
	v4 =	vmul.f32 v5, v5;
	_ =	sdelay $0x1  }
0x162: {  	v5 =	vadd.s32 $0x2328, v0;
	v3 =	vadd.f32 v4, v3;
	v2 =	vmul.f32 v2, v2  }
0x163: {  	v4 =	vadd.s32 $0x2328, v1  }
0x164: {  	v6 =	vadd.s32 $0x2710, v1;
	v2 =	vadd.f32 v2, v3  }
0x165: {  	v3 =	vadd.s32 $0x2710, v0  }
0x166: {  	v1 =	vadd.s32 $0x2AF8, v1;
	[tilespmem:s21+$0xCF08] =	vst v2  }
0x167: {  	v0 =	vadd.s32 $0x2AF8, v0;
	v2 =	vld.idx.msk [tilespmem:v5+s2+$0x0], $0xffff  }
0x168: {  	v4 =	vld.idx.msk [tilespmem:v4+s2+$0x0], $0xffff  }
0x169: {  	v5 =	vld.idx.msk [tilespmem:v6+s2+$0x0], $0xffff  }
0x16a: {  	v3 =	vld.idx.msk [tilespmem:v3+s2+$0x0], $0xffff  }
0x16b: {  	v1 =	vld.idx.msk [tilespmem:v1+s2+$0x0], $0xffff  }
0x16c: {  	v0 =	vld.idx.msk [tilespmem:v0+s2+$0x0], $0xffff;
	_ =	sdelay $0x2  }
0x16d: {  	v2 =	vsub.f32 v4, v2;
	v3 =	vsub.f32 v5, v3;
	_ =	sdelay $0x1  }
0x16e: {  	v0 =	vsub.f32 v1, v0;
	v1 =	vmul.f32 v2, v2;
	v2 =	vmul.f32 v3, v3;
	_ =	sdelay $0x1  }
0x16f: {  	v0 =	vmul.f32 v0, v0;
	v1 =	vadd.f32 v2, v1;
	_ =	sdelay $0x1  }
0x170: {  	v0 =	vadd.f32 v0, v1;
	_ =	sdelay $0x1  }
0x171: {  	[tilespmem:s22+$0xCF08] =	vst v0  }
0x172: {  	v0 =	vld [tilespmem:$0xF90]  }
0x173: {  	v1 =	vld [tilespmem:$0x36A0];
	_ =	sdelay $0x3  }
0x174: {  	v2 =	vadd.s32 $0x2328, v0  }
0x175: {  	v3 =	vadd.s32 $0x2328, v1  }
0x176: {  	v4 =	vadd.s32 $0x2710, v0  }
0x177: {  	v5 =	vadd.s32 $0x2710, v1  }
0x178: {  	v0 =	vadd.s32 $0x2AF8, v0  }
0x179: {  	v1 =	vadd.s32 $0x2AF8, v1;
	v2 =	vld.idx.msk [tilespmem:v2+s2+$0x0], $0xffff  }
0x17a: {  	v3 =	vld.idx.msk [tilespmem:v3+s2+$0x0], $0xffff  }
0x17b: {  	v4 =	vld.idx.msk [tilespmem:v4+s2+$0x0], $0xffff  }
0x17c: {  	v5 =	vld.idx.msk [tilespmem:v5+s2+$0x0], $0xffff  }
0x17d: {  	v0 =	vld.idx.msk [tilespmem:v0+s2+$0x0], $0xffff  }
0x17e: {  	v1 =	vld.idx.msk [tilespmem:v1+s2+$0x0], $0xffff;
	_ =	sdelay $0x2  }
0x17f: {  	v2 =	vsub.f32 v2, v3;
	v3 =	vsub.f32 v4, v5;
	_ =	sdelay $0x1  }
0x180: {  	v0 =	vsub.f32 v0, v1;
	v1 =	vmul.f32 v2, v2;
	v2 =	vmul.f32 v3, v3;
	_ =	sdelay $0x1  }
0x181: {  	v0 =	vmul.f32 v0, v0;
	v1 =	vadd.f32 v2, v1;
	_ =	sdelay $0x1  }
0x182: {  	v0 =	vadd.f32 v0, v1;
	_ =	sdelay $0x1  }
0x183: {  	s21 =	simm.s32 $0x0;
	[tilespmem:$0xD2E0] =	vst v0  }
0x184: {  	v0 =	vld [tilespmem:s21+$0x36B0]  }
0x185: {  	v1 =	vld [tilespmem:s21+$0xFA0];
	_ =	sdelay $0x3  }
0x186: {  	v2 =	vadd.s32 $0x2EE0, v0  }
0x187: {  	v3 =	vadd.s32 $0x2EE0, v1  }
0x188: {  	v4 =	vadd.s32 $0x32C8, v1  }
0x189: {  	v5 =	vadd.s32 $0x32C8, v0  }
0x18a: {  	v1 =	vadd.s32 $0x36B0, v1  }
0x18b: {  	v0 =	vadd.s32 $0x36B0, v0;
	v6 =	vld.idx.msk [tilespmem:v2+s2+$0x0], $0xffff  }
0x18c: {  	v7 =	vld.idx.msk [tilespmem:v3+s2+$0x0], $0xffff  }
0x18d: {  	v8 =	vld.idx.msk [tilespmem:v4+s2+$0x0], $0xffff  }
0x18e: {  	v5 =	vld.idx.msk [tilespmem:v5+s2+$0x0], $0xffff  }
0x18f: {  	v2 =	vld.idx.msk [tilespmem:v1+s2+$0x0], $0xffff  }
0x190: {  	v3 =	vld.idx.msk [tilespmem:v0+s2+$0x0], $0xffff  }
0x191: {  	s22 =	simm.s32 $0x10  }
0x192: {  	v0 =	vld [tilespmem:s22+$0x36B0]  }
0x193: {  	v1 =	vld [tilespmem:s22+$0xFA0];
	v4 =	vsub.f32 v7, v6;
	v5 =	vsub.f32 v8, v5  }
0x194: {  	s23 =	simm.s32 $0x80  }
.LBB2_11:
0x195: {  	p1 =	sne.s32 s23, $0xF40;
	v2 =	vsub.f32 v2, v3;
	v3 =	vmul.f32 v4, v4;
	v4 =	vmul.f32 v5, v5;
	_ =	sdelay $0x1  }
0x196: {  	v5 =	vadd.s32 $0x2EE0, v0;
	v3 =	vadd.f32 v4, v3;
	v2 =	vmul.f32 v2, v2  }
0x197: {  	v4 =	vadd.s32 $0x2EE0, v1  }
0x198: {  	v6 =	vadd.s32 $0x32C8, v1;
	v2 =	vadd.f32 v2, v3  }
0x199: {  	v3 =	vadd.s32 $0x32C8, v0  }
0x19a: {  	v1 =	vadd.s32 $0x36B0, v1;
	[tilespmem:s21+$0xD2F0] =	vst v2;
	s21 =	smov.u32 s22  }
0x19b: {  	v0 =	vadd.s32 $0x36B0, v0;
	v5 =	vld.idx.msk [tilespmem:v5+s2+$0x0], $0xffff  }
0x19c: {  	v4 =	vld.idx.msk [tilespmem:v4+s2+$0x0], $0xffff  }
0x19d: {  	v6 =	vld.idx.msk [tilespmem:v6+s2+$0x0], $0xffff  }
0x19e: {  	v7 =	vld.idx.msk [tilespmem:v3+s2+$0x0], $0xffff  }
0x19f: {  	v2 =	vld.idx.msk [tilespmem:v1+s2+$0x0], $0xffff  }
0x1a0: {  	v3 =	vld.idx.msk [tilespmem:v0+s2+$0x0], $0xffff  }
.Ltmp4:
0x1a1: {  	(pc) =	sbr.rel @p1 .LBB2_11-.Ltmp4, $4  }
0x1a2: {  	s22 =	sshra.s32 s23, $0x2  }
0x1a3: {  	v0 =	vld [tilespmem:s22+$0x36B0]  }
0x1a4: {  	v4 =	vsub.f32 v4, v5;
	v5 =	vsub.f32 v6, v7;
	v1 =	vld [tilespmem:s22+$0xFA0]  }
0x1a5: {  	s23 =	sadd.s32 $0x40, s23  }
0x1a6: {  	v2 =	vsub.f32 v2, v3;
	v3 =	vmul.f32 v4, v4;
	v4 =	vmul.f32 v5, v5;
	_ =	sdelay $0x1  }
0x1a7: {  	v5 =	vadd.s32 $0x2EE0, v0;
	v3 =	vadd.f32 v4, v3;
	v2 =	vmul.f32 v2, v2  }
0x1a8: {  	v4 =	vadd.s32 $0x2EE0, v1  }
0x1a9: {  	v6 =	vadd.s32 $0x32C8, v1;
	v2 =	vadd.f32 v2, v3  }
0x1aa: {  	v3 =	vadd.s32 $0x32C8, v0  }
0x1ab: {  	v1 =	vadd.s32 $0x36B0, v1;
	[tilespmem:s21+$0xD2F0] =	vst v2  }
0x1ac: {  	v0 =	vadd.s32 $0x36B0, v0;
	v2 =	vld.idx.msk [tilespmem:v5+s2+$0x0], $0xffff  }
0x1ad: {  	v4 =	vld.idx.msk [tilespmem:v4+s2+$0x0], $0xffff  }
0x1ae: {  	v5 =	vld.idx.msk [tilespmem:v6+s2+$0x0], $0xffff  }
0x1af: {  	v3 =	vld.idx.msk [tilespmem:v3+s2+$0x0], $0xffff  }
0x1b0: {  	v1 =	vld.idx.msk [tilespmem:v1+s2+$0x0], $0xffff  }
0x1b1: {  	v0 =	vld.idx.msk [tilespmem:v0+s2+$0x0], $0xffff;
	_ =	sdelay $0x2  }
0x1b2: {  	v2 =	vsub.f32 v4, v2;
	v3 =	vsub.f32 v5, v3;
	_ =	sdelay $0x1  }
0x1b3: {  	v0 =	vsub.f32 v1, v0;
	v1 =	vmul.f32 v2, v2;
	v2 =	vmul.f32 v3, v3;
	_ =	sdelay $0x1  }
0x1b4: {  	v0 =	vmul.f32 v0, v0;
	v1 =	vadd.f32 v2, v1;
	_ =	sdelay $0x1  }
0x1b5: {  	v0 =	vadd.f32 v0, v1;
	_ =	sdelay $0x1  }
0x1b6: {  	[tilespmem:s22+$0xD2F0] =	vst v0  }
0x1b7: {  	v0 =	vld [tilespmem:$0x1378]  }
0x1b8: {  	v1 =	vld [tilespmem:$0x3A88];
	_ =	sdelay $0x3  }
0x1b9: {  	v2 =	vadd.s32 $0x2EE0, v0  }
0x1ba: {  	v3 =	vadd.s32 $0x2EE0, v1  }
0x1bb: {  	v4 =	vadd.s32 $0x32C8, v0  }
0x1bc: {  	v5 =	vadd.s32 $0x32C8, v1  }
0x1bd: {  	v0 =	vadd.s32 $0x36B0, v0  }
0x1be: {  	v1 =	vadd.s32 $0x36B0, v1;
	v2 =	vld.idx.msk [tilespmem:v2+s2+$0x0], $0xffff  }
0x1bf: {  	v3 =	vld.idx.msk [tilespmem:v3+s2+$0x0], $0xffff  }
0x1c0: {  	v4 =	vld.idx.msk [tilespmem:v4+s2+$0x0], $0xffff  }
0x1c1: {  	v5 =	vld.idx.msk [tilespmem:v5+s2+$0x0], $0xffff  }
0x1c2: {  	v0 =	vld.idx.msk [tilespmem:v0+s2+$0x0], $0xffff  }
0x1c3: {  	v1 =	vld.idx.msk [tilespmem:v1+s2+$0x0], $0xffff;
	_ =	sdelay $0x2  }
0x1c4: {  	v2 =	vsub.f32 v2, v3;
	v3 =	vsub.f32 v4, v5;
	_ =	sdelay $0x1  }
0x1c5: {  	v0 =	vsub.f32 v0, v1;
	v1 =	vmul.f32 v2, v2;
	v2 =	vmul.f32 v3, v3;
	_ =	sdelay $0x1  }
0x1c6: {  	v0 =	vmul.f32 v0, v0;
	v1 =	vadd.f32 v2, v1;
	_ =	sdelay $0x1  }
0x1c7: {  	v0 =	vadd.f32 v0, v1  }
0x1c8: {  	s19 =	sshrl.u32 s19, $0x3;
	s18 =	sshrl.u32 s18, $0x3;
	s23 =	simm.s32 $0xC738  }
0x1c9: {  	s17 =	sshrl.u32 s17, $0x3;
	s19 =	sadd.s32 s7, s19;
	s22 =	simm.s32 $0xC350;
	[tilespmem:$0xD6C8] =	vst v0  }
0x1ca: {  	[hbm4b:s19+s4] =	stream.linear.scatter [tilespmem:s22], [sflag:$0x3], $0x3E8, $0x38;
	[tilespmem:$0xEA60] =	vst v63  }
0x1cb: {  	s16 =	sshrl.u32 s16, $0x3;
	p1 =	seq.s32 s26, $0x9;
	s18 =	sadd.s32 s7, s18  }
0x1cc: {  	[hbm4b:s18+s4] =	stream.linear.scatter [tilespmem:s23], [sflag:$0x3], $0x3E8, $0x38;
	[tilespmem:$0xEA60] =	vst v63  }
0x1cd: {  	s15 =	sshrl.u32 s15, $0x3;
	s17 =	sadd.s32 s7, s17;
	s21 =	simm.s32 $0xCB20  }
0x1ce: {  	[hbm4b:s17+s4] =	stream.linear.scatter [tilespmem:s21], [sflag:$0x3], $0x3E8, $0x38;
	[tilespmem:$0xEA60] =	vst v63  }
0x1cf: {  	s16 =	sadd.s32 s7, s16;
	s12 =	sadd.s32 @!p1 $0x2, s12;
	s22 =	simm.s32 $0xCF08  }
0x1d0: {  	[hbm4b:s16+s4] =	stream.linear.scatter [tilespmem:s22], [sflag:$0x3], $0x3E8, $0x38;
	[tilespmem:$0xEA60] =	vst v63  }
0x1d1: {  	s15 =	sadd.s32 s7, s15;
	s23 =	simm.s32 $0xD2F0;
	s16 =	smul.u32 @!p1 $0x27100, s12  }
0x1d2: {  	[hbm4b:s15+s4] =	stream.linear.scatter [tilespmem:s23], [sflag:$0x3], $0x3E8, $0x38;
	[tilespmem:$0xEA60] =	vst v63  }
0x1d3: {  	s15 =	sadd.s32 @!p1 s5, s16  }
0x1d4: {  	s15 =	sshrl.u32 @!p1 s15, $0x3  }
0x1d5: {  	s18 =	simm.s32 @!p1 $0x0;
	s17 =	sadd.s32 @!p1 s1, s15  }
0x1d6: {  	[tilespmem:s18], [sflag:$0x1] =	stream.linear.gather @!p1 [hbm4b:s17+s18], $0x3E8, $0x38;
	[tilespmem:$0xEA60] =	vst v63  }
0x1d7: {  	s19 =	simm.s32 @!p1 $0x2710;
	s15 =	sadd.s32 @!p1 s3, s15;
	s17 =	sadd.s32 @!p1 s16, s8  }
0x1d8: {  	[tilespmem:s19], [sflag:$0x1] =	stream.linear.gather @!p1 [hbm4b:s15+s18], $0x3E8, $0x38;
	[tilespmem:$0xEA60] =	vst v63  }
0x1d9: {  	s15 =	sshrl.u32 @!p1 s17, $0x3  }
0x1da: {  	s19 =	simm.s32 @!p1 $0x3E8;
	s17 =	sadd.s32 @!p1 s1, s15  }
0x1db: {  	[tilespmem:s19], [sflag:$0x1] =	stream.linear.gather @!p1 [hbm4b:s17+s18], $0x3E8, $0x38;
	[tilespmem:$0xEA60] =	vst v63  }
0x1dc: {  	s15 =	sadd.s32 @!p1 s3, s15;
	s17 =	sadd.s32 @!p1 s16, s9;
	s19 =	simm.s32 @!p1 $0x2AF8  }
0x1dd: {  	[tilespmem:s19], [sflag:$0x1] =	stream.linear.gather @!p1 [hbm4b:s15+s18], $0x3E8, $0x38;
	[tilespmem:$0xEA60] =	vst v63  }
0x1de: {  	s15 =	sshrl.u32 @!p1 s17, $0x3  }
0x1df: {  	s19 =	simm.s32 @!p1 $0x7D0;
	s17 =	sadd.s32 @!p1 s1, s15  }
0x1e0: {  	[tilespmem:s19], [sflag:$0x1] =	stream.linear.gather @!p1 [hbm4b:s17+s18], $0x3E8, $0x38;
	[tilespmem:$0xEA60] =	vst v63  }
0x1e1: {  	s15 =	sadd.s32 @!p1 s3, s15;
	s17 =	sadd.s32 @!p1 s16, s10;
	s19 =	simm.s32 @!p1 $0x2EE0  }
0x1e2: {  	[tilespmem:s19], [sflag:$0x1] =	stream.linear.gather @!p1 [hbm4b:s15+s18], $0x3E8, $0x38;
	[tilespmem:$0xEA60] =	vst v63  }
0x1e3: {  	s15 =	sshrl.u32 @!p1 s17, $0x3  }
0x1e4: {  	s19 =	simm.s32 @!p1 $0xBB8;
	s17 =	sadd.s32 @!p1 s1, s15  }
0x1e5: {  	[tilespmem:s19], [sflag:$0x1] =	stream.linear.gather @!p1 [hbm4b:s17+s18], $0x3E8, $0x38;
	[tilespmem:$0xEA60] =	vst v63  }
0x1e6: {  	s16 =	sadd.s32 @!p1 s16, s11;
	s15 =	sadd.s32 @!p1 s3, s15;
	s17 =	simm.s32 @!p1 $0x32C8  }
0x1e7: {  	[tilespmem:s17], [sflag:$0x1] =	stream.linear.gather @!p1 [hbm4b:s15+s18], $0x3E8, $0x38;
	[tilespmem:$0xEA60] =	vst v63  }
0x1e8: {  	s15 =	sshrl.u32 @!p1 s16, $0x3  }
0x1e9: {  	s17 =	simm.s32 @!p1 $0xFA0;
	s16 =	sadd.s32 @!p1 s1, s15  }
0x1ea: {  	[tilespmem:s17], [sflag:$0x1] =	stream.linear.gather @!p1 [hbm4b:s16+s18], $0x3E8, $0x38;
	[tilespmem:$0xEA60] =	vst v63  }
0x1eb: {  	s12 =	smul.u32 @!p1 $0x753, s12;
	s15 =	sadd.s32 @!p1 s3, s15;
	s16 =	simm.s32 @!p1 $0x36B0  }
0x1ec: {  	[tilespmem:s16], [sflag:$0x1] =	stream.linear.gather @!p1 [hbm4b:s15+s18], $0x3E8, $0x38;
	[tilespmem:$0xEA60] =	vst v63  }
0x1ed: {  	s12 =	sadd.s32 @!p1 s6, s12;
	s15 =	simm.s32 @!p1 $0x4E20  }
0x1ee: {  	[tilespmem:s15], [sflag:$0x1] =	stream.linear.gather @!p1 [hbm4b:s12+s18], $0x3A98, $0x38;
	[tilespmem:$0xEA60] =	vst v63  }
0x1ef: {  	_ =	swait.ge [sflag:s20], $0x3E8  }
0x1f0: {  	[sflag:s20] =	ssyncset.done $0x0  }
0x1f1: {  	[sflag:s20] =	ssyncadd.s32 $0xFFFFFC18  }
0x1f2: {  	_ =	swait.ge [sflag:s20], $0x3E8  }
0x1f3: {  	[sflag:s20] =	ssyncset.done $0x0  }
0x1f4: {  	[sflag:s20] =	ssyncadd.s32 $0xFFFFFC18  }
0x1f5: {  	_ =	swait.ge [sflag:s20], $0x3E8  }
0x1f6: {  	[sflag:s20] =	ssyncset.done $0x0  }
0x1f7: {  	[sflag:s20] =	ssyncadd.s32 $0xFFFFFC18  }
0x1f8: {  	_ =	swait.ge [sflag:s20], $0x3E8  }
0x1f9: {  	[sflag:s20] =	ssyncset.done $0x0  }
0x1fa: {  	[sflag:s20] =	ssyncadd.s32 $0xFFFFFC18  }
0x1fb: {  	_ =	swait.ge [sflag:s20], $0x3E8  }
0x1fc: {  	[sflag:s20] =	ssyncset.done $0x0  }
0x1fd: {  	[sflag:s20] =	ssyncadd.s32 $0xFFFFFC18  }
0x1fe: {  	_ =	swait.ge [sflag:s20], $0x3E8  }
0x1ff: {  	[sflag:s20] =	ssyncset.done $0x0  }
0x200: {  	[sflag:s20] =	ssyncadd.s32 $0xFFFFFC18  }
0x201: {  	_ =	swait.ge [sflag:s20], $0x3E8  }
0x202: {  	[sflag:s20] =	ssyncset.done $0x0  }
0x203: {  	[sflag:s20] =	ssyncadd.s32 $0xFFFFFC18  }
0x204: {  	_ =	swait.ge [sflag:s20], $0x3E8  }
0x205: {  	[sflag:s20] =	ssyncset.done $0x0  }
0x206: {  	[sflag:s20] =	ssyncadd.s32 $0xFFFFFC18  }
0x207: {  	_ =	swait.ge [sflag:s20], $0x3E8  }
0x208: {  	[sflag:s20] =	ssyncset.done $0x0  }
0x209: {  	[sflag:s20] =	ssyncadd.s32 $0xFFFFFC18  }
0x20a: {  	_ =	swait.ge [sflag:s20], $0x3E8  }
0x20b: {  	[sflag:s20] =	ssyncset.done $0x0  }
0x20c: {  	[sflag:s20] =	ssyncadd.s32 $0xFFFFFC18  }
0x20d: {  	_ =	swait.ge [sflag:s20], $0x3A98  }
0x20e: {  	[sflag:s20] =	ssyncset.done $0x0  }
0x20f: {  	s12 =	simm.s32 @!p0 $0x4;
	[sflag:s20] =	ssyncadd.s32 $0xFFFFC568  }
0x210: {  	_ =	swait.ge @!p0 [sflag:s12], $0x3E8  }
0x211: {  	[sflag:s12] =	ssyncset.done @!p0 $0x0  }
0x212: {  	[sflag:s12] =	ssyncadd.s32 @!p0 $0xFFFFFC18  }
0x213: {  	_ =	swait.ge @!p0 [sflag:s12], $0x3E8  }
0x214: {  	[sflag:s12] =	ssyncset.done @!p0 $0x0  }
0x215: {  	[sflag:s12] =	ssyncadd.s32 @!p0 $0xFFFFFC18  }
0x216: {  	_ =	swait.ge @!p0 [sflag:s12], $0x3E8  }
0x217: {  	[sflag:s12] =	ssyncset.done @!p0 $0x0  }
0x218: {  	[sflag:s12] =	ssyncadd.s32 @!p0 $0xFFFFFC18  }
0x219: {  	_ =	swait.ge @!p0 [sflag:s12], $0x3E8  }
0x21a: {  	[sflag:s12] =	ssyncset.done @!p0 $0x0  }
0x21b: {  	[sflag:s12] =	ssyncadd.s32 @!p0 $0xFFFFFC18  }
0x21c: {  	_ =	swait.ge @!p0 [sflag:s12], $0x3E8  }
0x21d: {  	[sflag:s12] =	ssyncset.done @!p0 $0x0  }
0x21e: {  	[sflag:s12] =	ssyncadd.s32 @!p0 $0xFFFFFC18;
	s12 =	simm.s32 $0x0  }
0x21f: {  	v0 =	vld [tilespmem:s12+$0x1388]  }
0x220: {  	v1 =	vld [tilespmem:s12+$0x3A98];
	_ =	sdelay $0x4  }
0x221: {  	v2 =	vadd.s32 $0x3E8, v0  }
0x222: {  	v3 =	vadd.s32 $0x3E8, v1  }
0x223: {  	v4 =	vadd.s32 $0x7D0, v0  }
0x224: {  	v5 =	vld.idx.msk [tilespmem:v1+s13+$0x0], $0xffff;
	v1 =	vadd.s32 $0x7D0, v1  }
0x225: {  	v6 =	vld.idx.msk [tilespmem:v0+s13+$0x0], $0xffff  }
0x226: {  	v7 =	vld.idx.msk [tilespmem:v2+s13+$0x0], $0xffff  }
0x227: {  	v8 =	vld.idx.msk [tilespmem:v3+s13+$0x0], $0xffff  }
0x228: {  	v2 =	vld.idx.msk [tilespmem:v4+s13+$0x0], $0xffff  }
0x229: {  	v3 =	vld.idx.msk [tilespmem:v1+s13+$0x0], $0xffff;
	_ =	sdelay $0x1  }
0x22a: {  	s15 =	simm.s32 $0x10  }
0x22b: {  	v0 =	vld [tilespmem:s15+$0x1388];
	v4 =	vsub.f32 v6, v5;
	v5 =	vsub.f32 v7, v8  }
0x22c: {  	s16 =	simm.s32 $0x80;
	v1 =	vld [tilespmem:s15+$0x3A98]  }
.LBB2_13:
0x22d: {  	p0 =	sne.s32 s16, $0xF40;
	v2 =	vsub.f32 v2, v3;
	v3 =	vmul.f32 v4, v4;
	v4 =	vmul.f32 v5, v5;
	_ =	sdelay $0x1  }
0x22e: {  	v3 =	vadd.f32 v4, v3;
	v2 =	vmul.f32 v2, v2;
	_ =	sdelay $0x1  }
0x22f: {  	v4 =	vadd.s32 $0x3E8, v0;
	v2 =	vadd.f32 v2, v3  }
0x230: {  	v3 =	vadd.s32 $0x3E8, v1  }
0x231: {  	v5 =	vadd.s32 $0x7D0, v0;
	[tilespmem:s12+$0xD6D8] =	vst v2;
	s12 =	smov.u32 s15  }
0x232: {  	v6 =	vld.idx.msk [tilespmem:v1+s13+$0x0], $0xffff;
	v1 =	vadd.s32 $0x7D0, v1  }
0x233: {  	v7 =	vld.idx.msk [tilespmem:v0+s13+$0x0], $0xffff  }
0x234: {  	v8 =	vld.idx.msk [tilespmem:v4+s13+$0x0], $0xffff  }
0x235: {  	v9 =	vld.idx.msk [tilespmem:v3+s13+$0x0], $0xffff  }
0x236: {  	v2 =	vld.idx.msk [tilespmem:v5+s13+$0x0], $0xffff  }
0x237: {  	v3 =	vld.idx.msk [tilespmem:v1+s13+$0x0], $0xffff  }
.Ltmp5:
0x238: {  	(pc) =	sbr.rel @p0 .LBB2_13-.Ltmp5, $4  }
0x239: {  	_ = 	snop  }
0x23a: {  	s15 =	sshra.s32 s16, $0x2  }
0x23b: {  	v4 =	vsub.f32 v7, v6;
	v5 =	vsub.f32 v8, v9;
	v0 =	vld [tilespmem:s15+$0x1388]  }
0x23c: {  	s16 =	sadd.s32 $0x40, s16;
	v1 =	vld [tilespmem:s15+$0x3A98]  }
0x23d: {  	_ = 	snop  }
0x23e: {  	v2 =	vsub.f32 v2, v3;
	v3 =	vmul.f32 v4, v4;
	v4 =	vmul.f32 v5, v5;
	_ =	sdelay $0x1  }
0x23f: {  	v3 =	vadd.f32 v4, v3;
	v2 =	vmul.f32 v2, v2;
	_ =	sdelay $0x1  }
0x240: {  	v4 =	vadd.s32 $0x3E8, v0;
	v2 =	vadd.f32 v2, v3  }
0x241: {  	v3 =	vadd.s32 $0x3E8, v1  }
0x242: {  	v5 =	vadd.s32 $0x7D0, v0;
	[tilespmem:s12+$0xD6D8] =	vst v2  }
0x243: {  	v2 =	vld.idx.msk [tilespmem:v1+s13+$0x0], $0xffff;
	v1 =	vadd.s32 $0x7D0, v1  }
0x244: {  	v0 =	vld.idx.msk [tilespmem:v0+s13+$0x0], $0xffff  }
0x245: {  	v4 =	vld.idx.msk [tilespmem:v4+s13+$0x0], $0xffff  }
0x246: {  	v3 =	vld.idx.msk [tilespmem:v3+s13+$0x0], $0xffff  }
0x247: {  	v5 =	vld.idx.msk [tilespmem:v5+s13+$0x0], $0xffff  }
0x248: {  	v1 =	vld.idx.msk [tilespmem:v1+s13+$0x0], $0xffff;
	_ =	sdelay $0x2  }
0x249: {  	v0 =	vsub.f32 v0, v2;
	v2 =	vsub.f32 v4, v3;
	_ =	sdelay $0x1  }
0x24a: {  	v0 =	vmul.f32 v0, v0;
	v2 =	vmul.f32 v2, v2;
	v1 =	vsub.f32 v5, v1;
	_ =	sdelay $0x1  }
0x24b: {  	v0 =	vadd.f32 v2, v0;
	v1 =	vmul.f32 v1, v1;
	_ =	sdelay $0x1  }
0x24c: {  	v0 =	vadd.f32 v1, v0;
	_ =	sdelay $0x1  }
0x24d: {  	[tilespmem:s15+$0xD6D8] =	vst v0  }
0x24e: {  	v0 =	vld [tilespmem:$0x1760]  }
0x24f: {  	v1 =	vld [tilespmem:$0x3E70];
	_ =	sdelay $0x3  }
0x250: {  	v2 =	vadd.s32 $0x3E8, v0  }
0x251: {  	v3 =	vadd.s32 $0x3E8, v1  }
0x252: {  	v4 =	vadd.s32 $0x7D0, v0  }
0x253: {  	v5 =	vadd.s32 $0x7D0, v1;
	v0 =	vld.idx.msk [tilespmem:v0+s13+$0x0], $0xffff  }
0x254: {  	v1 =	vld.idx.msk [tilespmem:v1+s13+$0x0], $0xffff  }
0x255: {  	v2 =	vld.idx.msk [tilespmem:v2+s13+$0x0], $0xffff  }
0x256: {  	v3 =	vld.idx.msk [tilespmem:v3+s13+$0x0], $0xffff  }
0x257: {  	v4 =	vld.idx.msk [tilespmem:v4+s13+$0x0], $0xffff  }
0x258: {  	v5 =	vld.idx.msk [tilespmem:v5+s13+$0x0], $0xffff;
	_ =	sdelay $0x2  }
0x259: {  	v0 =	vsub.f32 v0, v1;
	v1 =	vsub.f32 v2, v3;
	_ =	sdelay $0x1  }
0x25a: {  	v2 =	vsub.f32 v4, v5;
	v0 =	vmul.f32 v0, v0;
	v1 =	vmul.f32 v1, v1;
	_ =	sdelay $0x1  }
0x25b: {  	v0 =	vadd.f32 v1, v0;
	v1 =	vmul.f32 v2, v2;
	_ =	sdelay $0x1  }
0x25c: {  	v0 =	vadd.f32 v1, v0;
	_ =	sdelay $0x1  }
0x25d: {  	s12 =	simm.s32 $0x0;
	[tilespmem:$0xDAB0] =	vst v0  }
0x25e: {  	v0 =	vld [tilespmem:s12+$0x3E80]  }
0x25f: {  	v1 =	vld [tilespmem:s12+$0x1770];
	_ =	sdelay $0x3  }
0x260: {  	v2 =	vadd.s32 $0xBB8, v0  }
0x261: {  	v3 =	vadd.s32 $0xBB8, v1  }
0x262: {  	v4 =	vadd.s32 $0xFA0, v1  }
0x263: {  	v5 =	vadd.s32 $0xFA0, v0  }
0x264: {  	v1 =	vadd.s32 $0x1388, v1  }
0x265: {  	v0 =	vadd.s32 $0x1388, v0;
	v6 =	vld.idx.msk [tilespmem:v2+s13+$0x0], $0xffff  }
0x266: {  	v7 =	vld.idx.msk [tilespmem:v3+s13+$0x0], $0xffff  }
0x267: {  	v8 =	vld.idx.msk [tilespmem:v4+s13+$0x0], $0xffff  }
0x268: {  	v5 =	vld.idx.msk [tilespmem:v5+s13+$0x0], $0xffff  }
0x269: {  	v2 =	vld.idx.msk [tilespmem:v1+s13+$0x0], $0xffff  }
0x26a: {  	v3 =	vld.idx.msk [tilespmem:v0+s13+$0x0], $0xffff  }
0x26b: {  	s15 =	simm.s32 $0x10  }
0x26c: {  	v0 =	vld [tilespmem:s15+$0x3E80]  }
0x26d: {  	v1 =	vld [tilespmem:s15+$0x1770];
	v4 =	vsub.f32 v7, v6;
	v5 =	vsub.f32 v8, v5  }
0x26e: {  	s16 =	simm.s32 $0x80  }
.LBB2_15:
0x26f: {  	p0 =	sne.s32 s16, $0xF40;
	v2 =	vsub.f32 v2, v3;
	v3 =	vmul.f32 v4, v4;
	v4 =	vmul.f32 v5, v5;
	_ =	sdelay $0x1  }
0x270: {  	v5 =	vadd.s32 $0xBB8, v0;
	v3 =	vadd.f32 v4, v3;
	v2 =	vmul.f32 v2, v2  }
0x271: {  	v4 =	vadd.s32 $0xBB8, v1  }
0x272: {  	v6 =	vadd.s32 $0xFA0, v1;
	v2 =	vadd.f32 v2, v3  }
0x273: {  	v3 =	vadd.s32 $0xFA0, v0  }
0x274: {  	v1 =	vadd.s32 $0x1388, v1;
	[tilespmem:s12+$0xDAC0] =	vst v2;
	s12 =	smov.u32 s15  }
0x275: {  	v0 =	vadd.s32 $0x1388, v0;
	v5 =	vld.idx.msk [tilespmem:v5+s13+$0x0], $0xffff  }
0x276: {  	v4 =	vld.idx.msk [tilespmem:v4+s13+$0x0], $0xffff  }
0x277: {  	v6 =	vld.idx.msk [tilespmem:v6+s13+$0x0], $0xffff  }
0x278: {  	v7 =	vld.idx.msk [tilespmem:v3+s13+$0x0], $0xffff  }
0x279: {  	v2 =	vld.idx.msk [tilespmem:v1+s13+$0x0], $0xffff  }
0x27a: {  	v3 =	vld.idx.msk [tilespmem:v0+s13+$0x0], $0xffff  }
.Ltmp6:
0x27b: {  	(pc) =	sbr.rel @p0 .LBB2_15-.Ltmp6, $4  }
0x27c: {  	s15 =	sshra.s32 s16, $0x2  }
0x27d: {  	v0 =	vld [tilespmem:s15+$0x3E80]  }
0x27e: {  	v4 =	vsub.f32 v4, v5;
	v5 =	vsub.f32 v6, v7;
	v1 =	vld [tilespmem:s15+$0x1770]  }
0x27f: {  	s16 =	sadd.s32 $0x40, s16  }
0x280: {  	v2 =	vsub.f32 v2, v3;
	v3 =	vmul.f32 v4, v4;
	v4 =	vmul.f32 v5, v5;
	_ =	sdelay $0x1  }
0x281: {  	v5 =	vadd.s32 $0xBB8, v0;
	v3 =	vadd.f32 v4, v3;
	v2 =	vmul.f32 v2, v2  }
0x282: {  	v4 =	vadd.s32 $0xBB8, v1  }
0x283: {  	v6 =	vadd.s32 $0xFA0, v1;
	v2 =	vadd.f32 v2, v3  }
0x284: {  	v3 =	vadd.s32 $0xFA0, v0  }
0x285: {  	v1 =	vadd.s32 $0x1388, v1;
	[tilespmem:s12+$0xDAC0] =	vst v2  }
0x286: {  	v0 =	vadd.s32 $0x1388, v0;
	v2 =	vld.idx.msk [tilespmem:v5+s13+$0x0], $0xffff  }
0x287: {  	v4 =	vld.idx.msk [tilespmem:v4+s13+$0x0], $0xffff  }
0x288: {  	v5 =	vld.idx.msk [tilespmem:v6+s13+$0x0], $0xffff  }
0x289: {  	v3 =	vld.idx.msk [tilespmem:v3+s13+$0x0], $0xffff  }
0x28a: {  	v1 =	vld.idx.msk [tilespmem:v1+s13+$0x0], $0xffff  }
0x28b: {  	v0 =	vld.idx.msk [tilespmem:v0+s13+$0x0], $0xffff;
	_ =	sdelay $0x2  }
0x28c: {  	v2 =	vsub.f32 v4, v2;
	v3 =	vsub.f32 v5, v3;
	_ =	sdelay $0x1  }
0x28d: {  	v0 =	vsub.f32 v1, v0;
	v1 =	vmul.f32 v2, v2;
	v2 =	vmul.f32 v3, v3;
	_ =	sdelay $0x1  }
0x28e: {  	v0 =	vmul.f32 v0, v0;
	v1 =	vadd.f32 v2, v1;
	_ =	sdelay $0x1  }
0x28f: {  	v0 =	vadd.f32 v0, v1;
	_ =	sdelay $0x1  }
0x290: {  	[tilespmem:s15+$0xDAC0] =	vst v0  }
0x291: {  	v0 =	vld [tilespmem:$0x1B48]  }
0x292: {  	v1 =	vld [tilespmem:$0x4258];
	_ =	sdelay $0x3  }
0x293: {  	v2 =	vadd.s32 $0xBB8, v0  }
0x294: {  	v3 =	vadd.s32 $0xBB8, v1  }
0x295: {  	v4 =	vadd.s32 $0xFA0, v0  }
0x296: {  	v5 =	vadd.s32 $0xFA0, v1  }
0x297: {  	v0 =	vadd.s32 $0x1388, v0  }
0x298: {  	v1 =	vadd.s32 $0x1388, v1;
	v2 =	vld.idx.msk [tilespmem:v2+s13+$0x0], $0xffff  }
0x299: {  	v3 =	vld.idx.msk [tilespmem:v3+s13+$0x0], $0xffff  }
0x29a: {  	v4 =	vld.idx.msk [tilespmem:v4+s13+$0x0], $0xffff  }
0x29b: {  	v5 =	vld.idx.msk [tilespmem:v5+s13+$0x0], $0xffff  }
0x29c: {  	v0 =	vld.idx.msk [tilespmem:v0+s13+$0x0], $0xffff  }
0x29d: {  	v1 =	vld.idx.msk [tilespmem:v1+s13+$0x0], $0xffff;
	_ =	sdelay $0x2  }
0x29e: {  	v2 =	vsub.f32 v2, v3;
	v3 =	vsub.f32 v4, v5;
	_ =	sdelay $0x1  }
0x29f: {  	v0 =	vsub.f32 v0, v1;
	v1 =	vmul.f32 v2, v2;
	v2 =	vmul.f32 v3, v3;
	_ =	sdelay $0x1  }
0x2a0: {  	v0 =	vmul.f32 v0, v0;
	v1 =	vadd.f32 v2, v1;
	_ =	sdelay $0x1  }
0x2a1: {  	v0 =	vadd.f32 v0, v1;
	_ =	sdelay $0x1  }
0x2a2: {  	s12 =	simm.s32 $0x0;
	[tilespmem:$0xDE98] =	vst v0  }
0x2a3: {  	v0 =	vld [tilespmem:s12+$0x4268]  }
0x2a4: {  	v1 =	vld [tilespmem:s12+$0x1B58];
	_ =	sdelay $0x3  }
0x2a5: {  	v2 =	vadd.s32 $0x1770, v0  }
0x2a6: {  	v3 =	vadd.s32 $0x1770, v1  }
0x2a7: {  	v4 =	vadd.s32 $0x1B58, v1  }
0x2a8: {  	v5 =	vadd.s32 $0x1B58, v0  }
0x2a9: {  	v1 =	vadd.s32 $0x1F40, v1  }
0x2aa: {  	v0 =	vadd.s32 $0x1F40, v0;
	v6 =	vld.idx.msk [tilespmem:v2+s13+$0x0], $0xffff  }
0x2ab: {  	v7 =	vld.idx.msk [tilespmem:v3+s13+$0x0], $0xffff  }
0x2ac: {  	v8 =	vld.idx.msk [tilespmem:v4+s13+$0x0], $0xffff  }
0x2ad: {  	v5 =	vld.idx.msk [tilespmem:v5+s13+$0x0], $0xffff  }
0x2ae: {  	v2 =	vld.idx.msk [tilespmem:v1+s13+$0x0], $0xffff  }
0x2af: {  	v3 =	vld.idx.msk [tilespmem:v0+s13+$0x0], $0xffff  }
0x2b0: {  	s15 =	simm.s32 $0x10  }
0x2b1: {  	v0 =	vld [tilespmem:s15+$0x4268]  }
0x2b2: {  	v1 =	vld [tilespmem:s15+$0x1B58];
	v4 =	vsub.f32 v7, v6;
	v5 =	vsub.f32 v8, v5  }
0x2b3: {  	s16 =	simm.s32 $0x80  }
.LBB2_17:
0x2b4: {  	p0 =	sne.s32 s16, $0xF40;
	v2 =	vsub.f32 v2, v3;
	v3 =	vmul.f32 v4, v4;
	v4 =	vmul.f32 v5, v5;
	_ =	sdelay $0x1  }
0x2b5: {  	v5 =	vadd.s32 $0x1770, v0;
	v3 =	vadd.f32 v4, v3;
	v2 =	vmul.f32 v2, v2  }
0x2b6: {  	v4 =	vadd.s32 $0x1770, v1  }
0x2b7: {  	v6 =	vadd.s32 $0x1B58, v1;
	v2 =	vadd.f32 v2, v3  }
0x2b8: {  	v3 =	vadd.s32 $0x1B58, v0  }
0x2b9: {  	v1 =	vadd.s32 $0x1F40, v1;
	[tilespmem:s12+$0xDEA8] =	vst v2;
	s12 =	smov.u32 s15  }
0x2ba: {  	v0 =	vadd.s32 $0x1F40, v0;
	v5 =	vld.idx.msk [tilespmem:v5+s13+$0x0], $0xffff  }
0x2bb: {  	v4 =	vld.idx.msk [tilespmem:v4+s13+$0x0], $0xffff  }
0x2bc: {  	v6 =	vld.idx.msk [tilespmem:v6+s13+$0x0], $0xffff  }
0x2bd: {  	v7 =	vld.idx.msk [tilespmem:v3+s13+$0x0], $0xffff  }
0x2be: {  	v2 =	vld.idx.msk [tilespmem:v1+s13+$0x0], $0xffff  }
0x2bf: {  	v3 =	vld.idx.msk [tilespmem:v0+s13+$0x0], $0xffff  }
.Ltmp7:
0x2c0: {  	(pc) =	sbr.rel @p0 .LBB2_17-.Ltmp7, $4  }
0x2c1: {  	s15 =	sshra.s32 s16, $0x2  }
0x2c2: {  	v0 =	vld [tilespmem:s15+$0x4268]  }
0x2c3: {  	v4 =	vsub.f32 v4, v5;
	v5 =	vsub.f32 v6, v7;
	v1 =	vld [tilespmem:s15+$0x1B58]  }
0x2c4: {  	s16 =	sadd.s32 $0x40, s16  }
0x2c5: {  	v2 =	vsub.f32 v2, v3;
	v3 =	vmul.f32 v4, v4;
	v4 =	vmul.f32 v5, v5;
	_ =	sdelay $0x1  }
0x2c6: {  	v5 =	vadd.s32 $0x1770, v0;
	v3 =	vadd.f32 v4, v3;
	v2 =	vmul.f32 v2, v2  }
0x2c7: {  	v4 =	vadd.s32 $0x1770, v1  }
0x2c8: {  	v6 =	vadd.s32 $0x1B58, v1;
	v2 =	vadd.f32 v2, v3  }
0x2c9: {  	v3 =	vadd.s32 $0x1B58, v0  }
0x2ca: {  	v1 =	vadd.s32 $0x1F40, v1;
	[tilespmem:s12+$0xDEA8] =	vst v2  }
0x2cb: {  	v0 =	vadd.s32 $0x1F40, v0;
	v2 =	vld.idx.msk [tilespmem:v5+s13+$0x0], $0xffff  }
0x2cc: {  	v4 =	vld.idx.msk [tilespmem:v4+s13+$0x0], $0xffff  }
0x2cd: {  	v5 =	vld.idx.msk [tilespmem:v6+s13+$0x0], $0xffff  }
0x2ce: {  	v3 =	vld.idx.msk [tilespmem:v3+s13+$0x0], $0xffff  }
0x2cf: {  	v1 =	vld.idx.msk [tilespmem:v1+s13+$0x0], $0xffff  }
0x2d0: {  	v0 =	vld.idx.msk [tilespmem:v0+s13+$0x0], $0xffff;
	_ =	sdelay $0x2  }
0x2d1: {  	v2 =	vsub.f32 v4, v2;
	v3 =	vsub.f32 v5, v3;
	_ =	sdelay $0x1  }
0x2d2: {  	v0 =	vsub.f32 v1, v0;
	v1 =	vmul.f32 v2, v2;
	v2 =	vmul.f32 v3, v3;
	_ =	sdelay $0x1  }
0x2d3: {  	v0 =	vmul.f32 v0, v0;
	v1 =	vadd.f32 v2, v1;
	_ =	sdelay $0x1  }
0x2d4: {  	v0 =	vadd.f32 v0, v1;
	_ =	sdelay $0x1  }
0x2d5: {  	[tilespmem:s15+$0xDEA8] =	vst v0  }
0x2d6: {  	v0 =	vld [tilespmem:$0x1F30]  }
0x2d7: {  	v1 =	vld [tilespmem:$0x4640];
	_ =	sdelay $0x3  }
0x2d8: {  	v2 =	vadd.s32 $0x1770, v0  }
0x2d9: {  	v3 =	vadd.s32 $0x1770, v1  }
0x2da: {  	v4 =	vadd.s32 $0x1B58, v0  }
0x2db: {  	v5 =	vadd.s32 $0x1B58, v1  }
0x2dc: {  	v0 =	vadd.s32 $0x1F40, v0  }
0x2dd: {  	v1 =	vadd.s32 $0x1F40, v1;
	v2 =	vld.idx.msk [tilespmem:v2+s13+$0x0], $0xffff  }
0x2de: {  	v3 =	vld.idx.msk [tilespmem:v3+s13+$0x0], $0xffff  }
0x2df: {  	v4 =	vld.idx.msk [tilespmem:v4+s13+$0x0], $0xffff  }
0x2e0: {  	v5 =	vld.idx.msk [tilespmem:v5+s13+$0x0], $0xffff  }
0x2e1: {  	v0 =	vld.idx.msk [tilespmem:v0+s13+$0x0], $0xffff  }
0x2e2: {  	v1 =	vld.idx.msk [tilespmem:v1+s13+$0x0], $0xffff;
	_ =	sdelay $0x2  }
0x2e3: {  	v2 =	vsub.f32 v2, v3;
	v3 =	vsub.f32 v4, v5;
	_ =	sdelay $0x1  }
0x2e4: {  	v0 =	vsub.f32 v0, v1;
	v1 =	vmul.f32 v2, v2;
	v2 =	vmul.f32 v3, v3;
	_ =	sdelay $0x1  }
0x2e5: {  	v0 =	vmul.f32 v0, v0;
	v1 =	vadd.f32 v2, v1;
	_ =	sdelay $0x1  }
0x2e6: {  	v0 =	vadd.f32 v0, v1;
	_ =	sdelay $0x1  }
0x2e7: {  	s12 =	simm.s32 $0x0;
	[tilespmem:$0xE280] =	vst v0  }
0x2e8: {  	v0 =	vld [tilespmem:s12+$0x4650]  }
0x2e9: {  	v1 =	vld [tilespmem:s12+$0x1F40];
	_ =	sdelay $0x3  }
0x2ea: {  	v2 =	vadd.s32 $0x2328, v0  }
0x2eb: {  	v3 =	vadd.s32 $0x2328, v1  }
0x2ec: {  	v4 =	vadd.s32 $0x2710, v1  }
0x2ed: {  	v5 =	vadd.s32 $0x2710, v0  }
0x2ee: {  	v1 =	vadd.s32 $0x2AF8, v1  }
0x2ef: {  	v0 =	vadd.s32 $0x2AF8, v0;
	v6 =	vld.idx.msk [tilespmem:v2+s13+$0x0], $0xffff  }
0x2f0: {  	v7 =	vld.idx.msk [tilespmem:v3+s13+$0x0], $0xffff  }
0x2f1: {  	v8 =	vld.idx.msk [tilespmem:v4+s13+$0x0], $0xffff  }
0x2f2: {  	v5 =	vld.idx.msk [tilespmem:v5+s13+$0x0], $0xffff  }
0x2f3: {  	v2 =	vld.idx.msk [tilespmem:v1+s13+$0x0], $0xffff  }
0x2f4: {  	v3 =	vld.idx.msk [tilespmem:v0+s13+$0x0], $0xffff  }
0x2f5: {  	s15 =	simm.s32 $0x10  }
0x2f6: {  	v0 =	vld [tilespmem:s15+$0x4650]  }
0x2f7: {  	v1 =	vld [tilespmem:s15+$0x1F40];
	v4 =	vsub.f32 v7, v6;
	v5 =	vsub.f32 v8, v5  }
0x2f8: {  	s16 =	simm.s32 $0x80  }
.LBB2_19:
0x2f9: {  	p0 =	sne.s32 s16, $0xF40;
	v2 =	vsub.f32 v2, v3;
	v3 =	vmul.f32 v4, v4;
	v4 =	vmul.f32 v5, v5;
	_ =	sdelay $0x1  }
0x2fa: {  	v5 =	vadd.s32 $0x2328, v0;
	v3 =	vadd.f32 v4, v3;
	v2 =	vmul.f32 v2, v2  }
0x2fb: {  	v4 =	vadd.s32 $0x2328, v1  }
0x2fc: {  	v6 =	vadd.s32 $0x2710, v1;
	v2 =	vadd.f32 v2, v3  }
0x2fd: {  	v3 =	vadd.s32 $0x2710, v0  }
0x2fe: {  	v1 =	vadd.s32 $0x2AF8, v1;
	[tilespmem:s12+$0xE290] =	vst v2;
	s12 =	smov.u32 s15  }
0x2ff: {  	v0 =	vadd.s32 $0x2AF8, v0;
	v5 =	vld.idx.msk [tilespmem:v5+s13+$0x0], $0xffff  }
0x300: {  	v4 =	vld.idx.msk [tilespmem:v4+s13+$0x0], $0xffff  }
0x301: {  	v6 =	vld.idx.msk [tilespmem:v6+s13+$0x0], $0xffff  }
0x302: {  	v7 =	vld.idx.msk [tilespmem:v3+s13+$0x0], $0xffff  }
0x303: {  	v2 =	vld.idx.msk [tilespmem:v1+s13+$0x0], $0xffff  }
0x304: {  	v3 =	vld.idx.msk [tilespmem:v0+s13+$0x0], $0xffff  }
.Ltmp8:
0x305: {  	(pc) =	sbr.rel @p0 .LBB2_19-.Ltmp8, $4  }
0x306: {  	s15 =	sshra.s32 s16, $0x2  }
0x307: {  	v0 =	vld [tilespmem:s15+$0x4650]  }
0x308: {  	v4 =	vsub.f32 v4, v5;
	v5 =	vsub.f32 v6, v7;
	v1 =	vld [tilespmem:s15+$0x1F40]  }
0x309: {  	s16 =	sadd.s32 $0x40, s16  }
0x30a: {  	v2 =	vsub.f32 v2, v3;
	v3 =	vmul.f32 v4, v4;
	v4 =	vmul.f32 v5, v5;
	_ =	sdelay $0x1  }
0x30b: {  	v5 =	vadd.s32 $0x2328, v0;
	v3 =	vadd.f32 v4, v3;
	v2 =	vmul.f32 v2, v2  }
0x30c: {  	v4 =	vadd.s32 $0x2328, v1  }
0x30d: {  	v6 =	vadd.s32 $0x2710, v1;
	v2 =	vadd.f32 v2, v3  }
0x30e: {  	v3 =	vadd.s32 $0x2710, v0  }
0x30f: {  	v1 =	vadd.s32 $0x2AF8, v1;
	[tilespmem:s12+$0xE290] =	vst v2  }
0x310: {  	v0 =	vadd.s32 $0x2AF8, v0;
	v2 =	vld.idx.msk [tilespmem:v5+s13+$0x0], $0xffff  }
0x311: {  	v4 =	vld.idx.msk [tilespmem:v4+s13+$0x0], $0xffff  }
0x312: {  	v5 =	vld.idx.msk [tilespmem:v6+s13+$0x0], $0xffff  }
0x313: {  	v3 =	vld.idx.msk [tilespmem:v3+s13+$0x0], $0xffff  }
0x314: {  	v1 =	vld.idx.msk [tilespmem:v1+s13+$0x0], $0xffff  }
0x315: {  	v0 =	vld.idx.msk [tilespmem:v0+s13+$0x0], $0xffff;
	_ =	sdelay $0x2  }
0x316: {  	v2 =	vsub.f32 v4, v2;
	v3 =	vsub.f32 v5, v3;
	_ =	sdelay $0x1  }
0x317: {  	v0 =	vsub.f32 v1, v0;
	v1 =	vmul.f32 v2, v2;
	v2 =	vmul.f32 v3, v3;
	_ =	sdelay $0x1  }
0x318: {  	v0 =	vmul.f32 v0, v0;
	v1 =	vadd.f32 v2, v1;
	_ =	sdelay $0x1  }
0x319: {  	v0 =	vadd.f32 v0, v1;
	_ =	sdelay $0x1  }
0x31a: {  	[tilespmem:s15+$0xE290] =	vst v0  }
0x31b: {  	v0 =	vld [tilespmem:$0x2318]  }
0x31c: {  	v1 =	vld [tilespmem:$0x4A28];
	_ =	sdelay $0x3  }
0x31d: {  	v2 =	vadd.s32 $0x2328, v0  }
0x31e: {  	v3 =	vadd.s32 $0x2328, v1  }
0x31f: {  	v4 =	vadd.s32 $0x2710, v0  }
0x320: {  	v5 =	vadd.s32 $0x2710, v1  }
0x321: {  	v0 =	vadd.s32 $0x2AF8, v0  }
0x322: {  	v1 =	vadd.s32 $0x2AF8, v1;
	v2 =	vld.idx.msk [tilespmem:v2+s13+$0x0], $0xffff  }
0x323: {  	v3 =	vld.idx.msk [tilespmem:v3+s13+$0x0], $0xffff  }
0x324: {  	v4 =	vld.idx.msk [tilespmem:v4+s13+$0x0], $0xffff  }
0x325: {  	v5 =	vld.idx.msk [tilespmem:v5+s13+$0x0], $0xffff  }
0x326: {  	v0 =	vld.idx.msk [tilespmem:v0+s13+$0x0], $0xffff  }
0x327: {  	v1 =	vld.idx.msk [tilespmem:v1+s13+$0x0], $0xffff;
	_ =	sdelay $0x2  }
0x328: {  	v2 =	vsub.f32 v2, v3;
	v3 =	vsub.f32 v4, v5;
	_ =	sdelay $0x1  }
0x329: {  	v0 =	vsub.f32 v0, v1;
	v1 =	vmul.f32 v2, v2;
	v2 =	vmul.f32 v3, v3;
	_ =	sdelay $0x1  }
0x32a: {  	v0 =	vmul.f32 v0, v0;
	v1 =	vadd.f32 v2, v1;
	_ =	sdelay $0x1  }
0x32b: {  	v0 =	vadd.f32 v0, v1;
	_ =	sdelay $0x1  }
0x32c: {  	s12 =	simm.s32 $0x0;
	[tilespmem:$0xE668] =	vst v0  }
0x32d: {  	v0 =	vld [tilespmem:s12+$0x4A38]  }
0x32e: {  	v1 =	vld [tilespmem:s12+$0x2328];
	_ =	sdelay $0x3  }
0x32f: {  	v2 =	vadd.s32 $0x2EE0, v0  }
0x330: {  	v3 =	vadd.s32 $0x2EE0, v1  }
0x331: {  	v4 =	vadd.s32 $0x32C8, v1  }
0x332: {  	v5 =	vadd.s32 $0x32C8, v0  }
0x333: {  	v1 =	vadd.s32 $0x36B0, v1  }
0x334: {  	v0 =	vadd.s32 $0x36B0, v0;
	v6 =	vld.idx.msk [tilespmem:v2+s13+$0x0], $0xffff  }
0x335: {  	v7 =	vld.idx.msk [tilespmem:v3+s13+$0x0], $0xffff  }
0x336: {  	v8 =	vld.idx.msk [tilespmem:v4+s13+$0x0], $0xffff  }
0x337: {  	v5 =	vld.idx.msk [tilespmem:v5+s13+$0x0], $0xffff  }
0x338: {  	v2 =	vld.idx.msk [tilespmem:v1+s13+$0x0], $0xffff  }
0x339: {  	v3 =	vld.idx.msk [tilespmem:v0+s13+$0x0], $0xffff  }
0x33a: {  	s15 =	simm.s32 $0x10  }
0x33b: {  	v0 =	vld [tilespmem:s15+$0x4A38]  }
0x33c: {  	v1 =	vld [tilespmem:s15+$0x2328];
	v4 =	vsub.f32 v7, v6;
	v5 =	vsub.f32 v8, v5  }
0x33d: {  	s16 =	simm.s32 $0x80  }
.LBB2_21:
0x33e: {  	p0 =	sne.s32 s16, $0xF40;
	v2 =	vsub.f32 v2, v3;
	v3 =	vmul.f32 v4, v4;
	v4 =	vmul.f32 v5, v5;
	_ =	sdelay $0x1  }
0x33f: {  	v5 =	vadd.s32 $0x2EE0, v0;
	v3 =	vadd.f32 v4, v3;
	v2 =	vmul.f32 v2, v2  }
0x340: {  	v4 =	vadd.s32 $0x2EE0, v1  }
0x341: {  	v6 =	vadd.s32 $0x32C8, v1;
	v2 =	vadd.f32 v2, v3  }
0x342: {  	v3 =	vadd.s32 $0x32C8, v0  }
0x343: {  	v1 =	vadd.s32 $0x36B0, v1;
	[tilespmem:s12+$0xE678] =	vst v2;
	s12 =	smov.u32 s15  }
0x344: {  	v0 =	vadd.s32 $0x36B0, v0;
	v5 =	vld.idx.msk [tilespmem:v5+s13+$0x0], $0xffff  }
0x345: {  	v4 =	vld.idx.msk [tilespmem:v4+s13+$0x0], $0xffff  }
0x346: {  	v6 =	vld.idx.msk [tilespmem:v6+s13+$0x0], $0xffff  }
0x347: {  	v7 =	vld.idx.msk [tilespmem:v3+s13+$0x0], $0xffff  }
0x348: {  	v2 =	vld.idx.msk [tilespmem:v1+s13+$0x0], $0xffff  }
0x349: {  	v3 =	vld.idx.msk [tilespmem:v0+s13+$0x0], $0xffff  }
.Ltmp9:
0x34a: {  	(pc) =	sbr.rel @p0 .LBB2_21-.Ltmp9, $4  }
0x34b: {  	s15 =	sshra.s32 s16, $0x2  }
0x34c: {  	v0 =	vld [tilespmem:s15+$0x4A38]  }
0x34d: {  	v4 =	vsub.f32 v4, v5;
	v5 =	vsub.f32 v6, v7;
	v1 =	vld [tilespmem:s15+$0x2328]  }
0x34e: {  	s16 =	sadd.s32 $0x40, s16  }
0x34f: {  	v2 =	vsub.f32 v2, v3;
	v46 =	vmul.f32 v4, v4;
	v47 =	vmul.f32 v5, v5;
	_ =	sdelay $0x1  }
0x350: {  	v48 =	vadd.s32 $0x2EE0, v0;
	v3 =	vadd.f32 v47, v46;
	v2 =	vmul.f32 v2, v2  }
0x351: {  	v50 =	vadd.s32 $0x32C8, v0  }
0x352: {  	v49 =	vadd.s32 $0x2EE0, v1;
	v2 =	vadd.f32 v2, v3  }
0x353: {  	v6 =	vadd.s32 $0x32C8, v1  }
0x354: {  	v52 =	vadd.s32 $0x36B0, v0;
	[tilespmem:s12+$0xE678] =	vst v2  }
0x355: {  	v51 =	vadd.s32 $0x36B0, v1;
	v2 =	vld.idx.msk [tilespmem:v48+s13+$0x0], $0xffff  }
0x356: {  	v3 =	vld.idx.msk [tilespmem:v50+s13+$0x0], $0xffff  }
0x357: {  	v4 =	vld.idx.msk [tilespmem:v49+s13+$0x0], $0xffff  }
0x358: {  	v53 =	vld.idx.msk [tilespmem:v6+s13+$0x0], $0xffff  }
0x359: {  	v0 =	vld.idx.msk [tilespmem:v52+s13+$0x0], $0xffff  }
0x35a: {  	v1 =	vld.idx.msk [tilespmem:v51+s13+$0x0], $0xffff;
	_ =	sdelay $0x2  }
0x35b: {  	v2 =	vsub.f32 v4, v2;
	v3 =	vsub.f32 v53, v3;
	_ =	sdelay $0x1  }
0x35c: {  	v0 =	vsub.f32 v1, v0;
	v54 =	vmul.f32 v2, v2;
	v55 =	vmul.f32 v3, v3;
	_ =	sdelay $0x1  }
0x35d: {  	v0 =	vmul.f32 v0, v0;
	v1 =	vadd.f32 v55, v54;
	_ =	sdelay $0x1  }
0x35e: {  	v0 =	vadd.f32 v0, v1;
	_ =	sdelay $0x1  }
0x35f: {  	[tilespmem:s15+$0xE678] =	vst v0  }
0x360: {  	v0 =	vld [tilespmem:$0x2700]  }
0x361: {  	v56 =	vld [tilespmem:$0x4E10];
	_ =	sdelay $0x3  }
0x362: {  	v57 =	vadd.s32 $0x2EE0, v0  }
0x363: {  	v58 =	vadd.s32 $0x2EE0, v56  }
0x364: {  	v59 =	vadd.s32 $0x32C8, v0  }
0x365: {  	v60 =	vadd.s32 $0x32C8, v56  }
0x366: {  	v0 =	vadd.s32 $0x36B0, v0  }
0x367: {  	v1 =	vadd.s32 $0x36B0, v56;
	v2 =	vld.idx.msk [tilespmem:v57+s13+$0x0], $0xffff  }
0x368: {  	v3 =	vld.idx.msk [tilespmem:v58+s13+$0x0], $0xffff  }
0x369: {  	v4 =	vld.idx.msk [tilespmem:v59+s13+$0x0], $0xffff  }
0x36a: {  	v5 =	vld.idx.msk [tilespmem:v60+s13+$0x0], $0xffff  }
0x36b: {  	v0 =	vld.idx.msk [tilespmem:v0+s13+$0x0], $0xffff  }
0x36c: {  	v1 =	vld.idx.msk [tilespmem:v1+s13+$0x0], $0xffff;
	_ =	sdelay $0x2  }
0x36d: {  	v2 =	vsub.f32 v2, v3;
	v61 =	vsub.f32 v4, v5;
	_ =	sdelay $0x1  }
0x36e: {  	v0 =	vsub.f32 v0, v1;
	v62 =	vmul.f32 v2, v2;
	v63 =	vmul.f32 v61, v61;
	_ =	sdelay $0x1  }
0x36f: {  	v0 =	vmul.f32 v0, v0;
	v1 =	vadd.f32 v63, v62;
	_ =	sdelay $0x1  }
0x370: {  	v0 =	vadd.f32 v0, v1;
	_ =	sdelay $0x1  }
0x371: {  	s21 =	sadd.s32 s7, s28;
	s22 =	simm.s32 $0xD6D8;
	[tilespmem:$0xEA50] =	vst v0  }
0x372: {  	[hbm4b:s21+s4] =	stream.linear.scatter [tilespmem:s22], [sflag:$0x4], $0x3E8, $0x38;
	[tilespmem:$0xEA60] =	vst v63  }
0x373: {  	s23 =	sadd.s32 s7, s29;
	s28 =	simm.s32 $0xDAC0;
	s26 =	sadd.s32 $0x1, s26  }
0x374: {  	[hbm4b:s23+s4] =	stream.linear.scatter [tilespmem:s28], [sflag:$0x4], $0x3E8, $0x38;
	[tilespmem:$0xEA60] =	vst v63  }
0x375: {  	s29 =	sadd.s32 s7, s30;
	s30 =	simm.s32 $0xDEA8;
	p0 =	sne.s32 s26, $0xA  }
0x376: {  	[hbm4b:s29+s4] =	stream.linear.scatter [tilespmem:s30], [sflag:$0x4], $0x3E8, $0x38;
	[tilespmem:$0xEA60] =	vst v63  }
.Ltmp10:
0x377: {  	_ = 	snop;
	(pc) =	sbr.rel @p0 .LBB2_2-.Ltmp10, $4  }
0x378: {  	s31 =	sadd.s32 s7, s31  }
0x379: {  	[hbm4b:s31+s4] =	stream.linear.scatter [tilespmem:s24], [sflag:$0x4], $0x3E8, $0x38;
	[tilespmem:$0xEA60] =	vst v63  }
0x37a: {  	s0 =	sadd.s32 s7, s0  }
0x37b: {  	[hbm4b:s0+s4] =	stream.linear.scatter [tilespmem:s25], [sflag:$0x4], $0x3E8, $0x38;
	[tilespmem:$0xEA60] =	vst v63  }
0x37c: {  	s0 =	simm.s32 $0x3  }
0x37d: {  	_ =	swait.ge [sflag:s0], $0x3E8  }
0x37e: {  	[sflag:s0] =	ssyncset.done $0x0  }
0x37f: {  	[sflag:s0] =	ssyncadd.s32 $0xFFFFFC18  }
0x380: {  	_ =	swait.ge [sflag:s0], $0x3E8  }
0x381: {  	[sflag:s0] =	ssyncset.done $0x0  }
0x382: {  	[sflag:s0] =	ssyncadd.s32 $0xFFFFFC18  }
0x383: {  	_ =	swait.ge [sflag:s0], $0x3E8  }
0x384: {  	[sflag:s0] =	ssyncset.done $0x0  }
0x385: {  	[sflag:s0] =	ssyncadd.s32 $0xFFFFFC18  }
0x386: {  	_ =	swait.ge [sflag:s0], $0x3E8  }
0x387: {  	[sflag:s0] =	ssyncset.done $0x0  }
0x388: {  	[sflag:s0] =	ssyncadd.s32 $0xFFFFFC18  }
0x389: {  	_ =	swait.ge [sflag:s0], $0x3E8  }
0x38a: {  	[sflag:s0] =	ssyncset.done $0x0  }
0x38b: {  	s12 =	simm.s32 $0x4;
	[sflag:s0] =	ssyncadd.s32 $0xFFFFFC18  }
0x38c: {  	_ =	swait.ge [sflag:s12], $0x3E8  }
0x38d: {  	[sflag:s12] =	ssyncset.done $0x0  }
0x38e: {  	[sflag:s12] =	ssyncadd.s32 $0xFFFFFC18  }
0x38f: {  	_ =	swait.ge [sflag:s12], $0x3E8  }
0x390: {  	[sflag:s12] =	ssyncset.done $0x0  }
0x391: {  	[sflag:s12] =	ssyncadd.s32 $0xFFFFFC18  }
0x392: {  	_ =	swait.ge [sflag:s12], $0x3E8  }
0x393: {  	[sflag:s12] =	ssyncset.done $0x0  }
0x394: {  	[sflag:s12] =	ssyncadd.s32 $0xFFFFFC18  }
0x395: {  	_ =	swait.ge [sflag:s12], $0x3E8  }
0x396: {  	[sflag:s12] =	ssyncset.done $0x0  }
0x397: {  	[sflag:s12] =	ssyncadd.s32 $0xFFFFFC18  }
0x398: {  	_ =	swait.ge [sflag:s12], $0x3E8  }
0x399: {  	s15 =	rddreg [dreg:$0xf]  }
0x39a: {  	s31 =	rddreg [dreg:$0xe];
	s15 =	sadd.s32 $0x1, s15  }
0x39b: {  	p0 =	sne.s32 s15, s31  }
.Ltmp11:
0x39c: {  	_ = 	snop;
	(pc) =	sbr.rel @p0 .LBB2_1-.Ltmp11, $3  }
0x39d: {  	_ =	sdelay $0x1  }
0x39e: {  	[sflag:s12] =	ssyncset.done $0x0  }
0x39f: {  	[sflag:s12] =	ssyncadd.s32 $0xFFFFFC18  }
0x3a0: {  	_ =	sfence.sel $0x180000  }
0x3a1: {  	[bflag:$0x0] =	sbarrier.arrive $0xFFFF  }
0x3a2: {  	_ =	strace $0x90000047  }
0x3a3: {  	s0 =	stileid.u32;
	[bflag:$0x2] =	sbarrier.arrive $0xFFFF  }
0x3a4: {  	p0 =	sne.s32 s0, $0x0;
	s0 =	rddreg [dreg:$0x3]  }
0x3a5: {  	s0 =	sadd.s32 @!p0 $0x100000, s0  }
0x3a6: {  	[sflag:s0] =	ssyncadd.tile.s32 @!p0 $0x1;
	_ =	shalt  }
.Lfunc_end2:
_tile_overlayer_lowered:
.L_overlay_start_2:
0x3a7: {  	(tag) =	ssettag $0x2  }
0x3a8: {  	s0 =	rddreg [dreg:$0x0];
	s2 =	stileid.u32  }
0x3a9: {  	s1 =	rddreg [dreg:$0x1];
	p0 =	sne.s32 s2, $0x0  }
0x3aa: {  	s3 =	rddreg [dreg:$0x2];
	[bflag:$0x3] =	sbarrier.arrive $0xFFFF;
	s2 =	simm.s32 @!p0 $0x1C05  }
0x3ab: {  	[timem:s3], [sflag:s2] =	dma.local @!p0 [hbm:s0], s1  }
0x3ac: {  	s0 =	simm.s32 @!p0 $0x5  }
0x3ad: {  	_ =	swait.ge @!p0 [sflag:s0], s1  }
0x3ae: {  	s1 =	ssub.s32 @!p0 $0x0, s1;
	[sflag:s0] =	ssyncset.done @!p0 $0x0  }
0x3af: {  	[sflag:s0] =	ssyncadd.s32 @!p0 s1  }
0x3b0: {  	[bflag:$0x3] =	sbarrier.arrive $0xFFFF  }
0x3b1: {  	_ =	shalt  }

// kernel: sparse-core-data-format-call.cloned.1.call-start
scs
called_computation_lowered:
.L_overlay_start_0:
0x0: {  	s2 =	sld [smem:$0x3FD9]  }
0x1: {  	s3 =	sld [smem:$0x3FFE];
	_ =	sdelay $0x1  }
0x2: {  	s1 =	srdreg.scid  }
0x3: {  	s0 =	sand.u32 $0x1, s1  }
0x4: {  	s15 =	sshll.u32 s0, $0xA;
	s2 =	sadd.s32 s3, s2  }
0x5: {  	s2 =	sadd.s32 s2, s15  }
0x6: {  	[smem:$0x3FC4] =	sst s2  }
0x7: {  	_ = 	snop  }
0x8: {  	s2 =	sld [smem:$0x3FD0];
	_ =	sdelay $0x2  }
0x9: {  	s16 =	simm.s32 $0xA;
	s4 =	simm.s32 $0x10  }
0xa: {  	[smem:s4], [sflag:s16] =	dma.local [hbm:s2], $0x1  }
0xb: {  	_ =	swait.eq [sflag:s16], $0x1  }
0xc: {  	[sflag:s16] =	ssyncset.done $0x0  }
0xd: {  	[sflag:s16] =	ssyncadd.s32 $0xFFFFFFFF  }
0xe: {  	s17 =	sld [smem:$0x11];
	(tm) =	ssettm $0x1  }
0xf: {  	s18 =	sld [smem:$0x3FFB];
	_ =	sdelay $0x3  }
0x10: {  	_ =	strace s18  }
0x11: {  	s3 =	sld [smem:$0x3FFC];
	_ =	sdelay $0x3  }
0x12: {  	_ =	strace s3  }
0x13: {  	s3 =	sld [smem:$0x3FFD];
	_ =	sdelay $0x3  }
0x14: {  	_ =	strace s3  }
0x15: {  	_ =	strace $0x8FFFFFFF  }
0x16: {  	s19 =	sld [smem:$0x3FDB];
	_ =	sdelay $0x1  }
0x17: {  	s20 =	simm.s32 $_scs_section_size  }
0x18: {  	s5 =	simm.s32 $_size__tile_overlayer_lowered;
	s6 =	simm.s32 $_tile_overlayer_lowered  }
0x19: {  	s23 =	simm.s32 $0x1BFF;
	s22 =	sshll.u32 s6, $0x1;
	s3 =	sadd.s32 s20, s19  }
0x1a: {  	s7 =	simm.s32 $0x0;
	s21 =	sshll.u32 s5, $0x1;
	s5 =	sadd.s32 s22, s3  }
0x1b: {  	[timem:s7], [sflag:s23] =	dma.local [hbm:s5], s21  }
0x1c: {  	_ =	swait.ge [sflag:s23], s21  }
0x1d: {  	s4 =	ssub.s32 $0x0, s21;
	[sflag:s23] =	ssyncset.done $0x0  }
0x1e: {  	[sflag:s23] =	ssyncadd.s32 s4;
	_ =	sdelay $0x1  }
0x1f: {  	s24 =	simm.s32 $0x1B8B  }
0x20: {  	_ =	swait.ge [sflag:s24], $0x1  }
0x21: {  	[sflag:s24] =	ssyncset.done $0x0  }
0x22: {  	s26 =	simm.s32 $0x1B8E;
	s25 =	sld [smem:$0x3FFE];
	[sflag:s24] =	ssyncadd.s32 $0xFFFFFFFF  }
0x23: {  	s27 =	simm.s32 $execute0_lowered;
	[smem:$0x3FD2] =	sst s26  }
0x24: {  	s5 =	sshll.u32 s27, $0x1;
	_ =	strace $0x80000049;
	[dreg:$0x1] =	wrdreg $0xFFFFFFFF  }
0x25: {  	s28 =	simm.s32 $_size_execute0_lowered;
	s3 =	sadd.s32 s3, s5;
	[dreg:$0x0] =	wrdreg $0x0  }
0x26: {  	s5 =	sshll.u32 s28, $0x1;
	[dreg:$0x2] =	wrdreg s3  }
0x27: {  	[dreg:$0x3] =	wrdreg s5  }
0x28: {  	[dreg:$0x4] =	wrdreg $0xC0  }
0x29: {  	_ =	task [dreg:s7], $0x5FFFF  }
0x2a: {  	[dreg:$0x1] =	wrdreg $0xFFFFFFFF  }
0x2b: {  	[dreg:$0x0] =	wrdreg $0x60  }
0x2c: {  	[dreg:$0x2] =	wrdreg s25  }
0x2d: {  	[dreg:$0x3] =	wrdreg s17  }
0x2e: {  	[dreg:$0x4] =	wrdreg $0x9  }
0x2f: {  	_ =	task.clear_ibuf [dreg:s7], $0x5FFFF;
	_ =	strace $0x90000049  }
0x30: {  	s29 =	simm.s32 $0x9;
	_ =	strace $0x8000004B  }
0x31: {  	_ =	swait.ge [sflag:s29], $0x1  }
0x32: {  	[sflag:s29] =	ssyncadd.s32 $0xFFFFFFFF  }
0x33: {  	_ =	strace $0x9000004B  }
0x34: {  	_ =	sfence  }
0x35: {  	s30 =	sld [smem:$0x0];
	_ =	sdelay $0x2  }
0x36: {  	s31 =	sshll.u32 s1, $0xD;
	s1 =	sshrl.u32 s1, $0x2  }
0x37: {  	s3 =	sand.u32 $0x4000, s31;
	s1 =	sadd.s32 s1, s30  }
0x38: {  	s0 =	sor.u32 s3, s0;
	s1 =	sshll.u32 s1, $0x11  }
0x39: {  	s0 =	sor.u32 s1, s0  }
0x3a: {  	s0 =	sadd.s32 $0x8F2B, s0  }
0x3b: {  	[sflag:s0] =	ssyncadd.remote.s32 $0x1  }
0x3c: {  	_ =	sfence.sel $0xFFFF  }
0x3d: {  	[dreg:$0x0] =	wrdreg $0xFFFFFFFF;
	(pc) =	sbr.abs _section_cstart, $3  }
0x3e: {  	[dreg:$0x1] =	wrdreg $0xFFFFFFFF  }
0x3f: {  	_ =	task.clear_ibuf [dreg:s7], $0x2FFFF;
	_ =	strace $0x9FFFFFFF  }
0x40: {  	(tm) =	ssettm $0x7FFFFFFF  }
0x41: {  	_ =	shalt  }
tec
execute0_lowered:
.L_overlay_start_1:
0x0: {  	(tag) =	ssettag $0x1  }
0x1: {  	s0 =	srdreg.scid  }
0x2: {  	s1 =	sshll.u32 s0, $0x4  }
0x3: {  	s9 =	rddreg [dreg:$0x0];
	s0 =	stileid.u32;
	s1 =	sand.u32 $0x10, s1  }
0x4: {  	s3 =	rddreg [dreg:$0x1];
	s5 =	simm.s32 $0x1;
	s1 =	sor.u32 s0, s1  }
0x5: {  	s7 =	simm.s32 $0x2;
	s16 =	simm.s32 $0x0;
	s2 =	sshll.u32 s1, $0x7  }
0x6: {  	s11 =	simm.s32 $0x3E800;
	s15 =	simm.s32 $0x0;
	s4 =	ssub.s32 $0x7D00, s2  }
0x7: {  	s13 =	simm.s32 $0x0;
	s14 =	simm.s32 $0x0;
	s31 =	sand.u32 $0xF80, s4  }
0x8: {  	s8 =	sadd.s32 $0x166200, s9;
	s1 =	rddreg [dreg:$0x2];
	p0 =	sne.s32 s31, $0x0  }
.Ltmp0:
0x9: {  	s6 =	sshrl.u32 s4, $0xC;
	s5 =	simm.s32 @!p0 $0x0;
	(pc) =	sbr.rel .LBB1_1-.Ltmp0, $4  }
0xa: {  	_ =	strace $0x8000004A;
	s4 =	simm.s32 $0x1;
	s5 =	sadd.s32 s5, s6  }
0xb: {  	s12 =	smov.u32 s2;
	[sflag:s4] =	ssyncpa.u1 $0x0;
	s5 =	smul.u32 $0x19, s5  }
0xc: {  	[sflag:s7] =	ssyncpa.u1 $0x0;
	s7 =	sadd.s32 $0xE9200, s9;
	p0 =	por $0x0, $0x0  }
0xd: {  	s6 =	sadd.s32 $0x6C200, s9;
	s9 =	sadd.s32 $0x1E3200, s9;
	s10 =	sadd.s32 $0x1, s5  }
.LBB1_7:
0xe: {  	s17 =	sadd.s32 $0x1000, s12  }
0xf: {  	s15 =	sadd.s32 $0x4, s13;
	s19 =	smov.u32 s13;
	p2 =	sgt.s32 s17, $0x7CFF  }
0x10: {  	s19 =	smov.u32 @p2 s15  }
0x11: {  	s17 =	smov.u32 @p2 s2;
	p2 =	sgt.s32 s19, $0x63  }
0x12: {  	s19 =	simm.s32 @p2 $0x0;
	p2 =	sne.s32 s14, s10  }
.Ltmp1:
0x13: {  	p1 =	slt.u32 s14, $0x2;
	(pc) =	sbr.rel @!p2 .LBB1_8-.Ltmp1, $4  }
0x14: {  	s18 =	simm.s32 @!p1 $0x2  }
0x15: {  	s16 =	smov.u32 s12;
	p0 =	por !p0, !p0;
	_ =	swait.ge @!p1 [sflag:s18], $0x2000  }
0x16: {  	s15 =	smov.u32 s13;
	[sflag:s18] =	ssyncset.done @!p1 $0x0;
	s12 =	smov.u32 s17  }
0x17: {  	s14 =	sadd.s32 $0x1, s14;
	[sflag:s18] =	ssyncadd.s32 @!p1 $0xFFFFE000;
	s13 =	smov.u32 s19  }
.LBB1_1:
0x18: {  	p1 =	sge.u32 s14, s5  }
0x19: {  	s17 =	sand.u32 @!p1 $0x1FFFFFF, s12  }
0x1a: {  	s18 =	smulhi.u32 @!p1 $0x20C49BB, s17;
	_ =	sdelay $0x1  }
0x1b: {  	s18 =	sshrl.u32 @!p1 s18, $0x8  }
0x1c: {  	s18 =	smul.u32 @!p1 $0x7D00, s18  }
0x1d: {  	s19 =	sxor.u32 @!p1 $0xFFFFFFFF, s14;
	s20 =	smul.u32 @!p1 $0x7D000, s13  }
0x1e: {  	s19 =	sshll.u32 @!p1 s19, $0xD;
	s17 =	ssub.s32 @!p1 s17, s18  }
0x1f: {  	s18 =	sand.u32 @!p1 $0x2000, s19;
	s19 =	sadd.s32 @!p1 s6, s20;
	s17 =	sshll.u32 @!p1 s17, $0x4  }
0x20: {  	s21 =	simm.s32 @!p1 $0x10;
	s22 =	simm.s32 @!p1 $0x80;
	s19 =	sadd.s32 @!p1 s17, s19  }
0x21: {  	[tilespmem:s18], [sflag:$0x1] =	stream.strided.gather @!p1 [hbm4b:s19+s21], $0x800, s22, s21, $0x38;
	[tilespmem:$0x8080] =	vst v63  }
0x22: {  	s19 =	sadd.s32 @!p1 s20, s7  }
0x23: {  	s23 =	sor.u32 @!p1 $0x800, s18;
	s19 =	sadd.s32 @!p1 s17, s19  }
0x24: {  	[tilespmem:s23], [sflag:$0x1] =	stream.strided.gather @!p1 [hbm4b:s19+s21], $0x800, s22, s21, $0x38;
	[tilespmem:$0x8080] =	vst v63  }
0x25: {  	s19 =	sadd.s32 @!p1 s20, s8  }
0x26: {  	s23 =	sor.u32 @!p1 $0x1000, s18;
	s19 =	sadd.s32 @!p1 s17, s19  }
0x27: {  	[tilespmem:s23], [sflag:$0x1] =	stream.strided.gather @!p1 [hbm4b:s19+s21], $0x800, s22, s21, $0x38;
	[tilespmem:$0x8080] =	vst v63  }
0x28: {  	s19 =	sadd.s32 @!p1 s20, s9  }
0x29: {  	s31 =	sadd.s32 $0xFFFFFFFF, s14;
	s18 =	sor.u32 @!p1 $0x1800, s18;
	s17 =	sadd.s32 @!p1 s17, s19  }
0x2a: {  	[tilespmem:s18], [sflag:$0x1] =	stream.strided.gather @!p1 [hbm4b:s17+s21], $0x800, s22, s21, $0x38;
	[tilespmem:$0x8080] =	vst v63  }
0x2b: {  	p1 =	sge.u32 s31, s5  }
.Ltmp2:
0x2c: {  	_ = 	snop;
	(pc) =	sbr.rel @p1 .LBB1_7-.Ltmp2, $1  }
0x2d: {  	_ =	sdelay $0x3  }
0x2e: {  	s17 =	simm.s32 $0x1;
	s19 =	sand.u32 $0x1, s14  }
0x2f: {  	_ =	swait.ge [sflag:s4], $0x2000;
	s17 =	simm.s32 @!p0 $0x0;
	s20 =	smul.u32 $0x8100, s19  }
0x30: {  	[sflag:s4] =	ssyncset.done $0x0;
	s18 =	smul.u32 $0x8100, s17  }
0x31: {  	s17 =	sshll.u32 s17, $0xD;
	[sflag:s4] =	ssyncadd.s32 $0xFFFFE000  }
0x32: {  	s19 =	sor.u32 $0x40, s17;
	s31 =	sshrl.u32 s20, $0x2;
	s18 =	sshrl.u32 s18, $0x2  }
0x33: {  	s20 =	simm.s32 $0x0;
	s17 =	sor.u32 $0x4000, s31;
	s18 =	sor.u32 $0x4007, s18  }
.LBB1_3:
0x34: {  	v3 =	vld [tilespmem:s19+$0x30]  }
0x35: {  	v4 =	vld [tilespmem:s19+$0xFFFFFFD0]  }
0x36: {  	v5 =	vld [tilespmem:s19+$0xFFFFFFE0]  }
0x37: {  	v1 =	vld [tilespmem:s19+$0xFFFFFFF0]  }
0x38: {  	v0 =	vld [tilespmem:s19+$0x0]  }
0x39: {  	v2 =	vld [tilespmem:s19+$0x10];
	[tilespmem:s18+$0x0 ss:$0x81] =	vst.msk $0xffff, v3  }
0x3a: {  	[tilespmem:s18+$0xFFFFFFFA ss:$0x81] =	vst.msk $0xffff, v4;
	v4 =	vld [tilespmem:s19+$0x20]  }
0x3b: {  	s22 =	simm.s32 $0x0;
	s23 =	sadd.s32 $0x80, s19;
	s21 =	smov.u32 s18;
	v3 =	vld [tilespmem:s19+$0xFFFFFFC0];
	[tilespmem:s18+$0xFFFFFFFB ss:$0x81] =	vst.msk $0xffff, v5  }
.LBB1_4:
0x3c: {  	v5 =	vld [tilespmem:s23+$0x30];
	s22 =	sadd.s32 $0x8, s22;
	[tilespmem:s21+$0xFFFFFFFC ss:$0x81] =	vst.msk $0xffff, v1  }
0x3d: {  	v6 =	vld [tilespmem:s23+$0xFFFFFFD0];
	p1 =	slt.u32 s22, $0x78;
	[tilespmem:s21+$0xFFFFFFFD ss:$0x81] =	vst.msk $0xffff, v0  }
0x3e: {  	v7 =	vld [tilespmem:s23+$0xFFFFFFE0];
	[tilespmem:s21+$0xFFFFFFFE ss:$0x81] =	vst.msk $0xffff, v2  }
.Ltmp3:
0x3f: {  	v1 =	vld [tilespmem:s23+$0xFFFFFFF0];
	[tilespmem:s21+$0xFFFFFFFF ss:$0x81] =	vst.msk $0xffff, v4;
	(pc) =	sbr.rel @p1 .LBB1_4-.Ltmp3, $4  }
0x40: {  	v0 =	vld [tilespmem:s23+$0x0];
	[tilespmem:s21+$0xFFFFFFF9 ss:$0x81] =	vst.msk $0xffff, v3;
	s21 =	sadd.s32 $0x8, s21  }
0x41: {  	v2 =	vld [tilespmem:s23+$0x10];
	[tilespmem:s21+$0x0 ss:$0x81] =	vst.msk $0xffff, v5  }
0x42: {  	[tilespmem:s21+$0xFFFFFFFA ss:$0x81] =	vst.msk $0xffff, v6;
	v4 =	vld [tilespmem:s23+$0x20]  }
0x43: {  	v3 =	vld [tilespmem:s23+$0xFFFFFFC0];
	[tilespmem:s21+$0xFFFFFFFB ss:$0x81] =	vst.msk $0xffff, v7;
	s23 =	sadd.s32 $0x80, s23  }
0x44: {  	s20 =	sadd.s32 $0x1, s20  }
0x45: {  	p1 =	sne.s32 s20, $0x4  }
.Ltmp4:
0x46: {  	[tilespmem:s21+$0xFFFFFFFC ss:$0x81] =	vst.msk $0xffff, v1;
	(pc) =	sbr.rel @p1 .LBB1_3-.Ltmp4, $4  }
0x47: {  	[tilespmem:s21+$0xFFFFFFFD ss:$0x81] =	vst.msk $0xffff, v0  }
0x48: {  	[tilespmem:s21+$0xFFFFFFFE ss:$0x81] =	vst.msk $0xffff, v2  }
0x49: {  	[tilespmem:s21+$0xFFFFFFFF ss:$0x81] =	vst.msk $0xffff, v4  }
0x4a: {  	s18 =	sadd.s32 $0x810, s18;
	s19 =	sadd.s32 $0x800, s19;
	[tilespmem:s21+$0xFFFFFFF9 ss:$0x81] =	vst.msk $0xffff, v3  }
0x4b: {  	s18 =	sshll.u32 s16, $0x3  }
0x4c: {  	s29 =	sand.u32 $0x7F, s16;
	s18 =	sand.u32 $0xFFFFFC00, s18  }
0x4d: {  	s16 =	sor.u32 s29, s18;
	s18 =	smulhi.u32 $0x10624DD3, s18  }
0x4e: {  	s19 =	smulhi.u32 $0x10624DD3, s16;
	_ =	sdelay $0x1  }
0x4f: {  	s15 =	smul.u32 $0xFA00, s15;
	s18 =	sshrl.u32 s18, $0xB;
	s19 =	sshrl.u32 s19, $0xB  }
0x50: {  	s18 =	sand.u32 $0xF, s18;
	s19 =	smul.u32 $0x7D00, s19  }
0x51: {  	s18 =	smul.u32 $0xFA0, s18  }
.Ltmp5:
0x52: {  	s16 =	ssub.s32 s16, s19;
	(pc) =	sbr.rel .LBB1_7-.Ltmp5, $4  }
0x53: {  	s15 =	sadd.s32 s3, s15;
	s19 =	sand.u32 $0x7, s16  }
0x54: {  	s15 =	sadd.s32 s18, s15;
	s16 =	sshrl.u32 s16, $0x3;
	s30 =	sshll.u32 s19, $0x12  }
0x55: {  	s15 =	sadd.s32 s16, s15;
	s31 =	sor.u32 $0x400, s30  }
0x56: {  	[hbm4b:s15+s31] =	stream.strided.scatter [tilespmem:s17], [sflag:$0x2], $0x2000, s11, s31, $0x20;
	[tilespmem:$0x8080] =	vst v63  }
.LBB1_8:
0x57: {  	_ =	sfence.sel $0x180000  }
0x58: {  	s2 =	simm.s32 $0x1;
	[bflag:$0x0] =	sbarrier.arrive $0xFFFF  }
0x59: {  	s31 =	simm.s32 $0x2;
	[sflag:s2] =	ssyncpa.u1 $0x1  }
0x5a: {  	[sflag:s31] =	ssyncpa.u1 $0x1  }
0x5b: {  	p0 =	sne.s32 s0, $0x0;
	_ =	strace $0x9000004A  }
0x5c: {  	s0 =	sadd.s32 @!p0 $0x100000, s1;
	[bflag:$0x2] =	sbarrier.arrive $0xFFFF  }
0x5d: {  	[sflag:s0] =	ssyncadd.tile.s32 @!p0 $0x1;
	_ =	shalt  }
.Lfunc_end1:
_tile_overlayer_lowered:
.L_overlay_start_2:
0x5e: {  	(tag) =	ssettag $0x2  }
0x5f: {  	s0 =	rddreg [dreg:$0x0];
	s2 =	stileid.u32  }
0x60: {  	s1 =	rddreg [dreg:$0x1];
	p0 =	sne.s32 s2, $0x0  }
0x61: {  	s3 =	rddreg [dreg:$0x2];
	[bflag:$0x3] =	sbarrier.arrive $0xFFFF;
	s2 =	simm.s32 @!p0 $0x1C01  }
0x62: {  	[timem:s3], [sflag:s2] =	dma.local @!p0 [hbm:s0], s1  }
0x63: {  	s0 =	simm.s32 @!p0 $0x1  }
0x64: {  	_ =	swait.ge @!p0 [sflag:s0], s1  }
0x65: {  	s1 =	ssub.s32 @!p0 $0x0, s1;
	[sflag:s0] =	ssyncset.done @!p0 $0x0  }
0x66: {  	[sflag:s0] =	ssyncadd.s32 @!p0 s1  }
0x67: {  	[bflag:$0x3] =	sbarrier.arrive $0xFFFF  }
0x68: {  	_ =	shalt  }

</sc_bundles>
